<compile_context>
chip_gen: v7x
topology: tpu7x:2x2x1
jax: 0.10.2.dev20260603
libtpu: 0.0.44.dev20260713+nightly
codegen_flags: <defaults>
</compile_context>

<pallas_src>
import functools

import jax
import jax.numpy as jnp
from jax import lax
from jax.experimental import pallas as pl
from jax.experimental.pallas import tpu as pltpu
from jax.experimental.pallas import tpu_sc as plsc

N = 10000
E = 320000
NP = 10240
NC, NS, L = 2, 16, 16
NW = NC * NS
EPW = E // NW
CH = 80
NCHUNK = EPW // CH
RPT = NP // NS

_mesh = lambda: plsc.VectorSubcoreMesh(core_axis_name="c", subcore_axis_name="s")



def _deg_kernel_fn():
    @functools.partial(
        pl.kernel,
        out_type=jax.ShapeDtypeStruct((NC, NP), jnp.float32),
        mesh=_mesh(),
        scratch_types=[
            pltpu.VMEM((CH,), jnp.int32),
            pltpu.VMEM((CH,), jnp.float32),
            pltpu.VMEM((RPT,), jnp.float32),
            pltpu.VMEM_SHARED((NP,), jnp.float32),
        ],
    )
    def k(didx_hbm, w_hbm, out_hbm, didx_v, w_v, z_v, acc_sh):
        c = lax.axis_index("c")
        s = lax.axis_index("s")
        w = s * NC + c

        def zb(i, _):
            z_v[pl.ds(i * L, L)] = jnp.zeros((L,), jnp.float32)
            return 0
        lax.fori_loop(0, RPT // L, zb, 0)
        pltpu.sync_copy(z_v, acc_sh.at[pl.ds(s * RPT, RPT)])
        plsc.subcore_barrier()

        base = w * EPW

        def body(i, _):
            off = base + i * CH
            pltpu.sync_copy(didx_hbm.at[pl.ds(off, CH)], didx_v)
            pltpu.sync_copy(w_hbm.at[pl.ds(off, CH)], w_v)
            pltpu.sync_copy(w_v, acc_sh.at[didx_v], add=True)
            return 0
        lax.fori_loop(0, NCHUNK, body, 0)

        plsc.subcore_barrier()
        pltpu.sync_copy(acc_sh.at[pl.ds(s * RPT, RPT)],
                        out_hbm.at[c, pl.ds(s * RPT, RPT)])

    return k


def _scatter_kernel_fn(O):
    @functools.partial(
        pl.kernel,
        out_type=jax.ShapeDtypeStruct((NC, NP, O), jnp.float32),
        mesh=_mesh(),
        scratch_types=[
            pltpu.VMEM((CH,), jnp.int32),
            pltpu.VMEM((CH,), jnp.int32),
            pltpu.VMEM((CH + L,), jnp.float32),
            pltpu.VMEM((CH, O), jnp.float32),
            pltpu.VMEM_SHARED((NP, O), jnp.float32),
            pltpu.SemaphoreType.DMA,
        ],
        compiler_params=pltpu.CompilerParams(use_tc_tiling_on_sc=False),
    )
    def k(hw_hbm, sidx_hbm, didx_hbm, nrm_hbm, out_hbm,
          sidx_v, didx_v, nrm_v, rows_v, acc_sh, sem):
        c = lax.axis_index("c")
        s = lax.axis_index("s")
        wkr = s * NC + c
        r0 = s * RPT

        def zrow(i, _):
            def zcol(f, _):
                rows_v[i, pl.ds(f * L, L)] = jnp.zeros((L,), jnp.float32)
                return 0
            lax.fori_loop(0, O // L, zcol, 0)
            return 0
        lax.fori_loop(0, CH, zrow, 0)
        for t in range(RPT // CH):
            pltpu.sync_copy(rows_v, acc_sh.at[pl.ds(r0 + t * CH, CH)])
        plsc.subcore_barrier()

        base = wkr * EPW

        def body(i, _):
            off = base + i * CH
            pltpu.sync_copy(sidx_hbm.at[pl.ds(off, CH)], sidx_v)
            pltpu.sync_copy(didx_hbm.at[pl.ds(off, CH)], didx_v)
            pltpu.sync_copy(nrm_hbm.at[pl.ds(off, CH)], nrm_v.at[pl.ds(0, CH)])
            pltpu.async_copy(hw_hbm.at[sidx_v], rows_v, sem).wait()

            def ebody(j, _):
                nv16 = nrm_v[pl.ds(j, L)]
                nv = jnp.full((L,), nv16[0], jnp.float32)
                for f in range(O // L):
                    rows_v[j, pl.ds(f * L, L)] = rows_v[j, pl.ds(f * L, L)] * nv
                return 0
            lax.fori_loop(0, CH, ebody, 0)

            pltpu.sync_copy(rows_v, acc_sh.at[didx_v], add=True)
            return 0
        lax.fori_loop(0, NCHUNK, body, 0)

        plsc.subcore_barrier()
        for t in range(RPT // CH):
            pltpu.sync_copy(acc_sh.at[pl.ds(r0 + t * CH, CH)],
                            out_hbm.at[c, pl.ds(r0 + t * CH, CH)])

    return k


def _edge_gather_kernel_fn(O):
    @functools.partial(
        pl.kernel,
        out_type=(jax.ShapeDtypeStruct((E, O), jnp.float32),
                  jax.ShapeDtypeStruct((E, O), jnp.float32)),
        mesh=_mesh(),
        scratch_types=[
            pltpu.VMEM((CH,), jnp.int32),
            pltpu.VMEM((CH, O), jnp.float32),
            pltpu.SemaphoreType.DMA,
        ],
        compiler_params=pltpu.CompilerParams(use_tc_tiling_on_sc=False),
    )
    def k(h_hbm, sidx_hbm, didx_hbm, xs_hbm, xd_hbm, idx_v, rows_v, sem):
        c = lax.axis_index("c")
        s = lax.axis_index("s")
        wkr = s * NC + c
        base = wkr * EPW

        def body(i, _):
            off = base + i * CH
            pltpu.sync_copy(sidx_hbm.at[pl.ds(off, CH)], idx_v)
            pltpu.async_copy(h_hbm.at[idx_v], rows_v, sem).wait()
            pltpu.sync_copy(rows_v, xs_hbm.at[pl.ds(off, CH)])
            pltpu.sync_copy(didx_hbm.at[pl.ds(off, CH)], idx_v)
            pltpu.async_copy(h_hbm.at[idx_v], rows_v, sem).wait()
            pltpu.sync_copy(rows_v, xd_hbm.at[pl.ds(off, CH)])
            return 0
        lax.fori_loop(0, NCHUNK, body, 0)

    return k



RB = 1024
RE = 2000


def _dis_pallas(deg0, deg1):
    def body(d0, d1, dis_o):
        deg = d0[...] + d1[...] + 1.0
        dis_o[...] = jnp.where(deg > 0, lax.rsqrt(deg), 0.0)
    return pl.pallas_call(
        body,
        out_shape=jax.ShapeDtypeStruct((NP // 128, 128), jnp.float32),
    )(deg0.reshape(NP // 128, 128), deg1.reshape(NP // 128, 128))


def _mm0_pallas(x, W, dis):
    C, O = W.shape[1], W.shape[0]

    def body(x_ref, w_ref, dis_ref, o_ref):
        o_ref[...] = lax.dot_general(
            x_ref[...], w_ref[...], (((1,), (1,)), ((), ())),
            preferred_element_type=jnp.float32) * dis_ref[...]

    return pl.pallas_call(
        body,
        grid=(NP // RB,),
        in_specs=[pl.BlockSpec((RB, C), lambda i: (i, 0)),
                  pl.BlockSpec((O, C), lambda i: (0, 0)),
                  pl.BlockSpec((RB, 1), lambda i: (i, 0))],
        out_specs=pl.BlockSpec((RB, O), lambda i: (i, 0)),
        out_shape=jax.ShapeDtypeStruct((NP, O), jnp.float32),
    )(x, W, dis)


def _fused_layer_pallas(a0, a1, g, dis, b, Wnext):
    O = g.shape[1]
    On = Wnext.shape[0]

    def body(a0_ref, a1_ref, g_ref, dis_ref, b_ref, w_ref, o_ref):
        h = (a0_ref[...] + a1_ref[...] + g_ref[...]) * dis_ref[...] + b_ref[...]
        h = jnp.maximum(h, 0.0)
        o_ref[...] = lax.dot_general(
            h, w_ref[...], (((1,), (1,)), ((), ())),
            preferred_element_type=jnp.float32) * dis_ref[...]

    return pl.pallas_call(
        body,
        grid=(NP // RB,),
        in_specs=[pl.BlockSpec((RB, O), lambda i: (i, 0)),
                  pl.BlockSpec((RB, O), lambda i: (i, 0)),
                  pl.BlockSpec((RB, O), lambda i: (i, 0)),
                  pl.BlockSpec((RB, 1), lambda i: (i, 0)),
                  pl.BlockSpec((1, O), lambda i: (0, 0)),
                  pl.BlockSpec((On, O), lambda i: (0, 0))],
        out_specs=pl.BlockSpec((RB, On), lambda i: (i, 0)),
        out_shape=jax.ShapeDtypeStruct((NP, On), jnp.float32),
    )(a0, a1, g, dis, b, Wnext)


def _final_layer_pallas(a0, a1, g, dis, b, Wn0, bn0, Wn1, bn1):
    O = g.shape[1]

    def body(a0_ref, a1_ref, g_ref, dis_ref, b_ref,
             wn0_ref, bn0_ref, wn1_ref, bn1_ref, h_o, n_o):
        h = (a0_ref[...] + a1_ref[...] + g_ref[...]) * dis_ref[...] + b_ref[...]
        h = jnp.maximum(h, 0.0)
        h_o[...] = h
        n1 = lax.dot_general(h, wn0_ref[...], (((1,), (1,)), ((), ())),
                             preferred_element_type=jnp.float32)
        n1 = jnp.maximum(n1 + bn0_ref[...], 0.0)
        n2 = lax.dot_general(n1, wn1_ref[...], (((1,), (1,)), ((), ())),
                             preferred_element_type=jnp.float32)
        n_o[...] = jnp.maximum(n2 + bn1_ref[0], 0.0)

    return pl.pallas_call(
        body,
        grid=(NP // RB,),
        in_specs=[pl.BlockSpec((RB, O), lambda i: (i, 0)),
                  pl.BlockSpec((RB, O), lambda i: (i, 0)),
                  pl.BlockSpec((RB, O), lambda i: (i, 0)),
                  pl.BlockSpec((RB, 1), lambda i: (i, 0)),
                  pl.BlockSpec((1, O), lambda i: (0, 0)),
                  pl.BlockSpec((32, 32), lambda i: (0, 0)),
                  pl.BlockSpec((1, 32), lambda i: (0, 0)),
                  pl.BlockSpec((8, 32), lambda i: (0, 0)),
                  pl.BlockSpec(memory_space=pltpu.SMEM)],
        out_specs=(pl.BlockSpec((RB, O), lambda i: (i, 0)),
                   pl.BlockSpec((RB, 8), lambda i: (i, 0))),
        out_shape=(jax.ShapeDtypeStruct((NP, O), jnp.float32),
                   jax.ShapeDtypeStruct((NP, 8), jnp.float32)),
    )(a0, a1, g, dis, b, Wn0, bn0, Wn1, bn1)


def _edge_mlp_pallas(xs, xd, A1, B1, be0, We1, be1, We2, be2, We3, be3):
    def body(xs_ref, xd_ref, a1_ref, b1_ref, be0_ref, w1_ref, b1b_ref,
             w2_ref, b2_ref, w3_ref, b3_ref, o_ref):
        e = lax.dot_general(xs_ref[...], a1_ref[...], (((1,), (1,)), ((), ())),
                            preferred_element_type=jnp.float32)
        e = e + lax.dot_general(xd_ref[...], b1_ref[...],
                                (((1,), (1,)), ((), ())),
                                preferred_element_type=jnp.float32)
        e = jnp.maximum(e + be0_ref[...], 0.0)
        e = lax.dot_general(e, w1_ref[...], (((1,), (1,)), ((), ())),
                            preferred_element_type=jnp.float32)
        e = jnp.maximum(e + b1b_ref[...], 0.0)
        e = lax.dot_general(e, w2_ref[...], (((1,), (1,)), ((), ())),
                            preferred_element_type=jnp.float32)
        e = jnp.maximum(e + b2_ref[...], 0.0)
        e = lax.dot_general(e, w3_ref[...], (((1,), (1,)), ((), ())),
                            preferred_element_type=jnp.float32)
        o_ref[...] = jnp.maximum(e + b3_ref[0], 0.0)

    return pl.pallas_call(
        body,
        grid=(E // RE,),
        in_specs=[pl.BlockSpec((RE, 32), lambda i: (i, 0)),
                  pl.BlockSpec((RE, 32), lambda i: (i, 0)),
                  pl.BlockSpec((64, 32), lambda i: (0, 0)),
                  pl.BlockSpec((64, 32), lambda i: (0, 0)),
                  pl.BlockSpec((1, 64), lambda i: (0, 0)),
                  pl.BlockSpec((32, 64), lambda i: (0, 0)),
                  pl.BlockSpec((1, 32), lambda i: (0, 0)),
                  pl.BlockSpec((32, 32), lambda i: (0, 0)),
                  pl.BlockSpec((1, 32), lambda i: (0, 0)),
                  pl.BlockSpec((8, 32), lambda i: (0, 0)),
                  pl.BlockSpec(memory_space=pltpu.SMEM)],
        out_specs=pl.BlockSpec((RE, 8), lambda i: (i, 0)),
        out_shape=jax.ShapeDtypeStruct((E, 8), jnp.float32),
    )(xs, xd, A1, B1, be0, We1, be1, We2, be2, We3, be3)



def kernel(x, edge_index, edge_weight,
           Wc0, bc0, Wc1, bc1, Wc2, bc2, Wc3, bc3, Wc4, bc4,
           Wn0, bn0, Wn1, bn1,
           We0, be0, We1, be1, We2, be2, We3, be3):
    src = edge_index[0]
    dst = edge_index[1]

    deg = _deg_kernel_fn()(dst, edge_weight)
    dis = _dis_pallas(deg[0], deg[1]).reshape(NP, 1)

    xp = jnp.pad(x, ((0, NP - N), (0, 0)))

    convs = ((Wc0, bc0), (Wc1, bc1), (Wc2, bc2), (Wc3, bc3), (Wc4, bc4))
    g = _mm0_pallas(xp, Wc0, dis)
    for li in range(5):
        W, b = convs[li]
        O = W.shape[0]
        acc = _scatter_kernel_fn(O)(g, src, dst, edge_weight)
        if li < 4:
            Wnext = convs[li + 1][0]
            g = _fused_layer_pallas(acc[0], acc[1], g, dis,
                                    b.reshape(1, O), Wnext)
        else:
            h5, n_full = _final_layer_pallas(
                acc[0], acc[1], g, dis, b.reshape(1, O),
                Wn0, bn0.reshape(1, 32), jnp.pad(Wn1, ((0, 7), (0, 0))), bn1)

    xs, xd = _edge_gather_kernel_fn(32)(h5, src, dst)
    e = _edge_mlp_pallas(xs, xd,
                         We0[:, :32], We0[:, 32:], be0.reshape(1, 64),
                         We1, be1.reshape(1, 32),
                         We2, be2.reshape(1, 32),
                         jnp.pad(We3, ((0, 7), (0, 0))), be3)
    return (n_full[:N, :1], e[:, :1])

# --- scband reference (transcript-rebuilt; emitter-appended) ---
"""Pipeline reference for scband-station-flow-gcn-63015760166986 (READ-ONLY COPY).

The authoritative reference and input builder live on the scoring server;
editing this copy changes nothing except your own understanding.
"""

import jax, jax.numpy as jnp
import numpy as np

N = 10000
E = 320000
D_IN = 128


def _glorot(key, out_dim, in_dim):
    lim = (6.0 / (in_dim + out_dim)) ** 0.5
    return jax.random.uniform(key, (out_dim, in_dim), minval=-lim, maxval=lim, dtype=jnp.float32)


def setup_inputs(seed: int = 0):
    key = jax.random.key(seed)
    ks = jax.random.split(key, 16)
    inp = {}
    inp["x"] = jax.random.normal(ks[0], (N, D_IN), dtype=jnp.float32)
    inp["edge_index"] = jax.random.randint(ks[1], (2, E), 0, N, dtype=jnp.int32)
    inp["edge_weight"] = jax.random.uniform(ks[2], (E,), dtype=jnp.float32)
    conv_dims = [(128, D_IN), (64, 128), (64, 64), (32, 64), (32, 32)]
    for i, (o, c) in enumerate(conv_dims):
        inp[f"Wc{i}"] = _glorot(ks[3 + i], o, c)
        inp[f"bc{i}"] = jnp.zeros((o,), jnp.float32)
    node_dims = [(32, 32), (1, 32)]
    for i, (o, c) in enumerate(node_dims):
        inp[f"Wn{i}"] = _glorot(ks[8 + i], o, c)
        inp[f"bn{i}"] = jnp.zeros((o,), jnp.float32)
    edge_dims = [(64, 64), (32, 64), (32, 32), (1, 32)]
    for i, (o, c) in enumerate(edge_dims):
        inp[f"We{i}"] = _glorot(ks[10 + i], o, c)
        inp[f"be{i}"] = jnp.zeros((o,), jnp.float32)
    return inp


def reference(x, edge_index, edge_weight,
              Wc0, bc0, Wc1, bc1, Wc2, bc2, Wc3, bc3, Wc4, bc4,
              Wn0, bn0, Wn1, bn1,
              We0, be0, We1, be1, We2, be2, We3, be3):
    src, dst = edge_index[0], edge_index[1]
    # PyG gcn_norm with add_self_loops=True, self-loop fill_value=1.0
    loop = jnp.arange(N, dtype=src.dtype)
    s = jnp.concatenate([src, loop])
    d = jnp.concatenate([dst, loop])
    w = jnp.concatenate([edge_weight, jnp.ones((N,), edge_weight.dtype)])
    deg = jnp.zeros((N,), edge_weight.dtype).at[d].add(w)
    dis = jnp.where(deg > 0, 1.0 / jnp.sqrt(deg), 0.0)
    norm = dis[s] * w * dis[d]

    h = x
    for W, b in ((Wc0, bc0), (Wc1, bc1), (Wc2, bc2), (Wc3, bc3), (Wc4, bc4)):
        hw = h @ W.T
        h = jnp.zeros((N, W.shape[0]), hw.dtype).at[d].add(hw[s] * norm[:, None]) + b
        h = jax.nn.relu(h)

    x_e = jnp.concatenate([h[src], h[dst]], axis=1)

    n = h
    for W, b in ((Wn0, bn0), (Wn1, bn1)):
        n = jax.nn.relu(n @ W.T + b)

    e = x_e
    for W, b in ((We0, be0), (We1, be1), (We2, be2), (We3, be3)):
        e = jax.nn.relu(e @ W.T + b)

    return (n, e)

if __name__ == "__main__":
    import jax
    _d = setup_inputs()
    print(jax.jit(kernel)(*tuple(_d.values())))

</pallas_src>

<mosaic_0001>
#map = affine_map<(d0, d1) -> (0)>
#map1 = affine_map<(d0, d1) -> (0, 0)>
module attributes {stable_mosaic.version = 14 : i64} {
  func.func @k(%arg0: i32, %arg1: i32, %arg2: memref<320000xi32, #tpu.memory_space<hbm>>, %arg3: memref<320000xf32, #tpu.memory_space<hbm>>, %arg4: memref<2x10240xf32, #tpu.memory_space<hbm>>, %arg5: memref<80xi32, #tpu.memory_space<vmem>>, %arg6: memref<80xf32, #tpu.memory_space<vmem>>, %arg7: memref<640xf32, #tpu.memory_space<vmem>>, %arg8: memref<10240xf32, #tpu.memory_space<vmem_shared>>) attributes {dimension_semantics = [#tpu.dimension_semantics<core_parallel>, #tpu.dimension_semantics<subcore_parallel>], iteration_bounds = array<i64: 2, 16>, scalar_prefetch = 0 : i64, scratch_operands = 4 : i64, tpu.core_type = #tpu.core_type<sc_vector_subcore>, window_params = [{transform_indices = #map}, {transform_indices = #map}, {transform_indices = #map1}]} {
    %mul3A = arith.constant 2 : i32
    %mul3A_0 = arith.muli %arg1, %mul3A : i32
    %add3A = arith.addi %mul3A_0, %arg0 : i32
    %scan3A = arith.constant 0 : i32
    %scan3A_1 = arith.constant 0 : i32
    %scan3A_2 = arith.constant 40 : i32
    %scan3A_3 = arith.addi %scan3A_1, %scan3A_2 : i32
    %scan3A_4 = arith.constant 1 : i32
    %scan3A_5 = scf.for %scan3A_23 = %scan3A_1 to %scan3A_3 step %scan3A_4 iter_args(%scan3A_24 = %scan3A) -> (i32)  : i32 {
      %broadcast_in_dim3A = arith.constant 0.000000e+00 : f32
      %broadcast_in_dim3A_25 = vector.broadcast %broadcast_in_dim3A : f32 to vector<16xf32>
      %mul3A_26 = arith.constant 16 : i32
      %mul3A_27 = arith.muli %scan3A_23, %mul3A_26 : i32
      %swap3A = arith.index_cast %mul3A_27 : i32 to index
      %swap3A_28 = tpu.vector_load %arg7[%swap3A] {strides = array<i32>} : memref<640xf32, #tpu.memory_space<vmem>>, vector<16xf32>,
      %swap3A_29 = vector.shape_cast %swap3A_28 : vector<16xf32> to vector<16xf32>
      %swap3A_30 = vector.shape_cast %broadcast_in_dim3A_25 : vector<16xf32> to vector<16xf32>
      tpu.vector_store %arg7[%swap3A], %swap3A_30 {strides = array<i32>} : memref<640xf32, #tpu.memory_space<vmem>>, vector<16xf32>,
      %scan3A_31 = arith.constant 0 : i32
      scf.yield %scan3A_31 : i32
    }
    %scan3A_6 = arith.constant 40 : i32
    %mul3A_7 = arith.constant 640 : i32
    %mul3A_8 = arith.muli %arg1, %mul3A_7 : i32
    "tpu.region"() ({
      %run_scoped3A = tpu.sem_alloc : memref<!tpu.dma_semaphore, #tpu.memory_space<semaphore_mem>>
      %dma_start3A = tpu.memref_slice %arg8[%mul3A_8] : memref<10240xf32, #tpu.memory_space<vmem_shared>> -> memref<640xf32, #tpu.memory_space<vmem_shared>>
      %dma_start3A_23 = tpu.memref_slice %arg8[%mul3A_8] : memref<10240xf32, #tpu.memory_space<vmem_shared>> -> memref<640xf32, #tpu.memory_space<vmem_shared>>
      tpu.enqueue_dma source(%arg7 : memref<640xf32, #tpu.memory_space<vmem>>) target(%dma_start3A_23 : memref<640xf32, #tpu.memory_space<vmem_shared>>) target_semaphore(%run_scoped3A : memref<!tpu.dma_semaphore, #tpu.memory_space<semaphore_mem>>)
      %dma_wait3A = tpu.memref_slice %arg8[%mul3A_8] : memref<10240xf32, #tpu.memory_space<vmem_shared>> -> memref<640xf32, #tpu.memory_space<vmem_shared>>
      %dma_wait3A_24 = tpu.memref_slice %arg8[%mul3A_8] : memref<10240xf32, #tpu.memory_space<vmem_shared>> -> memref<640xf32, #tpu.memory_space<vmem_shared>>
      tpu.wait_dma2 semaphore(%run_scoped3A : memref<!tpu.dma_semaphore, #tpu.memory_space<semaphore_mem>>) src(%arg7 : memref<640xf32, #tpu.memory_space<vmem>>) dst(%dma_wait3A_24 : memref<640xf32, #tpu.memory_space<vmem_shared>>)
      tpu.yield
    }) : () -> ()
    %barrier3A = arith.constant 0 : index
    tpu.barrier barrier_id(%barrier3A)
    %mul3A_9 = arith.constant 10000 : i32
    %mul3A_10 = arith.muli %add3A, %mul3A_9 : i32
    %scan3A_11 = arith.constant 0 : i32
    %scan3A_12 = arith.constant 0 : i32
    %scan3A_13 = arith.constant 125 : i32
    %scan3A_14 = arith.addi %scan3A_12, %scan3A_13 : i32
    %scan3A_15 = arith.constant 1 : i32
    %scan3A_16 = scf.for %scan3A_23 = %scan3A_12 to %scan3A_14 step %scan3A_15 iter_args(%scan3A_24 = %scan3A_11) -> (i32)  : i32 {
      %mul3A_25 = arith.constant 80 : i32
      %mul3A_26 = arith.muli %scan3A_23, %mul3A_25 : i32
      %add3A_27 = arith.addi %mul3A_10, %mul3A_26 : i32
      "tpu.region"() ({
        %run_scoped3A = tpu.sem_alloc : memref<!tpu.dma_semaphore, #tpu.memory_space<semaphore_mem>>
        %dma_start3A = tpu.memref_slice %arg2[%add3A_27] : memref<320000xi32, #tpu.memory_space<hbm>> -> memref<80xi32, #tpu.memory_space<hbm>>
        %dma_start3A_29 = tpu.memref_slice %arg2[%add3A_27] : memref<320000xi32, #tpu.memory_space<hbm>> -> memref<80xi32, #tpu.memory_space<hbm>>
        tpu.enqueue_dma source(%dma_start3A_29 : memref<80xi32, #tpu.memory_space<hbm>>) target(%arg5 : memref<80xi32, #tpu.memory_space<vmem>>) target_semaphore(%run_scoped3A : memref<!tpu.dma_semaphore, #tpu.memory_space<semaphore_mem>>)
        %dma_wait3A = tpu.memref_slice %arg2[%add3A_27] : memref<320000xi32, #tpu.memory_space<hbm>> -> memref<80xi32, #tpu.memory_space<hbm>>
        %dma_wait3A_30 = tpu.memref_slice %arg2[%add3A_27] : memref<320000xi32, #tpu.memory_space<hbm>> -> memref<80xi32, #tpu.memory_space<hbm>>
        tpu.wait_dma2 semaphore(%run_scoped3A : memref<!tpu.dma_semaphore, #tpu.memory_space<semaphore_mem>>) src(%dma_wait3A_30 : memref<80xi32, #tpu.memory_space<hbm>>) dst(%arg5 : memref<80xi32, #tpu.memory_space<vmem>>)
        tpu.yield
      }) : () -> ()
      "tpu.region"() ({
        %run_scoped3A = tpu.sem_alloc : memref<!tpu.dma_semaphore, #tpu.memory_space<semaphore_mem>>
        %dma_start3A = tpu.memref_slice %arg3[%add3A_27] : memref<320000xf32, #tpu.memory_space<hbm>> -> memref<80xf32, #tpu.memory_space<hbm>>
        %dma_start3A_29 = tpu.memref_slice %arg3[%add3A_27] : memref<320000xf32, #tpu.memory_space<hbm>> -> memref<80xf32, #tpu.memory_space<hbm>>
        tpu.enqueue_dma source(%dma_start3A_29 : memref<80xf32, #tpu.memory_space<hbm>>) target(%arg6 : memref<80xf32, #tpu.memory_space<vmem>>) target_semaphore(%run_scoped3A : memref<!tpu.dma_semaphore, #tpu.memory_space<semaphore_mem>>)
        %dma_wait3A = tpu.memref_slice %arg3[%add3A_27] : memref<320000xf32, #tpu.memory_space<hbm>> -> memref<80xf32, #tpu.memory_space<hbm>>
        %dma_wait3A_30 = tpu.memref_slice %arg3[%add3A_27] : memref<320000xf32, #tpu.memory_space<hbm>> -> memref<80xf32, #tpu.memory_space<hbm>>
        tpu.wait_dma2 semaphore(%run_scoped3A : memref<!tpu.dma_semaphore, #tpu.memory_space<semaphore_mem>>) src(%dma_wait3A_30 : memref<80xf32, #tpu.memory_space<hbm>>) dst(%arg6 : memref<80xf32, #tpu.memory_space<vmem>>)
        tpu.yield
      }) : () -> ()
      "tpu.region"() ({
        %run_scoped3A = tpu.sem_alloc : memref<!tpu.dma_semaphore, #tpu.memory_space<semaphore_mem>>
        %dma_start3A = arith.constant 0 : i32
        %dma_start3A_29 = tpu.memref_slice %arg8[%dma_start3A] : memref<10240xf32, #tpu.memory_space<vmem_shared>> -> memref<10240xf32, #tpu.memory_space<vmem_shared>>
        tpu.enqueue_indirect_dma source(%arg6 : memref<80xf32, #tpu.memory_space<vmem>>) target(%dma_start3A_29 : memref<10240xf32, #tpu.memory_space<vmem_shared>>) offsets(%arg5 : memref<80xi32, #tpu.memory_space<vmem>>) semaphore(%run_scoped3A : memref<!tpu.dma_semaphore, #tpu.memory_space<semaphore_mem>>) {add = true}
        %dma_wait3A = arith.constant 0 : i32
        %dma_wait3A_30 = tpu.memref_slice %arg8[%dma_wait3A] : memref<10240xf32, #tpu.memory_space<vmem_shared>> -> memref<10240xf32, #tpu.memory_space<vmem_shared>>
        tpu.wait_indirect_dma semaphore(%run_scoped3A : memref<!tpu.dma_semaphore, #tpu.memory_space<semaphore_mem>>) src(%arg6 : memref<80xf32, #tpu.memory_space<vmem>>) dst(%dma_wait3A_30 : memref<10240xf32, #tpu.memory_space<vmem_shared>>)
        tpu.yield
      }) : () -> ()
      %scan3A_28 = arith.constant 0 : i32
      scf.yield %scan3A_28 : i32
    }
    %scan3A_17 = arith.constant 125 : i32
    %barrier3A_18 = arith.constant 0 : index
    tpu.barrier barrier_id(%barrier3A_18)
    %mul3A_19 = arith.constant 640 : i32
    %mul3A_20 = arith.muli %arg1, %mul3A_19 : i32
    %mul3A_21 = arith.constant 640 : i32
    %mul3A_22 = arith.muli %arg1, %mul3A_21 : i32
    "tpu.region"() ({
      %run_scoped3A = tpu.sem_alloc : memref<!tpu.dma_semaphore, #tpu.memory_space<semaphore_mem>>
      %dma_start3A = tpu.memref_slice %arg4[%arg0, %mul3A_22] : memref<2x10240xf32, #tpu.memory_space<hbm>> -> memref<1x640xf32, #tpu.memory_space<hbm>>
      %dma_start3A_23 = tpu.memref_squeeze %dma_start3A : memref<1x640xf32, #tpu.memory_space<hbm>> -> memref<640xf32, #tpu.memory_space<hbm>>
      %dma_start3A_24 = tpu.memref_slice %arg8[%mul3A_20] : memref<10240xf32, #tpu.memory_space<vmem_shared>> -> memref<640xf32, #tpu.memory_space<vmem_shared>>
      tpu.enqueue_dma source(%dma_start3A_24 : memref<640xf32, #tpu.memory_space<vmem_shared>>) target(%dma_start3A_23 : memref<640xf32, #tpu.memory_space<hbm>>) target_semaphore(%run_scoped3A : memref<!tpu.dma_semaphore, #tpu.memory_space<semaphore_mem>>)
      %dma_wait3A = tpu.memref_slice %arg4[%arg0, %mul3A_22] : memref<2x10240xf32, #tpu.memory_space<hbm>> -> memref<1x640xf32, #tpu.memory_space<hbm>>
      %dma_wait3A_25 = tpu.memref_squeeze %dma_wait3A : memref<1x640xf32, #tpu.memory_space<hbm>> -> memref<640xf32, #tpu.memory_space<hbm>>
      %dma_wait3A_26 = tpu.memref_slice %arg8[%mul3A_20] : memref<10240xf32, #tpu.memory_space<vmem_shared>> -> memref<640xf32, #tpu.memory_space<vmem_shared>>
      tpu.wait_dma2 semaphore(%run_scoped3A : memref<!tpu.dma_semaphore, #tpu.memory_space<semaphore_mem>>) src(%dma_wait3A_26 : memref<640xf32, #tpu.memory_space<vmem_shared>>) dst(%dma_wait3A_25 : memref<640xf32, #tpu.memory_space<hbm>>)
      tpu.yield
    }) : () -> ()
    return
  }
}

#map = affine_map<(d0, d1) -> (0, 0)>
#map1 = affine_map<(d0, d1) -> (0)>
#map2 = affine_map<(d0, d1) -> (0, 0, 0)>
module attributes {stable_mosaic.version = 14 : i64} {
  func.func @k(%arg0: i32, %arg1: i32, %arg2: memref<10240x128xf32, #tpu.memory_space<hbm>>, %arg3: memref<320000xi32, #tpu.memory_space<hbm>>, %arg4: memref<320000xi32, #tpu.memory_space<hbm>>, %arg5: memref<320000xf32, #tpu.memory_space<hbm>>, %arg6: memref<2x10240x128xf32, #tpu.memory_space<hbm>>, %arg7: memref<80xi32, #tpu.memory_space<vmem>>, %arg8: memref<80xi32, #tpu.memory_space<vmem>>, %arg9: memref<96xf32, #tpu.memory_space<vmem>>, %arg10: memref<80x128xf32, #tpu.memory_space<vmem>>, %arg11: memref<10240x128xf32, #tpu.memory_space<vmem_shared>>, %arg12: memref<!tpu.dma_semaphore, #tpu.memory_space<semaphore_mem>>) attributes {dimension_semantics = [#tpu.dimension_semantics<core_parallel>, #tpu.dimension_semantics<subcore_parallel>], iteration_bounds = array<i64: 2, 16>, scalar_prefetch = 0 : i64, scratch_operands = 6 : i64, tpu.core_type = #tpu.core_type<sc_vector_subcore>, window_params = [{transform_indices = #map}, {transform_indices = #map1}, {transform_indices = #map1}, {transform_indices = #map1}, {transform_indices = #map2}]} {
    %mul3A = arith.constant 2 : i32
    %mul3A_0 = arith.muli %arg1, %mul3A : i32
    %add3A = arith.addi %mul3A_0, %arg0 : i32
    %mul3A_1 = arith.constant 640 : i32
    %mul3A_2 = arith.muli %arg1, %mul3A_1 : i32
    %scan3A = arith.constant 0 : i32
    %scan3A_3 = arith.constant 0 : i32
    %scan3A_4 = arith.constant 80 : i32
    %scan3A_5 = arith.addi %scan3A_3, %scan3A_4 : i32
    %scan3A_6 = arith.constant 1 : i32
    %scan3A_7 = scf.for %scan3A_67 = %scan3A_3 to %scan3A_5 step %scan3A_6 iter_args(%scan3A_68 = %scan3A) -> (i32)  : i32 {
      %scan3A_69 = arith.constant 0 : i32
      %scan3A_70 = arith.constant 0 : i32
      %scan3A_71 = arith.constant 8 : i32
      %scan3A_72 = arith.addi %scan3A_70, %scan3A_71 : i32
      %scan3A_73 = arith.constant 1 : i32
      %scan3A_74 = scf.for %scan3A_77 = %scan3A_70 to %scan3A_72 step %scan3A_73 iter_args(%scan3A_78 = %scan3A_69) -> (i32)  : i32 {
        %broadcast_in_dim3A = arith.constant 0.000000e+00 : f32
        %broadcast_in_dim3A_79 = vector.broadcast %broadcast_in_dim3A : f32 to vector<16xf32>
        %mul3A_80 = arith.constant 16 : i32
        %mul3A_81 = arith.muli %scan3A_77, %mul3A_80 : i32
        %swap3A = arith.index_cast %scan3A_67 : i32 to index
        %swap3A_82 = arith.index_cast %mul3A_81 : i32 to index
        %swap3A_83 = tpu.vector_load %arg10[%swap3A, %swap3A_82] {strides = array<i32>} : memref<80x128xf32, #tpu.memory_space<vmem>>, vector<1x16xf32>,
        %swap3A_84 = vector.shape_cast %swap3A_83 : vector<1x16xf32> to vector<16xf32>
        %swap3A_85 = vector.shape_cast %broadcast_in_dim3A_79 : vector<16xf32> to vector<1x16xf32>
        tpu.vector_store %arg10[%swap3A, %swap3A_82], %swap3A_85 {strides = array<i32>} : memref<80x128xf32, #tpu.memory_space<vmem>>, vector<1x16xf32>,
        %scan3A_86 = arith.constant 0 : i32
        scf.yield %scan3A_86 : i32
      }
      %scan3A_75 = arith.constant 8 : i32
      %scan3A_76 = arith.constant 0 : i32
      scf.yield %scan3A_76 : i32
    }
    %scan3A_8 = arith.constant 80 : i32
    %add3A_9 = arith.constant 0 : i32
    %add3A_10 = arith.addi %mul3A_2, %add3A_9 : i32
    "tpu.region"() ({
      %run_scoped3A = tpu.sem_alloc : memref<!tpu.dma_semaphore, #tpu.memory_space<semaphore_mem>>
      %dma_start3A = arith.constant 0 : i32
      %dma_start3A_67 = tpu.memref_slice %arg11[%add3A_10, %dma_start3A] : memref<10240x128xf32, #tpu.memory_space<vmem_shared>> -> memref<80x128xf32, #tpu.memory_space<vmem_shared>>
      %dma_start3A_68 = arith.constant 0 : i32
      %dma_start3A_69 = tpu.memref_slice %arg11[%add3A_10, %dma_start3A_68] : memref<10240x128xf32, #tpu.memory_space<vmem_shared>> -> memref<80x128xf32, #tpu.memory_space<vmem_shared>>
      tpu.enqueue_dma source(%arg10 : memref<80x128xf32, #tpu.memory_space<vmem>>) target(%dma_start3A_69 : memref<80x128xf32, #tpu.memory_space<vmem_shared>>) target_semaphore(%run_scoped3A : memref<!tpu.dma_semaphore, #tpu.memory_space<semaphore_mem>>)
      %dma_wait3A = arith.constant 0 : i32
      %dma_wait3A_70 = tpu.memref_slice %arg11[%add3A_10, %dma_wait3A] : memref<10240x128xf32, #tpu.memory_space<vmem_shared>> -> memref<80x128xf32, #tpu.memory_space<vmem_shared>>
      %dma_wait3A_71 = arith.constant 0 : i32
      %dma_wait3A_72 = tpu.memref_slice %arg11[%add3A_10, %dma_wait3A_71] : memref<10240x128xf32, #tpu.memory_space<vmem_shared>> -> memref<80x128xf32, #tpu.memory_space<vmem_shared>>
      tpu.wait_dma2 semaphore(%run_scoped3A : memref<!tpu.dma_semaphore, #tpu.memory_space<semaphore_mem>>) src(%arg10 : memref<80x128xf32, #tpu.memory_space<vmem>>) dst(%dma_wait3A_72 : memref<80x128xf32, #tpu.memory_space<vmem_shared>>)
      tpu.yield
    }) : () -> ()
    %add3A_11 = arith.constant 80 : i32
    %add3A_12 = arith.addi %mul3A_2, %add3A_11 : i32
    "tpu.region"() ({
      %run_scoped3A = tpu.sem_alloc : memref<!tpu.dma_semaphore, #tpu.memory_space<semaphore_mem>>
      %dma_start3A = arith.constant 0 : i32
      %dma_start3A_67 = tpu.memref_slice %arg11[%add3A_12, %dma_start3A] : memref<10240x128xf32, #tpu.memory_space<vmem_shared>> -> memref<80x128xf32, #tpu.memory_space<vmem_shared>>
      %dma_start3A_68 = arith.constant 0 : i32
      %dma_start3A_69 = tpu.memref_slice %arg11[%add3A_12, %dma_start3A_68] : memref<10240x128xf32, #tpu.memory_space<vmem_shared>> -> memref<80x128xf32, #tpu.memory_space<vmem_shared>>
      tpu.enqueue_dma source(%arg10 : memref<80x128xf32, #tpu.memory_space<vmem>>) target(%dma_start3A_69 : memref<80x128xf32, #tpu.memory_space<vmem_shared>>) target_semaphore(%run_scoped3A : memref<!tpu.dma_semaphore, #tpu.memory_space<semaphore_mem>>)
      %dma_wait3A = arith.constant 0 : i32
      %dma_wait3A_70 = tpu.memref_slice %arg11[%add3A_12, %dma_wait3A] : memref<10240x128xf32, #tpu.memory_space<vmem_shared>> -> memref<80x128xf32, #tpu.memory_space<vmem_shared>>
      %dma_wait3A_71 = arith.constant 0 : i32
      %dma_wait3A_72 = tpu.memref_slice %arg11[%add3A_12, %dma_wait3A_71] : memref<10240x128xf32, #tpu.memory_space<vmem_shared>> -> memref<80x128xf32, #tpu.memory_space<vmem_shared>>
      tpu.wait_dma2 semaphore(%run_scoped3A : memref<!tpu.dma_semaphore, #tpu.memory_space<semaphore_mem>>) src(%arg10 : memref<80x128xf32, #tpu.memory_space<vmem>>) dst(%dma_wait3A_72 : memref<80x128xf32, #tpu.memory_space<vmem_shared>>)
      tpu.yield
    }) : () -> ()
    %add3A_13 = arith.constant 160 : i32
    %add3A_14 = arith.addi %mul3A_2, %add3A_13 : i32
    "tpu.region"() ({
      %run_scoped3A = tpu.sem_alloc : memref<!tpu.dma_semaphore, #tpu.memory_space<semaphore_mem>>
      %dma_start3A = arith.constant 0 : i32
      %dma_start3A_67 = tpu.memref_slice %arg11[%add3A_14, %dma_start3A] : memref<10240x128xf32, #tpu.memory_space<vmem_shared>> -> memref<80x128xf32, #tpu.memory_space<vmem_shared>>
      %dma_start3A_68 = arith.constant 0 : i32
      %dma_start3A_69 = tpu.memref_slice %arg11[%add3A_14, %dma_start3A_68] : memref<10240x128xf32, #tpu.memory_space<vmem_shared>> -> memref<80x128xf32, #tpu.memory_space<vmem_shared>>
      tpu.enqueue_dma source(%arg10 : memref<80x128xf32, #tpu.memory_space<vmem>>) target(%dma_start3A_69 : memref<80x128xf32, #tpu.memory_space<vmem_shared>>) target_semaphore(%run_scoped3A : memref<!tpu.dma_semaphore, #tpu.memory_space<semaphore_mem>>)
      %dma_wait3A = arith.constant 0 : i32
      %dma_wait3A_70 = tpu.memref_slice %arg11[%add3A_14, %dma_wait3A] : memref<10240x128xf32, #tpu.memory_space<vmem_shared>> -> memref<80x128xf32, #tpu.memory_space<vmem_shared>>
      %dma_wait3A_71 = arith.constant 0 : i32
      %dma_wait3A_72 = tpu.memref_slice %arg11[%add3A_14, %dma_wait3A_71] : memref<10240x128xf32, #tpu.memory_space<vmem_shared>> -> memref<80x128xf32, #tpu.memory_space<vmem_shared>>
      tpu.wait_dma2 semaphore(%run_scoped3A : memref<!tpu.dma_semaphore, #tpu.memory_space<semaphore_mem>>) src(%arg10 : memref<80x128xf32, #tpu.memory_space<vmem>>) dst(%dma_wait3A_72 : memref<80x128xf32, #tpu.memory_space<vmem_shared>>)
      tpu.yield
    }) : () -> ()
    %add3A_15 = arith.constant 240 : i32
    %add3A_16 = arith.addi %mul3A_2, %add3A_15 : i32
    "tpu.region"() ({
      %run_scoped3A = tpu.sem_alloc : memref<!tpu.dma_semaphore, #tpu.memory_space<semaphore_mem>>
      %dma_start3A = arith.constant 0 : i32
      %dma_start3A_67 = tpu.memref_slice %arg11[%add3A_16, %dma_start3A] : memref<10240x128xf32, #tpu.memory_space<vmem_shared>> -> memref<80x128xf32, #tpu.memory_space<vmem_shared>>
      %dma_start3A_68 = arith.constant 0 : i32
      %dma_start3A_69 = tpu.memref_slice %arg11[%add3A_16, %dma_start3A_68] : memref<10240x128xf32, #tpu.memory_space<vmem_shared>> -> memref<80x128xf32, #tpu.memory_space<vmem_shared>>
      tpu.enqueue_dma source(%arg10 : memref<80x128xf32, #tpu.memory_space<vmem>>) target(%dma_start3A_69 : memref<80x128xf32, #tpu.memory_space<vmem_shared>>) target_semaphore(%run_scoped3A : memref<!tpu.dma_semaphore, #tpu.memory_space<semaphore_mem>>)
      %dma_wait3A = arith.constant 0 : i32
      %dma_wait3A_70 = tpu.memref_slice %arg11[%add3A_16, %dma_wait3A] : memref<10240x128xf32, #tpu.memory_space<vmem_shared>> -> memref<80x128xf32, #tpu.memory_space<vmem_shared>>
      %dma_wait3A_71 = arith.constant 0 : i32
      %dma_wait3A_72 = tpu.memref_slice %arg11[%add3A_16, %dma_wait3A_71] : memref<10240x128xf32, #tpu.memory_space<vmem_shared>> -> memref<80x128xf32, #tpu.memory_space<vmem_shared>>
      tpu.wait_dma2 semaphore(%run_scoped3A : memref<!tpu.dma_semaphore, #tpu.memory_space<semaphore_mem>>) src(%arg10 : memref<80x128xf32, #tpu.memory_space<vmem>>) dst(%dma_wait3A_72 : memref<80x128xf32, #tpu.memory_space<vmem_shared>>)
      tpu.yield
    }) : () -> ()
    %add3A_17 = arith.constant 320 : i32
    %add3A_18 = arith.addi %mul3A_2, %add3A_17 : i32
    "tpu.region"() ({
      %run_scoped3A = tpu.sem_alloc : memref<!tpu.dma_semaphore, #tpu.memory_space<semaphore_mem>>
      %dma_start3A = arith.constant 0 : i32
      %dma_start3A_67 = tpu.memref_slice %arg11[%add3A_18, %dma_start3A] : memref<10240x128xf32, #tpu.memory_space<vmem_shared>> -> memref<80x128xf32, #tpu.memory_space<vmem_shared>>
      %dma_start3A_68 = arith.constant 0 : i32
      %dma_start3A_69 = tpu.memref_slice %arg11[%add3A_18, %dma_start3A_68] : memref<10240x128xf32, #tpu.memory_space<vmem_shared>> -> memref<80x128xf32, #tpu.memory_space<vmem_shared>>
      tpu.enqueue_dma source(%arg10 : memref<80x128xf32, #tpu.memory_space<vmem>>) target(%dma_start3A_69 : memref<80x128xf32, #tpu.memory_space<vmem_shared>>) target_semaphore(%run_scoped3A : memref<!tpu.dma_semaphore, #tpu.memory_space<semaphore_mem>>)
      %dma_wait3A = arith.constant 0 : i32
      %dma_wait3A_70 = tpu.memref_slice %arg11[%add3A_18, %dma_wait3A] : memref<10240x128xf32, #tpu.memory_space<vmem_shared>> -> memref<80x128xf32, #tpu.memory_space<vmem_shared>>
      %dma_wait3A_71 = arith.constant 0 : i32
      %dma_wait3A_72 = tpu.memref_slice %arg11[%add3A_18, %dma_wait3A_71] : memref<10240x128xf32, #tpu.memory_space<vmem_shared>> -> memref<80x128xf32, #tpu.memory_space<vmem_shared>>
      tpu.wait_dma2 semaphore(%run_scoped3A : memref<!tpu.dma_semaphore, #tpu.memory_space<semaphore_mem>>) src(%arg10 : memref<80x128xf32, #tpu.memory_space<vmem>>) dst(%dma_wait3A_72 : memref<80x128xf32, #tpu.memory_space<vmem_shared>>)
      tpu.yield
    }) : () -> ()
    %add3A_19 = arith.constant 400 : i32
    %add3A_20 = arith.addi %mul3A_2, %add3A_19 : i32
    "tpu.region"() ({
      %run_scoped3A = tpu.sem_alloc : memref<!tpu.dma_semaphore, #tpu.memory_space<semaphore_mem>>
      %dma_start3A = arith.constant 0 : i32
      %dma_start3A_67 = tpu.memref_slice %arg11[%add3A_20, %dma_start3A] : memref<10240x128xf32, #tpu.memory_space<vmem_shared>> -> memref<80x128xf32, #tpu.memory_space<vmem_shared>>
      %dma_start3A_68 = arith.constant 0 : i32
      %dma_start3A_69 = tpu.memref_slice %arg11[%add3A_20, %dma_start3A_68] : memref<10240x128xf32, #tpu.memory_space<vmem_shared>> -> memref<80x128xf32, #tpu.memory_space<vmem_shared>>
      tpu.enqueue_dma source(%arg10 : memref<80x128xf32, #tpu.memory_space<vmem>>) target(%dma_start3A_69 : memref<80x128xf32, #tpu.memory_space<vmem_shared>>) target_semaphore(%run_scoped3A : memref<!tpu.dma_semaphore, #tpu.memory_space<semaphore_mem>>)
      %dma_wait3A = arith.constant 0 : i32
      %dma_wait3A_70 = tpu.memref_slice %arg11[%add3A_20, %dma_wait3A] : memref<10240x128xf32, #tpu.memory_space<vmem_shared>> -> memref<80x128xf32, #tpu.memory_space<vmem_shared>>
      %dma_wait3A_71 = arith.constant 0 : i32
      %dma_wait3A_72 = tpu.memref_slice %arg11[%add3A_20, %dma_wait3A_71] : memref<10240x128xf32, #tpu.memory_space<vmem_shared>> -> memref<80x128xf32, #tpu.memory_space<vmem_shared>>
      tpu.wait_dma2 semaphore(%run_scoped3A : memref<!tpu.dma_semaphore, #tpu.memory_space<semaphore_mem>>) src(%arg10 : memref<80x128xf32, #tpu.memory_space<vmem>>) dst(%dma_wait3A_72 : memref<80x128xf32, #tpu.memory_space<vmem_shared>>)
      tpu.yield
    }) : () -> ()
    %add3A_21 = arith.constant 480 : i32
    %add3A_22 = arith.addi %mul3A_2, %add3A_21 : i32
    "tpu.region"() ({
      %run_scoped3A = tpu.sem_alloc : memref<!tpu.dma_semaphore, #tpu.memory_space<semaphore_mem>>
      %dma_start3A = arith.constant 0 : i32
      %dma_start3A_67 = tpu.memref_slice %arg11[%add3A_22, %dma_start3A] : memref<10240x128xf32, #tpu.memory_space<vmem_shared>> -> memref<80x128xf32, #tpu.memory_space<vmem_shared>>
      %dma_start3A_68 = arith.constant 0 : i32
      %dma_start3A_69 = tpu.memref_slice %arg11[%add3A_22, %dma_start3A_68] : memref<10240x128xf32, #tpu.memory_space<vmem_shared>> -> memref<80x128xf32, #tpu.memory_space<vmem_shared>>
      tpu.enqueue_dma source(%arg10 : memref<80x128xf32, #tpu.memory_space<vmem>>) target(%dma_start3A_69 : memref<80x128xf32, #tpu.memory_space<vmem_shared>>) target_semaphore(%run_scoped3A : memref<!tpu.dma_semaphore, #tpu.memory_space<semaphore_mem>>)
      %dma_wait3A = arith.constant 0 : i32
      %dma_wait3A_70 = tpu.memref_slice %arg11[%add3A_22, %dma_wait3A] : memref<10240x128xf32, #tpu.memory_space<vmem_shared>> -> memref<80x128xf32, #tpu.memory_space<vmem_shared>>
      %dma_wait3A_71 = arith.constant 0 : i32
      %dma_wait3A_72 = tpu.memref_slice %arg11[%add3A_22, %dma_wait3A_71] : memref<10240x128xf32, #tpu.memory_space<vmem_shared>> -> memref<80x128xf32, #tpu.memory_space<vmem_shared>>
      tpu.wait_dma2 semaphore(%run_scoped3A : memref<!tpu.dma_semaphore, #tpu.memory_space<semaphore_mem>>) src(%arg10 : memref<80x128xf32, #tpu.memory_space<vmem>>) dst(%dma_wait3A_72 : memref<80x128xf32, #tpu.memory_space<vmem_shared>>)
      tpu.yield
    }) : () -> ()
    %add3A_23 = arith.constant 560 : i32
    %add3A_24 = arith.addi %mul3A_2, %add3A_23 : i32
    "tpu.region"() ({
      %run_scoped3A = tpu.sem_alloc : memref<!tpu.dma_semaphore, #tpu.memory_space<semaphore_mem>>
      %dma_start3A = arith.constant 0 : i32
      %dma_start3A_67 = tpu.memref_slice %arg11[%add3A_24, %dma_start3A] : memref<10240x128xf32, #tpu.memory_space<vmem_shared>> -> memref<80x128xf32, #tpu.memory_space<vmem_shared>>
      %dma_start3A_68 = arith.constant 0 : i32
      %dma_start3A_69 = tpu.memref_slice %arg11[%add3A_24, %dma_start3A_68] : memref<10240x128xf32, #tpu.memory_space<vmem_shared>> -> memref<80x128xf32, #tpu.memory_space<vmem_shared>>
      tpu.enqueue_dma source(%arg10 : memref<80x128xf32, #tpu.memory_space<vmem>>) target(%dma_start3A_69 : memref<80x128xf32, #tpu.memory_space<vmem_shared>>) target_semaphore(%run_scoped3A : memref<!tpu.dma_semaphore, #tpu.memory_space<semaphore_mem>>)
      %dma_wait3A = arith.constant 0 : i32
      %dma_wait3A_70 = tpu.memref_slice %arg11[%add3A_24, %dma_wait3A] : memref<10240x128xf32, #tpu.memory_space<vmem_shared>> -> memref<80x128xf32, #tpu.memory_space<vmem_shared>>
      %dma_wait3A_71 = arith.constant 0 : i32
      %dma_wait3A_72 = tpu.memref_slice %arg11[%add3A_24, %dma_wait3A_71] : memref<10240x128xf32, #tpu.memory_space<vmem_shared>> -> memref<80x128xf32, #tpu.memory_space<vmem_shared>>
      tpu.wait_dma2 semaphore(%run_scoped3A : memref<!tpu.dma_semaphore, #tpu.memory_space<semaphore_mem>>) src(%arg10 : memref<80x128xf32, #tpu.memory_space<vmem>>) dst(%dma_wait3A_72 : memref<80x128xf32, #tpu.memory_space<vmem_shared>>)
      tpu.yield
    }) : () -> ()
    %barrier3A = arith.constant 0 : index
    tpu.barrier barrier_id(%barrier3A)
    %mul3A_25 = arith.constant 10000 : i32
    %mul3A_26 = arith.muli %add3A, %mul3A_25 : i32
    %scan3A_27 = arith.constant 0 : i32
    %scan3A_28 = arith.constant 0 : i32
    %scan3A_29 = arith.constant 125 : i32
    %scan3A_30 = arith.addi %scan3A_28, %scan3A_29 : i32
    %scan3A_31 = arith.constant 1 : i32
    %scan3A_32 = scf.for %scan3A_67 = %scan3A_28 to %scan3A_30 step %scan3A_31 iter_args(%scan3A_68 = %scan3A_27) -> (i32)  : i32 {
      %mul3A_69 = arith.constant 80 : i32
      %mul3A_70 = arith.muli %scan3A_67, %mul3A_69 : i32
      %add3A_71 = arith.addi %mul3A_26, %mul3A_70 : i32
      "tpu.region"() ({
        %run_scoped3A = tpu.sem_alloc : memref<!tpu.dma_semaphore, #tpu.memory_space<semaphore_mem>>
        %dma_start3A_84 = tpu.memref_slice %arg3[%add3A_71] : memref<320000xi32, #tpu.memory_space<hbm>> -> memref<80xi32, #tpu.memory_space<hbm>>
        %dma_start3A_85 = tpu.memref_slice %arg3[%add3A_71] : memref<320000xi32, #tpu.memory_space<hbm>> -> memref<80xi32, #tpu.memory_space<hbm>>
        tpu.enqueue_dma source(%dma_start3A_85 : memref<80xi32, #tpu.memory_space<hbm>>) target(%arg7 : memref<80xi32, #tpu.memory_space<vmem>>) target_semaphore(%run_scoped3A : memref<!tpu.dma_semaphore, #tpu.memory_space<semaphore_mem>>)
        %dma_wait3A_86 = tpu.memref_slice %arg3[%add3A_71] : memref<320000xi32, #tpu.memory_space<hbm>> -> memref<80xi32, #tpu.memory_space<hbm>>
        %dma_wait3A_87 = tpu.memref_slice %arg3[%add3A_71] : memref<320000xi32, #tpu.memory_space<hbm>> -> memref<80xi32, #tpu.memory_space<hbm>>
        tpu.wait_dma2 semaphore(%run_scoped3A : memref<!tpu.dma_semaphore, #tpu.memory_space<semaphore_mem>>) src(%dma_wait3A_87 : memref<80xi32, #tpu.memory_space<hbm>>) dst(%arg7 : memref<80xi32, #tpu.memory_space<vmem>>)
        tpu.yield
      }) : () -> ()
      "tpu.region"() ({
        %run_scoped3A = tpu.sem_alloc : memref<!tpu.dma_semaphore, #tpu.memory_space<semaphore_mem>>
        %dma_start3A_84 = tpu.memref_slice %arg4[%add3A_71] : memref<320000xi32, #tpu.memory_space<hbm>> -> memref<80xi32, #tpu.memory_space<hbm>>
        %dma_start3A_85 = tpu.memref_slice %arg4[%add3A_71] : memref<320000xi32, #tpu.memory_space<hbm>> -> memref<80xi32, #tpu.memory_space<hbm>>
        tpu.enqueue_dma source(%dma_start3A_85 : memref<80xi32, #tpu.memory_space<hbm>>) target(%arg8 : memref<80xi32, #tpu.memory_space<vmem>>) target_semaphore(%run_scoped3A : memref<!tpu.dma_semaphore, #tpu.memory_space<semaphore_mem>>)
        %dma_wait3A_86 = tpu.memref_slice %arg4[%add3A_71] : memref<320000xi32, #tpu.memory_space<hbm>> -> memref<80xi32, #tpu.memory_space<hbm>>
        %dma_wait3A_87 = tpu.memref_slice %arg4[%add3A_71] : memref<320000xi32, #tpu.memory_space<hbm>> -> memref<80xi32, #tpu.memory_space<hbm>>
        tpu.wait_dma2 semaphore(%run_scoped3A : memref<!tpu.dma_semaphore, #tpu.memory_space<semaphore_mem>>) src(%dma_wait3A_87 : memref<80xi32, #tpu.memory_space<hbm>>) dst(%arg8 : memref<80xi32, #tpu.memory_space<vmem>>)
        tpu.yield
      }) : () -> ()
      "tpu.region"() ({
        %run_scoped3A = tpu.sem_alloc : memref<!tpu.dma_semaphore, #tpu.memory_space<semaphore_mem>>
        %dma_start3A_84 = arith.constant 0 : i32
        %dma_start3A_85 = tpu.memref_slice %arg9[%dma_start3A_84] : memref<96xf32, #tpu.memory_space<vmem>> -> memref<80xf32, #tpu.memory_space<vmem>>
        %dma_start3A_86 = tpu.memref_slice %arg5[%add3A_71] : memref<320000xf32, #tpu.memory_space<hbm>> -> memref<80xf32, #tpu.memory_space<hbm>>
        %dma_start3A_87 = arith.constant 0 : i32
        %dma_start3A_88 = tpu.memref_slice %arg9[%dma_start3A_87] : memref<96xf32, #tpu.memory_space<vmem>> -> memref<80xf32, #tpu.memory_space<vmem>>
        %dma_start3A_89 = tpu.memref_slice %arg5[%add3A_71] : memref<320000xf32, #tpu.memory_space<hbm>> -> memref<80xf32, #tpu.memory_space<hbm>>
        tpu.enqueue_dma source(%dma_start3A_89 : memref<80xf32, #tpu.memory_space<hbm>>) target(%dma_start3A_88 : memref<80xf32, #tpu.memory_space<vmem>>) target_semaphore(%run_scoped3A : memref<!tpu.dma_semaphore, #tpu.memory_space<semaphore_mem>>)
        %dma_wait3A_90 = arith.constant 0 : i32
        %dma_wait3A_91 = tpu.memref_slice %arg9[%dma_wait3A_90] : memref<96xf32, #tpu.memory_space<vmem>> -> memref<80xf32, #tpu.memory_space<vmem>>
        %dma_wait3A_92 = tpu.memref_slice %arg5[%add3A_71] : memref<320000xf32, #tpu.memory_space<hbm>> -> memref<80xf32, #tpu.memory_space<hbm>>
        %dma_wait3A_93 = arith.constant 0 : i32
        %dma_wait3A_94 = tpu.memref_slice %arg9[%dma_wait3A_93] : memref<96xf32, #tpu.memory_space<vmem>> -> memref<80xf32, #tpu.memory_space<vmem>>
        %dma_wait3A_95 = tpu.memref_slice %arg5[%add3A_71] : memref<320000xf32, #tpu.memory_space<hbm>> -> memref<80xf32, #tpu.memory_space<hbm>>
        tpu.wait_dma2 semaphore(%run_scoped3A : memref<!tpu.dma_semaphore, #tpu.memory_space<semaphore_mem>>) src(%dma_wait3A_95 : memref<80xf32, #tpu.memory_space<hbm>>) dst(%dma_wait3A_94 : memref<80xf32, #tpu.memory_space<vmem>>)
        tpu.yield
      }) : () -> ()
      %dma_start3A = arith.constant 0 : i32
      %dma_start3A_72 = arith.constant 0 : i32
      %dma_start3A_73 = tpu.memref_slice %arg2[%dma_start3A, %dma_start3A_72] : memref<10240x128xf32, #tpu.memory_space<hbm>> -> memref<10240x128xf32, #tpu.memory_space<hbm>>
      tpu.enqueue_indirect_dma source(%dma_start3A_73 : memref<10240x128xf32, #tpu.memory_space<hbm>>) target(%arg10 : memref<80x128xf32, #tpu.memory_space<vmem>>) offsets(%arg7 : memref<80xi32, #tpu.memory_space<vmem>>) semaphore(%arg12 : memref<!tpu.dma_semaphore, #tpu.memory_space<semaphore_mem>>)
      %dma_wait3A = arith.constant 0 : i32
      %dma_wait3A_74 = arith.constant 0 : i32
      %dma_wait3A_75 = tpu.memref_slice %arg2[%dma_wait3A, %dma_wait3A_74] : memref<10240x128xf32, #tpu.memory_space<hbm>> -> memref<10240x128xf32, #tpu.memory_space<hbm>>
      tpu.wait_indirect_dma semaphore(%arg12 : memref<!tpu.dma_semaphore, #tpu.memory_space<semaphore_mem>>) src(%dma_wait3A_75 : memref<10240x128xf32, #tpu.memory_space<hbm>>) dst(%arg10 : memref<80x128xf32, #tpu.memory_space<vmem>>)
      %scan3A_76 = arith.constant 0 : i32
      %scan3A_77 = arith.constant 0 : i32
      %scan3A_78 = arith.constant 80 : i32
      %scan3A_79 = arith.addi %scan3A_77, %scan3A_78 : i32
      %scan3A_80 = arith.constant 1 : i32
      %scan3A_81 = scf.for %scan3A_84 = %scan3A_77 to %scan3A_79 step %scan3A_80 iter_args(%scan3A_85 = %scan3A_76) -> (i32)  : i32 {
        %get3A = arith.index_cast %scan3A_84 : i32 to index
        %get3A_86 = tpu.vector_load %arg9[%get3A] {strides = array<i32>} : memref<96xf32, #tpu.memory_space<vmem>>, vector<16xf32>,
        %get3A_87 = vector.shape_cast %get3A_86 : vector<16xf32> to vector<16xf32>
        %slice3A = vector.extract_strided_slice %get3A_87 {offsets = [0], sizes = [1], strides = [1]} : vector<16xf32> to vector<1xf32>
        %squeeze3A = vector.extract %slice3A[0] : f32 from vector<1xf32>
        %broadcast_in_dim3A = vector.broadcast %squeeze3A : f32 to vector<16xf32>
        %get3A_88 = arith.index_cast %scan3A_84 : i32 to index
        %get3A_89 = arith.constant 0 : index
        %get3A_90 = tpu.vector_load %arg10[%get3A_88, %get3A_89] {strides = array<i32>} : memref<80x128xf32, #tpu.memory_space<vmem>>, vector<1x16xf32>,
        %get3A_91 = vector.shape_cast %get3A_90 : vector<1x16xf32> to vector<16xf32>
        %mul3A_92 = arith.mulf %get3A_91, %broadcast_in_dim3A : vector<16xf32>
        %swap3A = arith.index_cast %scan3A_84 : i32 to index
        %swap3A_93 = arith.constant 0 : index
        %swap3A_94 = tpu.vector_load %arg10[%swap3A, %swap3A_93] {strides = array<i32>} : memref<80x128xf32, #tpu.memory_space<vmem>>, vector<1x16xf32>,
        %swap3A_95 = vector.shape_cast %swap3A_94 : vector<1x16xf32> to vector<16xf32>
        %swap3A_96 = vector.shape_cast %mul3A_92 : vector<16xf32> to vector<1x16xf32>
        tpu.vector_store %arg10[%swap3A, %swap3A_93], %swap3A_96 {strides = array<i32>} : memref<80x128xf32, #tpu.memory_space<vmem>>, vector<1x16xf32>,
        %get3A_97 = arith.index_cast %scan3A_84 : i32 to index
        %get3A_98 = arith.constant 16 : index
        %get3A_99 = tpu.vector_load %arg10[%get3A_97, %get3A_98] {strides = array<i32>} : memref<80x128xf32, #tpu.memory_space<vmem>>, vector<1x16xf32>,
        %get3A_100 = vector.shape_cast %get3A_99 : vector<1x16xf32> to vector<16xf32>
        %mul3A_101 = arith.mulf %get3A_100, %broadcast_in_dim3A : vector<16xf32>
        %swap3A_102 = arith.index_cast %scan3A_84 : i32 to index
        %swap3A_103 = arith.constant 16 : index
        %swap3A_104 = tpu.vector_load %arg10[%swap3A_102, %swap3A_103] {strides = array<i32>} : memref<80x128xf32, #tpu.memory_space<vmem>>, vector<1x16xf32>,
        %swap3A_105 = vector.shape_cast %swap3A_104 : vector<1x16xf32> to vector<16xf32>
        %swap3A_106 = vector.shape_cast %mul3A_101 : vector<16xf32> to vector<1x16xf32>
        tpu.vector_store %arg10[%swap3A_102, %swap3A_103], %swap3A_106 {strides = array<i32>} : memref<80x128xf32, #tpu.memory_space<vmem>>, vector<1x16xf32>,
        %get3A_107 = arith.index_cast %scan3A_84 : i32 to index
        %get3A_108 = arith.constant 32 : index
        %get3A_109 = tpu.vector_load %arg10[%get3A_107, %get3A_108] {strides = array<i32>} : memref<80x128xf32, #tpu.memory_space<vmem>>, vector<1x16xf32>,
        %get3A_110 = vector.shape_cast %get3A_109 : vector<1x16xf32> to vector<16xf32>
        %mul3A_111 = arith.mulf %get3A_110, %broadcast_in_dim3A : vector<16xf32>
        %swap3A_112 = arith.index_cast %scan3A_84 : i32 to index
        %swap3A_113 = arith.constant 32 : index
        %swap3A_114 = tpu.vector_load %arg10[%swap3A_112, %swap3A_113] {strides = array<i32>} : memref<80x128xf32, #tpu.memory_space<vmem>>, vector<1x16xf32>,
        %swap3A_115 = vector.shape_cast %swap3A_114 : vector<1x16xf32> to vector<16xf32>
        %swap3A_116 = vector.shape_cast %mul3A_111 : vector<16xf32> to vector<1x16xf32>
        tpu.vector_store %arg10[%swap3A_112, %swap3A_113], %swap3A_116 {strides = array<i32>} : memref<80x128xf32, #tpu.memory_space<vmem>>, vector<1x16xf32>,
        %get3A_117 = arith.index_cast %scan3A_84 : i32 to index
        %get3A_118 = arith.constant 48 : index
        %get3A_119 = tpu.vector_load %arg10[%get3A_117, %get3A_118] {strides = array<i32>} : memref<80x128xf32, #tpu.memory_space<vmem>>, vector<1x16xf32>,
        %get3A_120 = vector.shape_cast %get3A_119 : vector<1x16xf32> to vector<16xf32>
        %mul3A_121 = arith.mulf %get3A_120, %broadcast_in_dim3A : vector<16xf32>
        %swap3A_122 = arith.index_cast %scan3A_84 : i32 to index
        %swap3A_123 = arith.constant 48 : index
        %swap3A_124 = tpu.vector_load %arg10[%swap3A_122, %swap3A_123] {strides = array<i32>} : memref<80x128xf32, #tpu.memory_space<vmem>>, vector<1x16xf32>,
        %swap3A_125 = vector.shape_cast %swap3A_124 : vector<1x16xf32> to vector<16xf32>
        %swap3A_126 = vector.shape_cast %mul3A_121 : vector<16xf32> to vector<1x16xf32>
        tpu.vector_store %arg10[%swap3A_122, %swap3A_123], %swap3A_126 {strides = array<i32>} : memref<80x128xf32, #tpu.memory_space<vmem>>, vector<1x16xf32>,
        %get3A_127 = arith.index_cast %scan3A_84 : i32 to index
        %get3A_128 = arith.constant 64 : index
        %get3A_129 = tpu.vector_load %arg10[%get3A_127, %get3A_128] {strides = array<i32>} : memref<80x128xf32, #tpu.memory_space<vmem>>, vector<1x16xf32>,
        %get3A_130 = vector.shape_cast %get3A_129 : vector<1x16xf32> to vector<16xf32>
        %mul3A_131 = arith.mulf %get3A_130, %broadcast_in_dim3A : vector<16xf32>
        %swap3A_132 = arith.index_cast %scan3A_84 : i32 to index
        %swap3A_133 = arith.constant 64 : index
        %swap3A_134 = tpu.vector_load %arg10[%swap3A_132, %swap3A_133] {strides = array<i32>} : memref<80x128xf32, #tpu.memory_space<vmem>>, vector<1x16xf32>,
        %swap3A_135 = vector.shape_cast %swap3A_134 : vector<1x16xf32> to vector<16xf32>
        %swap3A_136 = vector.shape_cast %mul3A_131 : vector<16xf32> to vector<1x16xf32>
        tpu.vector_store %arg10[%swap3A_132, %swap3A_133], %swap3A_136 {strides = array<i32>} : memref<80x128xf32, #tpu.memory_space<vmem>>, vector<1x16xf32>,
        %get3A_137 = arith.index_cast %scan3A_84 : i32 to index
        %get3A_138 = arith.constant 80 : index
        %get3A_139 = tpu.vector_load %arg10[%get3A_137, %get3A_138] {strides = array<i32>} : memref<80x128xf32, #tpu.memory_space<vmem>>, vector<1x16xf32>,
        %get3A_140 = vector.shape_cast %get3A_139 : vector<1x16xf32> to vector<16xf32>
        %mul3A_141 = arith.mulf %get3A_140, %broadcast_in_dim3A : vector<16xf32>
        %swap3A_142 = arith.index_cast %scan3A_84 : i32 to index
        %swap3A_143 = arith.constant 80 : index
        %swap3A_144 = tpu.vector_load %arg10[%swap3A_142, %swap3A_143] {strides = array<i32>} : memref<80x128xf32, #tpu.memory_space<vmem>>, vector<1x16xf32>,
        %swap3A_145 = vector.shape_cast %swap3A_144 : vector<1x16xf32> to vector<16xf32>
        %swap3A_146 = vector.shape_cast %mul3A_141 : vector<16xf32> to vector<1x16xf32>
        tpu.vector_store %arg10[%swap3A_142, %swap3A_143], %swap3A_146 {strides = array<i32>} : memref<80x128xf32, #tpu.memory_space<vmem>>, vector<1x16xf32>,
        %get3A_147 = arith.index_cast %scan3A_84 : i32 to index
        %get3A_148 = arith.constant 96 : index
        %get3A_149 = tpu.vector_load %arg10[%get3A_147, %get3A_148] {strides = array<i32>} : memref<80x128xf32, #tpu.memory_space<vmem>>, vector<1x16xf32>,
        %get3A_150 = vector.shape_cast %get3A_149 : vector<1x16xf32> to vector<16xf32>
        %mul3A_151 = arith.mulf %get3A_150, %broadcast_in_dim3A : vector<16xf32>
        %swap3A_152 = arith.index_cast %scan3A_84 : i32 to index
        %swap3A_153 = arith.constant 96 : index
        %swap3A_154 = tpu.vector_load %arg10[%swap3A_152, %swap3A_153] {strides = array<i32>} : memref<80x128xf32, #tpu.memory_space<vmem>>, vector<1x16xf32>,
        %swap3A_155 = vector.shape_cast %swap3A_154 : vector<1x16xf32> to vector<16xf32>
        %swap3A_156 = vector.shape_cast %mul3A_151 : vector<16xf32> to vector<1x16xf32>
        tpu.vector_store %arg10[%swap3A_152, %swap3A_153], %swap3A_156 {strides = array<i32>} : memref<80x128xf32, #tpu.memory_space<vmem>>, vector<1x16xf32>,
        %get3A_157 = arith.index_cast %scan3A_84 : i32 to index
        %get3A_158 = arith.constant 112 : index
        %get3A_159 = tpu.vector_load %arg10[%get3A_157, %get3A_158] {strides = array<i32>} : memref<80x128xf32, #tpu.memory_space<vmem>>, vector<1x16xf32>,
        %get3A_160 = vector.shape_cast %get3A_159 : vector<1x16xf32> to vector<16xf32>
        %mul3A_161 = arith.mulf %get3A_160, %broadcast_in_dim3A : vector<16xf32>
        %swap3A_162 = arith.index_cast %scan3A_84 : i32 to index
        %swap3A_163 = arith.constant 112 : index
        %swap3A_164 = tpu.vector_load %arg10[%swap3A_162, %swap3A_163] {strides = array<i32>} : memref<80x128xf32, #tpu.memory_space<vmem>>, vector<1x16xf32>,
        %swap3A_165 = vector.shape_cast %swap3A_164 : vector<1x16xf32> to vector<16xf32>
        %swap3A_166 = vector.shape_cast %mul3A_161 : vector<16xf32> to vector<1x16xf32>
        tpu.vector_store %arg10[%swap3A_162, %swap3A_163], %swap3A_166 {strides = array<i32>} : memref<80x128xf32, #tpu.memory_space<vmem>>, vector<1x16xf32>,
        %scan3A_167 = arith.constant 0 : i32
        scf.yield %scan3A_167 : i32
      }
      %scan3A_82 = arith.constant 80 : i32
      "tpu.region"() ({
        %run_scoped3A = tpu.sem_alloc : memref<!tpu.dma_semaphore, #tpu.memory_space<semaphore_mem>>
        %dma_start3A_84 = arith.constant 0 : i32
        %dma_start3A_85 = arith.constant 0 : i32
        %dma_start3A_86 = tpu.memref_slice %arg11[%dma_start3A_84, %dma_start3A_85] : memref<10240x128xf32, #tpu.memory_space<vmem_shared>> -> memref<10240x128xf32, #tpu.memory_space<vmem_shared>>
        tpu.enqueue_indirect_dma source(%arg10 : memref<80x128xf32, #tpu.memory_space<vmem>>) target(%dma_start3A_86 : memref<10240x128xf32, #tpu.memory_space<vmem_shared>>) offsets(%arg8 : memref<80xi32, #tpu.memory_space<vmem>>) semaphore(%run_scoped3A : memref<!tpu.dma_semaphore, #tpu.memory_space<semaphore_mem>>) {add = true}
        %dma_wait3A_87 = arith.constant 0 : i32
        %dma_wait3A_88 = arith.constant 0 : i32
        %dma_wait3A_89 = tpu.memref_slice %arg11[%dma_wait3A_87, %dma_wait3A_88] : memref<10240x128xf32, #tpu.memory_space<vmem_shared>> -> memref<10240x128xf32, #tpu.memory_space<vmem_shared>>
        tpu.wait_indirect_dma semaphore(%run_scoped3A : memref<!tpu.dma_semaphore, #tpu.memory_space<semaphore_mem>>) src(%arg10 : memref<80x128xf32, #tpu.memory_space<vmem>>) dst(%dma_wait3A_89 : memref<10240x128xf32, #tpu.memory_space<vmem_shared>>)
        tpu.yield
      }) : () -> ()
      %scan3A_83 = arith.constant 0 : i32
      scf.yield %scan3A_83 : i32
    }
    %scan3A_33 = arith.constant 125 : i32
    %barrier3A_34 = arith.constant 0 : index
    tpu.barrier barrier_id(%barrier3A_34)
    %add3A_35 = arith.constant 0 : i32
    %add3A_36 = arith.addi %mul3A_2, %add3A_35 : i32
    %add3A_37 = arith.constant 0 : i32
    %add3A_38 = arith.addi %mul3A_2, %add3A_37 : i32
    "tpu.region"() ({
      %run_scoped3A = tpu.sem_alloc : memref<!tpu.dma_semaphore, #tpu.memory_space<semaphore_mem>>
      %dma_start3A = arith.constant 0 : i32
      %dma_start3A_67 = tpu.memref_slice %arg6[%arg0, %add3A_38, %dma_start3A] : memref<2x10240x128xf32, #tpu.memory_space<hbm>> -> memref<1x80x128xf32, #tpu.memory_space<hbm>>
      %dma_start3A_68 = tpu.memref_squeeze %dma_start3A_67 : memref<1x80x128xf32, #tpu.memory_space<hbm>> -> memref<80x128xf32, #tpu.memory_space<hbm>>
      %dma_start3A_69 = arith.constant 0 : i32
      %dma_start3A_70 = tpu.memref_slice %arg11[%add3A_36, %dma_start3A_69] : memref<10240x128xf32, #tpu.memory_space<vmem_shared>> -> memref<80x128xf32, #tpu.memory_space<vmem_shared>>
      tpu.enqueue_dma source(%dma_start3A_70 : memref<80x128xf32, #tpu.memory_space<vmem_shared>>) target(%dma_start3A_68 : memref<80x128xf32, #tpu.memory_space<hbm>>) target_semaphore(%run_scoped3A : memref<!tpu.dma_semaphore, #tpu.memory_space<semaphore_mem>>)
      %dma_wait3A = arith.constant 0 : i32
      %dma_wait3A_71 = tpu.memref_slice %arg6[%arg0, %add3A_38, %dma_wait3A] : memref<2x10240x128xf32, #tpu.memory_space<hbm>> -> memref<1x80x128xf32, #tpu.memory_space<hbm>>
      %dma_wait3A_72 = tpu.memref_squeeze %dma_wait3A_71 : memref<1x80x128xf32, #tpu.memory_space<hbm>> -> memref<80x128xf32, #tpu.memory_space<hbm>>
      %dma_wait3A_73 = arith.constant 0 : i32
      %dma_wait3A_74 = tpu.memref_slice %arg11[%add3A_36, %dma_wait3A_73] : memref<10240x128xf32, #tpu.memory_space<vmem_shared>> -> memref<80x128xf32, #tpu.memory_space<vmem_shared>>
      tpu.wait_dma2 semaphore(%run_scoped3A : memref<!tpu.dma_semaphore, #tpu.memory_space<semaphore_mem>>) src(%dma_wait3A_74 : memref<80x128xf32, #tpu.memory_space<vmem_shared>>) dst(%dma_wait3A_72 : memref<80x128xf32, #tpu.memory_space<hbm>>)
      tpu.yield
    }) : () -> ()
    %add3A_39 = arith.constant 80 : i32
    %add3A_40 = arith.addi %mul3A_2, %add3A_39 : i32
    %add3A_41 = arith.constant 80 : i32
    %add3A_42 = arith.addi %mul3A_2, %add3A_41 : i32
    "tpu.region"() ({
      %run_scoped3A = tpu.sem_alloc : memref<!tpu.dma_semaphore, #tpu.memory_space<semaphore_mem>>
      %dma_start3A = arith.constant 0 : i32
      %dma_start3A_67 = tpu.memref_slice %arg6[%arg0, %add3A_42, %dma_start3A] : memref<2x10240x128xf32, #tpu.memory_space<hbm>> -> memref<1x80x128xf32, #tpu.memory_space<hbm>>
      %dma_start3A_68 = tpu.memref_squeeze %dma_start3A_67 : memref<1x80x128xf32, #tpu.memory_space<hbm>> -> memref<80x128xf32, #tpu.memory_space<hbm>>
      %dma_start3A_69 = arith.constant 0 : i32
      %dma_start3A_70 = tpu.memref_slice %arg11[%add3A_40, %dma_start3A_69] : memref<10240x128xf32, #tpu.memory_space<vmem_shared>> -> memref<80x128xf32, #tpu.memory_space<vmem_shared>>
      tpu.enqueue_dma source(%dma_start3A_70 : memref<80x128xf32, #tpu.memory_space<vmem_shared>>) target(%dma_start3A_68 : memref<80x128xf32, #tpu.memory_space<hbm>>) target_semaphore(%run_scoped3A : memref<!tpu.dma_semaphore, #tpu.memory_space<semaphore_mem>>)
      %dma_wait3A = arith.constant 0 : i32
      %dma_wait3A_71 = tpu.memref_slice %arg6[%arg0, %add3A_42, %dma_wait3A] : memref<2x10240x128xf32, #tpu.memory_space<hbm>> -> memref<1x80x128xf32, #tpu.memory_space<hbm>>
      %dma_wait3A_72 = tpu.memref_squeeze %dma_wait3A_71 : memref<1x80x128xf32, #tpu.memory_space<hbm>> -> memref<80x128xf32, #tpu.memory_space<hbm>>
      %dma_wait3A_73 = arith.constant 0 : i32
      %dma_wait3A_74 = tpu.memref_slice %arg11[%add3A_40, %dma_wait3A_73] : memref<10240x128xf32, #tpu.memory_space<vmem_shared>> -> memref<80x128xf32, #tpu.memory_space<vmem_shared>>
      tpu.wait_dma2 semaphore(%run_scoped3A : memref<!tpu.dma_semaphore, #tpu.memory_space<semaphore_mem>>) src(%dma_wait3A_74 : memref<80x128xf32, #tpu.memory_space<vmem_shared>>) dst(%dma_wait3A_72 : memref<80x128xf32, #tpu.memory_space<hbm>>)
      tpu.yield
    }) : () -> ()
    %add3A_43 = arith.constant 160 : i32
    %add3A_44 = arith.addi %mul3A_2, %add3A_43 : i32
    %add3A_45 = arith.constant 160 : i32
    %add3A_46 = arith.addi %mul3A_2, %add3A_45 : i32
    "tpu.region"() ({
      %run_scoped3A = tpu.sem_alloc : memref<!tpu.dma_semaphore, #tpu.memory_space<semaphore_mem>>
      %dma_start3A = arith.constant 0 : i32
      %dma_start3A_67 = tpu.memref_slice %arg6[%arg0, %add3A_46, %dma_start3A] : memref<2x10240x128xf32, #tpu.memory_space<hbm>> -> memref<1x80x128xf32, #tpu.memory_space<hbm>>
      %dma_start3A_68 = tpu.memref_squeeze %dma_start3A_67 : memref<1x80x128xf32, #tpu.memory_space<hbm>> -> memref<80x128xf32, #tpu.memory_space<hbm>>
      %dma_start3A_69 = arith.constant 0 : i32
      %dma_start3A_70 = tpu.memref_slice %arg11[%add3A_44, %dma_start3A_69] : memref<10240x128xf32, #tpu.memory_space<vmem_shared>> -> memref<80x128xf32, #tpu.memory_space<vmem_shared>>
      tpu.enqueue_dma source(%dma_start3A_70 : memref<80x128xf32, #tpu.memory_space<vmem_shared>>) target(%dma_start3A_68 : memref<80x128xf32, #tpu.memory_space<hbm>>) target_semaphore(%run_scoped3A : memref<!tpu.dma_semaphore, #tpu.memory_space<semaphore_mem>>)
      %dma_wait3A = arith.constant 0 : i32
      %dma_wait3A_71 = tpu.memref_slice %arg6[%arg0, %add3A_46, %dma_wait3A] : memref<2x10240x128xf32, #tpu.memory_space<hbm>> -> memref<1x80x128xf32, #tpu.memory_space<hbm>>
      %dma_wait3A_72 = tpu.memref_squeeze %dma_wait3A_71 : memref<1x80x128xf32, #tpu.memory_space<hbm>> -> memref<80x128xf32, #tpu.memory_space<hbm>>
      %dma_wait3A_73 = arith.constant 0 : i32
      %dma_wait3A_74 = tpu.memref_slice %arg11[%add3A_44, %dma_wait3A_73] : memref<10240x128xf32, #tpu.memory_space<vmem_shared>> -> memref<80x128xf32, #tpu.memory_space<vmem_shared>>
      tpu.wait_dma2 semaphore(%run_scoped3A : memref<!tpu.dma_semaphore, #tpu.memory_space<semaphore_mem>>) src(%dma_wait3A_74 : memref<80x128xf32, #tpu.memory_space<vmem_shared>>) dst(%dma_wait3A_72 : memref<80x128xf32, #tpu.memory_space<hbm>>)
      tpu.yield
    }) : () -> ()
    %add3A_47 = arith.constant 240 : i32
    %add3A_48 = arith.addi %mul3A_2, %add3A_47 : i32
    %add3A_49 = arith.constant 240 : i32
    %add3A_50 = arith.addi %mul3A_2, %add3A_49 : i32
    "tpu.region"() ({
      %run_scoped3A = tpu.sem_alloc : memref<!tpu.dma_semaphore, #tpu.memory_space<semaphore_mem>>
      %dma_start3A = arith.constant 0 : i32
      %dma_start3A_67 = tpu.memref_slice %arg6[%arg0, %add3A_50, %dma_start3A] : memref<2x10240x128xf32, #tpu.memory_space<hbm>> -> memref<1x80x128xf32, #tpu.memory_space<hbm>>
      %dma_start3A_68 = tpu.memref_squeeze %dma_start3A_67 : memref<1x80x128xf32, #tpu.memory_space<hbm>> -> memref<80x128xf32, #tpu.memory_space<hbm>>
      %dma_start3A_69 = arith.constant 0 : i32
      %dma_start3A_70 = tpu.memref_slice %arg11[%add3A_48, %dma_start3A_69] : memref<10240x128xf32, #tpu.memory_space<vmem_shared>> -> memref<80x128xf32, #tpu.memory_space<vmem_shared>>
      tpu.enqueue_dma source(%dma_start3A_70 : memref<80x128xf32, #tpu.memory_space<vmem_shared>>) target(%dma_start3A_68 : memref<80x128xf32, #tpu.memory_space<hbm>>) target_semaphore(%run_scoped3A : memref<!tpu.dma_semaphore, #tpu.memory_space<semaphore_mem>>)
      %dma_wait3A = arith.constant 0 : i32
      %dma_wait3A_71 = tpu.memref_slice %arg6[%arg0, %add3A_50, %dma_wait3A] : memref<2x10240x128xf32, #tpu.memory_space<hbm>> -> memref<1x80x128xf32, #tpu.memory_space<hbm>>
      %dma_wait3A_72 = tpu.memref_squeeze %dma_wait3A_71 : memref<1x80x128xf32, #tpu.memory_space<hbm>> -> memref<80x128xf32, #tpu.memory_space<hbm>>
      %dma_wait3A_73 = arith.constant 0 : i32
      %dma_wait3A_74 = tpu.memref_slice %arg11[%add3A_48, %dma_wait3A_73] : memref<10240x128xf32, #tpu.memory_space<vmem_shared>> -> memref<80x128xf32, #tpu.memory_space<vmem_shared>>
      tpu.wait_dma2 semaphore(%run_scoped3A : memref<!tpu.dma_semaphore, #tpu.memory_space<semaphore_mem>>) src(%dma_wait3A_74 : memref<80x128xf32, #tpu.memory_space<vmem_shared>>) dst(%dma_wait3A_72 : memref<80x128xf32, #tpu.memory_space<hbm>>)
      tpu.yield
    }) : () -> ()
    %add3A_51 = arith.constant 320 : i32
    %add3A_52 = arith.addi %mul3A_2, %add3A_51 : i32
    %add3A_53 = arith.constant 320 : i32
    %add3A_54 = arith.addi %mul3A_2, %add3A_53 : i32
    "tpu.region"() ({
      %run_scoped3A = tpu.sem_alloc : memref<!tpu.dma_semaphore, #tpu.memory_space<semaphore_mem>>
      %dma_start3A = arith.constant 0 : i32
      %dma_start3A_67 = tpu.memref_slice %arg6[%arg0, %add3A_54, %dma_start3A] : memref<2x10240x128xf32, #tpu.memory_space<hbm>> -> memref<1x80x128xf32, #tpu.memory_space<hbm>>
      %dma_start3A_68 = tpu.memref_squeeze %dma_start3A_67 : memref<1x80x128xf32, #tpu.memory_space<hbm>> -> memref<80x128xf32, #tpu.memory_space<hbm>>
      %dma_start3A_69 = arith.constant 0 : i32
      %dma_start3A_70 = tpu.memref_slice %arg11[%add3A_52, %dma_start3A_69] : memref<10240x128xf32, #tpu.memory_space<vmem_shared>> -> memref<80x128xf32, #tpu.memory_space<vmem_shared>>
      tpu.enqueue_dma source(%dma_start3A_70 : memref<80x128xf32, #tpu.memory_space<vmem_shared>>) target(%dma_start3A_68 : memref<80x128xf32, #tpu.memory_space<hbm>>) target_semaphore(%run_scoped3A : memref<!tpu.dma_semaphore, #tpu.memory_space<semaphore_mem>>)
      %dma_wait3A = arith.constant 0 : i32
      %dma_wait3A_71 = tpu.memref_slice %arg6[%arg0, %add3A_54, %dma_wait3A] : memref<2x10240x128xf32, #tpu.memory_space<hbm>> -> memref<1x80x128xf32, #tpu.memory_space<hbm>>
      %dma_wait3A_72 = tpu.memref_squeeze %dma_wait3A_71 : memref<1x80x128xf32, #tpu.memory_space<hbm>> -> memref<80x128xf32, #tpu.memory_space<hbm>>
      %dma_wait3A_73 = arith.constant 0 : i32
      %dma_wait3A_74 = tpu.memref_slice %arg11[%add3A_52, %dma_wait3A_73] : memref<10240x128xf32, #tpu.memory_space<vmem_shared>> -> memref<80x128xf32, #tpu.memory_space<vmem_shared>>
      tpu.wait_dma2 semaphore(%run_scoped3A : memref<!tpu.dma_semaphore, #tpu.memory_space<semaphore_mem>>) src(%dma_wait3A_74 : memref<80x128xf32, #tpu.memory_space<vmem_shared>>) dst(%dma_wait3A_72 : memref<80x128xf32, #tpu.memory_space<hbm>>)
      tpu.yield
    }) : () -> ()
    %add3A_55 = arith.constant 400 : i32
    %add3A_56 = arith.addi %mul3A_2, %add3A_55 : i32
    %add3A_57 = arith.constant 400 : i32
    %add3A_58 = arith.addi %mul3A_2, %add3A_57 : i32
    "tpu.region"() ({
      %run_scoped3A = tpu.sem_alloc : memref<!tpu.dma_semaphore, #tpu.memory_space<semaphore_mem>>
      %dma_start3A = arith.constant 0 : i32
      %dma_start3A_67 = tpu.memref_slice %arg6[%arg0, %add3A_58, %dma_start3A] : memref<2x10240x128xf32, #tpu.memory_space<hbm>> -> memref<1x80x128xf32, #tpu.memory_space<hbm>>
      %dma_start3A_68 = tpu.memref_squeeze %dma_start3A_67 : memref<1x80x128xf32, #tpu.memory_space<hbm>> -> memref<80x128xf32, #tpu.memory_space<hbm>>
      %dma_start3A_69 = arith.constant 0 : i32
      %dma_start3A_70 = tpu.memref_slice %arg11[%add3A_56, %dma_start3A_69] : memref<10240x128xf32, #tpu.memory_space<vmem_shared>> -> memref<80x128xf32, #tpu.memory_space<vmem_shared>>
      tpu.enqueue_dma source(%dma_start3A_70 : memref<80x128xf32, #tpu.memory_space<vmem_shared>>) target(%dma_start3A_68 : memref<80x128xf32, #tpu.memory_space<hbm>>) target_semaphore(%run_scoped3A : memref<!tpu.dma_semaphore, #tpu.memory_space<semaphore_mem>>)
      %dma_wait3A = arith.constant 0 : i32
      %dma_wait3A_71 = tpu.memref_slice %arg6[%arg0, %add3A_58, %dma_wait3A] : memref<2x10240x128xf32, #tpu.memory_space<hbm>> -> memref<1x80x128xf32, #tpu.memory_space<hbm>>
      %dma_wait3A_72 = tpu.memref_squeeze %dma_wait3A_71 : memref<1x80x128xf32, #tpu.memory_space<hbm>> -> memref<80x128xf32, #tpu.memory_space<hbm>>
      %dma_wait3A_73 = arith.constant 0 : i32
      %dma_wait3A_74 = tpu.memref_slice %arg11[%add3A_56, %dma_wait3A_73] : memref<10240x128xf32, #tpu.memory_space<vmem_shared>> -> memref<80x128xf32, #tpu.memory_space<vmem_shared>>
      tpu.wait_dma2 semaphore(%run_scoped3A : memref<!tpu.dma_semaphore, #tpu.memory_space<semaphore_mem>>) src(%dma_wait3A_74 : memref<80x128xf32, #tpu.memory_space<vmem_shared>>) dst(%dma_wait3A_72 : memref<80x128xf32, #tpu.memory_space<hbm>>)
      tpu.yield
    }) : () -> ()
    %add3A_59 = arith.constant 480 : i32
    %add3A_60 = arith.addi %mul3A_2, %add3A_59 : i32
    %add3A_61 = arith.constant 480 : i32
    %add3A_62 = arith.addi %mul3A_2, %add3A_61 : i32
    "tpu.region"() ({
      %run_scoped3A = tpu.sem_alloc : memref<!tpu.dma_semaphore, #tpu.memory_space<semaphore_mem>>
      %dma_start3A = arith.constant 0 : i32
      %dma_start3A_67 = tpu.memref_slice %arg6[%arg0, %add3A_62, %dma_start3A] : memref<2x10240x128xf32, #tpu.memory_space<hbm>> -> memref<1x80x128xf32, #tpu.memory_space<hbm>>
      %dma_start3A_68 = tpu.memref_squeeze %dma_start3A_67 : memref<1x80x128xf32, #tpu.memory_space<hbm>> -> memref<80x128xf32, #tpu.memory_space<hbm>>
      %dma_start3A_69 = arith.constant 0 : i32
      %dma_start3A_70 = tpu.memref_slice %arg11[%add3A_60, %dma_start3A_69] : memref<10240x128xf32, #tpu.memory_space<vmem_shared>> -> memref<80x128xf32, #tpu.memory_space<vmem_shared>>
      tpu.enqueue_dma source(%dma_start3A_70 : memref<80x128xf32, #tpu.memory_space<vmem_shared>>) target(%dma_start3A_68 : memref<80x128xf32, #tpu.memory_space<hbm>>) target_semaphore(%run_scoped3A : memref<!tpu.dma_semaphore, #tpu.memory_space<semaphore_mem>>)
      %dma_wait3A = arith.constant 0 : i32
      %dma_wait3A_71 = tpu.memref_slice %arg6[%arg0, %add3A_62, %dma_wait3A] : memref<2x10240x128xf32, #tpu.memory_space<hbm>> -> memref<1x80x128xf32, #tpu.memory_space<hbm>>
      %dma_wait3A_72 = tpu.memref_squeeze %dma_wait3A_71 : memref<1x80x128xf32, #tpu.memory_space<hbm>> -> memref<80x128xf32, #tpu.memory_space<hbm>>
      %dma_wait3A_73 = arith.constant 0 : i32
      %dma_wait3A_74 = tpu.memref_slice %arg11[%add3A_60, %dma_wait3A_73] : memref<10240x128xf32, #tpu.memory_space<vmem_shared>> -> memref<80x128xf32, #tpu.memory_space<vmem_shared>>
      tpu.wait_dma2 semaphore(%run_scoped3A : memref<!tpu.dma_semaphore, #tpu.memory_space<semaphore_mem>>) src(%dma_wait3A_74 : memref<80x128xf32, #tpu.memory_space<vmem_shared>>) dst(%dma_wait3A_72 : memref<80x128xf32, #tpu.memory_space<hbm>>)
      tpu.yield
    }) : () -> ()
    %add3A_63 = arith.constant 560 : i32
    %add3A_64 = arith.addi %mul3A_2, %add3A_63 : i32
    %add3A_65 = arith.constant 560 : i32
    %add3A_66 = arith.addi %mul3A_2, %add3A_65 : i32
    "tpu.region"() ({
      %run_scoped3A = tpu.sem_alloc : memref<!tpu.dma_semaphore, #tpu.memory_space<semaphore_mem>>
      %dma_start3A = arith.constant 0 : i32
      %dma_start3A_67 = tpu.memref_slice %arg6[%arg0, %add3A_66, %dma_start3A] : memref<2x10240x128xf32, #tpu.memory_space<hbm>> -> memref<1x80x128xf32, #tpu.memory_space<hbm>>
      %dma_start3A_68 = tpu.memref_squeeze %dma_start3A_67 : memref<1x80x128xf32, #tpu.memory_space<hbm>> -> memref<80x128xf32, #tpu.memory_space<hbm>>
      %dma_start3A_69 = arith.constant 0 : i32
      %dma_start3A_70 = tpu.memref_slice %arg11[%add3A_64, %dma_start3A_69] : memref<10240x128xf32, #tpu.memory_space<vmem_shared>> -> memref<80x128xf32, #tpu.memory_space<vmem_shared>>
      tpu.enqueue_dma source(%dma_start3A_70 : memref<80x128xf32, #tpu.memory_space<vmem_shared>>) target(%dma_start3A_68 : memref<80x128xf32, #tpu.memory_space<hbm>>) target_semaphore(%run_scoped3A : memref<!tpu.dma_semaphore, #tpu.memory_space<semaphore_mem>>)
      %dma_wait3A = arith.constant 0 : i32
      %dma_wait3A_71 = tpu.memref_slice %arg6[%arg0, %add3A_66, %dma_wait3A] : memref<2x10240x128xf32, #tpu.memory_space<hbm>> -> memref<1x80x128xf32, #tpu.memory_space<hbm>>
      %dma_wait3A_72 = tpu.memref_squeeze %dma_wait3A_71 : memref<1x80x128xf32, #tpu.memory_space<hbm>> -> memref<80x128xf32, #tpu.memory_space<hbm>>
      %dma_wait3A_73 = arith.constant 0 : i32
      %dma_wait3A_74 = tpu.memref_slice %arg11[%add3A_64, %dma_wait3A_73] : memref<10240x128xf32, #tpu.memory_space<vmem_shared>> -> memref<80x128xf32, #tpu.memory_space<vmem_shared>>
      tpu.wait_dma2 semaphore(%run_scoped3A : memref<!tpu.dma_semaphore, #tpu.memory_space<semaphore_mem>>) src(%dma_wait3A_74 : memref<80x128xf32, #tpu.memory_space<vmem_shared>>) dst(%dma_wait3A_72 : memref<80x128xf32, #tpu.memory_space<hbm>>)
      tpu.yield
    }) : () -> ()
    return
  }
}

#map = affine_map<(d0, d1) -> (0, 0)>
#map1 = affine_map<(d0, d1) -> (0)>
#map2 = affine_map<(d0, d1) -> (0, 0, 0)>
module attributes {stable_mosaic.version = 14 : i64} {
  func.func @k(%arg0: i32, %arg1: i32, %arg2: memref<10240x64xf32, #tpu.memory_space<hbm>>, %arg3: memref<320000xi32, #tpu.memory_space<hbm>>, %arg4: memref<320000xi32, #tpu.memory_space<hbm>>, %arg5: memref<320000xf32, #tpu.memory_space<hbm>>, %arg6: memref<2x10240x64xf32, #tpu.memory_space<hbm>>, %arg7: memref<80xi32, #tpu.memory_space<vmem>>, %arg8: memref<80xi32, #tpu.memory_space<vmem>>, %arg9: memref<96xf32, #tpu.memory_space<vmem>>, %arg10: memref<80x64xf32, #tpu.memory_space<vmem>>, %arg11: memref<10240x64xf32, #tpu.memory_space<vmem_shared>>, %arg12: memref<!tpu.dma_semaphore, #tpu.memory_space<semaphore_mem>>) attributes {dimension_semantics = [#tpu.dimension_semantics<core_parallel>, #tpu.dimension_semantics<subcore_parallel>], iteration_bounds = array<i64: 2, 16>, scalar_prefetch = 0 : i64, scratch_operands = 6 : i64, tpu.core_type = #tpu.core_type<sc_vector_subcore>, window_params = [{transform_indices = #map}, {transform_indices = #map1}, {transform_indices = #map1}, {transform_indices = #map1}, {transform_indices = #map2}]} {
    %mul3A = arith.constant 2 : i32
    %mul3A_0 = arith.muli %arg1, %mul3A : i32
    %add3A = arith.addi %mul3A_0, %arg0 : i32
    %mul3A_1 = arith.constant 640 : i32
    %mul3A_2 = arith.muli %arg1, %mul3A_1 : i32
    %scan3A = arith.constant 0 : i32
    %scan3A_3 = arith.constant 0 : i32
    %scan3A_4 = arith.constant 80 : i32
    %scan3A_5 = arith.addi %scan3A_3, %scan3A_4 : i32
    %scan3A_6 = arith.constant 1 : i32
    %scan3A_7 = scf.for %scan3A_67 = %scan3A_3 to %scan3A_5 step %scan3A_6 iter_args(%scan3A_68 = %scan3A) -> (i32)  : i32 {
      %scan3A_69 = arith.constant 0 : i32
      %scan3A_70 = arith.constant 0 : i32
      %scan3A_71 = arith.constant 4 : i32
      %scan3A_72 = arith.addi %scan3A_70, %scan3A_71 : i32
      %scan3A_73 = arith.constant 1 : i32
      %scan3A_74 = scf.for %scan3A_77 = %scan3A_70 to %scan3A_72 step %scan3A_73 iter_args(%scan3A_78 = %scan3A_69) -> (i32)  : i32 {
        %broadcast_in_dim3A = arith.constant 0.000000e+00 : f32
        %broadcast_in_dim3A_79 = vector.broadcast %broadcast_in_dim3A : f32 to vector<16xf32>
        %mul3A_80 = arith.constant 16 : i32
        %mul3A_81 = arith.muli %scan3A_77, %mul3A_80 : i32
        %swap3A = arith.index_cast %scan3A_67 : i32 to index
        %swap3A_82 = arith.index_cast %mul3A_81 : i32 to index
        %swap3A_83 = tpu.vector_load %arg10[%swap3A, %swap3A_82] {strides = array<i32>} : memref<80x64xf32, #tpu.memory_space<vmem>>, vector<1x16xf32>,
        %swap3A_84 = vector.shape_cast %swap3A_83 : vector<1x16xf32> to vector<16xf32>
        %swap3A_85 = vector.shape_cast %broadcast_in_dim3A_79 : vector<16xf32> to vector<1x16xf32>
        tpu.vector_store %arg10[%swap3A, %swap3A_82], %swap3A_85 {strides = array<i32>} : memref<80x64xf32, #tpu.memory_space<vmem>>, vector<1x16xf32>,
        %scan3A_86 = arith.constant 0 : i32
        scf.yield %scan3A_86 : i32
      }
      %scan3A_75 = arith.constant 4 : i32
      %scan3A_76 = arith.constant 0 : i32
      scf.yield %scan3A_76 : i32
    }
    %scan3A_8 = arith.constant 80 : i32
    %add3A_9 = arith.constant 0 : i32
    %add3A_10 = arith.addi %mul3A_2, %add3A_9 : i32
    "tpu.region"() ({
      %run_scoped3A = tpu.sem_alloc : memref<!tpu.dma_semaphore, #tpu.memory_space<semaphore_mem>>
      %dma_start3A = arith.constant 0 : i32
      %dma_start3A_67 = tpu.memref_slice %arg11[%add3A_10, %dma_start3A] : memref<10240x64xf32, #tpu.memory_space<vmem_shared>> -> memref<80x64xf32, #tpu.memory_space<vmem_shared>>
      %dma_start3A_68 = arith.constant 0 : i32
      %dma_start3A_69 = tpu.memref_slice %arg11[%add3A_10, %dma_start3A_68] : memref<10240x64xf32, #tpu.memory_space<vmem_shared>> -> memref<80x64xf32, #tpu.memory_space<vmem_shared>>
      tpu.enqueue_dma source(%arg10 : memref<80x64xf32, #tpu.memory_space<vmem>>) target(%dma_start3A_69 : memref<80x64xf32, #tpu.memory_space<vmem_shared>>) target_semaphore(%run_scoped3A : memref<!tpu.dma_semaphore, #tpu.memory_space<semaphore_mem>>)
      %dma_wait3A = arith.constant 0 : i32
      %dma_wait3A_70 = tpu.memref_slice %arg11[%add3A_10, %dma_wait3A] : memref<10240x64xf32, #tpu.memory_space<vmem_shared>> -> memref<80x64xf32, #tpu.memory_space<vmem_shared>>
      %dma_wait3A_71 = arith.constant 0 : i32
      %dma_wait3A_72 = tpu.memref_slice %arg11[%add3A_10, %dma_wait3A_71] : memref<10240x64xf32, #tpu.memory_space<vmem_shared>> -> memref<80x64xf32, #tpu.memory_space<vmem_shared>>
      tpu.wait_dma2 semaphore(%run_scoped3A : memref<!tpu.dma_semaphore, #tpu.memory_space<semaphore_mem>>) src(%arg10 : memref<80x64xf32, #tpu.memory_space<vmem>>) dst(%dma_wait3A_72 : memref<80x64xf32, #tpu.memory_space<vmem_shared>>)
      tpu.yield
    }) : () -> ()
    %add3A_11 = arith.constant 80 : i32
    %add3A_12 = arith.addi %mul3A_2, %add3A_11 : i32
    "tpu.region"() ({
      %run_scoped3A = tpu.sem_alloc : memref<!tpu.dma_semaphore, #tpu.memory_space<semaphore_mem>>
      %dma_start3A = arith.constant 0 : i32
      %dma_start3A_67 = tpu.memref_slice %arg11[%add3A_12, %dma_start3A] : memref<10240x64xf32, #tpu.memory_space<vmem_shared>> -> memref<80x64xf32, #tpu.memory_space<vmem_shared>>
      %dma_start3A_68 = arith.constant 0 : i32
      %dma_start3A_69 = tpu.memref_slice %arg11[%add3A_12, %dma_start3A_68] : memref<10240x64xf32, #tpu.memory_space<vmem_shared>> -> memref<80x64xf32, #tpu.memory_space<vmem_shared>>
      tpu.enqueue_dma source(%arg10 : memref<80x64xf32, #tpu.memory_space<vmem>>) target(%dma_start3A_69 : memref<80x64xf32, #tpu.memory_space<vmem_shared>>) target_semaphore(%run_scoped3A : memref<!tpu.dma_semaphore, #tpu.memory_space<semaphore_mem>>)
      %dma_wait3A = arith.constant 0 : i32
      %dma_wait3A_70 = tpu.memref_slice %arg11[%add3A_12, %dma_wait3A] : memref<10240x64xf32, #tpu.memory_space<vmem_shared>> -> memref<80x64xf32, #tpu.memory_space<vmem_shared>>
      %dma_wait3A_71 = arith.constant 0 : i32
      %dma_wait3A_72 = tpu.memref_slice %arg11[%add3A_12, %dma_wait3A_71] : memref<10240x64xf32, #tpu.memory_space<vmem_shared>> -> memref<80x64xf32, #tpu.memory_space<vmem_shared>>
      tpu.wait_dma2 semaphore(%run_scoped3A : memref<!tpu.dma_semaphore, #tpu.memory_space<semaphore_mem>>) src(%arg10 : memref<80x64xf32, #tpu.memory_space<vmem>>) dst(%dma_wait3A_72 : memref<80x64xf32, #tpu.memory_space<vmem_shared>>)
      tpu.yield
    }) : () -> ()
    %add3A_13 = arith.constant 160 : i32
    %add3A_14 = arith.addi %mul3A_2, %add3A_13 : i32
    "tpu.region"() ({
      %run_scoped3A = tpu.sem_alloc : memref<!tpu.dma_semaphore, #tpu.memory_space<semaphore_mem>>
      %dma_start3A = arith.constant 0 : i32
      %dma_start3A_67 = tpu.memref_slice %arg11[%add3A_14, %dma_start3A] : memref<10240x64xf32, #tpu.memory_space<vmem_shared>> -> memref<80x64xf32, #tpu.memory_space<vmem_shared>>
      %dma_start3A_68 = arith.constant 0 : i32
      %dma_start3A_69 = tpu.memref_slice %arg11[%add3A_14, %dma_start3A_68] : memref<10240x64xf32, #tpu.memory_space<vmem_shared>> -> memref<80x64xf32, #tpu.memory_space<vmem_shared>>
      tpu.enqueue_dma source(%arg10 : memref<80x64xf32, #tpu.memory_space<vmem>>) target(%dma_start3A_69 : memref<80x64xf32, #tpu.memory_space<vmem_shared>>) target_semaphore(%run_scoped3A : memref<!tpu.dma_semaphore, #tpu.memory_space<semaphore_mem>>)
      %dma_wait3A = arith.constant 0 : i32
      %dma_wait3A_70 = tpu.memref_slice %arg11[%add3A_14, %dma_wait3A] : memref<10240x64xf32, #tpu.memory_space<vmem_shared>> -> memref<80x64xf32, #tpu.memory_space<vmem_shared>>
      %dma_wait3A_71 = arith.constant 0 : i32
      %dma_wait3A_72 = tpu.memref_slice %arg11[%add3A_14, %dma_wait3A_71] : memref<10240x64xf32, #tpu.memory_space<vmem_shared>> -> memref<80x64xf32, #tpu.memory_space<vmem_shared>>
      tpu.wait_dma2 semaphore(%run_scoped3A : memref<!tpu.dma_semaphore, #tpu.memory_space<semaphore_mem>>) src(%arg10 : memref<80x64xf32, #tpu.memory_space<vmem>>) dst(%dma_wait3A_72 : memref<80x64xf32, #tpu.memory_space<vmem_shared>>)
      tpu.yield
    }) : () -> ()
    %add3A_15 = arith.constant 240 : i32
    %add3A_16 = arith.addi %mul3A_2, %add3A_15 : i32
    "tpu.region"() ({
      %run_scoped3A = tpu.sem_alloc : memref<!tpu.dma_semaphore, #tpu.memory_space<semaphore_mem>>
      %dma_start3A = arith.constant 0 : i32
      %dma_start3A_67 = tpu.memref_slice %arg11[%add3A_16, %dma_start3A] : memref<10240x64xf32, #tpu.memory_space<vmem_shared>> -> memref<80x64xf32, #tpu.memory_space<vmem_shared>>
      %dma_start3A_68 = arith.constant 0 : i32
      %dma_start3A_69 = tpu.memref_slice %arg11[%add3A_16, %dma_start3A_68] : memref<10240x64xf32, #tpu.memory_space<vmem_shared>> -> memref<80x64xf32, #tpu.memory_space<vmem_shared>>
      tpu.enqueue_dma source(%arg10 : memref<80x64xf32, #tpu.memory_space<vmem>>) target(%dma_start3A_69 : memref<80x64xf32, #tpu.memory_space<vmem_shared>>) target_semaphore(%run_scoped3A : memref<!tpu.dma_semaphore, #tpu.memory_space<semaphore_mem>>)
      %dma_wait3A = arith.constant 0 : i32
      %dma_wait3A_70 = tpu.memref_slice %arg11[%add3A_16, %dma_wait3A] : memref<10240x64xf32, #tpu.memory_space<vmem_shared>> -> memref<80x64xf32, #tpu.memory_space<vmem_shared>>
      %dma_wait3A_71 = arith.constant 0 : i32
      %dma_wait3A_72 = tpu.memref_slice %arg11[%add3A_16, %dma_wait3A_71] : memref<10240x64xf32, #tpu.memory_space<vmem_shared>> -> memref<80x64xf32, #tpu.memory_space<vmem_shared>>
      tpu.wait_dma2 semaphore(%run_scoped3A : memref<!tpu.dma_semaphore, #tpu.memory_space<semaphore_mem>>) src(%arg10 : memref<80x64xf32, #tpu.memory_space<vmem>>) dst(%dma_wait3A_72 : memref<80x64xf32, #tpu.memory_space<vmem_shared>>)
      tpu.yield
    }) : () -> ()
    %add3A_17 = arith.constant 320 : i32
    %add3A_18 = arith.addi %mul3A_2, %add3A_17 : i32
    "tpu.region"() ({
      %run_scoped3A = tpu.sem_alloc : memref<!tpu.dma_semaphore, #tpu.memory_space<semaphore_mem>>
      %dma_start3A = arith.constant 0 : i32
      %dma_start3A_67 = tpu.memref_slice %arg11[%add3A_18, %dma_start3A] : memref<10240x64xf32, #tpu.memory_space<vmem_shared>> -> memref<80x64xf32, #tpu.memory_space<vmem_shared>>
      %dma_start3A_68 = arith.constant 0 : i32
      %dma_start3A_69 = tpu.memref_slice %arg11[%add3A_18, %dma_start3A_68] : memref<10240x64xf32, #tpu.memory_space<vmem_shared>> -> memref<80x64xf32, #tpu.memory_space<vmem_shared>>
      tpu.enqueue_dma source(%arg10 : memref<80x64xf32, #tpu.memory_space<vmem>>) target(%dma_start3A_69 : memref<80x64xf32, #tpu.memory_space<vmem_shared>>) target_semaphore(%run_scoped3A : memref<!tpu.dma_semaphore, #tpu.memory_space<semaphore_mem>>)
      %dma_wait3A = arith.constant 0 : i32
      %dma_wait3A_70 = tpu.memref_slice %arg11[%add3A_18, %dma_wait3A] : memref<10240x64xf32, #tpu.memory_space<vmem_shared>> -> memref<80x64xf32, #tpu.memory_space<vmem_shared>>
      %dma_wait3A_71 = arith.constant 0 : i32
      %dma_wait3A_72 = tpu.memref_slice %arg11[%add3A_18, %dma_wait3A_71] : memref<10240x64xf32, #tpu.memory_space<vmem_shared>> -> memref<80x64xf32, #tpu.memory_space<vmem_shared>>
      tpu.wait_dma2 semaphore(%run_scoped3A : memref<!tpu.dma_semaphore, #tpu.memory_space<semaphore_mem>>) src(%arg10 : memref<80x64xf32, #tpu.memory_space<vmem>>) dst(%dma_wait3A_72 : memref<80x64xf32, #tpu.memory_space<vmem_shared>>)
      tpu.yield
    }) : () -> ()
    %add3A_19 = arith.constant 400 : i32
    %add3A_20 = arith.addi %mul3A_2, %add3A_19 : i32
    "tpu.region"() ({
      %run_scoped3A = tpu.sem_alloc : memref<!tpu.dma_semaphore, #tpu.memory_space<semaphore_mem>>
      %dma_start3A = arith.constant 0 : i32
      %dma_start3A_67 = tpu.memref_slice %arg11[%add3A_20, %dma_start3A] : memref<10240x64xf32, #tpu.memory_space<vmem_shared>> -> memref<80x64xf32, #tpu.memory_space<vmem_shared>>
      %dma_start3A_68 = arith.constant 0 : i32
      %dma_start3A_69 = tpu.memref_slice %arg11[%add3A_20, %dma_start3A_68] : memref<10240x64xf32, #tpu.memory_space<vmem_shared>> -> memref<80x64xf32, #tpu.memory_space<vmem_shared>>
      tpu.enqueue_dma source(%arg10 : memref<80x64xf32, #tpu.memory_space<vmem>>) target(%dma_start3A_69 : memref<80x64xf32, #tpu.memory_space<vmem_shared>>) target_semaphore(%run_scoped3A : memref<!tpu.dma_semaphore, #tpu.memory_space<semaphore_mem>>)
      %dma_wait3A = arith.constant 0 : i32
      %dma_wait3A_70 = tpu.memref_slice %arg11[%add3A_20, %dma_wait3A] : memref<10240x64xf32, #tpu.memory_space<vmem_shared>> -> memref<80x64xf32, #tpu.memory_space<vmem_shared>>
      %dma_wait3A_71 = arith.constant 0 : i32
      %dma_wait3A_72 = tpu.memref_slice %arg11[%add3A_20, %dma_wait3A_71] : memref<10240x64xf32, #tpu.memory_space<vmem_shared>> -> memref<80x64xf32, #tpu.memory_space<vmem_shared>>
      tpu.wait_dma2 semaphore(%run_scoped3A : memref<!tpu.dma_semaphore, #tpu.memory_space<semaphore_mem>>) src(%arg10 : memref<80x64xf32, #tpu.memory_space<vmem>>) dst(%dma_wait3A_72 : memref<80x64xf32, #tpu.memory_space<vmem_shared>>)
      tpu.yield
    }) : () -> ()
    %add3A_21 = arith.constant 480 : i32
    %add3A_22 = arith.addi %mul3A_2, %add3A_21 : i32
    "tpu.region"() ({
      %run_scoped3A = tpu.sem_alloc : memref<!tpu.dma_semaphore, #tpu.memory_space<semaphore_mem>>
      %dma_start3A = arith.constant 0 : i32
      %dma_start3A_67 = tpu.memref_slice %arg11[%add3A_22, %dma_start3A] : memref<10240x64xf32, #tpu.memory_space<vmem_shared>> -> memref<80x64xf32, #tpu.memory_space<vmem_shared>>
      %dma_start3A_68 = arith.constant 0 : i32
      %dma_start3A_69 = tpu.memref_slice %arg11[%add3A_22, %dma_start3A_68] : memref<10240x64xf32, #tpu.memory_space<vmem_shared>> -> memref<80x64xf32, #tpu.memory_space<vmem_shared>>
      tpu.enqueue_dma source(%arg10 : memref<80x64xf32, #tpu.memory_space<vmem>>) target(%dma_start3A_69 : memref<80x64xf32, #tpu.memory_space<vmem_shared>>) target_semaphore(%run_scoped3A : memref<!tpu.dma_semaphore, #tpu.memory_space<semaphore_mem>>)
      %dma_wait3A = arith.constant 0 : i32
      %dma_wait3A_70 = tpu.memref_slice %arg11[%add3A_22, %dma_wait3A] : memref<10240x64xf32, #tpu.memory_space<vmem_shared>> -> memref<80x64xf32, #tpu.memory_space<vmem_shared>>
      %dma_wait3A_71 = arith.constant 0 : i32
      %dma_wait3A_72 = tpu.memref_slice %arg11[%add3A_22, %dma_wait3A_71] : memref<10240x64xf32, #tpu.memory_space<vmem_shared>> -> memref<80x64xf32, #tpu.memory_space<vmem_shared>>
      tpu.wait_dma2 semaphore(%run_scoped3A : memref<!tpu.dma_semaphore, #tpu.memory_space<semaphore_mem>>) src(%arg10 : memref<80x64xf32, #tpu.memory_space<vmem>>) dst(%dma_wait3A_72 : memref<80x64xf32, #tpu.memory_space<vmem_shared>>)
      tpu.yield
    }) : () -> ()
    %add3A_23 = arith.constant 560 : i32
    %add3A_24 = arith.addi %mul3A_2, %add3A_23 : i32
    "tpu.region"() ({
      %run_scoped3A = tpu.sem_alloc : memref<!tpu.dma_semaphore, #tpu.memory_space<semaphore_mem>>
      %dma_start3A = arith.constant 0 : i32
      %dma_start3A_67 = tpu.memref_slice %arg11[%add3A_24, %dma_start3A] : memref<10240x64xf32, #tpu.memory_space<vmem_shared>> -> memref<80x64xf32, #tpu.memory_space<vmem_shared>>
      %dma_start3A_68 = arith.constant 0 : i32
      %dma_start3A_69 = tpu.memref_slice %arg11[%add3A_24, %dma_start3A_68] : memref<10240x64xf32, #tpu.memory_space<vmem_shared>> -> memref<80x64xf32, #tpu.memory_space<vmem_shared>>
      tpu.enqueue_dma source(%arg10 : memref<80x64xf32, #tpu.memory_space<vmem>>) target(%dma_start3A_69 : memref<80x64xf32, #tpu.memory_space<vmem_shared>>) target_semaphore(%run_scoped3A : memref<!tpu.dma_semaphore, #tpu.memory_space<semaphore_mem>>)
      %dma_wait3A = arith.constant 0 : i32
      %dma_wait3A_70 = tpu.memref_slice %arg11[%add3A_24, %dma_wait3A] : memref<10240x64xf32, #tpu.memory_space<vmem_shared>> -> memref<80x64xf32, #tpu.memory_space<vmem_shared>>
      %dma_wait3A_71 = arith.constant 0 : i32
      %dma_wait3A_72 = tpu.memref_slice %arg11[%add3A_24, %dma_wait3A_71] : memref<10240x64xf32, #tpu.memory_space<vmem_shared>> -> memref<80x64xf32, #tpu.memory_space<vmem_shared>>
      tpu.wait_dma2 semaphore(%run_scoped3A : memref<!tpu.dma_semaphore, #tpu.memory_space<semaphore_mem>>) src(%arg10 : memref<80x64xf32, #tpu.memory_space<vmem>>) dst(%dma_wait3A_72 : memref<80x64xf32, #tpu.memory_space<vmem_shared>>)
      tpu.yield
    }) : () -> ()
    %barrier3A = arith.constant 0 : index
    tpu.barrier barrier_id(%barrier3A)
    %mul3A_25 = arith.constant 10000 : i32
    %mul3A_26 = arith.muli %add3A, %mul3A_25 : i32
    %scan3A_27 = arith.constant 0 : i32
    %scan3A_28 = arith.constant 0 : i32
    %scan3A_29 = arith.constant 125 : i32
    %scan3A_30 = arith.addi %scan3A_28, %scan3A_29 : i32
    %scan3A_31 = arith.constant 1 : i32
    %scan3A_32 = scf.for %scan3A_67 = %scan3A_28 to %scan3A_30 step %scan3A_31 iter_args(%scan3A_68 = %scan3A_27) -> (i32)  : i32 {
      %mul3A_69 = arith.constant 80 : i32
      %mul3A_70 = arith.muli %scan3A_67, %mul3A_69 : i32
      %add3A_71 = arith.addi %mul3A_26, %mul3A_70 : i32
      "tpu.region"() ({
        %run_scoped3A = tpu.sem_alloc : memref<!tpu.dma_semaphore, #tpu.memory_space<semaphore_mem>>
        %dma_start3A_84 = tpu.memref_slice %arg3[%add3A_71] : memref<320000xi32, #tpu.memory_space<hbm>> -> memref<80xi32, #tpu.memory_space<hbm>>
        %dma_start3A_85 = tpu.memref_slice %arg3[%add3A_71] : memref<320000xi32, #tpu.memory_space<hbm>> -> memref<80xi32, #tpu.memory_space<hbm>>
        tpu.enqueue_dma source(%dma_start3A_85 : memref<80xi32, #tpu.memory_space<hbm>>) target(%arg7 : memref<80xi32, #tpu.memory_space<vmem>>) target_semaphore(%run_scoped3A : memref<!tpu.dma_semaphore, #tpu.memory_space<semaphore_mem>>)
        %dma_wait3A_86 = tpu.memref_slice %arg3[%add3A_71] : memref<320000xi32, #tpu.memory_space<hbm>> -> memref<80xi32, #tpu.memory_space<hbm>>
        %dma_wait3A_87 = tpu.memref_slice %arg3[%add3A_71] : memref<320000xi32, #tpu.memory_space<hbm>> -> memref<80xi32, #tpu.memory_space<hbm>>
        tpu.wait_dma2 semaphore(%run_scoped3A : memref<!tpu.dma_semaphore, #tpu.memory_space<semaphore_mem>>) src(%dma_wait3A_87 : memref<80xi32, #tpu.memory_space<hbm>>) dst(%arg7 : memref<80xi32, #tpu.memory_space<vmem>>)
        tpu.yield
      }) : () -> ()
      "tpu.region"() ({
        %run_scoped3A = tpu.sem_alloc : memref<!tpu.dma_semaphore, #tpu.memory_space<semaphore_mem>>
        %dma_start3A_84 = tpu.memref_slice %arg4[%add3A_71] : memref<320000xi32, #tpu.memory_space<hbm>> -> memref<80xi32, #tpu.memory_space<hbm>>
        %dma_start3A_85 = tpu.memref_slice %arg4[%add3A_71] : memref<320000xi32, #tpu.memory_space<hbm>> -> memref<80xi32, #tpu.memory_space<hbm>>
        tpu.enqueue_dma source(%dma_start3A_85 : memref<80xi32, #tpu.memory_space<hbm>>) target(%arg8 : memref<80xi32, #tpu.memory_space<vmem>>) target_semaphore(%run_scoped3A : memref<!tpu.dma_semaphore, #tpu.memory_space<semaphore_mem>>)
        %dma_wait3A_86 = tpu.memref_slice %arg4[%add3A_71] : memref<320000xi32, #tpu.memory_space<hbm>> -> memref<80xi32, #tpu.memory_space<hbm>>
        %dma_wait3A_87 = tpu.memref_slice %arg4[%add3A_71] : memref<320000xi32, #tpu.memory_space<hbm>> -> memref<80xi32, #tpu.memory_space<hbm>>
        tpu.wait_dma2 semaphore(%run_scoped3A : memref<!tpu.dma_semaphore, #tpu.memory_space<semaphore_mem>>) src(%dma_wait3A_87 : memref<80xi32, #tpu.memory_space<hbm>>) dst(%arg8 : memref<80xi32, #tpu.memory_space<vmem>>)
        tpu.yield
      }) : () -> ()
      "tpu.region"() ({
        %run_scoped3A = tpu.sem_alloc : memref<!tpu.dma_semaphore, #tpu.memory_space<semaphore_mem>>
        %dma_start3A_84 = arith.constant 0 : i32
        %dma_start3A_85 = tpu.memref_slice %arg9[%dma_start3A_84] : memref<96xf32, #tpu.memory_space<vmem>> -> memref<80xf32, #tpu.memory_space<vmem>>
        %dma_start3A_86 = tpu.memref_slice %arg5[%add3A_71] : memref<320000xf32, #tpu.memory_space<hbm>> -> memref<80xf32, #tpu.memory_space<hbm>>
        %dma_start3A_87 = arith.constant 0 : i32
        %dma_start3A_88 = tpu.memref_slice %arg9[%dma_start3A_87] : memref<96xf32, #tpu.memory_space<vmem>> -> memref<80xf32, #tpu.memory_space<vmem>>
        %dma_start3A_89 = tpu.memref_slice %arg5[%add3A_71] : memref<320000xf32, #tpu.memory_space<hbm>> -> memref<80xf32, #tpu.memory_space<hbm>>
        tpu.enqueue_dma source(%dma_start3A_89 : memref<80xf32, #tpu.memory_space<hbm>>) target(%dma_start3A_88 : memref<80xf32, #tpu.memory_space<vmem>>) target_semaphore(%run_scoped3A : memref<!tpu.dma_semaphore, #tpu.memory_space<semaphore_mem>>)
        %dma_wait3A_90 = arith.constant 0 : i32
        %dma_wait3A_91 = tpu.memref_slice %arg9[%dma_wait3A_90] : memref<96xf32, #tpu.memory_space<vmem>> -> memref<80xf32, #tpu.memory_space<vmem>>
        %dma_wait3A_92 = tpu.memref_slice %arg5[%add3A_71] : memref<320000xf32, #tpu.memory_space<hbm>> -> memref<80xf32, #tpu.memory_space<hbm>>
        %dma_wait3A_93 = arith.constant 0 : i32
        %dma_wait3A_94 = tpu.memref_slice %arg9[%dma_wait3A_93] : memref<96xf32, #tpu.memory_space<vmem>> -> memref<80xf32, #tpu.memory_space<vmem>>
        %dma_wait3A_95 = tpu.memref_slice %arg5[%add3A_71] : memref<320000xf32, #tpu.memory_space<hbm>> -> memref<80xf32, #tpu.memory_space<hbm>>
        tpu.wait_dma2 semaphore(%run_scoped3A : memref<!tpu.dma_semaphore, #tpu.memory_space<semaphore_mem>>) src(%dma_wait3A_95 : memref<80xf32, #tpu.memory_space<hbm>>) dst(%dma_wait3A_94 : memref<80xf32, #tpu.memory_space<vmem>>)
        tpu.yield
      }) : () -> ()
      %dma_start3A = arith.constant 0 : i32
      %dma_start3A_72 = arith.constant 0 : i32
      %dma_start3A_73 = tpu.memref_slice %arg2[%dma_start3A, %dma_start3A_72] : memref<10240x64xf32, #tpu.memory_space<hbm>> -> memref<10240x64xf32, #tpu.memory_space<hbm>>
      tpu.enqueue_indirect_dma source(%dma_start3A_73 : memref<10240x64xf32, #tpu.memory_space<hbm>>) target(%arg10 : memref<80x64xf32, #tpu.memory_space<vmem>>) offsets(%arg7 : memref<80xi32, #tpu.memory_space<vmem>>) semaphore(%arg12 : memref<!tpu.dma_semaphore, #tpu.memory_space<semaphore_mem>>)
      %dma_wait3A = arith.constant 0 : i32
      %dma_wait3A_74 = arith.constant 0 : i32
      %dma_wait3A_75 = tpu.memref_slice %arg2[%dma_wait3A, %dma_wait3A_74] : memref<10240x64xf32, #tpu.memory_space<hbm>> -> memref<10240x64xf32, #tpu.memory_space<hbm>>
      tpu.wait_indirect_dma semaphore(%arg12 : memref<!tpu.dma_semaphore, #tpu.memory_space<semaphore_mem>>) src(%dma_wait3A_75 : memref<10240x64xf32, #tpu.memory_space<hbm>>) dst(%arg10 : memref<80x64xf32, #tpu.memory_space<vmem>>)
      %scan3A_76 = arith.constant 0 : i32
      %scan3A_77 = arith.constant 0 : i32
      %scan3A_78 = arith.constant 80 : i32
      %scan3A_79 = arith.addi %scan3A_77, %scan3A_78 : i32
      %scan3A_80 = arith.constant 1 : i32
      %scan3A_81 = scf.for %scan3A_84 = %scan3A_77 to %scan3A_79 step %scan3A_80 iter_args(%scan3A_85 = %scan3A_76) -> (i32)  : i32 {
        %get3A = arith.index_cast %scan3A_84 : i32 to index
        %get3A_86 = tpu.vector_load %arg9[%get3A] {strides = array<i32>} : memref<96xf32, #tpu.memory_space<vmem>>, vector<16xf32>,
        %get3A_87 = vector.shape_cast %get3A_86 : vector<16xf32> to vector<16xf32>
        %slice3A = vector.extract_strided_slice %get3A_87 {offsets = [0], sizes = [1], strides = [1]} : vector<16xf32> to vector<1xf32>
        %squeeze3A = vector.extract %slice3A[0] : f32 from vector<1xf32>
        %broadcast_in_dim3A = vector.broadcast %squeeze3A : f32 to vector<16xf32>
        %get3A_88 = arith.index_cast %scan3A_84 : i32 to index
        %get3A_89 = arith.constant 0 : index
        %get3A_90 = tpu.vector_load %arg10[%get3A_88, %get3A_89] {strides = array<i32>} : memref<80x64xf32, #tpu.memory_space<vmem>>, vector<1x16xf32>,
        %get3A_91 = vector.shape_cast %get3A_90 : vector<1x16xf32> to vector<16xf32>
        %mul3A_92 = arith.mulf %get3A_91, %broadcast_in_dim3A : vector<16xf32>
        %swap3A = arith.index_cast %scan3A_84 : i32 to index
        %swap3A_93 = arith.constant 0 : index
        %swap3A_94 = tpu.vector_load %arg10[%swap3A, %swap3A_93] {strides = array<i32>} : memref<80x64xf32, #tpu.memory_space<vmem>>, vector<1x16xf32>,
        %swap3A_95 = vector.shape_cast %swap3A_94 : vector<1x16xf32> to vector<16xf32>
        %swap3A_96 = vector.shape_cast %mul3A_92 : vector<16xf32> to vector<1x16xf32>
        tpu.vector_store %arg10[%swap3A, %swap3A_93], %swap3A_96 {strides = array<i32>} : memref<80x64xf32, #tpu.memory_space<vmem>>, vector<1x16xf32>,
        %get3A_97 = arith.index_cast %scan3A_84 : i32 to index
        %get3A_98 = arith.constant 16 : index
        %get3A_99 = tpu.vector_load %arg10[%get3A_97, %get3A_98] {strides = array<i32>} : memref<80x64xf32, #tpu.memory_space<vmem>>, vector<1x16xf32>,
        %get3A_100 = vector.shape_cast %get3A_99 : vector<1x16xf32> to vector<16xf32>
        %mul3A_101 = arith.mulf %get3A_100, %broadcast_in_dim3A : vector<16xf32>
        %swap3A_102 = arith.index_cast %scan3A_84 : i32 to index
        %swap3A_103 = arith.constant 16 : index
        %swap3A_104 = tpu.vector_load %arg10[%swap3A_102, %swap3A_103] {strides = array<i32>} : memref<80x64xf32, #tpu.memory_space<vmem>>, vector<1x16xf32>,
        %swap3A_105 = vector.shape_cast %swap3A_104 : vector<1x16xf32> to vector<16xf32>
        %swap3A_106 = vector.shape_cast %mul3A_101 : vector<16xf32> to vector<1x16xf32>
        tpu.vector_store %arg10[%swap3A_102, %swap3A_103], %swap3A_106 {strides = array<i32>} : memref<80x64xf32, #tpu.memory_space<vmem>>, vector<1x16xf32>,
        %get3A_107 = arith.index_cast %scan3A_84 : i32 to index
        %get3A_108 = arith.constant 32 : index
        %get3A_109 = tpu.vector_load %arg10[%get3A_107, %get3A_108] {strides = array<i32>} : memref<80x64xf32, #tpu.memory_space<vmem>>, vector<1x16xf32>,
        %get3A_110 = vector.shape_cast %get3A_109 : vector<1x16xf32> to vector<16xf32>
        %mul3A_111 = arith.mulf %get3A_110, %broadcast_in_dim3A : vector<16xf32>
        %swap3A_112 = arith.index_cast %scan3A_84 : i32 to index
        %swap3A_113 = arith.constant 32 : index
        %swap3A_114 = tpu.vector_load %arg10[%swap3A_112, %swap3A_113] {strides = array<i32>} : memref<80x64xf32, #tpu.memory_space<vmem>>, vector<1x16xf32>,
        %swap3A_115 = vector.shape_cast %swap3A_114 : vector<1x16xf32> to vector<16xf32>
        %swap3A_116 = vector.shape_cast %mul3A_111 : vector<16xf32> to vector<1x16xf32>
        tpu.vector_store %arg10[%swap3A_112, %swap3A_113], %swap3A_116 {strides = array<i32>} : memref<80x64xf32, #tpu.memory_space<vmem>>, vector<1x16xf32>,
        %get3A_117 = arith.index_cast %scan3A_84 : i32 to index
        %get3A_118 = arith.constant 48 : index
        %get3A_119 = tpu.vector_load %arg10[%get3A_117, %get3A_118] {strides = array<i32>} : memref<80x64xf32, #tpu.memory_space<vmem>>, vector<1x16xf32>,
        %get3A_120 = vector.shape_cast %get3A_119 : vector<1x16xf32> to vector<16xf32>
        %mul3A_121 = arith.mulf %get3A_120, %broadcast_in_dim3A : vector<16xf32>
        %swap3A_122 = arith.index_cast %scan3A_84 : i32 to index
        %swap3A_123 = arith.constant 48 : index
        %swap3A_124 = tpu.vector_load %arg10[%swap3A_122, %swap3A_123] {strides = array<i32>} : memref<80x64xf32, #tpu.memory_space<vmem>>, vector<1x16xf32>,
        %swap3A_125 = vector.shape_cast %swap3A_124 : vector<1x16xf32> to vector<16xf32>
        %swap3A_126 = vector.shape_cast %mul3A_121 : vector<16xf32> to vector<1x16xf32>
        tpu.vector_store %arg10[%swap3A_122, %swap3A_123], %swap3A_126 {strides = array<i32>} : memref<80x64xf32, #tpu.memory_space<vmem>>, vector<1x16xf32>,
        %scan3A_127 = arith.constant 0 : i32
        scf.yield %scan3A_127 : i32
      }
      %scan3A_82 = arith.constant 80 : i32
      "tpu.region"() ({
        %run_scoped3A = tpu.sem_alloc : memref<!tpu.dma_semaphore, #tpu.memory_space<semaphore_mem>>
        %dma_start3A_84 = arith.constant 0 : i32
        %dma_start3A_85 = arith.constant 0 : i32
        %dma_start3A_86 = tpu.memref_slice %arg11[%dma_start3A_84, %dma_start3A_85] : memref<10240x64xf32, #tpu.memory_space<vmem_shared>> -> memref<10240x64xf32, #tpu.memory_space<vmem_shared>>
        tpu.enqueue_indirect_dma source(%arg10 : memref<80x64xf32, #tpu.memory_space<vmem>>) target(%dma_start3A_86 : memref<10240x64xf32, #tpu.memory_space<vmem_shared>>) offsets(%arg8 : memref<80xi32, #tpu.memory_space<vmem>>) semaphore(%run_scoped3A : memref<!tpu.dma_semaphore, #tpu.memory_space<semaphore_mem>>) {add = true}
        %dma_wait3A_87 = arith.constant 0 : i32
        %dma_wait3A_88 = arith.constant 0 : i32
        %dma_wait3A_89 = tpu.memref_slice %arg11[%dma_wait3A_87, %dma_wait3A_88] : memref<10240x64xf32, #tpu.memory_space<vmem_shared>> -> memref<10240x64xf32, #tpu.memory_space<vmem_shared>>
        tpu.wait_indirect_dma semaphore(%run_scoped3A : memref<!tpu.dma_semaphore, #tpu.memory_space<semaphore_mem>>) src(%arg10 : memref<80x64xf32, #tpu.memory_space<vmem>>) dst(%dma_wait3A_89 : memref<10240x64xf32, #tpu.memory_space<vmem_shared>>)
        tpu.yield
      }) : () -> ()
      %scan3A_83 = arith.constant 0 : i32
      scf.yield %scan3A_83 : i32
    }
    %scan3A_33 = arith.constant 125 : i32
    %barrier3A_34 = arith.constant 0 : index
    tpu.barrier barrier_id(%barrier3A_34)
    %add3A_35 = arith.constant 0 : i32
    %add3A_36 = arith.addi %mul3A_2, %add3A_35 : i32
    %add3A_37 = arith.constant 0 : i32
    %add3A_38 = arith.addi %mul3A_2, %add3A_37 : i32
    "tpu.region"() ({
      %run_scoped3A = tpu.sem_alloc : memref<!tpu.dma_semaphore, #tpu.memory_space<semaphore_mem>>
      %dma_start3A = arith.constant 0 : i32
      %dma_start3A_67 = tpu.memref_slice %arg6[%arg0, %add3A_38, %dma_start3A] : memref<2x10240x64xf32, #tpu.memory_space<hbm>> -> memref<1x80x64xf32, #tpu.memory_space<hbm>>
      %dma_start3A_68 = tpu.memref_squeeze %dma_start3A_67 : memref<1x80x64xf32, #tpu.memory_space<hbm>> -> memref<80x64xf32, #tpu.memory_space<hbm>>
      %dma_start3A_69 = arith.constant 0 : i32
      %dma_start3A_70 = tpu.memref_slice %arg11[%add3A_36, %dma_start3A_69] : memref<10240x64xf32, #tpu.memory_space<vmem_shared>> -> memref<80x64xf32, #tpu.memory_space<vmem_shared>>
      tpu.enqueue_dma source(%dma_start3A_70 : memref<80x64xf32, #tpu.memory_space<vmem_shared>>) target(%dma_start3A_68 : memref<80x64xf32, #tpu.memory_space<hbm>>) target_semaphore(%run_scoped3A : memref<!tpu.dma_semaphore, #tpu.memory_space<semaphore_mem>>)
      %dma_wait3A = arith.constant 0 : i32
      %dma_wait3A_71 = tpu.memref_slice %arg6[%arg0, %add3A_38, %dma_wait3A] : memref<2x10240x64xf32, #tpu.memory_space<hbm>> -> memref<1x80x64xf32, #tpu.memory_space<hbm>>
      %dma_wait3A_72 = tpu.memref_squeeze %dma_wait3A_71 : memref<1x80x64xf32, #tpu.memory_space<hbm>> -> memref<80x64xf32, #tpu.memory_space<hbm>>
      %dma_wait3A_73 = arith.constant 0 : i32
      %dma_wait3A_74 = tpu.memref_slice %arg11[%add3A_36, %dma_wait3A_73] : memref<10240x64xf32, #tpu.memory_space<vmem_shared>> -> memref<80x64xf32, #tpu.memory_space<vmem_shared>>
      tpu.wait_dma2 semaphore(%run_scoped3A : memref<!tpu.dma_semaphore, #tpu.memory_space<semaphore_mem>>) src(%dma_wait3A_74 : memref<80x64xf32, #tpu.memory_space<vmem_shared>>) dst(%dma_wait3A_72 : memref<80x64xf32, #tpu.memory_space<hbm>>)
      tpu.yield
    }) : () -> ()
    %add3A_39 = arith.constant 80 : i32
    %add3A_40 = arith.addi %mul3A_2, %add3A_39 : i32
    %add3A_41 = arith.constant 80 : i32
    %add3A_42 = arith.addi %mul3A_2, %add3A_41 : i32
    "tpu.region"() ({
      %run_scoped3A = tpu.sem_alloc : memref<!tpu.dma_semaphore, #tpu.memory_space<semaphore_mem>>
      %dma_start3A = arith.constant 0 : i32
      %dma_start3A_67 = tpu.memref_slice %arg6[%arg0, %add3A_42, %dma_start3A] : memref<2x10240x64xf32, #tpu.memory_space<hbm>> -> memref<1x80x64xf32, #tpu.memory_space<hbm>>
      %dma_start3A_68 = tpu.memref_squeeze %dma_start3A_67 : memref<1x80x64xf32, #tpu.memory_space<hbm>> -> memref<80x64xf32, #tpu.memory_space<hbm>>
      %dma_start3A_69 = arith.constant 0 : i32
      %dma_start3A_70 = tpu.memref_slice %arg11[%add3A_40, %dma_start3A_69] : memref<10240x64xf32, #tpu.memory_space<vmem_shared>> -> memref<80x64xf32, #tpu.memory_space<vmem_shared>>
      tpu.enqueue_dma source(%dma_start3A_70 : memref<80x64xf32, #tpu.memory_space<vmem_shared>>) target(%dma_start3A_68 : memref<80x64xf32, #tpu.memory_space<hbm>>) target_semaphore(%run_scoped3A : memref<!tpu.dma_semaphore, #tpu.memory_space<semaphore_mem>>)
      %dma_wait3A = arith.constant 0 : i32
      %dma_wait3A_71 = tpu.memref_slice %arg6[%arg0, %add3A_42, %dma_wait3A] : memref<2x10240x64xf32, #tpu.memory_space<hbm>> -> memref<1x80x64xf32, #tpu.memory_space<hbm>>
      %dma_wait3A_72 = tpu.memref_squeeze %dma_wait3A_71 : memref<1x80x64xf32, #tpu.memory_space<hbm>> -> memref<80x64xf32, #tpu.memory_space<hbm>>
      %dma_wait3A_73 = arith.constant 0 : i32
      %dma_wait3A_74 = tpu.memref_slice %arg11[%add3A_40, %dma_wait3A_73] : memref<10240x64xf32, #tpu.memory_space<vmem_shared>> -> memref<80x64xf32, #tpu.memory_space<vmem_shared>>
      tpu.wait_dma2 semaphore(%run_scoped3A : memref<!tpu.dma_semaphore, #tpu.memory_space<semaphore_mem>>) src(%dma_wait3A_74 : memref<80x64xf32, #tpu.memory_space<vmem_shared>>) dst(%dma_wait3A_72 : memref<80x64xf32, #tpu.memory_space<hbm>>)
      tpu.yield
    }) : () -> ()
    %add3A_43 = arith.constant 160 : i32
    %add3A_44 = arith.addi %mul3A_2, %add3A_43 : i32
    %add3A_45 = arith.constant 160 : i32
    %add3A_46 = arith.addi %mul3A_2, %add3A_45 : i32
    "tpu.region"() ({
      %run_scoped3A = tpu.sem_alloc : memref<!tpu.dma_semaphore, #tpu.memory_space<semaphore_mem>>
      %dma_start3A = arith.constant 0 : i32
      %dma_start3A_67 = tpu.memref_slice %arg6[%arg0, %add3A_46, %dma_start3A] : memref<2x10240x64xf32, #tpu.memory_space<hbm>> -> memref<1x80x64xf32, #tpu.memory_space<hbm>>
      %dma_start3A_68 = tpu.memref_squeeze %dma_start3A_67 : memref<1x80x64xf32, #tpu.memory_space<hbm>> -> memref<80x64xf32, #tpu.memory_space<hbm>>
      %dma_start3A_69 = arith.constant 0 : i32
      %dma_start3A_70 = tpu.memref_slice %arg11[%add3A_44, %dma_start3A_69] : memref<10240x64xf32, #tpu.memory_space<vmem_shared>> -> memref<80x64xf32, #tpu.memory_space<vmem_shared>>
      tpu.enqueue_dma source(%dma_start3A_70 : memref<80x64xf32, #tpu.memory_space<vmem_shared>>) target(%dma_start3A_68 : memref<80x64xf32, #tpu.memory_space<hbm>>) target_semaphore(%run_scoped3A : memref<!tpu.dma_semaphore, #tpu.memory_space<semaphore_mem>>)
      %dma_wait3A = arith.constant 0 : i32
      %dma_wait3A_71 = tpu.memref_slice %arg6[%arg0, %add3A_46, %dma_wait3A] : memref<2x10240x64xf32, #tpu.memory_space<hbm>> -> memref<1x80x64xf32, #tpu.memory_space<hbm>>
      %dma_wait3A_72 = tpu.memref_squeeze %dma_wait3A_71 : memref<1x80x64xf32, #tpu.memory_space<hbm>> -> memref<80x64xf32, #tpu.memory_space<hbm>>
      %dma_wait3A_73 = arith.constant 0 : i32
      %dma_wait3A_74 = tpu.memref_slice %arg11[%add3A_44, %dma_wait3A_73] : memref<10240x64xf32, #tpu.memory_space<vmem_shared>> -> memref<80x64xf32, #tpu.memory_space<vmem_shared>>
      tpu.wait_dma2 semaphore(%run_scoped3A : memref<!tpu.dma_semaphore, #tpu.memory_space<semaphore_mem>>) src(%dma_wait3A_74 : memref<80x64xf32, #tpu.memory_space<vmem_shared>>) dst(%dma_wait3A_72 : memref<80x64xf32, #tpu.memory_space<hbm>>)
      tpu.yield
    }) : () -> ()
    %add3A_47 = arith.constant 240 : i32
    %add3A_48 = arith.addi %mul3A_2, %add3A_47 : i32
    %add3A_49 = arith.constant 240 : i32
    %add3A_50 = arith.addi %mul3A_2, %add3A_49 : i32
    "tpu.region"() ({
      %run_scoped3A = tpu.sem_alloc : memref<!tpu.dma_semaphore, #tpu.memory_space<semaphore_mem>>
      %dma_start3A = arith.constant 0 : i32
      %dma_start3A_67 = tpu.memref_slice %arg6[%arg0, %add3A_50, %dma_start3A] : memref<2x10240x64xf32, #tpu.memory_space<hbm>> -> memref<1x80x64xf32, #tpu.memory_space<hbm>>
      %dma_start3A_68 = tpu.memref_squeeze %dma_start3A_67 : memref<1x80x64xf32, #tpu.memory_space<hbm>> -> memref<80x64xf32, #tpu.memory_space<hbm>>
      %dma_start3A_69 = arith.constant 0 : i32
      %dma_start3A_70 = tpu.memref_slice %arg11[%add3A_48, %dma_start3A_69] : memref<10240x64xf32, #tpu.memory_space<vmem_shared>> -> memref<80x64xf32, #tpu.memory_space<vmem_shared>>
      tpu.enqueue_dma source(%dma_start3A_70 : memref<80x64xf32, #tpu.memory_space<vmem_shared>>) target(%dma_start3A_68 : memref<80x64xf32, #tpu.memory_space<hbm>>) target_semaphore(%run_scoped3A : memref<!tpu.dma_semaphore, #tpu.memory_space<semaphore_mem>>)
      %dma_wait3A = arith.constant 0 : i32
      %dma_wait3A_71 = tpu.memref_slice %arg6[%arg0, %add3A_50, %dma_wait3A] : memref<2x10240x64xf32, #tpu.memory_space<hbm>> -> memref<1x80x64xf32, #tpu.memory_space<hbm>>
      %dma_wait3A_72 = tpu.memref_squeeze %dma_wait3A_71 : memref<1x80x64xf32, #tpu.memory_space<hbm>> -> memref<80x64xf32, #tpu.memory_space<hbm>>
      %dma_wait3A_73 = arith.constant 0 : i32
      %dma_wait3A_74 = tpu.memref_slice %arg11[%add3A_48, %dma_wait3A_73] : memref<10240x64xf32, #tpu.memory_space<vmem_shared>> -> memref<80x64xf32, #tpu.memory_space<vmem_shared>>
      tpu.wait_dma2 semaphore(%run_scoped3A : memref<!tpu.dma_semaphore, #tpu.memory_space<semaphore_mem>>) src(%dma_wait3A_74 : memref<80x64xf32, #tpu.memory_space<vmem_shared>>) dst(%dma_wait3A_72 : memref<80x64xf32, #tpu.memory_space<hbm>>)
      tpu.yield
    }) : () -> ()
    %add3A_51 = arith.constant 320 : i32
    %add3A_52 = arith.addi %mul3A_2, %add3A_51 : i32
    %add3A_53 = arith.constant 320 : i32
    %add3A_54 = arith.addi %mul3A_2, %add3A_53 : i32
    "tpu.region"() ({
      %run_scoped3A = tpu.sem_alloc : memref<!tpu.dma_semaphore, #tpu.memory_space<semaphore_mem>>
      %dma_start3A = arith.constant 0 : i32
      %dma_start3A_67 = tpu.memref_slice %arg6[%arg0, %add3A_54, %dma_start3A] : memref<2x10240x64xf32, #tpu.memory_space<hbm>> -> memref<1x80x64xf32, #tpu.memory_space<hbm>>
      %dma_start3A_68 = tpu.memref_squeeze %dma_start3A_67 : memref<1x80x64xf32, #tpu.memory_space<hbm>> -> memref<80x64xf32, #tpu.memory_space<hbm>>
      %dma_start3A_69 = arith.constant 0 : i32
      %dma_start3A_70 = tpu.memref_slice %arg11[%add3A_52, %dma_start3A_69] : memref<10240x64xf32, #tpu.memory_space<vmem_shared>> -> memref<80x64xf32, #tpu.memory_space<vmem_shared>>
      tpu.enqueue_dma source(%dma_start3A_70 : memref<80x64xf32, #tpu.memory_space<vmem_shared>>) target(%dma_start3A_68 : memref<80x64xf32, #tpu.memory_space<hbm>>) target_semaphore(%run_scoped3A : memref<!tpu.dma_semaphore, #tpu.memory_space<semaphore_mem>>)
      %dma_wait3A = arith.constant 0 : i32
      %dma_wait3A_71 = tpu.memref_slice %arg6[%arg0, %add3A_54, %dma_wait3A] : memref<2x10240x64xf32, #tpu.memory_space<hbm>> -> memref<1x80x64xf32, #tpu.memory_space<hbm>>
      %dma_wait3A_72 = tpu.memref_squeeze %dma_wait3A_71 : memref<1x80x64xf32, #tpu.memory_space<hbm>> -> memref<80x64xf32, #tpu.memory_space<hbm>>
      %dma_wait3A_73 = arith.constant 0 : i32
      %dma_wait3A_74 = tpu.memref_slice %arg11[%add3A_52, %dma_wait3A_73] : memref<10240x64xf32, #tpu.memory_space<vmem_shared>> -> memref<80x64xf32, #tpu.memory_space<vmem_shared>>
      tpu.wait_dma2 semaphore(%run_scoped3A : memref<!tpu.dma_semaphore, #tpu.memory_space<semaphore_mem>>) src(%dma_wait3A_74 : memref<80x64xf32, #tpu.memory_space<vmem_shared>>) dst(%dma_wait3A_72 : memref<80x64xf32, #tpu.memory_space<hbm>>)
      tpu.yield
    }) : () -> ()
    %add3A_55 = arith.constant 400 : i32
    %add3A_56 = arith.addi %mul3A_2, %add3A_55 : i32
    %add3A_57 = arith.constant 400 : i32
    %add3A_58 = arith.addi %mul3A_2, %add3A_57 : i32
    "tpu.region"() ({
      %run_scoped3A = tpu.sem_alloc : memref<!tpu.dma_semaphore, #tpu.memory_space<semaphore_mem>>
      %dma_start3A = arith.constant 0 : i32
      %dma_start3A_67 = tpu.memref_slice %arg6[%arg0, %add3A_58, %dma_start3A] : memref<2x10240x64xf32, #tpu.memory_space<hbm>> -> memref<1x80x64xf32, #tpu.memory_space<hbm>>
      %dma_start3A_68 = tpu.memref_squeeze %dma_start3A_67 : memref<1x80x64xf32, #tpu.memory_space<hbm>> -> memref<80x64xf32, #tpu.memory_space<hbm>>
      %dma_start3A_69 = arith.constant 0 : i32
      %dma_start3A_70 = tpu.memref_slice %arg11[%add3A_56, %dma_start3A_69] : memref<10240x64xf32, #tpu.memory_space<vmem_shared>> -> memref<80x64xf32, #tpu.memory_space<vmem_shared>>
      tpu.enqueue_dma source(%dma_start3A_70 : memref<80x64xf32, #tpu.memory_space<vmem_shared>>) target(%dma_start3A_68 : memref<80x64xf32, #tpu.memory_space<hbm>>) target_semaphore(%run_scoped3A : memref<!tpu.dma_semaphore, #tpu.memory_space<semaphore_mem>>)
      %dma_wait3A = arith.constant 0 : i32
      %dma_wait3A_71 = tpu.memref_slice %arg6[%arg0, %add3A_58, %dma_wait3A] : memref<2x10240x64xf32, #tpu.memory_space<hbm>> -> memref<1x80x64xf32, #tpu.memory_space<hbm>>
      %dma_wait3A_72 = tpu.memref_squeeze %dma_wait3A_71 : memref<1x80x64xf32, #tpu.memory_space<hbm>> -> memref<80x64xf32, #tpu.memory_space<hbm>>
      %dma_wait3A_73 = arith.constant 0 : i32
      %dma_wait3A_74 = tpu.memref_slice %arg11[%add3A_56, %dma_wait3A_73] : memref<10240x64xf32, #tpu.memory_space<vmem_shared>> -> memref<80x64xf32, #tpu.memory_space<vmem_shared>>
      tpu.wait_dma2 semaphore(%run_scoped3A : memref<!tpu.dma_semaphore, #tpu.memory_space<semaphore_mem>>) src(%dma_wait3A_74 : memref<80x64xf32, #tpu.memory_space<vmem_shared>>) dst(%dma_wait3A_72 : memref<80x64xf32, #tpu.memory_space<hbm>>)
      tpu.yield
    }) : () -> ()
    %add3A_59 = arith.constant 480 : i32
    %add3A_60 = arith.addi %mul3A_2, %add3A_59 : i32
    %add3A_61 = arith.constant 480 : i32
    %add3A_62 = arith.addi %mul3A_2, %add3A_61 : i32
    "tpu.region"() ({
      %run_scoped3A = tpu.sem_alloc : memref<!tpu.dma_semaphore, #tpu.memory_space<semaphore_mem>>
      %dma_start3A = arith.constant 0 : i32
      %dma_start3A_67 = tpu.memref_slice %arg6[%arg0, %add3A_62, %dma_start3A] : memref<2x10240x64xf32, #tpu.memory_space<hbm>> -> memref<1x80x64xf32, #tpu.memory_space<hbm>>
      %dma_start3A_68 = tpu.memref_squeeze %dma_start3A_67 : memref<1x80x64xf32, #tpu.memory_space<hbm>> -> memref<80x64xf32, #tpu.memory_space<hbm>>
      %dma_start3A_69 = arith.constant 0 : i32
      %dma_start3A_70 = tpu.memref_slice %arg11[%add3A_60, %dma_start3A_69] : memref<10240x64xf32, #tpu.memory_space<vmem_shared>> -> memref<80x64xf32, #tpu.memory_space<vmem_shared>>
      tpu.enqueue_dma source(%dma_start3A_70 : memref<80x64xf32, #tpu.memory_space<vmem_shared>>) target(%dma_start3A_68 : memref<80x64xf32, #tpu.memory_space<hbm>>) target_semaphore(%run_scoped3A : memref<!tpu.dma_semaphore, #tpu.memory_space<semaphore_mem>>)
      %dma_wait3A = arith.constant 0 : i32
      %dma_wait3A_71 = tpu.memref_slice %arg6[%arg0, %add3A_62, %dma_wait3A] : memref<2x10240x64xf32, #tpu.memory_space<hbm>> -> memref<1x80x64xf32, #tpu.memory_space<hbm>>
      %dma_wait3A_72 = tpu.memref_squeeze %dma_wait3A_71 : memref<1x80x64xf32, #tpu.memory_space<hbm>> -> memref<80x64xf32, #tpu.memory_space<hbm>>
      %dma_wait3A_73 = arith.constant 0 : i32
      %dma_wait3A_74 = tpu.memref_slice %arg11[%add3A_60, %dma_wait3A_73] : memref<10240x64xf32, #tpu.memory_space<vmem_shared>> -> memref<80x64xf32, #tpu.memory_space<vmem_shared>>
      tpu.wait_dma2 semaphore(%run_scoped3A : memref<!tpu.dma_semaphore, #tpu.memory_space<semaphore_mem>>) src(%dma_wait3A_74 : memref<80x64xf32, #tpu.memory_space<vmem_shared>>) dst(%dma_wait3A_72 : memref<80x64xf32, #tpu.memory_space<hbm>>)
      tpu.yield
    }) : () -> ()
    %add3A_63 = arith.constant 560 : i32
    %add3A_64 = arith.addi %mul3A_2, %add3A_63 : i32
    %add3A_65 = arith.constant 560 : i32
    %add3A_66 = arith.addi %mul3A_2, %add3A_65 : i32
    "tpu.region"() ({
      %run_scoped3A = tpu.sem_alloc : memref<!tpu.dma_semaphore, #tpu.memory_space<semaphore_mem>>
      %dma_start3A = arith.constant 0 : i32
      %dma_start3A_67 = tpu.memref_slice %arg6[%arg0, %add3A_66, %dma_start3A] : memref<2x10240x64xf32, #tpu.memory_space<hbm>> -> memref<1x80x64xf32, #tpu.memory_space<hbm>>
      %dma_start3A_68 = tpu.memref_squeeze %dma_start3A_67 : memref<1x80x64xf32, #tpu.memory_space<hbm>> -> memref<80x64xf32, #tpu.memory_space<hbm>>
      %dma_start3A_69 = arith.constant 0 : i32
      %dma_start3A_70 = tpu.memref_slice %arg11[%add3A_64, %dma_start3A_69] : memref<10240x64xf32, #tpu.memory_space<vmem_shared>> -> memref<80x64xf32, #tpu.memory_space<vmem_shared>>
      tpu.enqueue_dma source(%dma_start3A_70 : memref<80x64xf32, #tpu.memory_space<vmem_shared>>) target(%dma_start3A_68 : memref<80x64xf32, #tpu.memory_space<hbm>>) target_semaphore(%run_scoped3A : memref<!tpu.dma_semaphore, #tpu.memory_space<semaphore_mem>>)
      %dma_wait3A = arith.constant 0 : i32
      %dma_wait3A_71 = tpu.memref_slice %arg6[%arg0, %add3A_66, %dma_wait3A] : memref<2x10240x64xf32, #tpu.memory_space<hbm>> -> memref<1x80x64xf32, #tpu.memory_space<hbm>>
      %dma_wait3A_72 = tpu.memref_squeeze %dma_wait3A_71 : memref<1x80x64xf32, #tpu.memory_space<hbm>> -> memref<80x64xf32, #tpu.memory_space<hbm>>
      %dma_wait3A_73 = arith.constant 0 : i32
      %dma_wait3A_74 = tpu.memref_slice %arg11[%add3A_64, %dma_wait3A_73] : memref<10240x64xf32, #tpu.memory_space<vmem_shared>> -> memref<80x64xf32, #tpu.memory_space<vmem_shared>>
      tpu.wait_dma2 semaphore(%run_scoped3A : memref<!tpu.dma_semaphore, #tpu.memory_space<semaphore_mem>>) src(%dma_wait3A_74 : memref<80x64xf32, #tpu.memory_space<vmem_shared>>) dst(%dma_wait3A_72 : memref<80x64xf32, #tpu.memory_space<hbm>>)
      tpu.yield
    }) : () -> ()
    return
  }
}

#map = affine_map<(d0, d1) -> (0, 0)>
#map1 = affine_map<(d0, d1) -> (0)>
#map2 = affine_map<(d0, d1) -> (0, 0, 0)>
module attributes {stable_mosaic.version = 14 : i64} {
  func.func @k(%arg0: i32, %arg1: i32, %arg2: memref<10240x64xf32, #tpu.memory_space<hbm>>, %arg3: memref<320000xi32, #tpu.memory_space<hbm>>, %arg4: memref<320000xi32, #tpu.memory_space<hbm>>, %arg5: memref<320000xf32, #tpu.memory_space<hbm>>, %arg6: memref<2x10240x64xf32, #tpu.memory_space<hbm>>, %arg7: memref<80xi32, #tpu.memory_space<vmem>>, %arg8: memref<80xi32, #tpu.memory_space<vmem>>, %arg9: memref<96xf32, #tpu.memory_space<vmem>>, %arg10: memref<80x64xf32, #tpu.memory_space<vmem>>, %arg11: memref<10240x64xf32, #tpu.memory_space<vmem_shared>>, %arg12: memref<!tpu.dma_semaphore, #tpu.memory_space<semaphore_mem>>) attributes {dimension_semantics = [#tpu.dimension_semantics<core_parallel>, #tpu.dimension_semantics<subcore_parallel>], iteration_bounds = array<i64: 2, 16>, scalar_prefetch = 0 : i64, scratch_operands = 6 : i64, tpu.core_type = #tpu.core_type<sc_vector_subcore>, window_params = [{transform_indices = #map}, {transform_indices = #map1}, {transform_indices = #map1}, {transform_indices = #map1}, {transform_indices = #map2}]} {
    %mul3A = arith.constant 2 : i32
    %mul3A_0 = arith.muli %arg1, %mul3A : i32
    %add3A = arith.addi %mul3A_0, %arg0 : i32
    %mul3A_1 = arith.constant 640 : i32
    %mul3A_2 = arith.muli %arg1, %mul3A_1 : i32
    %scan3A = arith.constant 0 : i32
    %scan3A_3 = arith.constant 0 : i32
    %scan3A_4 = arith.constant 80 : i32
    %scan3A_5 = arith.addi %scan3A_3, %scan3A_4 : i32
    %scan3A_6 = arith.constant 1 : i32
    %scan3A_7 = scf.for %scan3A_67 = %scan3A_3 to %scan3A_5 step %scan3A_6 iter_args(%scan3A_68 = %scan3A) -> (i32)  : i32 {
      %scan3A_69 = arith.constant 0 : i32
      %scan3A_70 = arith.constant 0 : i32
      %scan3A_71 = arith.constant 4 : i32
      %scan3A_72 = arith.addi %scan3A_70, %scan3A_71 : i32
      %scan3A_73 = arith.constant 1 : i32
      %scan3A_74 = scf.for %scan3A_77 = %scan3A_70 to %scan3A_72 step %scan3A_73 iter_args(%scan3A_78 = %scan3A_69) -> (i32)  : i32 {
        %broadcast_in_dim3A = arith.constant 0.000000e+00 : f32
        %broadcast_in_dim3A_79 = vector.broadcast %broadcast_in_dim3A : f32 to vector<16xf32>
        %mul3A_80 = arith.constant 16 : i32
        %mul3A_81 = arith.muli %scan3A_77, %mul3A_80 : i32
        %swap3A = arith.index_cast %scan3A_67 : i32 to index
        %swap3A_82 = arith.index_cast %mul3A_81 : i32 to index
        %swap3A_83 = tpu.vector_load %arg10[%swap3A, %swap3A_82] {strides = array<i32>} : memref<80x64xf32, #tpu.memory_space<vmem>>, vector<1x16xf32>,
        %swap3A_84 = vector.shape_cast %swap3A_83 : vector<1x16xf32> to vector<16xf32>
        %swap3A_85 = vector.shape_cast %broadcast_in_dim3A_79 : vector<16xf32> to vector<1x16xf32>
        tpu.vector_store %arg10[%swap3A, %swap3A_82], %swap3A_85 {strides = array<i32>} : memref<80x64xf32, #tpu.memory_space<vmem>>, vector<1x16xf32>,
        %scan3A_86 = arith.constant 0 : i32
        scf.yield %scan3A_86 : i32
      }
      %scan3A_75 = arith.constant 4 : i32
      %scan3A_76 = arith.constant 0 : i32
      scf.yield %scan3A_76 : i32
    }
    %scan3A_8 = arith.constant 80 : i32
    %add3A_9 = arith.constant 0 : i32
    %add3A_10 = arith.addi %mul3A_2, %add3A_9 : i32
    "tpu.region"() ({
      %run_scoped3A = tpu.sem_alloc : memref<!tpu.dma_semaphore, #tpu.memory_space<semaphore_mem>>
      %dma_start3A = arith.constant 0 : i32
      %dma_start3A_67 = tpu.memref_slice %arg11[%add3A_10, %dma_start3A] : memref<10240x64xf32, #tpu.memory_space<vmem_shared>> -> memref<80x64xf32, #tpu.memory_space<vmem_shared>>
      %dma_start3A_68 = arith.constant 0 : i32
      %dma_start3A_69 = tpu.memref_slice %arg11[%add3A_10, %dma_start3A_68] : memref<10240x64xf32, #tpu.memory_space<vmem_shared>> -> memref<80x64xf32, #tpu.memory_space<vmem_shared>>
      tpu.enqueue_dma source(%arg10 : memref<80x64xf32, #tpu.memory_space<vmem>>) target(%dma_start3A_69 : memref<80x64xf32, #tpu.memory_space<vmem_shared>>) target_semaphore(%run_scoped3A : memref<!tpu.dma_semaphore, #tpu.memory_space<semaphore_mem>>)
      %dma_wait3A = arith.constant 0 : i32
      %dma_wait3A_70 = tpu.memref_slice %arg11[%add3A_10, %dma_wait3A] : memref<10240x64xf32, #tpu.memory_space<vmem_shared>> -> memref<80x64xf32, #tpu.memory_space<vmem_shared>>
      %dma_wait3A_71 = arith.constant 0 : i32
      %dma_wait3A_72 = tpu.memref_slice %arg11[%add3A_10, %dma_wait3A_71] : memref<10240x64xf32, #tpu.memory_space<vmem_shared>> -> memref<80x64xf32, #tpu.memory_space<vmem_shared>>
      tpu.wait_dma2 semaphore(%run_scoped3A : memref<!tpu.dma_semaphore, #tpu.memory_space<semaphore_mem>>) src(%arg10 : memref<80x64xf32, #tpu.memory_space<vmem>>) dst(%dma_wait3A_72 : memref<80x64xf32, #tpu.memory_space<vmem_shared>>)
      tpu.yield
    }) : () -> ()
    %add3A_11 = arith.constant 80 : i32
    %add3A_12 = arith.addi %mul3A_2, %add3A_11 : i32
    "tpu.region"() ({
      %run_scoped3A = tpu.sem_alloc : memref<!tpu.dma_semaphore, #tpu.memory_space<semaphore_mem>>
      %dma_start3A = arith.constant 0 : i32
      %dma_start3A_67 = tpu.memref_slice %arg11[%add3A_12, %dma_start3A] : memref<10240x64xf32, #tpu.memory_space<vmem_shared>> -> memref<80x64xf32, #tpu.memory_space<vmem_shared>>
      %dma_start3A_68 = arith.constant 0 : i32
      %dma_start3A_69 = tpu.memref_slice %arg11[%add3A_12, %dma_start3A_68] : memref<10240x64xf32, #tpu.memory_space<vmem_shared>> -> memref<80x64xf32, #tpu.memory_space<vmem_shared>>
      tpu.enqueue_dma source(%arg10 : memref<80x64xf32, #tpu.memory_space<vmem>>) target(%dma_start3A_69 : memref<80x64xf32, #tpu.memory_space<vmem_shared>>) target_semaphore(%run_scoped3A : memref<!tpu.dma_semaphore, #tpu.memory_space<semaphore_mem>>)
      %dma_wait3A = arith.constant 0 : i32
      %dma_wait3A_70 = tpu.memref_slice %arg11[%add3A_12, %dma_wait3A] : memref<10240x64xf32, #tpu.memory_space<vmem_shared>> -> memref<80x64xf32, #tpu.memory_space<vmem_shared>>
      %dma_wait3A_71 = arith.constant 0 : i32
      %dma_wait3A_72 = tpu.memref_slice %arg11[%add3A_12, %dma_wait3A_71] : memref<10240x64xf32, #tpu.memory_space<vmem_shared>> -> memref<80x64xf32, #tpu.memory_space<vmem_shared>>
      tpu.wait_dma2 semaphore(%run_scoped3A : memref<!tpu.dma_semaphore, #tpu.memory_space<semaphore_mem>>) src(%arg10 : memref<80x64xf32, #tpu.memory_space<vmem>>) dst(%dma_wait3A_72 : memref<80x64xf32, #tpu.memory_space<vmem_shared>>)
      tpu.yield
    }) : () -> ()
    %add3A_13 = arith.constant 160 : i32
    %add3A_14 = arith.addi %mul3A_2, %add3A_13 : i32
    "tpu.region"() ({
      %run_scoped3A = tpu.sem_alloc : memref<!tpu.dma_semaphore, #tpu.memory_space<semaphore_mem>>
      %dma_start3A = arith.constant 0 : i32
      %dma_start3A_67 = tpu.memref_slice %arg11[%add3A_14, %dma_start3A] : memref<10240x64xf32, #tpu.memory_space<vmem_shared>> -> memref<80x64xf32, #tpu.memory_space<vmem_shared>>
      %dma_start3A_68 = arith.constant 0 : i32
      %dma_start3A_69 = tpu.memref_slice %arg11[%add3A_14, %dma_start3A_68] : memref<10240x64xf32, #tpu.memory_space<vmem_shared>> -> memref<80x64xf32, #tpu.memory_space<vmem_shared>>
      tpu.enqueue_dma source(%arg10 : memref<80x64xf32, #tpu.memory_space<vmem>>) target(%dma_start3A_69 : memref<80x64xf32, #tpu.memory_space<vmem_shared>>) target_semaphore(%run_scoped3A : memref<!tpu.dma_semaphore, #tpu.memory_space<semaphore_mem>>)
      %dma_wait3A = arith.constant 0 : i32
      %dma_wait3A_70 = tpu.memref_slice %arg11[%add3A_14, %dma_wait3A] : memref<10240x64xf32, #tpu.memory_space<vmem_shared>> -> memref<80x64xf32, #tpu.memory_space<vmem_shared>>
      %dma_wait3A_71 = arith.constant 0 : i32
      %dma_wait3A_72 = tpu.memref_slice %arg11[%add3A_14, %dma_wait3A_71] : memref<10240x64xf32, #tpu.memory_space<vmem_shared>> -> memref<80x64xf32, #tpu.memory_space<vmem_shared>>
      tpu.wait_dma2 semaphore(%run_scoped3A : memref<!tpu.dma_semaphore, #tpu.memory_space<semaphore_mem>>) src(%arg10 : memref<80x64xf32, #tpu.memory_space<vmem>>) dst(%dma_wait3A_72 : memref<80x64xf32, #tpu.memory_space<vmem_shared>>)
      tpu.yield
    }) : () -> ()
    %add3A_15 = arith.constant 240 : i32
    %add3A_16 = arith.addi %mul3A_2, %add3A_15 : i32
    "tpu.region"() ({
      %run_scoped3A = tpu.sem_alloc : memref<!tpu.dma_semaphore, #tpu.memory_space<semaphore_mem>>
      %dma_start3A = arith.constant 0 : i32
      %dma_start3A_67 = tpu.memref_slice %arg11[%add3A_16, %dma_start3A] : memref<10240x64xf32, #tpu.memory_space<vmem_shared>> -> memref<80x64xf32, #tpu.memory_space<vmem_shared>>
      %dma_start3A_68 = arith.constant 0 : i32
      %dma_start3A_69 = tpu.memref_slice %arg11[%add3A_16, %dma_start3A_68] : memref<10240x64xf32, #tpu.memory_space<vmem_shared>> -> memref<80x64xf32, #tpu.memory_space<vmem_shared>>
      tpu.enqueue_dma source(%arg10 : memref<80x64xf32, #tpu.memory_space<vmem>>) target(%dma_start3A_69 : memref<80x64xf32, #tpu.memory_space<vmem_shared>>) target_semaphore(%run_scoped3A : memref<!tpu.dma_semaphore, #tpu.memory_space<semaphore_mem>>)
      %dma_wait3A = arith.constant 0 : i32
      %dma_wait3A_70 = tpu.memref_slice %arg11[%add3A_16, %dma_wait3A] : memref<10240x64xf32, #tpu.memory_space<vmem_shared>> -> memref<80x64xf32, #tpu.memory_space<vmem_shared>>
      %dma_wait3A_71 = arith.constant 0 : i32
      %dma_wait3A_72 = tpu.memref_slice %arg11[%add3A_16, %dma_wait3A_71] : memref<10240x64xf32, #tpu.memory_space<vmem_shared>> -> memref<80x64xf32, #tpu.memory_space<vmem_shared>>
      tpu.wait_dma2 semaphore(%run_scoped3A : memref<!tpu.dma_semaphore, #tpu.memory_space<semaphore_mem>>) src(%arg10 : memref<80x64xf32, #tpu.memory_space<vmem>>) dst(%dma_wait3A_72 : memref<80x64xf32, #tpu.memory_space<vmem_shared>>)
      tpu.yield
    }) : () -> ()
    %add3A_17 = arith.constant 320 : i32
    %add3A_18 = arith.addi %mul3A_2, %add3A_17 : i32
    "tpu.region"() ({
      %run_scoped3A = tpu.sem_alloc : memref<!tpu.dma_semaphore, #tpu.memory_space<semaphore_mem>>
      %dma_start3A = arith.constant 0 : i32
      %dma_start3A_67 = tpu.memref_slice %arg11[%add3A_18, %dma_start3A] : memref<10240x64xf32, #tpu.memory_space<vmem_shared>> -> memref<80x64xf32, #tpu.memory_space<vmem_shared>>
      %dma_start3A_68 = arith.constant 0 : i32
      %dma_start3A_69 = tpu.memref_slice %arg11[%add3A_18, %dma_start3A_68] : memref<10240x64xf32, #tpu.memory_space<vmem_shared>> -> memref<80x64xf32, #tpu.memory_space<vmem_shared>>
      tpu.enqueue_dma source(%arg10 : memref<80x64xf32, #tpu.memory_space<vmem>>) target(%dma_start3A_69 : memref<80x64xf32, #tpu.memory_space<vmem_shared>>) target_semaphore(%run_scoped3A : memref<!tpu.dma_semaphore, #tpu.memory_space<semaphore_mem>>)
      %dma_wait3A = arith.constant 0 : i32
      %dma_wait3A_70 = tpu.memref_slice %arg11[%add3A_18, %dma_wait3A] : memref<10240x64xf32, #tpu.memory_space<vmem_shared>> -> memref<80x64xf32, #tpu.memory_space<vmem_shared>>
      %dma_wait3A_71 = arith.constant 0 : i32
      %dma_wait3A_72 = tpu.memref_slice %arg11[%add3A_18, %dma_wait3A_71] : memref<10240x64xf32, #tpu.memory_space<vmem_shared>> -> memref<80x64xf32, #tpu.memory_space<vmem_shared>>
      tpu.wait_dma2 semaphore(%run_scoped3A : memref<!tpu.dma_semaphore, #tpu.memory_space<semaphore_mem>>) src(%arg10 : memref<80x64xf32, #tpu.memory_space<vmem>>) dst(%dma_wait3A_72 : memref<80x64xf32, #tpu.memory_space<vmem_shared>>)
      tpu.yield
    }) : () -> ()
    %add3A_19 = arith.constant 400 : i32
    %add3A_20 = arith.addi %mul3A_2, %add3A_19 : i32
    "tpu.region"() ({
      %run_scoped3A = tpu.sem_alloc : memref<!tpu.dma_semaphore, #tpu.memory_space<semaphore_mem>>
      %dma_start3A = arith.constant 0 : i32
      %dma_start3A_67 = tpu.memref_slice %arg11[%add3A_20, %dma_start3A] : memref<10240x64xf32, #tpu.memory_space<vmem_shared>> -> memref<80x64xf32, #tpu.memory_space<vmem_shared>>
      %dma_start3A_68 = arith.constant 0 : i32
      %dma_start3A_69 = tpu.memref_slice %arg11[%add3A_20, %dma_start3A_68] : memref<10240x64xf32, #tpu.memory_space<vmem_shared>> -> memref<80x64xf32, #tpu.memory_space<vmem_shared>>
      tpu.enqueue_dma source(%arg10 : memref<80x64xf32, #tpu.memory_space<vmem>>) target(%dma_start3A_69 : memref<80x64xf32, #tpu.memory_space<vmem_shared>>) target_semaphore(%run_scoped3A : memref<!tpu.dma_semaphore, #tpu.memory_space<semaphore_mem>>)
      %dma_wait3A = arith.constant 0 : i32
      %dma_wait3A_70 = tpu.memref_slice %arg11[%add3A_20, %dma_wait3A] : memref<10240x64xf32, #tpu.memory_space<vmem_shared>> -> memref<80x64xf32, #tpu.memory_space<vmem_shared>>
      %dma_wait3A_71 = arith.constant 0 : i32
      %dma_wait3A_72 = tpu.memref_slice %arg11[%add3A_20, %dma_wait3A_71] : memref<10240x64xf32, #tpu.memory_space<vmem_shared>> -> memref<80x64xf32, #tpu.memory_space<vmem_shared>>
      tpu.wait_dma2 semaphore(%run_scoped3A : memref<!tpu.dma_semaphore, #tpu.memory_space<semaphore_mem>>) src(%arg10 : memref<80x64xf32, #tpu.memory_space<vmem>>) dst(%dma_wait3A_72 : memref<80x64xf32, #tpu.memory_space<vmem_shared>>)
      tpu.yield
    }) : () -> ()
    %add3A_21 = arith.constant 480 : i32
    %add3A_22 = arith.addi %mul3A_2, %add3A_21 : i32
    "tpu.region"() ({
      %run_scoped3A = tpu.sem_alloc : memref<!tpu.dma_semaphore, #tpu.memory_space<semaphore_mem>>
      %dma_start3A = arith.constant 0 : i32
      %dma_start3A_67 = tpu.memref_slice %arg11[%add3A_22, %dma_start3A] : memref<10240x64xf32, #tpu.memory_space<vmem_shared>> -> memref<80x64xf32, #tpu.memory_space<vmem_shared>>
      %dma_start3A_68 = arith.constant 0 : i32
      %dma_start3A_69 = tpu.memref_slice %arg11[%add3A_22, %dma_start3A_68] : memref<10240x64xf32, #tpu.memory_space<vmem_shared>> -> memref<80x64xf32, #tpu.memory_space<vmem_shared>>
      tpu.enqueue_dma source(%arg10 : memref<80x64xf32, #tpu.memory_space<vmem>>) target(%dma_start3A_69 : memref<80x64xf32, #tpu.memory_space<vmem_shared>>) target_semaphore(%run_scoped3A : memref<!tpu.dma_semaphore, #tpu.memory_space<semaphore_mem>>)
      %dma_wait3A = arith.constant 0 : i32
      %dma_wait3A_70 = tpu.memref_slice %arg11[%add3A_22, %dma_wait3A] : memref<10240x64xf32, #tpu.memory_space<vmem_shared>> -> memref<80x64xf32, #tpu.memory_space<vmem_shared>>
      %dma_wait3A_71 = arith.constant 0 : i32
      %dma_wait3A_72 = tpu.memref_slice %arg11[%add3A_22, %dma_wait3A_71] : memref<10240x64xf32, #tpu.memory_space<vmem_shared>> -> memref<80x64xf32, #tpu.memory_space<vmem_shared>>
      tpu.wait_dma2 semaphore(%run_scoped3A : memref<!tpu.dma_semaphore, #tpu.memory_space<semaphore_mem>>) src(%arg10 : memref<80x64xf32, #tpu.memory_space<vmem>>) dst(%dma_wait3A_72 : memref<80x64xf32, #tpu.memory_space<vmem_shared>>)
      tpu.yield
    }) : () -> ()
    %add3A_23 = arith.constant 560 : i32
    %add3A_24 = arith.addi %mul3A_2, %add3A_23 : i32
    "tpu.region"() ({
      %run_scoped3A = tpu.sem_alloc : memref<!tpu.dma_semaphore, #tpu.memory_space<semaphore_mem>>
      %dma_start3A = arith.constant 0 : i32
      %dma_start3A_67 = tpu.memref_slice %arg11[%add3A_24, %dma_start3A] : memref<10240x64xf32, #tpu.memory_space<vmem_shared>> -> memref<80x64xf32, #tpu.memory_space<vmem_shared>>
      %dma_start3A_68 = arith.constant 0 : i32
      %dma_start3A_69 = tpu.memref_slice %arg11[%add3A_24, %dma_start3A_68] : memref<10240x64xf32, #tpu.memory_space<vmem_shared>> -> memref<80x64xf32, #tpu.memory_space<vmem_shared>>
      tpu.enqueue_dma source(%arg10 : memref<80x64xf32, #tpu.memory_space<vmem>>) target(%dma_start3A_69 : memref<80x64xf32, #tpu.memory_space<vmem_shared>>) target_semaphore(%run_scoped3A : memref<!tpu.dma_semaphore, #tpu.memory_space<semaphore_mem>>)
      %dma_wait3A = arith.constant 0 : i32
      %dma_wait3A_70 = tpu.memref_slice %arg11[%add3A_24, %dma_wait3A] : memref<10240x64xf32, #tpu.memory_space<vmem_shared>> -> memref<80x64xf32, #tpu.memory_space<vmem_shared>>
      %dma_wait3A_71 = arith.constant 0 : i32
      %dma_wait3A_72 = tpu.memref_slice %arg11[%add3A_24, %dma_wait3A_71] : memref<10240x64xf32, #tpu.memory_space<vmem_shared>> -> memref<80x64xf32, #tpu.memory_space<vmem_shared>>
      tpu.wait_dma2 semaphore(%run_scoped3A : memref<!tpu.dma_semaphore, #tpu.memory_space<semaphore_mem>>) src(%arg10 : memref<80x64xf32, #tpu.memory_space<vmem>>) dst(%dma_wait3A_72 : memref<80x64xf32, #tpu.memory_space<vmem_shared>>)
      tpu.yield
    }) : () -> ()
    %barrier3A = arith.constant 0 : index
    tpu.barrier barrier_id(%barrier3A)
    %mul3A_25 = arith.constant 10000 : i32
    %mul3A_26 = arith.muli %add3A, %mul3A_25 : i32
    %scan3A_27 = arith.constant 0 : i32
    %scan3A_28 = arith.constant 0 : i32
    %scan3A_29 = arith.constant 125 : i32
    %scan3A_30 = arith.addi %scan3A_28, %scan3A_29 : i32
    %scan3A_31 = arith.constant 1 : i32
    %scan3A_32 = scf.for %scan3A_67 = %scan3A_28 to %scan3A_30 step %scan3A_31 iter_args(%scan3A_68 = %scan3A_27) -> (i32)  : i32 {
      %mul3A_69 = arith.constant 80 : i32
      %mul3A_70 = arith.muli %scan3A_67, %mul3A_69 : i32
      %add3A_71 = arith.addi %mul3A_26, %mul3A_70 : i32
      "tpu.region"() ({
        %run_scoped3A = tpu.sem_alloc : memref<!tpu.dma_semaphore, #tpu.memory_space<semaphore_mem>>
        %dma_start3A_84 = tpu.memref_slice %arg3[%add3A_71] : memref<320000xi32, #tpu.memory_space<hbm>> -> memref<80xi32, #tpu.memory_space<hbm>>
        %dma_start3A_85 = tpu.memref_slice %arg3[%add3A_71] : memref<320000xi32, #tpu.memory_space<hbm>> -> memref<80xi32, #tpu.memory_space<hbm>>
        tpu.enqueue_dma source(%dma_start3A_85 : memref<80xi32, #tpu.memory_space<hbm>>) target(%arg7 : memref<80xi32, #tpu.memory_space<vmem>>) target_semaphore(%run_scoped3A : memref<!tpu.dma_semaphore, #tpu.memory_space<semaphore_mem>>)
        %dma_wait3A_86 = tpu.memref_slice %arg3[%add3A_71] : memref<320000xi32, #tpu.memory_space<hbm>> -> memref<80xi32, #tpu.memory_space<hbm>>
        %dma_wait3A_87 = tpu.memref_slice %arg3[%add3A_71] : memref<320000xi32, #tpu.memory_space<hbm>> -> memref<80xi32, #tpu.memory_space<hbm>>
        tpu.wait_dma2 semaphore(%run_scoped3A : memref<!tpu.dma_semaphore, #tpu.memory_space<semaphore_mem>>) src(%dma_wait3A_87 : memref<80xi32, #tpu.memory_space<hbm>>) dst(%arg7 : memref<80xi32, #tpu.memory_space<vmem>>)
        tpu.yield
      }) : () -> ()
      "tpu.region"() ({
        %run_scoped3A = tpu.sem_alloc : memref<!tpu.dma_semaphore, #tpu.memory_space<semaphore_mem>>
        %dma_start3A_84 = tpu.memref_slice %arg4[%add3A_71] : memref<320000xi32, #tpu.memory_space<hbm>> -> memref<80xi32, #tpu.memory_space<hbm>>
        %dma_start3A_85 = tpu.memref_slice %arg4[%add3A_71] : memref<320000xi32, #tpu.memory_space<hbm>> -> memref<80xi32, #tpu.memory_space<hbm>>
        tpu.enqueue_dma source(%dma_start3A_85 : memref<80xi32, #tpu.memory_space<hbm>>) target(%arg8 : memref<80xi32, #tpu.memory_space<vmem>>) target_semaphore(%run_scoped3A : memref<!tpu.dma_semaphore, #tpu.memory_space<semaphore_mem>>)
        %dma_wait3A_86 = tpu.memref_slice %arg4[%add3A_71] : memref<320000xi32, #tpu.memory_space<hbm>> -> memref<80xi32, #tpu.memory_space<hbm>>
        %dma_wait3A_87 = tpu.memref_slice %arg4[%add3A_71] : memref<320000xi32, #tpu.memory_space<hbm>> -> memref<80xi32, #tpu.memory_space<hbm>>
        tpu.wait_dma2 semaphore(%run_scoped3A : memref<!tpu.dma_semaphore, #tpu.memory_space<semaphore_mem>>) src(%dma_wait3A_87 : memref<80xi32, #tpu.memory_space<hbm>>) dst(%arg8 : memref<80xi32, #tpu.memory_space<vmem>>)
        tpu.yield
      }) : () -> ()
      "tpu.region"() ({
        %run_scoped3A = tpu.sem_alloc : memref<!tpu.dma_semaphore, #tpu.memory_space<semaphore_mem>>
        %dma_start3A_84 = arith.constant 0 : i32
        %dma_start3A_85 = tpu.memref_slice %arg9[%dma_start3A_84] : memref<96xf32, #tpu.memory_space<vmem>> -> memref<80xf32, #tpu.memory_space<vmem>>
        %dma_start3A_86 = tpu.memref_slice %arg5[%add3A_71] : memref<320000xf32, #tpu.memory_space<hbm>> -> memref<80xf32, #tpu.memory_space<hbm>>
        %dma_start3A_87 = arith.constant 0 : i32
        %dma_start3A_88 = tpu.memref_slice %arg9[%dma_start3A_87] : memref<96xf32, #tpu.memory_space<vmem>> -> memref<80xf32, #tpu.memory_space<vmem>>
        %dma_start3A_89 = tpu.memref_slice %arg5[%add3A_71] : memref<320000xf32, #tpu.memory_space<hbm>> -> memref<80xf32, #tpu.memory_space<hbm>>
        tpu.enqueue_dma source(%dma_start3A_89 : memref<80xf32, #tpu.memory_space<hbm>>) target(%dma_start3A_88 : memref<80xf32, #tpu.memory_space<vmem>>) target_semaphore(%run_scoped3A : memref<!tpu.dma_semaphore, #tpu.memory_space<semaphore_mem>>)
        %dma_wait3A_90 = arith.constant 0 : i32
        %dma_wait3A_91 = tpu.memref_slice %arg9[%dma_wait3A_90] : memref<96xf32, #tpu.memory_space<vmem>> -> memref<80xf32, #tpu.memory_space<vmem>>
        %dma_wait3A_92 = tpu.memref_slice %arg5[%add3A_71] : memref<320000xf32, #tpu.memory_space<hbm>> -> memref<80xf32, #tpu.memory_space<hbm>>
        %dma_wait3A_93 = arith.constant 0 : i32
        %dma_wait3A_94 = tpu.memref_slice %arg9[%dma_wait3A_93] : memref<96xf32, #tpu.memory_space<vmem>> -> memref<80xf32, #tpu.memory_space<vmem>>
        %dma_wait3A_95 = tpu.memref_slice %arg5[%add3A_71] : memref<320000xf32, #tpu.memory_space<hbm>> -> memref<80xf32, #tpu.memory_space<hbm>>
        tpu.wait_dma2 semaphore(%run_scoped3A : memref<!tpu.dma_semaphore, #tpu.memory_space<semaphore_mem>>) src(%dma_wait3A_95 : memref<80xf32, #tpu.memory_space<hbm>>) dst(%dma_wait3A_94 : memref<80xf32, #tpu.memory_space<vmem>>)
        tpu.yield
      }) : () -> ()
      %dma_start3A = arith.constant 0 : i32
      %dma_start3A_72 = arith.constant 0 : i32
      %dma_start3A_73 = tpu.memref_slice %arg2[%dma_start3A, %dma_start3A_72] : memref<10240x64xf32, #tpu.memory_space<hbm>> -> memref<10240x64xf32, #tpu.memory_space<hbm>>
      tpu.enqueue_indirect_dma source(%dma_start3A_73 : memref<10240x64xf32, #tpu.memory_space<hbm>>) target(%arg10 : memref<80x64xf32, #tpu.memory_space<vmem>>) offsets(%arg7 : memref<80xi32, #tpu.memory_space<vmem>>) semaphore(%arg12 : memref<!tpu.dma_semaphore, #tpu.memory_space<semaphore_mem>>)
      %dma_wait3A = arith.constant 0 : i32
      %dma_wait3A_74 = arith.constant 0 : i32
      %dma_wait3A_75 = tpu.memref_slice %arg2[%dma_wait3A, %dma_wait3A_74] : memref<10240x64xf32, #tpu.memory_space<hbm>> -> memref<10240x64xf32, #tpu.memory_space<hbm>>
      tpu.wait_indirect_dma semaphore(%arg12 : memref<!tpu.dma_semaphore, #tpu.memory_space<semaphore_mem>>) src(%dma_wait3A_75 : memref<10240x64xf32, #tpu.memory_space<hbm>>) dst(%arg10 : memref<80x64xf32, #tpu.memory_space<vmem>>)
      %scan3A_76 = arith.constant 0 : i32
      %scan3A_77 = arith.constant 0 : i32
      %scan3A_78 = arith.constant 80 : i32
      %scan3A_79 = arith.addi %scan3A_77, %scan3A_78 : i32
      %scan3A_80 = arith.constant 1 : i32
      %scan3A_81 = scf.for %scan3A_84 = %scan3A_77 to %scan3A_79 step %scan3A_80 iter_args(%scan3A_85 = %scan3A_76) -> (i32)  : i32 {
        %get3A = arith.index_cast %scan3A_84 : i32 to index
        %get3A_86 = tpu.vector_load %arg9[%get3A] {strides = array<i32>} : memref<96xf32, #tpu.memory_space<vmem>>, vector<16xf32>,
        %get3A_87 = vector.shape_cast %get3A_86 : vector<16xf32> to vector<16xf32>
        %slice3A = vector.extract_strided_slice %get3A_87 {offsets = [0], sizes = [1], strides = [1]} : vector<16xf32> to vector<1xf32>
        %squeeze3A = vector.extract %slice3A[0] : f32 from vector<1xf32>
        %broadcast_in_dim3A = vector.broadcast %squeeze3A : f32 to vector<16xf32>
        %get3A_88 = arith.index_cast %scan3A_84 : i32 to index
        %get3A_89 = arith.constant 0 : index
        %get3A_90 = tpu.vector_load %arg10[%get3A_88, %get3A_89] {strides = array<i32>} : memref<80x64xf32, #tpu.memory_space<vmem>>, vector<1x16xf32>,
        %get3A_91 = vector.shape_cast %get3A_90 : vector<1x16xf32> to vector<16xf32>
        %mul3A_92 = arith.mulf %get3A_91, %broadcast_in_dim3A : vector<16xf32>
        %swap3A = arith.index_cast %scan3A_84 : i32 to index
        %swap3A_93 = arith.constant 0 : index
        %swap3A_94 = tpu.vector_load %arg10[%swap3A, %swap3A_93] {strides = array<i32>} : memref<80x64xf32, #tpu.memory_space<vmem>>, vector<1x16xf32>,
        %swap3A_95 = vector.shape_cast %swap3A_94 : vector<1x16xf32> to vector<16xf32>
        %swap3A_96 = vector.shape_cast %mul3A_92 : vector<16xf32> to vector<1x16xf32>
        tpu.vector_store %arg10[%swap3A, %swap3A_93], %swap3A_96 {strides = array<i32>} : memref<80x64xf32, #tpu.memory_space<vmem>>, vector<1x16xf32>,
        %get3A_97 = arith.index_cast %scan3A_84 : i32 to index
        %get3A_98 = arith.constant 16 : index
        %get3A_99 = tpu.vector_load %arg10[%get3A_97, %get3A_98] {strides = array<i32>} : memref<80x64xf32, #tpu.memory_space<vmem>>, vector<1x16xf32>,
        %get3A_100 = vector.shape_cast %get3A_99 : vector<1x16xf32> to vector<16xf32>
        %mul3A_101 = arith.mulf %get3A_100, %broadcast_in_dim3A : vector<16xf32>
        %swap3A_102 = arith.index_cast %scan3A_84 : i32 to index
        %swap3A_103 = arith.constant 16 : index
        %swap3A_104 = tpu.vector_load %arg10[%swap3A_102, %swap3A_103] {strides = array<i32>} : memref<80x64xf32, #tpu.memory_space<vmem>>, vector<1x16xf32>,
        %swap3A_105 = vector.shape_cast %swap3A_104 : vector<1x16xf32> to vector<16xf32>
        %swap3A_106 = vector.shape_cast %mul3A_101 : vector<16xf32> to vector<1x16xf32>
        tpu.vector_store %arg10[%swap3A_102, %swap3A_103], %swap3A_106 {strides = array<i32>} : memref<80x64xf32, #tpu.memory_space<vmem>>, vector<1x16xf32>,
        %get3A_107 = arith.index_cast %scan3A_84 : i32 to index
        %get3A_108 = arith.constant 32 : index
        %get3A_109 = tpu.vector_load %arg10[%get3A_107, %get3A_108] {strides = array<i32>} : memref<80x64xf32, #tpu.memory_space<vmem>>, vector<1x16xf32>,
        %get3A_110 = vector.shape_cast %get3A_109 : vector<1x16xf32> to vector<16xf32>
        %mul3A_111 = arith.mulf %get3A_110, %broadcast_in_dim3A : vector<16xf32>
        %swap3A_112 = arith.index_cast %scan3A_84 : i32 to index
        %swap3A_113 = arith.constant 32 : index
        %swap3A_114 = tpu.vector_load %arg10[%swap3A_112, %swap3A_113] {strides = array<i32>} : memref<80x64xf32, #tpu.memory_space<vmem>>, vector<1x16xf32>,
        %swap3A_115 = vector.shape_cast %swap3A_114 : vector<1x16xf32> to vector<16xf32>
        %swap3A_116 = vector.shape_cast %mul3A_111 : vector<16xf32> to vector<1x16xf32>
        tpu.vector_store %arg10[%swap3A_112, %swap3A_113], %swap3A_116 {strides = array<i32>} : memref<80x64xf32, #tpu.memory_space<vmem>>, vector<1x16xf32>,
        %get3A_117 = arith.index_cast %scan3A_84 : i32 to index
        %get3A_118 = arith.constant 48 : index
        %get3A_119 = tpu.vector_load %arg10[%get3A_117, %get3A_118] {strides = array<i32>} : memref<80x64xf32, #tpu.memory_space<vmem>>, vector<1x16xf32>,
        %get3A_120 = vector.shape_cast %get3A_119 : vector<1x16xf32> to vector<16xf32>
        %mul3A_121 = arith.mulf %get3A_120, %broadcast_in_dim3A : vector<16xf32>
        %swap3A_122 = arith.index_cast %scan3A_84 : i32 to index
        %swap3A_123 = arith.constant 48 : index
        %swap3A_124 = tpu.vector_load %arg10[%swap3A_122, %swap3A_123] {strides = array<i32>} : memref<80x64xf32, #tpu.memory_space<vmem>>, vector<1x16xf32>,
        %swap3A_125 = vector.shape_cast %swap3A_124 : vector<1x16xf32> to vector<16xf32>
        %swap3A_126 = vector.shape_cast %mul3A_121 : vector<16xf32> to vector<1x16xf32>
        tpu.vector_store %arg10[%swap3A_122, %swap3A_123], %swap3A_126 {strides = array<i32>} : memref<80x64xf32, #tpu.memory_space<vmem>>, vector<1x16xf32>,
        %scan3A_127 = arith.constant 0 : i32
        scf.yield %scan3A_127 : i32
      }
      %scan3A_82 = arith.constant 80 : i32
      "tpu.region"() ({
        %run_scoped3A = tpu.sem_alloc : memref<!tpu.dma_semaphore, #tpu.memory_space<semaphore_mem>>
        %dma_start3A_84 = arith.constant 0 : i32
        %dma_start3A_85 = arith.constant 0 : i32
        %dma_start3A_86 = tpu.memref_slice %arg11[%dma_start3A_84, %dma_start3A_85] : memref<10240x64xf32, #tpu.memory_space<vmem_shared>> -> memref<10240x64xf32, #tpu.memory_space<vmem_shared>>
        tpu.enqueue_indirect_dma source(%arg10 : memref<80x64xf32, #tpu.memory_space<vmem>>) target(%dma_start3A_86 : memref<10240x64xf32, #tpu.memory_space<vmem_shared>>) offsets(%arg8 : memref<80xi32, #tpu.memory_space<vmem>>) semaphore(%run_scoped3A : memref<!tpu.dma_semaphore, #tpu.memory_space<semaphore_mem>>) {add = true}
        %dma_wait3A_87 = arith.constant 0 : i32
        %dma_wait3A_88 = arith.constant 0 : i32
        %dma_wait3A_89 = tpu.memref_slice %arg11[%dma_wait3A_87, %dma_wait3A_88] : memref<10240x64xf32, #tpu.memory_space<vmem_shared>> -> memref<10240x64xf32, #tpu.memory_space<vmem_shared>>
        tpu.wait_indirect_dma semaphore(%run_scoped3A : memref<!tpu.dma_semaphore, #tpu.memory_space<semaphore_mem>>) src(%arg10 : memref<80x64xf32, #tpu.memory_space<vmem>>) dst(%dma_wait3A_89 : memref<10240x64xf32, #tpu.memory_space<vmem_shared>>)
        tpu.yield
      }) : () -> ()
      %scan3A_83 = arith.constant 0 : i32
      scf.yield %scan3A_83 : i32
    }
    %scan3A_33 = arith.constant 125 : i32
    %barrier3A_34 = arith.constant 0 : index
    tpu.barrier barrier_id(%barrier3A_34)
    %add3A_35 = arith.constant 0 : i32
    %add3A_36 = arith.addi %mul3A_2, %add3A_35 : i32
    %add3A_37 = arith.constant 0 : i32
    %add3A_38 = arith.addi %mul3A_2, %add3A_37 : i32
    "tpu.region"() ({
      %run_scoped3A = tpu.sem_alloc : memref<!tpu.dma_semaphore, #tpu.memory_space<semaphore_mem>>
      %dma_start3A = arith.constant 0 : i32
      %dma_start3A_67 = tpu.memref_slice %arg6[%arg0, %add3A_38, %dma_start3A] : memref<2x10240x64xf32, #tpu.memory_space<hbm>> -> memref<1x80x64xf32, #tpu.memory_space<hbm>>
      %dma_start3A_68 = tpu.memref_squeeze %dma_start3A_67 : memref<1x80x64xf32, #tpu.memory_space<hbm>> -> memref<80x64xf32, #tpu.memory_space<hbm>>
      %dma_start3A_69 = arith.constant 0 : i32
      %dma_start3A_70 = tpu.memref_slice %arg11[%add3A_36, %dma_start3A_69] : memref<10240x64xf32, #tpu.memory_space<vmem_shared>> -> memref<80x64xf32, #tpu.memory_space<vmem_shared>>
      tpu.enqueue_dma source(%dma_start3A_70 : memref<80x64xf32, #tpu.memory_space<vmem_shared>>) target(%dma_start3A_68 : memref<80x64xf32, #tpu.memory_space<hbm>>) target_semaphore(%run_scoped3A : memref<!tpu.dma_semaphore, #tpu.memory_space<semaphore_mem>>)
      %dma_wait3A = arith.constant 0 : i32
      %dma_wait3A_71 = tpu.memref_slice %arg6[%arg0, %add3A_38, %dma_wait3A] : memref<2x10240x64xf32, #tpu.memory_space<hbm>> -> memref<1x80x64xf32, #tpu.memory_space<hbm>>
      %dma_wait3A_72 = tpu.memref_squeeze %dma_wait3A_71 : memref<1x80x64xf32, #tpu.memory_space<hbm>> -> memref<80x64xf32, #tpu.memory_space<hbm>>
      %dma_wait3A_73 = arith.constant 0 : i32
      %dma_wait3A_74 = tpu.memref_slice %arg11[%add3A_36, %dma_wait3A_73] : memref<10240x64xf32, #tpu.memory_space<vmem_shared>> -> memref<80x64xf32, #tpu.memory_space<vmem_shared>>
      tpu.wait_dma2 semaphore(%run_scoped3A : memref<!tpu.dma_semaphore, #tpu.memory_space<semaphore_mem>>) src(%dma_wait3A_74 : memref<80x64xf32, #tpu.memory_space<vmem_shared>>) dst(%dma_wait3A_72 : memref<80x64xf32, #tpu.memory_space<hbm>>)
      tpu.yield
    }) : () -> ()
    %add3A_39 = arith.constant 80 : i32
    %add3A_40 = arith.addi %mul3A_2, %add3A_39 : i32
    %add3A_41 = arith.constant 80 : i32
    %add3A_42 = arith.addi %mul3A_2, %add3A_41 : i32
    "tpu.region"() ({
      %run_scoped3A = tpu.sem_alloc : memref<!tpu.dma_semaphore, #tpu.memory_space<semaphore_mem>>
      %dma_start3A = arith.constant 0 : i32
      %dma_start3A_67 = tpu.memref_slice %arg6[%arg0, %add3A_42, %dma_start3A] : memref<2x10240x64xf32, #tpu.memory_space<hbm>> -> memref<1x80x64xf32, #tpu.memory_space<hbm>>
      %dma_start3A_68 = tpu.memref_squeeze %dma_start3A_67 : memref<1x80x64xf32, #tpu.memory_space<hbm>> -> memref<80x64xf32, #tpu.memory_space<hbm>>
      %dma_start3A_69 = arith.constant 0 : i32
      %dma_start3A_70 = tpu.memref_slice %arg11[%add3A_40, %dma_start3A_69] : memref<10240x64xf32, #tpu.memory_space<vmem_shared>> -> memref<80x64xf32, #tpu.memory_space<vmem_shared>>
      tpu.enqueue_dma source(%dma_start3A_70 : memref<80x64xf32, #tpu.memory_space<vmem_shared>>) target(%dma_start3A_68 : memref<80x64xf32, #tpu.memory_space<hbm>>) target_semaphore(%run_scoped3A : memref<!tpu.dma_semaphore, #tpu.memory_space<semaphore_mem>>)
      %dma_wait3A = arith.constant 0 : i32
      %dma_wait3A_71 = tpu.memref_slice %arg6[%arg0, %add3A_42, %dma_wait3A] : memref<2x10240x64xf32, #tpu.memory_space<hbm>> -> memref<1x80x64xf32, #tpu.memory_space<hbm>>
      %dma_wait3A_72 = tpu.memref_squeeze %dma_wait3A_71 : memref<1x80x64xf32, #tpu.memory_space<hbm>> -> memref<80x64xf32, #tpu.memory_space<hbm>>
      %dma_wait3A_73 = arith.constant 0 : i32
      %dma_wait3A_74 = tpu.memref_slice %arg11[%add3A_40, %dma_wait3A_73] : memref<10240x64xf32, #tpu.memory_space<vmem_shared>> -> memref<80x64xf32, #tpu.memory_space<vmem_shared>>
      tpu.wait_dma2 semaphore(%run_scoped3A : memref<!tpu.dma_semaphore, #tpu.memory_space<semaphore_mem>>) src(%dma_wait3A_74 : memref<80x64xf32, #tpu.memory_space<vmem_shared>>) dst(%dma_wait3A_72 : memref<80x64xf32, #tpu.memory_space<hbm>>)
      tpu.yield
    }) : () -> ()
    %add3A_43 = arith.constant 160 : i32
    %add3A_44 = arith.addi %mul3A_2, %add3A_43 : i32
    %add3A_45 = arith.constant 160 : i32
    %add3A_46 = arith.addi %mul3A_2, %add3A_45 : i32
    "tpu.region"() ({
      %run_scoped3A = tpu.sem_alloc : memref<!tpu.dma_semaphore, #tpu.memory_space<semaphore_mem>>
      %dma_start3A = arith.constant 0 : i32
      %dma_start3A_67 = tpu.memref_slice %arg6[%arg0, %add3A_46, %dma_start3A] : memref<2x10240x64xf32, #tpu.memory_space<hbm>> -> memref<1x80x64xf32, #tpu.memory_space<hbm>>
      %dma_start3A_68 = tpu.memref_squeeze %dma_start3A_67 : memref<1x80x64xf32, #tpu.memory_space<hbm>> -> memref<80x64xf32, #tpu.memory_space<hbm>>
      %dma_start3A_69 = arith.constant 0 : i32
      %dma_start3A_70 = tpu.memref_slice %arg11[%add3A_44, %dma_start3A_69] : memref<10240x64xf32, #tpu.memory_space<vmem_shared>> -> memref<80x64xf32, #tpu.memory_space<vmem_shared>>
      tpu.enqueue_dma source(%dma_start3A_70 : memref<80x64xf32, #tpu.memory_space<vmem_shared>>) target(%dma_start3A_68 : memref<80x64xf32, #tpu.memory_space<hbm>>) target_semaphore(%run_scoped3A : memref<!tpu.dma_semaphore, #tpu.memory_space<semaphore_mem>>)
      %dma_wait3A = arith.constant 0 : i32
      %dma_wait3A_71 = tpu.memref_slice %arg6[%arg0, %add3A_46, %dma_wait3A] : memref<2x10240x64xf32, #tpu.memory_space<hbm>> -> memref<1x80x64xf32, #tpu.memory_space<hbm>>
      %dma_wait3A_72 = tpu.memref_squeeze %dma_wait3A_71 : memref<1x80x64xf32, #tpu.memory_space<hbm>> -> memref<80x64xf32, #tpu.memory_space<hbm>>
      %dma_wait3A_73 = arith.constant 0 : i32
      %dma_wait3A_74 = tpu.memref_slice %arg11[%add3A_44, %dma_wait3A_73] : memref<10240x64xf32, #tpu.memory_space<vmem_shared>> -> memref<80x64xf32, #tpu.memory_space<vmem_shared>>
      tpu.wait_dma2 semaphore(%run_scoped3A : memref<!tpu.dma_semaphore, #tpu.memory_space<semaphore_mem>>) src(%dma_wait3A_74 : memref<80x64xf32, #tpu.memory_space<vmem_shared>>) dst(%dma_wait3A_72 : memref<80x64xf32, #tpu.memory_space<hbm>>)
      tpu.yield
    }) : () -> ()
    %add3A_47 = arith.constant 240 : i32
    %add3A_48 = arith.addi %mul3A_2, %add3A_47 : i32
    %add3A_49 = arith.constant 240 : i32
    %add3A_50 = arith.addi %mul3A_2, %add3A_49 : i32
    "tpu.region"() ({
      %run_scoped3A = tpu.sem_alloc : memref<!tpu.dma_semaphore, #tpu.memory_space<semaphore_mem>>
      %dma_start3A = arith.constant 0 : i32
      %dma_start3A_67 = tpu.memref_slice %arg6[%arg0, %add3A_50, %dma_start3A] : memref<2x10240x64xf32, #tpu.memory_space<hbm>> -> memref<1x80x64xf32, #tpu.memory_space<hbm>>
      %dma_start3A_68 = tpu.memref_squeeze %dma_start3A_67 : memref<1x80x64xf32, #tpu.memory_space<hbm>> -> memref<80x64xf32, #tpu.memory_space<hbm>>
      %dma_start3A_69 = arith.constant 0 : i32
      %dma_start3A_70 = tpu.memref_slice %arg11[%add3A_48, %dma_start3A_69] : memref<10240x64xf32, #tpu.memory_space<vmem_shared>> -> memref<80x64xf32, #tpu.memory_space<vmem_shared>>
      tpu.enqueue_dma source(%dma_start3A_70 : memref<80x64xf32, #tpu.memory_space<vmem_shared>>) target(%dma_start3A_68 : memref<80x64xf32, #tpu.memory_space<hbm>>) target_semaphore(%run_scoped3A : memref<!tpu.dma_semaphore, #tpu.memory_space<semaphore_mem>>)
      %dma_wait3A = arith.constant 0 : i32
      %dma_wait3A_71 = tpu.memref_slice %arg6[%arg0, %add3A_50, %dma_wait3A] : memref<2x10240x64xf32, #tpu.memory_space<hbm>> -> memref<1x80x64xf32, #tpu.memory_space<hbm>>
      %dma_wait3A_72 = tpu.memref_squeeze %dma_wait3A_71 : memref<1x80x64xf32, #tpu.memory_space<hbm>> -> memref<80x64xf32, #tpu.memory_space<hbm>>
      %dma_wait3A_73 = arith.constant 0 : i32
      %dma_wait3A_74 = tpu.memref_slice %arg11[%add3A_48, %dma_wait3A_73] : memref<10240x64xf32, #tpu.memory_space<vmem_shared>> -> memref<80x64xf32, #tpu.memory_space<vmem_shared>>
      tpu.wait_dma2 semaphore(%run_scoped3A : memref<!tpu.dma_semaphore, #tpu.memory_space<semaphore_mem>>) src(%dma_wait3A_74 : memref<80x64xf32, #tpu.memory_space<vmem_shared>>) dst(%dma_wait3A_72 : memref<80x64xf32, #tpu.memory_space<hbm>>)
      tpu.yield
    }) : () -> ()
    %add3A_51 = arith.constant 320 : i32
    %add3A_52 = arith.addi %mul3A_2, %add3A_51 : i32
    %add3A_53 = arith.constant 320 : i32
    %add3A_54 = arith.addi %mul3A_2, %add3A_53 : i32
    "tpu.region"() ({
      %run_scoped3A = tpu.sem_alloc : memref<!tpu.dma_semaphore, #tpu.memory_space<semaphore_mem>>
      %dma_start3A = arith.constant 0 : i32
      %dma_start3A_67 = tpu.memref_slice %arg6[%arg0, %add3A_54, %dma_start3A] : memref<2x10240x64xf32, #tpu.memory_space<hbm>> -> memref<1x80x64xf32, #tpu.memory_space<hbm>>
      %dma_start3A_68 = tpu.memref_squeeze %dma_start3A_67 : memref<1x80x64xf32, #tpu.memory_space<hbm>> -> memref<80x64xf32, #tpu.memory_space<hbm>>
      %dma_start3A_69 = arith.constant 0 : i32
      %dma_start3A_70 = tpu.memref_slice %arg11[%add3A_52, %dma_start3A_69] : memref<10240x64xf32, #tpu.memory_space<vmem_shared>> -> memref<80x64xf32, #tpu.memory_space<vmem_shared>>
      tpu.enqueue_dma source(%dma_start3A_70 : memref<80x64xf32, #tpu.memory_space<vmem_shared>>) target(%dma_start3A_68 : memref<80x64xf32, #tpu.memory_space<hbm>>) target_semaphore(%run_scoped3A : memref<!tpu.dma_semaphore, #tpu.memory_space<semaphore_mem>>)
      %dma_wait3A = arith.constant 0 : i32
      %dma_wait3A_71 = tpu.memref_slice %arg6[%arg0, %add3A_54, %dma_wait3A] : memref<2x10240x64xf32, #tpu.memory_space<hbm>> -> memref<1x80x64xf32, #tpu.memory_space<hbm>>
      %dma_wait3A_72 = tpu.memref_squeeze %dma_wait3A_71 : memref<1x80x64xf32, #tpu.memory_space<hbm>> -> memref<80x64xf32, #tpu.memory_space<hbm>>
      %dma_wait3A_73 = arith.constant 0 : i32
      %dma_wait3A_74 = tpu.memref_slice %arg11[%add3A_52, %dma_wait3A_73] : memref<10240x64xf32, #tpu.memory_space<vmem_shared>> -> memref<80x64xf32, #tpu.memory_space<vmem_shared>>
      tpu.wait_dma2 semaphore(%run_scoped3A : memref<!tpu.dma_semaphore, #tpu.memory_space<semaphore_mem>>) src(%dma_wait3A_74 : memref<80x64xf32, #tpu.memory_space<vmem_shared>>) dst(%dma_wait3A_72 : memref<80x64xf32, #tpu.memory_space<hbm>>)
      tpu.yield
    }) : () -> ()
    %add3A_55 = arith.constant 400 : i32
    %add3A_56 = arith.addi %mul3A_2, %add3A_55 : i32
    %add3A_57 = arith.constant 400 : i32
    %add3A_58 = arith.addi %mul3A_2, %add3A_57 : i32
    "tpu.region"() ({
      %run_scoped3A = tpu.sem_alloc : memref<!tpu.dma_semaphore, #tpu.memory_space<semaphore_mem>>
      %dma_start3A = arith.constant 0 : i32
      %dma_start3A_67 = tpu.memref_slice %arg6[%arg0, %add3A_58, %dma_start3A] : memref<2x10240x64xf32, #tpu.memory_space<hbm>> -> memref<1x80x64xf32, #tpu.memory_space<hbm>>
      %dma_start3A_68 = tpu.memref_squeeze %dma_start3A_67 : memref<1x80x64xf32, #tpu.memory_space<hbm>> -> memref<80x64xf32, #tpu.memory_space<hbm>>
      %dma_start3A_69 = arith.constant 0 : i32
      %dma_start3A_70 = tpu.memref_slice %arg11[%add3A_56, %dma_start3A_69] : memref<10240x64xf32, #tpu.memory_space<vmem_shared>> -> memref<80x64xf32, #tpu.memory_space<vmem_shared>>
      tpu.enqueue_dma source(%dma_start3A_70 : memref<80x64xf32, #tpu.memory_space<vmem_shared>>) target(%dma_start3A_68 : memref<80x64xf32, #tpu.memory_space<hbm>>) target_semaphore(%run_scoped3A : memref<!tpu.dma_semaphore, #tpu.memory_space<semaphore_mem>>)
      %dma_wait3A = arith.constant 0 : i32
      %dma_wait3A_71 = tpu.memref_slice %arg6[%arg0, %add3A_58, %dma_wait3A] : memref<2x10240x64xf32, #tpu.memory_space<hbm>> -> memref<1x80x64xf32, #tpu.memory_space<hbm>>
      %dma_wait3A_72 = tpu.memref_squeeze %dma_wait3A_71 : memref<1x80x64xf32, #tpu.memory_space<hbm>> -> memref<80x64xf32, #tpu.memory_space<hbm>>
      %dma_wait3A_73 = arith.constant 0 : i32
      %dma_wait3A_74 = tpu.memref_slice %arg11[%add3A_56, %dma_wait3A_73] : memref<10240x64xf32, #tpu.memory_space<vmem_shared>> -> memref<80x64xf32, #tpu.memory_space<vmem_shared>>
      tpu.wait_dma2 semaphore(%run_scoped3A : memref<!tpu.dma_semaphore, #tpu.memory_space<semaphore_mem>>) src(%dma_wait3A_74 : memref<80x64xf32, #tpu.memory_space<vmem_shared>>) dst(%dma_wait3A_72 : memref<80x64xf32, #tpu.memory_space<hbm>>)
      tpu.yield
    }) : () -> ()
    %add3A_59 = arith.constant 480 : i32
    %add3A_60 = arith.addi %mul3A_2, %add3A_59 : i32
    %add3A_61 = arith.constant 480 : i32
    %add3A_62 = arith.addi %mul3A_2, %add3A_61 : i32
    "tpu.region"() ({
      %run_scoped3A = tpu.sem_alloc : memref<!tpu.dma_semaphore, #tpu.memory_space<semaphore_mem>>
      %dma_start3A = arith.constant 0 : i32
      %dma_start3A_67 = tpu.memref_slice %arg6[%arg0, %add3A_62, %dma_start3A] : memref<2x10240x64xf32, #tpu.memory_space<hbm>> -> memref<1x80x64xf32, #tpu.memory_space<hbm>>
      %dma_start3A_68 = tpu.memref_squeeze %dma_start3A_67 : memref<1x80x64xf32, #tpu.memory_space<hbm>> -> memref<80x64xf32, #tpu.memory_space<hbm>>
      %dma_start3A_69 = arith.constant 0 : i32
      %dma_start3A_70 = tpu.memref_slice %arg11[%add3A_60, %dma_start3A_69] : memref<10240x64xf32, #tpu.memory_space<vmem_shared>> -> memref<80x64xf32, #tpu.memory_space<vmem_shared>>
      tpu.enqueue_dma source(%dma_start3A_70 : memref<80x64xf32, #tpu.memory_space<vmem_shared>>) target(%dma_start3A_68 : memref<80x64xf32, #tpu.memory_space<hbm>>) target_semaphore(%run_scoped3A : memref<!tpu.dma_semaphore, #tpu.memory_space<semaphore_mem>>)
      %dma_wait3A = arith.constant 0 : i32
      %dma_wait3A_71 = tpu.memref_slice %arg6[%arg0, %add3A_62, %dma_wait3A] : memref<2x10240x64xf32, #tpu.memory_space<hbm>> -> memref<1x80x64xf32, #tpu.memory_space<hbm>>
      %dma_wait3A_72 = tpu.memref_squeeze %dma_wait3A_71 : memref<1x80x64xf32, #tpu.memory_space<hbm>> -> memref<80x64xf32, #tpu.memory_space<hbm>>
      %dma_wait3A_73 = arith.constant 0 : i32
      %dma_wait3A_74 = tpu.memref_slice %arg11[%add3A_60, %dma_wait3A_73] : memref<10240x64xf32, #tpu.memory_space<vmem_shared>> -> memref<80x64xf32, #tpu.memory_space<vmem_shared>>
      tpu.wait_dma2 semaphore(%run_scoped3A : memref<!tpu.dma_semaphore, #tpu.memory_space<semaphore_mem>>) src(%dma_wait3A_74 : memref<80x64xf32, #tpu.memory_space<vmem_shared>>) dst(%dma_wait3A_72 : memref<80x64xf32, #tpu.memory_space<hbm>>)
      tpu.yield
    }) : () -> ()
    %add3A_63 = arith.constant 560 : i32
    %add3A_64 = arith.addi %mul3A_2, %add3A_63 : i32
    %add3A_65 = arith.constant 560 : i32
    %add3A_66 = arith.addi %mul3A_2, %add3A_65 : i32
    "tpu.region"() ({
      %run_scoped3A = tpu.sem_alloc : memref<!tpu.dma_semaphore, #tpu.memory_space<semaphore_mem>>
      %dma_start3A = arith.constant 0 : i32
      %dma_start3A_67 = tpu.memref_slice %arg6[%arg0, %add3A_66, %dma_start3A] : memref<2x10240x64xf32, #tpu.memory_space<hbm>> -> memref<1x80x64xf32, #tpu.memory_space<hbm>>
      %dma_start3A_68 = tpu.memref_squeeze %dma_start3A_67 : memref<1x80x64xf32, #tpu.memory_space<hbm>> -> memref<80x64xf32, #tpu.memory_space<hbm>>
      %dma_start3A_69 = arith.constant 0 : i32
      %dma_start3A_70 = tpu.memref_slice %arg11[%add3A_64, %dma_start3A_69] : memref<10240x64xf32, #tpu.memory_space<vmem_shared>> -> memref<80x64xf32, #tpu.memory_space<vmem_shared>>
      tpu.enqueue_dma source(%dma_start3A_70 : memref<80x64xf32, #tpu.memory_space<vmem_shared>>) target(%dma_start3A_68 : memref<80x64xf32, #tpu.memory_space<hbm>>) target_semaphore(%run_scoped3A : memref<!tpu.dma_semaphore, #tpu.memory_space<semaphore_mem>>)
      %dma_wait3A = arith.constant 0 : i32
      %dma_wait3A_71 = tpu.memref_slice %arg6[%arg0, %add3A_66, %dma_wait3A] : memref<2x10240x64xf32, #tpu.memory_space<hbm>> -> memref<1x80x64xf32, #tpu.memory_space<hbm>>
      %dma_wait3A_72 = tpu.memref_squeeze %dma_wait3A_71 : memref<1x80x64xf32, #tpu.memory_space<hbm>> -> memref<80x64xf32, #tpu.memory_space<hbm>>
      %dma_wait3A_73 = arith.constant 0 : i32
      %dma_wait3A_74 = tpu.memref_slice %arg11[%add3A_64, %dma_wait3A_73] : memref<10240x64xf32, #tpu.memory_space<vmem_shared>> -> memref<80x64xf32, #tpu.memory_space<vmem_shared>>
      tpu.wait_dma2 semaphore(%run_scoped3A : memref<!tpu.dma_semaphore, #tpu.memory_space<semaphore_mem>>) src(%dma_wait3A_74 : memref<80x64xf32, #tpu.memory_space<vmem_shared>>) dst(%dma_wait3A_72 : memref<80x64xf32, #tpu.memory_space<hbm>>)
      tpu.yield
    }) : () -> ()
    return
  }
}

#map = affine_map<(d0, d1) -> (0, 0)>
#map1 = affine_map<(d0, d1) -> (0)>
#map2 = affine_map<(d0, d1) -> (0, 0, 0)>
module attributes {stable_mosaic.version = 14 : i64} {
  func.func @k(%arg0: i32, %arg1: i32, %arg2: memref<10240x32xf32, #tpu.memory_space<hbm>>, %arg3: memref<320000xi32, #tpu.memory_space<hbm>>, %arg4: memref<320000xi32, #tpu.memory_space<hbm>>, %arg5: memref<320000xf32, #tpu.memory_space<hbm>>, %arg6: memref<2x10240x32xf32, #tpu.memory_space<hbm>>, %arg7: memref<80xi32, #tpu.memory_space<vmem>>, %arg8: memref<80xi32, #tpu.memory_space<vmem>>, %arg9: memref<96xf32, #tpu.memory_space<vmem>>, %arg10: memref<80x32xf32, #tpu.memory_space<vmem>>, %arg11: memref<10240x32xf32, #tpu.memory_space<vmem_shared>>, %arg12: memref<!tpu.dma_semaphore, #tpu.memory_space<semaphore_mem>>) attributes {dimension_semantics = [#tpu.dimension_semantics<core_parallel>, #tpu.dimension_semantics<subcore_parallel>], iteration_bounds = array<i64: 2, 16>, scalar_prefetch = 0 : i64, scratch_operands = 6 : i64, tpu.core_type = #tpu.core_type<sc_vector_subcore>, window_params = [{transform_indices = #map}, {transform_indices = #map1}, {transform_indices = #map1}, {transform_indices = #map1}, {transform_indices = #map2}]} {
    %mul3A = arith.constant 2 : i32
    %mul3A_0 = arith.muli %arg1, %mul3A : i32
    %add3A = arith.addi %mul3A_0, %arg0 : i32
    %mul3A_1 = arith.constant 640 : i32
    %mul3A_2 = arith.muli %arg1, %mul3A_1 : i32
    %scan3A = arith.constant 0 : i32
    %scan3A_3 = arith.constant 0 : i32
    %scan3A_4 = arith.constant 80 : i32
    %scan3A_5 = arith.addi %scan3A_3, %scan3A_4 : i32
    %scan3A_6 = arith.constant 1 : i32
    %scan3A_7 = scf.for %scan3A_67 = %scan3A_3 to %scan3A_5 step %scan3A_6 iter_args(%scan3A_68 = %scan3A) -> (i32)  : i32 {
      %scan3A_69 = arith.constant 0 : i32
      %scan3A_70 = arith.constant 0 : i32
      %scan3A_71 = arith.constant 2 : i32
      %scan3A_72 = arith.addi %scan3A_70, %scan3A_71 : i32
      %scan3A_73 = arith.constant 1 : i32
      %scan3A_74 = scf.for %scan3A_77 = %scan3A_70 to %scan3A_72 step %scan3A_73 iter_args(%scan3A_78 = %scan3A_69) -> (i32)  : i32 {
        %broadcast_in_dim3A = arith.constant 0.000000e+00 : f32
        %broadcast_in_dim3A_79 = vector.broadcast %broadcast_in_dim3A : f32 to vector<16xf32>
        %mul3A_80 = arith.constant 16 : i32
        %mul3A_81 = arith.muli %scan3A_77, %mul3A_80 : i32
        %swap3A = arith.index_cast %scan3A_67 : i32 to index
        %swap3A_82 = arith.index_cast %mul3A_81 : i32 to index
        %swap3A_83 = tpu.vector_load %arg10[%swap3A, %swap3A_82] {strides = array<i32>} : memref<80x32xf32, #tpu.memory_space<vmem>>, vector<1x16xf32>,
        %swap3A_84 = vector.shape_cast %swap3A_83 : vector<1x16xf32> to vector<16xf32>
        %swap3A_85 = vector.shape_cast %broadcast_in_dim3A_79 : vector<16xf32> to vector<1x16xf32>
        tpu.vector_store %arg10[%swap3A, %swap3A_82], %swap3A_85 {strides = array<i32>} : memref<80x32xf32, #tpu.memory_space<vmem>>, vector<1x16xf32>,
        %scan3A_86 = arith.constant 0 : i32
        scf.yield %scan3A_86 : i32
      }
      %scan3A_75 = arith.constant 2 : i32
      %scan3A_76 = arith.constant 0 : i32
      scf.yield %scan3A_76 : i32
    }
    %scan3A_8 = arith.constant 80 : i32
    %add3A_9 = arith.constant 0 : i32
    %add3A_10 = arith.addi %mul3A_2, %add3A_9 : i32
    "tpu.region"() ({
      %run_scoped3A = tpu.sem_alloc : memref<!tpu.dma_semaphore, #tpu.memory_space<semaphore_mem>>
      %dma_start3A = arith.constant 0 : i32
      %dma_start3A_67 = tpu.memref_slice %arg11[%add3A_10, %dma_start3A] : memref<10240x32xf32, #tpu.memory_space<vmem_shared>> -> memref<80x32xf32, #tpu.memory_space<vmem_shared>>
      %dma_start3A_68 = arith.constant 0 : i32
      %dma_start3A_69 = tpu.memref_slice %arg11[%add3A_10, %dma_start3A_68] : memref<10240x32xf32, #tpu.memory_space<vmem_shared>> -> memref<80x32xf32, #tpu.memory_space<vmem_shared>>
      tpu.enqueue_dma source(%arg10 : memref<80x32xf32, #tpu.memory_space<vmem>>) target(%dma_start3A_69 : memref<80x32xf32, #tpu.memory_space<vmem_shared>>) target_semaphore(%run_scoped3A : memref<!tpu.dma_semaphore, #tpu.memory_space<semaphore_mem>>)
      %dma_wait3A = arith.constant 0 : i32
      %dma_wait3A_70 = tpu.memref_slice %arg11[%add3A_10, %dma_wait3A] : memref<10240x32xf32, #tpu.memory_space<vmem_shared>> -> memref<80x32xf32, #tpu.memory_space<vmem_shared>>
      %dma_wait3A_71 = arith.constant 0 : i32
      %dma_wait3A_72 = tpu.memref_slice %arg11[%add3A_10, %dma_wait3A_71] : memref<10240x32xf32, #tpu.memory_space<vmem_shared>> -> memref<80x32xf32, #tpu.memory_space<vmem_shared>>
      tpu.wait_dma2 semaphore(%run_scoped3A : memref<!tpu.dma_semaphore, #tpu.memory_space<semaphore_mem>>) src(%arg10 : memref<80x32xf32, #tpu.memory_space<vmem>>) dst(%dma_wait3A_72 : memref<80x32xf32, #tpu.memory_space<vmem_shared>>)
      tpu.yield
    }) : () -> ()
    %add3A_11 = arith.constant 80 : i32
    %add3A_12 = arith.addi %mul3A_2, %add3A_11 : i32
    "tpu.region"() ({
      %run_scoped3A = tpu.sem_alloc : memref<!tpu.dma_semaphore, #tpu.memory_space<semaphore_mem>>
      %dma_start3A = arith.constant 0 : i32
      %dma_start3A_67 = tpu.memref_slice %arg11[%add3A_12, %dma_start3A] : memref<10240x32xf32, #tpu.memory_space<vmem_shared>> -> memref<80x32xf32, #tpu.memory_space<vmem_shared>>
      %dma_start3A_68 = arith.constant 0 : i32
      %dma_start3A_69 = tpu.memref_slice %arg11[%add3A_12, %dma_start3A_68] : memref<10240x32xf32, #tpu.memory_space<vmem_shared>> -> memref<80x32xf32, #tpu.memory_space<vmem_shared>>
      tpu.enqueue_dma source(%arg10 : memref<80x32xf32, #tpu.memory_space<vmem>>) target(%dma_start3A_69 : memref<80x32xf32, #tpu.memory_space<vmem_shared>>) target_semaphore(%run_scoped3A : memref<!tpu.dma_semaphore, #tpu.memory_space<semaphore_mem>>)
      %dma_wait3A = arith.constant 0 : i32
      %dma_wait3A_70 = tpu.memref_slice %arg11[%add3A_12, %dma_wait3A] : memref<10240x32xf32, #tpu.memory_space<vmem_shared>> -> memref<80x32xf32, #tpu.memory_space<vmem_shared>>
      %dma_wait3A_71 = arith.constant 0 : i32
      %dma_wait3A_72 = tpu.memref_slice %arg11[%add3A_12, %dma_wait3A_71] : memref<10240x32xf32, #tpu.memory_space<vmem_shared>> -> memref<80x32xf32, #tpu.memory_space<vmem_shared>>
      tpu.wait_dma2 semaphore(%run_scoped3A : memref<!tpu.dma_semaphore, #tpu.memory_space<semaphore_mem>>) src(%arg10 : memref<80x32xf32, #tpu.memory_space<vmem>>) dst(%dma_wait3A_72 : memref<80x32xf32, #tpu.memory_space<vmem_shared>>)
      tpu.yield
    }) : () -> ()
    %add3A_13 = arith.constant 160 : i32
    %add3A_14 = arith.addi %mul3A_2, %add3A_13 : i32
    "tpu.region"() ({
      %run_scoped3A = tpu.sem_alloc : memref<!tpu.dma_semaphore, #tpu.memory_space<semaphore_mem>>
      %dma_start3A = arith.constant 0 : i32
      %dma_start3A_67 = tpu.memref_slice %arg11[%add3A_14, %dma_start3A] : memref<10240x32xf32, #tpu.memory_space<vmem_shared>> -> memref<80x32xf32, #tpu.memory_space<vmem_shared>>
      %dma_start3A_68 = arith.constant 0 : i32
      %dma_start3A_69 = tpu.memref_slice %arg11[%add3A_14, %dma_start3A_68] : memref<10240x32xf32, #tpu.memory_space<vmem_shared>> -> memref<80x32xf32, #tpu.memory_space<vmem_shared>>
      tpu.enqueue_dma source(%arg10 : memref<80x32xf32, #tpu.memory_space<vmem>>) target(%dma_start3A_69 : memref<80x32xf32, #tpu.memory_space<vmem_shared>>) target_semaphore(%run_scoped3A : memref<!tpu.dma_semaphore, #tpu.memory_space<semaphore_mem>>)
      %dma_wait3A = arith.constant 0 : i32
      %dma_wait3A_70 = tpu.memref_slice %arg11[%add3A_14, %dma_wait3A] : memref<10240x32xf32, #tpu.memory_space<vmem_shared>> -> memref<80x32xf32, #tpu.memory_space<vmem_shared>>
      %dma_wait3A_71 = arith.constant 0 : i32
      %dma_wait3A_72 = tpu.memref_slice %arg11[%add3A_14, %dma_wait3A_71] : memref<10240x32xf32, #tpu.memory_space<vmem_shared>> -> memref<80x32xf32, #tpu.memory_space<vmem_shared>>
      tpu.wait_dma2 semaphore(%run_scoped3A : memref<!tpu.dma_semaphore, #tpu.memory_space<semaphore_mem>>) src(%arg10 : memref<80x32xf32, #tpu.memory_space<vmem>>) dst(%dma_wait3A_72 : memref<80x32xf32, #tpu.memory_space<vmem_shared>>)
      tpu.yield
    }) : () -> ()
    %add3A_15 = arith.constant 240 : i32
    %add3A_16 = arith.addi %mul3A_2, %add3A_15 : i32
    "tpu.region"() ({
      %run_scoped3A = tpu.sem_alloc : memref<!tpu.dma_semaphore, #tpu.memory_space<semaphore_mem>>
      %dma_start3A = arith.constant 0 : i32
      %dma_start3A_67 = tpu.memref_slice %arg11[%add3A_16, %dma_start3A] : memref<10240x32xf32, #tpu.memory_space<vmem_shared>> -> memref<80x32xf32, #tpu.memory_space<vmem_shared>>
      %dma_start3A_68 = arith.constant 0 : i32
      %dma_start3A_69 = tpu.memref_slice %arg11[%add3A_16, %dma_start3A_68] : memref<10240x32xf32, #tpu.memory_space<vmem_shared>> -> memref<80x32xf32, #tpu.memory_space<vmem_shared>>
      tpu.enqueue_dma source(%arg10 : memref<80x32xf32, #tpu.memory_space<vmem>>) target(%dma_start3A_69 : memref<80x32xf32, #tpu.memory_space<vmem_shared>>) target_semaphore(%run_scoped3A : memref<!tpu.dma_semaphore, #tpu.memory_space<semaphore_mem>>)
      %dma_wait3A = arith.constant 0 : i32
      %dma_wait3A_70 = tpu.memref_slice %arg11[%add3A_16, %dma_wait3A] : memref<10240x32xf32, #tpu.memory_space<vmem_shared>> -> memref<80x32xf32, #tpu.memory_space<vmem_shared>>
      %dma_wait3A_71 = arith.constant 0 : i32
      %dma_wait3A_72 = tpu.memref_slice %arg11[%add3A_16, %dma_wait3A_71] : memref<10240x32xf32, #tpu.memory_space<vmem_shared>> -> memref<80x32xf32, #tpu.memory_space<vmem_shared>>
      tpu.wait_dma2 semaphore(%run_scoped3A : memref<!tpu.dma_semaphore, #tpu.memory_space<semaphore_mem>>) src(%arg10 : memref<80x32xf32, #tpu.memory_space<vmem>>) dst(%dma_wait3A_72 : memref<80x32xf32, #tpu.memory_space<vmem_shared>>)
      tpu.yield
    }) : () -> ()
    %add3A_17 = arith.constant 320 : i32
    %add3A_18 = arith.addi %mul3A_2, %add3A_17 : i32
    "tpu.region"() ({
      %run_scoped3A = tpu.sem_alloc : memref<!tpu.dma_semaphore, #tpu.memory_space<semaphore_mem>>
      %dma_start3A = arith.constant 0 : i32
      %dma_start3A_67 = tpu.memref_slice %arg11[%add3A_18, %dma_start3A] : memref<10240x32xf32, #tpu.memory_space<vmem_shared>> -> memref<80x32xf32, #tpu.memory_space<vmem_shared>>
      %dma_start3A_68 = arith.constant 0 : i32
      %dma_start3A_69 = tpu.memref_slice %arg11[%add3A_18, %dma_start3A_68] : memref<10240x32xf32, #tpu.memory_space<vmem_shared>> -> memref<80x32xf32, #tpu.memory_space<vmem_shared>>
      tpu.enqueue_dma source(%arg10 : memref<80x32xf32, #tpu.memory_space<vmem>>) target(%dma_start3A_69 : memref<80x32xf32, #tpu.memory_space<vmem_shared>>) target_semaphore(%run_scoped3A : memref<!tpu.dma_semaphore, #tpu.memory_space<semaphore_mem>>)
      %dma_wait3A = arith.constant 0 : i32
      %dma_wait3A_70 = tpu.memref_slice %arg11[%add3A_18, %dma_wait3A] : memref<10240x32xf32, #tpu.memory_space<vmem_shared>> -> memref<80x32xf32, #tpu.memory_space<vmem_shared>>
      %dma_wait3A_71 = arith.constant 0 : i32
      %dma_wait3A_72 = tpu.memref_slice %arg11[%add3A_18, %dma_wait3A_71] : memref<10240x32xf32, #tpu.memory_space<vmem_shared>> -> memref<80x32xf32, #tpu.memory_space<vmem_shared>>
      tpu.wait_dma2 semaphore(%run_scoped3A : memref<!tpu.dma_semaphore, #tpu.memory_space<semaphore_mem>>) src(%arg10 : memref<80x32xf32, #tpu.memory_space<vmem>>) dst(%dma_wait3A_72 : memref<80x32xf32, #tpu.memory_space<vmem_shared>>)
      tpu.yield
    }) : () -> ()
    %add3A_19 = arith.constant 400 : i32
    %add3A_20 = arith.addi %mul3A_2, %add3A_19 : i32
    "tpu.region"() ({
      %run_scoped3A = tpu.sem_alloc : memref<!tpu.dma_semaphore, #tpu.memory_space<semaphore_mem>>
      %dma_start3A = arith.constant 0 : i32
      %dma_start3A_67 = tpu.memref_slice %arg11[%add3A_20, %dma_start3A] : memref<10240x32xf32, #tpu.memory_space<vmem_shared>> -> memref<80x32xf32, #tpu.memory_space<vmem_shared>>
      %dma_start3A_68 = arith.constant 0 : i32
      %dma_start3A_69 = tpu.memref_slice %arg11[%add3A_20, %dma_start3A_68] : memref<10240x32xf32, #tpu.memory_space<vmem_shared>> -> memref<80x32xf32, #tpu.memory_space<vmem_shared>>
      tpu.enqueue_dma source(%arg10 : memref<80x32xf32, #tpu.memory_space<vmem>>) target(%dma_start3A_69 : memref<80x32xf32, #tpu.memory_space<vmem_shared>>) target_semaphore(%run_scoped3A : memref<!tpu.dma_semaphore, #tpu.memory_space<semaphore_mem>>)
      %dma_wait3A = arith.constant 0 : i32
      %dma_wait3A_70 = tpu.memref_slice %arg11[%add3A_20, %dma_wait3A] : memref<10240x32xf32, #tpu.memory_space<vmem_shared>> -> memref<80x32xf32, #tpu.memory_space<vmem_shared>>
      %dma_wait3A_71 = arith.constant 0 : i32
      %dma_wait3A_72 = tpu.memref_slice %arg11[%add3A_20, %dma_wait3A_71] : memref<10240x32xf32, #tpu.memory_space<vmem_shared>> -> memref<80x32xf32, #tpu.memory_space<vmem_shared>>
      tpu.wait_dma2 semaphore(%run_scoped3A : memref<!tpu.dma_semaphore, #tpu.memory_space<semaphore_mem>>) src(%arg10 : memref<80x32xf32, #tpu.memory_space<vmem>>) dst(%dma_wait3A_72 : memref<80x32xf32, #tpu.memory_space<vmem_shared>>)
      tpu.yield
    }) : () -> ()
    %add3A_21 = arith.constant 480 : i32
    %add3A_22 = arith.addi %mul3A_2, %add3A_21 : i32
    "tpu.region"() ({
      %run_scoped3A = tpu.sem_alloc : memref<!tpu.dma_semaphore, #tpu.memory_space<semaphore_mem>>
      %dma_start3A = arith.constant 0 : i32
      %dma_start3A_67 = tpu.memref_slice %arg11[%add3A_22, %dma_start3A] : memref<10240x32xf32, #tpu.memory_space<vmem_shared>> -> memref<80x32xf32, #tpu.memory_space<vmem_shared>>
      %dma_start3A_68 = arith.constant 0 : i32
      %dma_start3A_69 = tpu.memref_slice %arg11[%add3A_22, %dma_start3A_68] : memref<10240x32xf32, #tpu.memory_space<vmem_shared>> -> memref<80x32xf32, #tpu.memory_space<vmem_shared>>
      tpu.enqueue_dma source(%arg10 : memref<80x32xf32, #tpu.memory_space<vmem>>) target(%dma_start3A_69 : memref<80x32xf32, #tpu.memory_space<vmem_shared>>) target_semaphore(%run_scoped3A : memref<!tpu.dma_semaphore, #tpu.memory_space<semaphore_mem>>)
      %dma_wait3A = arith.constant 0 : i32
      %dma_wait3A_70 = tpu.memref_slice %arg11[%add3A_22, %dma_wait3A] : memref<10240x32xf32, #tpu.memory_space<vmem_shared>> -> memref<80x32xf32, #tpu.memory_space<vmem_shared>>
      %dma_wait3A_71 = arith.constant 0 : i32
      %dma_wait3A_72 = tpu.memref_slice %arg11[%add3A_22, %dma_wait3A_71] : memref<10240x32xf32, #tpu.memory_space<vmem_shared>> -> memref<80x32xf32, #tpu.memory_space<vmem_shared>>
      tpu.wait_dma2 semaphore(%run_scoped3A : memref<!tpu.dma_semaphore, #tpu.memory_space<semaphore_mem>>) src(%arg10 : memref<80x32xf32, #tpu.memory_space<vmem>>) dst(%dma_wait3A_72 : memref<80x32xf32, #tpu.memory_space<vmem_shared>>)
      tpu.yield
    }) : () -> ()
    %add3A_23 = arith.constant 560 : i32
    %add3A_24 = arith.addi %mul3A_2, %add3A_23 : i32
    "tpu.region"() ({
      %run_scoped3A = tpu.sem_alloc : memref<!tpu.dma_semaphore, #tpu.memory_space<semaphore_mem>>
      %dma_start3A = arith.constant 0 : i32
      %dma_start3A_67 = tpu.memref_slice %arg11[%add3A_24, %dma_start3A] : memref<10240x32xf32, #tpu.memory_space<vmem_shared>> -> memref<80x32xf32, #tpu.memory_space<vmem_shared>>
      %dma_start3A_68 = arith.constant 0 : i32
      %dma_start3A_69 = tpu.memref_slice %arg11[%add3A_24, %dma_start3A_68] : memref<10240x32xf32, #tpu.memory_space<vmem_shared>> -> memref<80x32xf32, #tpu.memory_space<vmem_shared>>
      tpu.enqueue_dma source(%arg10 : memref<80x32xf32, #tpu.memory_space<vmem>>) target(%dma_start3A_69 : memref<80x32xf32, #tpu.memory_space<vmem_shared>>) target_semaphore(%run_scoped3A : memref<!tpu.dma_semaphore, #tpu.memory_space<semaphore_mem>>)
      %dma_wait3A = arith.constant 0 : i32
      %dma_wait3A_70 = tpu.memref_slice %arg11[%add3A_24, %dma_wait3A] : memref<10240x32xf32, #tpu.memory_space<vmem_shared>> -> memref<80x32xf32, #tpu.memory_space<vmem_shared>>
      %dma_wait3A_71 = arith.constant 0 : i32
      %dma_wait3A_72 = tpu.memref_slice %arg11[%add3A_24, %dma_wait3A_71] : memref<10240x32xf32, #tpu.memory_space<vmem_shared>> -> memref<80x32xf32, #tpu.memory_space<vmem_shared>>
      tpu.wait_dma2 semaphore(%run_scoped3A : memref<!tpu.dma_semaphore, #tpu.memory_space<semaphore_mem>>) src(%arg10 : memref<80x32xf32, #tpu.memory_space<vmem>>) dst(%dma_wait3A_72 : memref<80x32xf32, #tpu.memory_space<vmem_shared>>)
      tpu.yield
    }) : () -> ()
    %barrier3A = arith.constant 0 : index
    tpu.barrier barrier_id(%barrier3A)
    %mul3A_25 = arith.constant 10000 : i32
    %mul3A_26 = arith.muli %add3A, %mul3A_25 : i32
    %scan3A_27 = arith.constant 0 : i32
    %scan3A_28 = arith.constant 0 : i32
    %scan3A_29 = arith.constant 125 : i32
    %scan3A_30 = arith.addi %scan3A_28, %scan3A_29 : i32
    %scan3A_31 = arith.constant 1 : i32
    %scan3A_32 = scf.for %scan3A_67 = %scan3A_28 to %scan3A_30 step %scan3A_31 iter_args(%scan3A_68 = %scan3A_27) -> (i32)  : i32 {
      %mul3A_69 = arith.constant 80 : i32
      %mul3A_70 = arith.muli %scan3A_67, %mul3A_69 : i32
      %add3A_71 = arith.addi %mul3A_26, %mul3A_70 : i32
      "tpu.region"() ({
        %run_scoped3A = tpu.sem_alloc : memref<!tpu.dma_semaphore, #tpu.memory_space<semaphore_mem>>
        %dma_start3A_84 = tpu.memref_slice %arg3[%add3A_71] : memref<320000xi32, #tpu.memory_space<hbm>> -> memref<80xi32, #tpu.memory_space<hbm>>
        %dma_start3A_85 = tpu.memref_slice %arg3[%add3A_71] : memref<320000xi32, #tpu.memory_space<hbm>> -> memref<80xi32, #tpu.memory_space<hbm>>
        tpu.enqueue_dma source(%dma_start3A_85 : memref<80xi32, #tpu.memory_space<hbm>>) target(%arg7 : memref<80xi32, #tpu.memory_space<vmem>>) target_semaphore(%run_scoped3A : memref<!tpu.dma_semaphore, #tpu.memory_space<semaphore_mem>>)
        %dma_wait3A_86 = tpu.memref_slice %arg3[%add3A_71] : memref<320000xi32, #tpu.memory_space<hbm>> -> memref<80xi32, #tpu.memory_space<hbm>>
        %dma_wait3A_87 = tpu.memref_slice %arg3[%add3A_71] : memref<320000xi32, #tpu.memory_space<hbm>> -> memref<80xi32, #tpu.memory_space<hbm>>
        tpu.wait_dma2 semaphore(%run_scoped3A : memref<!tpu.dma_semaphore, #tpu.memory_space<semaphore_mem>>) src(%dma_wait3A_87 : memref<80xi32, #tpu.memory_space<hbm>>) dst(%arg7 : memref<80xi32, #tpu.memory_space<vmem>>)
        tpu.yield
      }) : () -> ()
      "tpu.region"() ({
        %run_scoped3A = tpu.sem_alloc : memref<!tpu.dma_semaphore, #tpu.memory_space<semaphore_mem>>
        %dma_start3A_84 = tpu.memref_slice %arg4[%add3A_71] : memref<320000xi32, #tpu.memory_space<hbm>> -> memref<80xi32, #tpu.memory_space<hbm>>
        %dma_start3A_85 = tpu.memref_slice %arg4[%add3A_71] : memref<320000xi32, #tpu.memory_space<hbm>> -> memref<80xi32, #tpu.memory_space<hbm>>
        tpu.enqueue_dma source(%dma_start3A_85 : memref<80xi32, #tpu.memory_space<hbm>>) target(%arg8 : memref<80xi32, #tpu.memory_space<vmem>>) target_semaphore(%run_scoped3A : memref<!tpu.dma_semaphore, #tpu.memory_space<semaphore_mem>>)
        %dma_wait3A_86 = tpu.memref_slice %arg4[%add3A_71] : memref<320000xi32, #tpu.memory_space<hbm>> -> memref<80xi32, #tpu.memory_space<hbm>>
        %dma_wait3A_87 = tpu.memref_slice %arg4[%add3A_71] : memref<320000xi32, #tpu.memory_space<hbm>> -> memref<80xi32, #tpu.memory_space<hbm>>
        tpu.wait_dma2 semaphore(%run_scoped3A : memref<!tpu.dma_semaphore, #tpu.memory_space<semaphore_mem>>) src(%dma_wait3A_87 : memref<80xi32, #tpu.memory_space<hbm>>) dst(%arg8 : memref<80xi32, #tpu.memory_space<vmem>>)
        tpu.yield
      }) : () -> ()
      "tpu.region"() ({
        %run_scoped3A = tpu.sem_alloc : memref<!tpu.dma_semaphore, #tpu.memory_space<semaphore_mem>>
        %dma_start3A_84 = arith.constant 0 : i32
        %dma_start3A_85 = tpu.memref_slice %arg9[%dma_start3A_84] : memref<96xf32, #tpu.memory_space<vmem>> -> memref<80xf32, #tpu.memory_space<vmem>>
        %dma_start3A_86 = tpu.memref_slice %arg5[%add3A_71] : memref<320000xf32, #tpu.memory_space<hbm>> -> memref<80xf32, #tpu.memory_space<hbm>>
        %dma_start3A_87 = arith.constant 0 : i32
        %dma_start3A_88 = tpu.memref_slice %arg9[%dma_start3A_87] : memref<96xf32, #tpu.memory_space<vmem>> -> memref<80xf32, #tpu.memory_space<vmem>>
        %dma_start3A_89 = tpu.memref_slice %arg5[%add3A_71] : memref<320000xf32, #tpu.memory_space<hbm>> -> memref<80xf32, #tpu.memory_space<hbm>>
        tpu.enqueue_dma source(%dma_start3A_89 : memref<80xf32, #tpu.memory_space<hbm>>) target(%dma_start3A_88 : memref<80xf32, #tpu.memory_space<vmem>>) target_semaphore(%run_scoped3A : memref<!tpu.dma_semaphore, #tpu.memory_space<semaphore_mem>>)
        %dma_wait3A_90 = arith.constant 0 : i32
        %dma_wait3A_91 = tpu.memref_slice %arg9[%dma_wait3A_90] : memref<96xf32, #tpu.memory_space<vmem>> -> memref<80xf32, #tpu.memory_space<vmem>>
        %dma_wait3A_92 = tpu.memref_slice %arg5[%add3A_71] : memref<320000xf32, #tpu.memory_space<hbm>> -> memref<80xf32, #tpu.memory_space<hbm>>
        %dma_wait3A_93 = arith.constant 0 : i32
        %dma_wait3A_94 = tpu.memref_slice %arg9[%dma_wait3A_93] : memref<96xf32, #tpu.memory_space<vmem>> -> memref<80xf32, #tpu.memory_space<vmem>>
        %dma_wait3A_95 = tpu.memref_slice %arg5[%add3A_71] : memref<320000xf32, #tpu.memory_space<hbm>> -> memref<80xf32, #tpu.memory_space<hbm>>
        tpu.wait_dma2 semaphore(%run_scoped3A : memref<!tpu.dma_semaphore, #tpu.memory_space<semaphore_mem>>) src(%dma_wait3A_95 : memref<80xf32, #tpu.memory_space<hbm>>) dst(%dma_wait3A_94 : memref<80xf32, #tpu.memory_space<vmem>>)
        tpu.yield
      }) : () -> ()
      %dma_start3A = arith.constant 0 : i32
      %dma_start3A_72 = arith.constant 0 : i32
      %dma_start3A_73 = tpu.memref_slice %arg2[%dma_start3A, %dma_start3A_72] : memref<10240x32xf32, #tpu.memory_space<hbm>> -> memref<10240x32xf32, #tpu.memory_space<hbm>>
      tpu.enqueue_indirect_dma source(%dma_start3A_73 : memref<10240x32xf32, #tpu.memory_space<hbm>>) target(%arg10 : memref<80x32xf32, #tpu.memory_space<vmem>>) offsets(%arg7 : memref<80xi32, #tpu.memory_space<vmem>>) semaphore(%arg12 : memref<!tpu.dma_semaphore, #tpu.memory_space<semaphore_mem>>)
      %dma_wait3A = arith.constant 0 : i32
      %dma_wait3A_74 = arith.constant 0 : i32
      %dma_wait3A_75 = tpu.memref_slice %arg2[%dma_wait3A, %dma_wait3A_74] : memref<10240x32xf32, #tpu.memory_space<hbm>> -> memref<10240x32xf32, #tpu.memory_space<hbm>>
      tpu.wait_indirect_dma semaphore(%arg12 : memref<!tpu.dma_semaphore, #tpu.memory_space<semaphore_mem>>) src(%dma_wait3A_75 : memref<10240x32xf32, #tpu.memory_space<hbm>>) dst(%arg10 : memref<80x32xf32, #tpu.memory_space<vmem>>)
      %scan3A_76 = arith.constant 0 : i32
      %scan3A_77 = arith.constant 0 : i32
      %scan3A_78 = arith.constant 80 : i32
      %scan3A_79 = arith.addi %scan3A_77, %scan3A_78 : i32
      %scan3A_80 = arith.constant 1 : i32
      %scan3A_81 = scf.for %scan3A_84 = %scan3A_77 to %scan3A_79 step %scan3A_80 iter_args(%scan3A_85 = %scan3A_76) -> (i32)  : i32 {
        %get3A = arith.index_cast %scan3A_84 : i32 to index
        %get3A_86 = tpu.vector_load %arg9[%get3A] {strides = array<i32>} : memref<96xf32, #tpu.memory_space<vmem>>, vector<16xf32>,
        %get3A_87 = vector.shape_cast %get3A_86 : vector<16xf32> to vector<16xf32>
        %slice3A = vector.extract_strided_slice %get3A_87 {offsets = [0], sizes = [1], strides = [1]} : vector<16xf32> to vector<1xf32>
        %squeeze3A = vector.extract %slice3A[0] : f32 from vector<1xf32>
        %broadcast_in_dim3A = vector.broadcast %squeeze3A : f32 to vector<16xf32>
        %get3A_88 = arith.index_cast %scan3A_84 : i32 to index
        %get3A_89 = arith.constant 0 : index
        %get3A_90 = tpu.vector_load %arg10[%get3A_88, %get3A_89] {strides = array<i32>} : memref<80x32xf32, #tpu.memory_space<vmem>>, vector<1x16xf32>,
        %get3A_91 = vector.shape_cast %get3A_90 : vector<1x16xf32> to vector<16xf32>
        %mul3A_92 = arith.mulf %get3A_91, %broadcast_in_dim3A : vector<16xf32>
        %swap3A = arith.index_cast %scan3A_84 : i32 to index
        %swap3A_93 = arith.constant 0 : index
        %swap3A_94 = tpu.vector_load %arg10[%swap3A, %swap3A_93] {strides = array<i32>} : memref<80x32xf32, #tpu.memory_space<vmem>>, vector<1x16xf32>,
        %swap3A_95 = vector.shape_cast %swap3A_94 : vector<1x16xf32> to vector<16xf32>
        %swap3A_96 = vector.shape_cast %mul3A_92 : vector<16xf32> to vector<1x16xf32>
        tpu.vector_store %arg10[%swap3A, %swap3A_93], %swap3A_96 {strides = array<i32>} : memref<80x32xf32, #tpu.memory_space<vmem>>, vector<1x16xf32>,
        %get3A_97 = arith.index_cast %scan3A_84 : i32 to index
        %get3A_98 = arith.constant 16 : index
        %get3A_99 = tpu.vector_load %arg10[%get3A_97, %get3A_98] {strides = array<i32>} : memref<80x32xf32, #tpu.memory_space<vmem>>, vector<1x16xf32>,
        %get3A_100 = vector.shape_cast %get3A_99 : vector<1x16xf32> to vector<16xf32>
        %mul3A_101 = arith.mulf %get3A_100, %broadcast_in_dim3A : vector<16xf32>
        %swap3A_102 = arith.index_cast %scan3A_84 : i32 to index
        %swap3A_103 = arith.constant 16 : index
        %swap3A_104 = tpu.vector_load %arg10[%swap3A_102, %swap3A_103] {strides = array<i32>} : memref<80x32xf32, #tpu.memory_space<vmem>>, vector<1x16xf32>,
        %swap3A_105 = vector.shape_cast %swap3A_104 : vector<1x16xf32> to vector<16xf32>
        %swap3A_106 = vector.shape_cast %mul3A_101 : vector<16xf32> to vector<1x16xf32>
        tpu.vector_store %arg10[%swap3A_102, %swap3A_103], %swap3A_106 {strides = array<i32>} : memref<80x32xf32, #tpu.memory_space<vmem>>, vector<1x16xf32>,
        %scan3A_107 = arith.constant 0 : i32
        scf.yield %scan3A_107 : i32
      }
      %scan3A_82 = arith.constant 80 : i32
      "tpu.region"() ({
        %run_scoped3A = tpu.sem_alloc : memref<!tpu.dma_semaphore, #tpu.memory_space<semaphore_mem>>
        %dma_start3A_84 = arith.constant 0 : i32
        %dma_start3A_85 = arith.constant 0 : i32
        %dma_start3A_86 = tpu.memref_slice %arg11[%dma_start3A_84, %dma_start3A_85] : memref<10240x32xf32, #tpu.memory_space<vmem_shared>> -> memref<10240x32xf32, #tpu.memory_space<vmem_shared>>
        tpu.enqueue_indirect_dma source(%arg10 : memref<80x32xf32, #tpu.memory_space<vmem>>) target(%dma_start3A_86 : memref<10240x32xf32, #tpu.memory_space<vmem_shared>>) offsets(%arg8 : memref<80xi32, #tpu.memory_space<vmem>>) semaphore(%run_scoped3A : memref<!tpu.dma_semaphore, #tpu.memory_space<semaphore_mem>>) {add = true}
        %dma_wait3A_87 = arith.constant 0 : i32
        %dma_wait3A_88 = arith.constant 0 : i32
        %dma_wait3A_89 = tpu.memref_slice %arg11[%dma_wait3A_87, %dma_wait3A_88] : memref<10240x32xf32, #tpu.memory_space<vmem_shared>> -> memref<10240x32xf32, #tpu.memory_space<vmem_shared>>
        tpu.wait_indirect_dma semaphore(%run_scoped3A : memref<!tpu.dma_semaphore, #tpu.memory_space<semaphore_mem>>) src(%arg10 : memref<80x32xf32, #tpu.memory_space<vmem>>) dst(%dma_wait3A_89 : memref<10240x32xf32, #tpu.memory_space<vmem_shared>>)
        tpu.yield
      }) : () -> ()
      %scan3A_83 = arith.constant 0 : i32
      scf.yield %scan3A_83 : i32
    }
    %scan3A_33 = arith.constant 125 : i32
    %barrier3A_34 = arith.constant 0 : index
    tpu.barrier barrier_id(%barrier3A_34)
    %add3A_35 = arith.constant 0 : i32
    %add3A_36 = arith.addi %mul3A_2, %add3A_35 : i32
    %add3A_37 = arith.constant 0 : i32
    %add3A_38 = arith.addi %mul3A_2, %add3A_37 : i32
    "tpu.region"() ({
      %run_scoped3A = tpu.sem_alloc : memref<!tpu.dma_semaphore, #tpu.memory_space<semaphore_mem>>
      %dma_start3A = arith.constant 0 : i32
      %dma_start3A_67 = tpu.memref_slice %arg6[%arg0, %add3A_38, %dma_start3A] : memref<2x10240x32xf32, #tpu.memory_space<hbm>> -> memref<1x80x32xf32, #tpu.memory_space<hbm>>
      %dma_start3A_68 = tpu.memref_squeeze %dma_start3A_67 : memref<1x80x32xf32, #tpu.memory_space<hbm>> -> memref<80x32xf32, #tpu.memory_space<hbm>>
      %dma_start3A_69 = arith.constant 0 : i32
      %dma_start3A_70 = tpu.memref_slice %arg11[%add3A_36, %dma_start3A_69] : memref<10240x32xf32, #tpu.memory_space<vmem_shared>> -> memref<80x32xf32, #tpu.memory_space<vmem_shared>>
      tpu.enqueue_dma source(%dma_start3A_70 : memref<80x32xf32, #tpu.memory_space<vmem_shared>>) target(%dma_start3A_68 : memref<80x32xf32, #tpu.memory_space<hbm>>) target_semaphore(%run_scoped3A : memref<!tpu.dma_semaphore, #tpu.memory_space<semaphore_mem>>)
      %dma_wait3A = arith.constant 0 : i32
      %dma_wait3A_71 = tpu.memref_slice %arg6[%arg0, %add3A_38, %dma_wait3A] : memref<2x10240x32xf32, #tpu.memory_space<hbm>> -> memref<1x80x32xf32, #tpu.memory_space<hbm>>
      %dma_wait3A_72 = tpu.memref_squeeze %dma_wait3A_71 : memref<1x80x32xf32, #tpu.memory_space<hbm>> -> memref<80x32xf32, #tpu.memory_space<hbm>>
      %dma_wait3A_73 = arith.constant 0 : i32
      %dma_wait3A_74 = tpu.memref_slice %arg11[%add3A_36, %dma_wait3A_73] : memref<10240x32xf32, #tpu.memory_space<vmem_shared>> -> memref<80x32xf32, #tpu.memory_space<vmem_shared>>
      tpu.wait_dma2 semaphore(%run_scoped3A : memref<!tpu.dma_semaphore, #tpu.memory_space<semaphore_mem>>) src(%dma_wait3A_74 : memref<80x32xf32, #tpu.memory_space<vmem_shared>>) dst(%dma_wait3A_72 : memref<80x32xf32, #tpu.memory_space<hbm>>)
      tpu.yield
    }) : () -> ()
    %add3A_39 = arith.constant 80 : i32
    %add3A_40 = arith.addi %mul3A_2, %add3A_39 : i32
    %add3A_41 = arith.constant 80 : i32
    %add3A_42 = arith.addi %mul3A_2, %add3A_41 : i32
    "tpu.region"() ({
      %run_scoped3A = tpu.sem_alloc : memref<!tpu.dma_semaphore, #tpu.memory_space<semaphore_mem>>
      %dma_start3A = arith.constant 0 : i32
      %dma_start3A_67 = tpu.memref_slice %arg6[%arg0, %add3A_42, %dma_start3A] : memref<2x10240x32xf32, #tpu.memory_space<hbm>> -> memref<1x80x32xf32, #tpu.memory_space<hbm>>
      %dma_start3A_68 = tpu.memref_squeeze %dma_start3A_67 : memref<1x80x32xf32, #tpu.memory_space<hbm>> -> memref<80x32xf32, #tpu.memory_space<hbm>>
      %dma_start3A_69 = arith.constant 0 : i32
      %dma_start3A_70 = tpu.memref_slice %arg11[%add3A_40, %dma_start3A_69] : memref<10240x32xf32, #tpu.memory_space<vmem_shared>> -> memref<80x32xf32, #tpu.memory_space<vmem_shared>>
      tpu.enqueue_dma source(%dma_start3A_70 : memref<80x32xf32, #tpu.memory_space<vmem_shared>>) target(%dma_start3A_68 : memref<80x32xf32, #tpu.memory_space<hbm>>) target_semaphore(%run_scoped3A : memref<!tpu.dma_semaphore, #tpu.memory_space<semaphore_mem>>)
      %dma_wait3A = arith.constant 0 : i32
      %dma_wait3A_71 = tpu.memref_slice %arg6[%arg0, %add3A_42, %dma_wait3A] : memref<2x10240x32xf32, #tpu.memory_space<hbm>> -> memref<1x80x32xf32, #tpu.memory_space<hbm>>
      %dma_wait3A_72 = tpu.memref_squeeze %dma_wait3A_71 : memref<1x80x32xf32, #tpu.memory_space<hbm>> -> memref<80x32xf32, #tpu.memory_space<hbm>>
      %dma_wait3A_73 = arith.constant 0 : i32
      %dma_wait3A_74 = tpu.memref_slice %arg11[%add3A_40, %dma_wait3A_73] : memref<10240x32xf32, #tpu.memory_space<vmem_shared>> -> memref<80x32xf32, #tpu.memory_space<vmem_shared>>
      tpu.wait_dma2 semaphore(%run_scoped3A : memref<!tpu.dma_semaphore, #tpu.memory_space<semaphore_mem>>) src(%dma_wait3A_74 : memref<80x32xf32, #tpu.memory_space<vmem_shared>>) dst(%dma_wait3A_72 : memref<80x32xf32, #tpu.memory_space<hbm>>)
      tpu.yield
    }) : () -> ()
    %add3A_43 = arith.constant 160 : i32
    %add3A_44 = arith.addi %mul3A_2, %add3A_43 : i32
    %add3A_45 = arith.constant 160 : i32
    %add3A_46 = arith.addi %mul3A_2, %add3A_45 : i32
    "tpu.region"() ({
      %run_scoped3A = tpu.sem_alloc : memref<!tpu.dma_semaphore, #tpu.memory_space<semaphore_mem>>
      %dma_start3A = arith.constant 0 : i32
      %dma_start3A_67 = tpu.memref_slice %arg6[%arg0, %add3A_46, %dma_start3A] : memref<2x10240x32xf32, #tpu.memory_space<hbm>> -> memref<1x80x32xf32, #tpu.memory_space<hbm>>
      %dma_start3A_68 = tpu.memref_squeeze %dma_start3A_67 : memref<1x80x32xf32, #tpu.memory_space<hbm>> -> memref<80x32xf32, #tpu.memory_space<hbm>>
      %dma_start3A_69 = arith.constant 0 : i32
      %dma_start3A_70 = tpu.memref_slice %arg11[%add3A_44, %dma_start3A_69] : memref<10240x32xf32, #tpu.memory_space<vmem_shared>> -> memref<80x32xf32, #tpu.memory_space<vmem_shared>>
      tpu.enqueue_dma source(%dma_start3A_70 : memref<80x32xf32, #tpu.memory_space<vmem_shared>>) target(%dma_start3A_68 : memref<80x32xf32, #tpu.memory_space<hbm>>) target_semaphore(%run_scoped3A : memref<!tpu.dma_semaphore, #tpu.memory_space<semaphore_mem>>)
      %dma_wait3A = arith.constant 0 : i32
      %dma_wait3A_71 = tpu.memref_slice %arg6[%arg0, %add3A_46, %dma_wait3A] : memref<2x10240x32xf32, #tpu.memory_space<hbm>> -> memref<1x80x32xf32, #tpu.memory_space<hbm>>
      %dma_wait3A_72 = tpu.memref_squeeze %dma_wait3A_71 : memref<1x80x32xf32, #tpu.memory_space<hbm>> -> memref<80x32xf32, #tpu.memory_space<hbm>>
      %dma_wait3A_73 = arith.constant 0 : i32
      %dma_wait3A_74 = tpu.memref_slice %arg11[%add3A_44, %dma_wait3A_73] : memref<10240x32xf32, #tpu.memory_space<vmem_shared>> -> memref<80x32xf32, #tpu.memory_space<vmem_shared>>
      tpu.wait_dma2 semaphore(%run_scoped3A : memref<!tpu.dma_semaphore, #tpu.memory_space<semaphore_mem>>) src(%dma_wait3A_74 : memref<80x32xf32, #tpu.memory_space<vmem_shared>>) dst(%dma_wait3A_72 : memref<80x32xf32, #tpu.memory_space<hbm>>)
      tpu.yield
    }) : () -> ()
    %add3A_47 = arith.constant 240 : i32
    %add3A_48 = arith.addi %mul3A_2, %add3A_47 : i32
    %add3A_49 = arith.constant 240 : i32
    %add3A_50 = arith.addi %mul3A_2, %add3A_49 : i32
    "tpu.region"() ({
      %run_scoped3A = tpu.sem_alloc : memref<!tpu.dma_semaphore, #tpu.memory_space<semaphore_mem>>
      %dma_start3A = arith.constant 0 : i32
      %dma_start3A_67 = tpu.memref_slice %arg6[%arg0, %add3A_50, %dma_start3A] : memref<2x10240x32xf32, #tpu.memory_space<hbm>> -> memref<1x80x32xf32, #tpu.memory_space<hbm>>
      %dma_start3A_68 = tpu.memref_squeeze %dma_start3A_67 : memref<1x80x32xf32, #tpu.memory_space<hbm>> -> memref<80x32xf32, #tpu.memory_space<hbm>>
      %dma_start3A_69 = arith.constant 0 : i32
      %dma_start3A_70 = tpu.memref_slice %arg11[%add3A_48, %dma_start3A_69] : memref<10240x32xf32, #tpu.memory_space<vmem_shared>> -> memref<80x32xf32, #tpu.memory_space<vmem_shared>>
      tpu.enqueue_dma source(%dma_start3A_70 : memref<80x32xf32, #tpu.memory_space<vmem_shared>>) target(%dma_start3A_68 : memref<80x32xf32, #tpu.memory_space<hbm>>) target_semaphore(%run_scoped3A : memref<!tpu.dma_semaphore, #tpu.memory_space<semaphore_mem>>)
      %dma_wait3A = arith.constant 0 : i32
      %dma_wait3A_71 = tpu.memref_slice %arg6[%arg0, %add3A_50, %dma_wait3A] : memref<2x10240x32xf32, #tpu.memory_space<hbm>> -> memref<1x80x32xf32, #tpu.memory_space<hbm>>
      %dma_wait3A_72 = tpu.memref_squeeze %dma_wait3A_71 : memref<1x80x32xf32, #tpu.memory_space<hbm>> -> memref<80x32xf32, #tpu.memory_space<hbm>>
      %dma_wait3A_73 = arith.constant 0 : i32
      %dma_wait3A_74 = tpu.memref_slice %arg11[%add3A_48, %dma_wait3A_73] : memref<10240x32xf32, #tpu.memory_space<vmem_shared>> -> memref<80x32xf32, #tpu.memory_space<vmem_shared>>
      tpu.wait_dma2 semaphore(%run_scoped3A : memref<!tpu.dma_semaphore, #tpu.memory_space<semaphore_mem>>) src(%dma_wait3A_74 : memref<80x32xf32, #tpu.memory_space<vmem_shared>>) dst(%dma_wait3A_72 : memref<80x32xf32, #tpu.memory_space<hbm>>)
      tpu.yield
    }) : () -> ()
    %add3A_51 = arith.constant 320 : i32
    %add3A_52 = arith.addi %mul3A_2, %add3A_51 : i32
    %add3A_53 = arith.constant 320 : i32
    %add3A_54 = arith.addi %mul3A_2, %add3A_53 : i32
    "tpu.region"() ({
      %run_scoped3A = tpu.sem_alloc : memref<!tpu.dma_semaphore, #tpu.memory_space<semaphore_mem>>
      %dma_start3A = arith.constant 0 : i32
      %dma_start3A_67 = tpu.memref_slice %arg6[%arg0, %add3A_54, %dma_start3A] : memref<2x10240x32xf32, #tpu.memory_space<hbm>> -> memref<1x80x32xf32, #tpu.memory_space<hbm>>
      %dma_start3A_68 = tpu.memref_squeeze %dma_start3A_67 : memref<1x80x32xf32, #tpu.memory_space<hbm>> -> memref<80x32xf32, #tpu.memory_space<hbm>>
      %dma_start3A_69 = arith.constant 0 : i32
      %dma_start3A_70 = tpu.memref_slice %arg11[%add3A_52, %dma_start3A_69] : memref<10240x32xf32, #tpu.memory_space<vmem_shared>> -> memref<80x32xf32, #tpu.memory_space<vmem_shared>>
      tpu.enqueue_dma source(%dma_start3A_70 : memref<80x32xf32, #tpu.memory_space<vmem_shared>>) target(%dma_start3A_68 : memref<80x32xf32, #tpu.memory_space<hbm>>) target_semaphore(%run_scoped3A : memref<!tpu.dma_semaphore, #tpu.memory_space<semaphore_mem>>)
      %dma_wait3A = arith.constant 0 : i32
      %dma_wait3A_71 = tpu.memref_slice %arg6[%arg0, %add3A_54, %dma_wait3A] : memref<2x10240x32xf32, #tpu.memory_space<hbm>> -> memref<1x80x32xf32, #tpu.memory_space<hbm>>
      %dma_wait3A_72 = tpu.memref_squeeze %dma_wait3A_71 : memref<1x80x32xf32, #tpu.memory_space<hbm>> -> memref<80x32xf32, #tpu.memory_space<hbm>>
      %dma_wait3A_73 = arith.constant 0 : i32
      %dma_wait3A_74 = tpu.memref_slice %arg11[%add3A_52, %dma_wait3A_73] : memref<10240x32xf32, #tpu.memory_space<vmem_shared>> -> memref<80x32xf32, #tpu.memory_space<vmem_shared>>
      tpu.wait_dma2 semaphore(%run_scoped3A : memref<!tpu.dma_semaphore, #tpu.memory_space<semaphore_mem>>) src(%dma_wait3A_74 : memref<80x32xf32, #tpu.memory_space<vmem_shared>>) dst(%dma_wait3A_72 : memref<80x32xf32, #tpu.memory_space<hbm>>)
      tpu.yield
    }) : () -> ()
    %add3A_55 = arith.constant 400 : i32
    %add3A_56 = arith.addi %mul3A_2, %add3A_55 : i32
    %add3A_57 = arith.constant 400 : i32
    %add3A_58 = arith.addi %mul3A_2, %add3A_57 : i32
    "tpu.region"() ({
      %run_scoped3A = tpu.sem_alloc : memref<!tpu.dma_semaphore, #tpu.memory_space<semaphore_mem>>
      %dma_start3A = arith.constant 0 : i32
      %dma_start3A_67 = tpu.memref_slice %arg6[%arg0, %add3A_58, %dma_start3A] : memref<2x10240x32xf32, #tpu.memory_space<hbm>> -> memref<1x80x32xf32, #tpu.memory_space<hbm>>
      %dma_start3A_68 = tpu.memref_squeeze %dma_start3A_67 : memref<1x80x32xf32, #tpu.memory_space<hbm>> -> memref<80x32xf32, #tpu.memory_space<hbm>>
      %dma_start3A_69 = arith.constant 0 : i32
      %dma_start3A_70 = tpu.memref_slice %arg11[%add3A_56, %dma_start3A_69] : memref<10240x32xf32, #tpu.memory_space<vmem_shared>> -> memref<80x32xf32, #tpu.memory_space<vmem_shared>>
      tpu.enqueue_dma source(%dma_start3A_70 : memref<80x32xf32, #tpu.memory_space<vmem_shared>>) target(%dma_start3A_68 : memref<80x32xf32, #tpu.memory_space<hbm>>) target_semaphore(%run_scoped3A : memref<!tpu.dma_semaphore, #tpu.memory_space<semaphore_mem>>)
      %dma_wait3A = arith.constant 0 : i32
      %dma_wait3A_71 = tpu.memref_slice %arg6[%arg0, %add3A_58, %dma_wait3A] : memref<2x10240x32xf32, #tpu.memory_space<hbm>> -> memref<1x80x32xf32, #tpu.memory_space<hbm>>
      %dma_wait3A_72 = tpu.memref_squeeze %dma_wait3A_71 : memref<1x80x32xf32, #tpu.memory_space<hbm>> -> memref<80x32xf32, #tpu.memory_space<hbm>>
      %dma_wait3A_73 = arith.constant 0 : i32
      %dma_wait3A_74 = tpu.memref_slice %arg11[%add3A_56, %dma_wait3A_73] : memref<10240x32xf32, #tpu.memory_space<vmem_shared>> -> memref<80x32xf32, #tpu.memory_space<vmem_shared>>
      tpu.wait_dma2 semaphore(%run_scoped3A : memref<!tpu.dma_semaphore, #tpu.memory_space<semaphore_mem>>) src(%dma_wait3A_74 : memref<80x32xf32, #tpu.memory_space<vmem_shared>>) dst(%dma_wait3A_72 : memref<80x32xf32, #tpu.memory_space<hbm>>)
      tpu.yield
    }) : () -> ()
    %add3A_59 = arith.constant 480 : i32
    %add3A_60 = arith.addi %mul3A_2, %add3A_59 : i32
    %add3A_61 = arith.constant 480 : i32
    %add3A_62 = arith.addi %mul3A_2, %add3A_61 : i32
    "tpu.region"() ({
      %run_scoped3A = tpu.sem_alloc : memref<!tpu.dma_semaphore, #tpu.memory_space<semaphore_mem>>
      %dma_start3A = arith.constant 0 : i32
      %dma_start3A_67 = tpu.memref_slice %arg6[%arg0, %add3A_62, %dma_start3A] : memref<2x10240x32xf32, #tpu.memory_space<hbm>> -> memref<1x80x32xf32, #tpu.memory_space<hbm>>
      %dma_start3A_68 = tpu.memref_squeeze %dma_start3A_67 : memref<1x80x32xf32, #tpu.memory_space<hbm>> -> memref<80x32xf32, #tpu.memory_space<hbm>>
      %dma_start3A_69 = arith.constant 0 : i32
      %dma_start3A_70 = tpu.memref_slice %arg11[%add3A_60, %dma_start3A_69] : memref<10240x32xf32, #tpu.memory_space<vmem_shared>> -> memref<80x32xf32, #tpu.memory_space<vmem_shared>>
      tpu.enqueue_dma source(%dma_start3A_70 : memref<80x32xf32, #tpu.memory_space<vmem_shared>>) target(%dma_start3A_68 : memref<80x32xf32, #tpu.memory_space<hbm>>) target_semaphore(%run_scoped3A : memref<!tpu.dma_semaphore, #tpu.memory_space<semaphore_mem>>)
      %dma_wait3A = arith.constant 0 : i32
      %dma_wait3A_71 = tpu.memref_slice %arg6[%arg0, %add3A_62, %dma_wait3A] : memref<2x10240x32xf32, #tpu.memory_space<hbm>> -> memref<1x80x32xf32, #tpu.memory_space<hbm>>
      %dma_wait3A_72 = tpu.memref_squeeze %dma_wait3A_71 : memref<1x80x32xf32, #tpu.memory_space<hbm>> -> memref<80x32xf32, #tpu.memory_space<hbm>>
      %dma_wait3A_73 = arith.constant 0 : i32
      %dma_wait3A_74 = tpu.memref_slice %arg11[%add3A_60, %dma_wait3A_73] : memref<10240x32xf32, #tpu.memory_space<vmem_shared>> -> memref<80x32xf32, #tpu.memory_space<vmem_shared>>
      tpu.wait_dma2 semaphore(%run_scoped3A : memref<!tpu.dma_semaphore, #tpu.memory_space<semaphore_mem>>) src(%dma_wait3A_74 : memref<80x32xf32, #tpu.memory_space<vmem_shared>>) dst(%dma_wait3A_72 : memref<80x32xf32, #tpu.memory_space<hbm>>)
      tpu.yield
    }) : () -> ()
    %add3A_63 = arith.constant 560 : i32
    %add3A_64 = arith.addi %mul3A_2, %add3A_63 : i32
    %add3A_65 = arith.constant 560 : i32
    %add3A_66 = arith.addi %mul3A_2, %add3A_65 : i32
    "tpu.region"() ({
      %run_scoped3A = tpu.sem_alloc : memref<!tpu.dma_semaphore, #tpu.memory_space<semaphore_mem>>
      %dma_start3A = arith.constant 0 : i32
      %dma_start3A_67 = tpu.memref_slice %arg6[%arg0, %add3A_66, %dma_start3A] : memref<2x10240x32xf32, #tpu.memory_space<hbm>> -> memref<1x80x32xf32, #tpu.memory_space<hbm>>
      %dma_start3A_68 = tpu.memref_squeeze %dma_start3A_67 : memref<1x80x32xf32, #tpu.memory_space<hbm>> -> memref<80x32xf32, #tpu.memory_space<hbm>>
      %dma_start3A_69 = arith.constant 0 : i32
      %dma_start3A_70 = tpu.memref_slice %arg11[%add3A_64, %dma_start3A_69] : memref<10240x32xf32, #tpu.memory_space<vmem_shared>> -> memref<80x32xf32, #tpu.memory_space<vmem_shared>>
      tpu.enqueue_dma source(%dma_start3A_70 : memref<80x32xf32, #tpu.memory_space<vmem_shared>>) target(%dma_start3A_68 : memref<80x32xf32, #tpu.memory_space<hbm>>) target_semaphore(%run_scoped3A : memref<!tpu.dma_semaphore, #tpu.memory_space<semaphore_mem>>)
      %dma_wait3A = arith.constant 0 : i32
      %dma_wait3A_71 = tpu.memref_slice %arg6[%arg0, %add3A_66, %dma_wait3A] : memref<2x10240x32xf32, #tpu.memory_space<hbm>> -> memref<1x80x32xf32, #tpu.memory_space<hbm>>
      %dma_wait3A_72 = tpu.memref_squeeze %dma_wait3A_71 : memref<1x80x32xf32, #tpu.memory_space<hbm>> -> memref<80x32xf32, #tpu.memory_space<hbm>>
      %dma_wait3A_73 = arith.constant 0 : i32
      %dma_wait3A_74 = tpu.memref_slice %arg11[%add3A_64, %dma_wait3A_73] : memref<10240x32xf32, #tpu.memory_space<vmem_shared>> -> memref<80x32xf32, #tpu.memory_space<vmem_shared>>
      tpu.wait_dma2 semaphore(%run_scoped3A : memref<!tpu.dma_semaphore, #tpu.memory_space<semaphore_mem>>) src(%dma_wait3A_74 : memref<80x32xf32, #tpu.memory_space<vmem_shared>>) dst(%dma_wait3A_72 : memref<80x32xf32, #tpu.memory_space<hbm>>)
      tpu.yield
    }) : () -> ()
    return
  }
}

#map = affine_map<(d0, d1) -> (0, 0)>
#map1 = affine_map<(d0, d1) -> (0)>
#map2 = affine_map<(d0, d1) -> (0, 0, 0)>
module attributes {stable_mosaic.version = 14 : i64} {
  func.func @k(%arg0: i32, %arg1: i32, %arg2: memref<10240x32xf32, #tpu.memory_space<hbm>>, %arg3: memref<320000xi32, #tpu.memory_space<hbm>>, %arg4: memref<320000xi32, #tpu.memory_space<hbm>>, %arg5: memref<320000xf32, #tpu.memory_space<hbm>>, %arg6: memref<2x10240x32xf32, #tpu.memory_space<hbm>>, %arg7: memref<80xi32, #tpu.memory_space<vmem>>, %arg8: memref<80xi32, #tpu.memory_space<vmem>>, %arg9: memref<96xf32, #tpu.memory_space<vmem>>, %arg10: memref<80x32xf32, #tpu.memory_space<vmem>>, %arg11: memref<10240x32xf32, #tpu.memory_space<vmem_shared>>, %arg12: memref<!tpu.dma_semaphore, #tpu.memory_space<semaphore_mem>>) attributes {dimension_semantics = [#tpu.dimension_semantics<core_parallel>, #tpu.dimension_semantics<subcore_parallel>], iteration_bounds = array<i64: 2, 16>, scalar_prefetch = 0 : i64, scratch_operands = 6 : i64, tpu.core_type = #tpu.core_type<sc_vector_subcore>, window_params = [{transform_indices = #map}, {transform_indices = #map1}, {transform_indices = #map1}, {transform_indices = #map1}, {transform_indices = #map2}]} {
    %mul3A = arith.constant 2 : i32
    %mul3A_0 = arith.muli %arg1, %mul3A : i32
    %add3A = arith.addi %mul3A_0, %arg0 : i32
    %mul3A_1 = arith.constant 640 : i32
    %mul3A_2 = arith.muli %arg1, %mul3A_1 : i32
    %scan3A = arith.constant 0 : i32
    %scan3A_3 = arith.constant 0 : i32
    %scan3A_4 = arith.constant 80 : i32
    %scan3A_5 = arith.addi %scan3A_3, %scan3A_4 : i32
    %scan3A_6 = arith.constant 1 : i32
    %scan3A_7 = scf.for %scan3A_67 = %scan3A_3 to %scan3A_5 step %scan3A_6 iter_args(%scan3A_68 = %scan3A) -> (i32)  : i32 {
      %scan3A_69 = arith.constant 0 : i32
      %scan3A_70 = arith.constant 0 : i32
      %scan3A_71 = arith.constant 2 : i32
      %scan3A_72 = arith.addi %scan3A_70, %scan3A_71 : i32
      %scan3A_73 = arith.constant 1 : i32
      %scan3A_74 = scf.for %scan3A_77 = %scan3A_70 to %scan3A_72 step %scan3A_73 iter_args(%scan3A_78 = %scan3A_69) -> (i32)  : i32 {
        %broadcast_in_dim3A = arith.constant 0.000000e+00 : f32
        %broadcast_in_dim3A_79 = vector.broadcast %broadcast_in_dim3A : f32 to vector<16xf32>
        %mul3A_80 = arith.constant 16 : i32
        %mul3A_81 = arith.muli %scan3A_77, %mul3A_80 : i32
        %swap3A = arith.index_cast %scan3A_67 : i32 to index
        %swap3A_82 = arith.index_cast %mul3A_81 : i32 to index
        %swap3A_83 = tpu.vector_load %arg10[%swap3A, %swap3A_82] {strides = array<i32>} : memref<80x32xf32, #tpu.memory_space<vmem>>, vector<1x16xf32>,
        %swap3A_84 = vector.shape_cast %swap3A_83 : vector<1x16xf32> to vector<16xf32>
        %swap3A_85 = vector.shape_cast %broadcast_in_dim3A_79 : vector<16xf32> to vector<1x16xf32>
        tpu.vector_store %arg10[%swap3A, %swap3A_82], %swap3A_85 {strides = array<i32>} : memref<80x32xf32, #tpu.memory_space<vmem>>, vector<1x16xf32>,
        %scan3A_86 = arith.constant 0 : i32
        scf.yield %scan3A_86 : i32
      }
      %scan3A_75 = arith.constant 2 : i32
      %scan3A_76 = arith.constant 0 : i32
      scf.yield %scan3A_76 : i32
    }
    %scan3A_8 = arith.constant 80 : i32
    %add3A_9 = arith.constant 0 : i32
    %add3A_10 = arith.addi %mul3A_2, %add3A_9 : i32
    "tpu.region"() ({
      %run_scoped3A = tpu.sem_alloc : memref<!tpu.dma_semaphore, #tpu.memory_space<semaphore_mem>>
      %dma_start3A = arith.constant 0 : i32
      %dma_start3A_67 = tpu.memref_slice %arg11[%add3A_10, %dma_start3A] : memref<10240x32xf32, #tpu.memory_space<vmem_shared>> -> memref<80x32xf32, #tpu.memory_space<vmem_shared>>
      %dma_start3A_68 = arith.constant 0 : i32
      %dma_start3A_69 = tpu.memref_slice %arg11[%add3A_10, %dma_start3A_68] : memref<10240x32xf32, #tpu.memory_space<vmem_shared>> -> memref<80x32xf32, #tpu.memory_space<vmem_shared>>
      tpu.enqueue_dma source(%arg10 : memref<80x32xf32, #tpu.memory_space<vmem>>) target(%dma_start3A_69 : memref<80x32xf32, #tpu.memory_space<vmem_shared>>) target_semaphore(%run_scoped3A : memref<!tpu.dma_semaphore, #tpu.memory_space<semaphore_mem>>)
      %dma_wait3A = arith.constant 0 : i32
      %dma_wait3A_70 = tpu.memref_slice %arg11[%add3A_10, %dma_wait3A] : memref<10240x32xf32, #tpu.memory_space<vmem_shared>> -> memref<80x32xf32, #tpu.memory_space<vmem_shared>>
      %dma_wait3A_71 = arith.constant 0 : i32
      %dma_wait3A_72 = tpu.memref_slice %arg11[%add3A_10, %dma_wait3A_71] : memref<10240x32xf32, #tpu.memory_space<vmem_shared>> -> memref<80x32xf32, #tpu.memory_space<vmem_shared>>
      tpu.wait_dma2 semaphore(%run_scoped3A : memref<!tpu.dma_semaphore, #tpu.memory_space<semaphore_mem>>) src(%arg10 : memref<80x32xf32, #tpu.memory_space<vmem>>) dst(%dma_wait3A_72 : memref<80x32xf32, #tpu.memory_space<vmem_shared>>)
      tpu.yield
    }) : () -> ()
    %add3A_11 = arith.constant 80 : i32
    %add3A_12 = arith.addi %mul3A_2, %add3A_11 : i32
    "tpu.region"() ({
      %run_scoped3A = tpu.sem_alloc : memref<!tpu.dma_semaphore, #tpu.memory_space<semaphore_mem>>
      %dma_start3A = arith.constant 0 : i32
      %dma_start3A_67 = tpu.memref_slice %arg11[%add3A_12, %dma_start3A] : memref<10240x32xf32, #tpu.memory_space<vmem_shared>> -> memref<80x32xf32, #tpu.memory_space<vmem_shared>>
      %dma_start3A_68 = arith.constant 0 : i32
      %dma_start3A_69 = tpu.memref_slice %arg11[%add3A_12, %dma_start3A_68] : memref<10240x32xf32, #tpu.memory_space<vmem_shared>> -> memref<80x32xf32, #tpu.memory_space<vmem_shared>>
      tpu.enqueue_dma source(%arg10 : memref<80x32xf32, #tpu.memory_space<vmem>>) target(%dma_start3A_69 : memref<80x32xf32, #tpu.memory_space<vmem_shared>>) target_semaphore(%run_scoped3A : memref<!tpu.dma_semaphore, #tpu.memory_space<semaphore_mem>>)
      %dma_wait3A = arith.constant 0 : i32
      %dma_wait3A_70 = tpu.memref_slice %arg11[%add3A_12, %dma_wait3A] : memref<10240x32xf32, #tpu.memory_space<vmem_shared>> -> memref<80x32xf32, #tpu.memory_space<vmem_shared>>
      %dma_wait3A_71 = arith.constant 0 : i32
      %dma_wait3A_72 = tpu.memref_slice %arg11[%add3A_12, %dma_wait3A_71] : memref<10240x32xf32, #tpu.memory_space<vmem_shared>> -> memref<80x32xf32, #tpu.memory_space<vmem_shared>>
      tpu.wait_dma2 semaphore(%run_scoped3A : memref<!tpu.dma_semaphore, #tpu.memory_space<semaphore_mem>>) src(%arg10 : memref<80x32xf32, #tpu.memory_space<vmem>>) dst(%dma_wait3A_72 : memref<80x32xf32, #tpu.memory_space<vmem_shared>>)
      tpu.yield
    }) : () -> ()
    %add3A_13 = arith.constant 160 : i32
    %add3A_14 = arith.addi %mul3A_2, %add3A_13 : i32
    "tpu.region"() ({
      %run_scoped3A = tpu.sem_alloc : memref<!tpu.dma_semaphore, #tpu.memory_space<semaphore_mem>>
      %dma_start3A = arith.constant 0 : i32
      %dma_start3A_67 = tpu.memref_slice %arg11[%add3A_14, %dma_start3A] : memref<10240x32xf32, #tpu.memory_space<vmem_shared>> -> memref<80x32xf32, #tpu.memory_space<vmem_shared>>
      %dma_start3A_68 = arith.constant 0 : i32
      %dma_start3A_69 = tpu.memref_slice %arg11[%add3A_14, %dma_start3A_68] : memref<10240x32xf32, #tpu.memory_space<vmem_shared>> -> memref<80x32xf32, #tpu.memory_space<vmem_shared>>
      tpu.enqueue_dma source(%arg10 : memref<80x32xf32, #tpu.memory_space<vmem>>) target(%dma_start3A_69 : memref<80x32xf32, #tpu.memory_space<vmem_shared>>) target_semaphore(%run_scoped3A : memref<!tpu.dma_semaphore, #tpu.memory_space<semaphore_mem>>)
      %dma_wait3A = arith.constant 0 : i32
      %dma_wait3A_70 = tpu.memref_slice %arg11[%add3A_14, %dma_wait3A] : memref<10240x32xf32, #tpu.memory_space<vmem_shared>> -> memref<80x32xf32, #tpu.memory_space<vmem_shared>>
      %dma_wait3A_71 = arith.constant 0 : i32
      %dma_wait3A_72 = tpu.memref_slice %arg11[%add3A_14, %dma_wait3A_71] : memref<10240x32xf32, #tpu.memory_space<vmem_shared>> -> memref<80x32xf32, #tpu.memory_space<vmem_shared>>
      tpu.wait_dma2 semaphore(%run_scoped3A : memref<!tpu.dma_semaphore, #tpu.memory_space<semaphore_mem>>) src(%arg10 : memref<80x32xf32, #tpu.memory_space<vmem>>) dst(%dma_wait3A_72 : memref<80x32xf32, #tpu.memory_space<vmem_shared>>)
      tpu.yield
    }) : () -> ()
    %add3A_15 = arith.constant 240 : i32
    %add3A_16 = arith.addi %mul3A_2, %add3A_15 : i32
    "tpu.region"() ({
      %run_scoped3A = tpu.sem_alloc : memref<!tpu.dma_semaphore, #tpu.memory_space<semaphore_mem>>
      %dma_start3A = arith.constant 0 : i32
      %dma_start3A_67 = tpu.memref_slice %arg11[%add3A_16, %dma_start3A] : memref<10240x32xf32, #tpu.memory_space<vmem_shared>> -> memref<80x32xf32, #tpu.memory_space<vmem_shared>>
      %dma_start3A_68 = arith.constant 0 : i32
      %dma_start3A_69 = tpu.memref_slice %arg11[%add3A_16, %dma_start3A_68] : memref<10240x32xf32, #tpu.memory_space<vmem_shared>> -> memref<80x32xf32, #tpu.memory_space<vmem_shared>>
      tpu.enqueue_dma source(%arg10 : memref<80x32xf32, #tpu.memory_space<vmem>>) target(%dma_start3A_69 : memref<80x32xf32, #tpu.memory_space<vmem_shared>>) target_semaphore(%run_scoped3A : memref<!tpu.dma_semaphore, #tpu.memory_space<semaphore_mem>>)
      %dma_wait3A = arith.constant 0 : i32
      %dma_wait3A_70 = tpu.memref_slice %arg11[%add3A_16, %dma_wait3A] : memref<10240x32xf32, #tpu.memory_space<vmem_shared>> -> memref<80x32xf32, #tpu.memory_space<vmem_shared>>
      %dma_wait3A_71 = arith.constant 0 : i32
      %dma_wait3A_72 = tpu.memref_slice %arg11[%add3A_16, %dma_wait3A_71] : memref<10240x32xf32, #tpu.memory_space<vmem_shared>> -> memref<80x32xf32, #tpu.memory_space<vmem_shared>>
      tpu.wait_dma2 semaphore(%run_scoped3A : memref<!tpu.dma_semaphore, #tpu.memory_space<semaphore_mem>>) src(%arg10 : memref<80x32xf32, #tpu.memory_space<vmem>>) dst(%dma_wait3A_72 : memref<80x32xf32, #tpu.memory_space<vmem_shared>>)
      tpu.yield
    }) : () -> ()
    %add3A_17 = arith.constant 320 : i32
    %add3A_18 = arith.addi %mul3A_2, %add3A_17 : i32
    "tpu.region"() ({
      %run_scoped3A = tpu.sem_alloc : memref<!tpu.dma_semaphore, #tpu.memory_space<semaphore_mem>>
      %dma_start3A = arith.constant 0 : i32
      %dma_start3A_67 = tpu.memref_slice %arg11[%add3A_18, %dma_start3A] : memref<10240x32xf32, #tpu.memory_space<vmem_shared>> -> memref<80x32xf32, #tpu.memory_space<vmem_shared>>
      %dma_start3A_68 = arith.constant 0 : i32
      %dma_start3A_69 = tpu.memref_slice %arg11[%add3A_18, %dma_start3A_68] : memref<10240x32xf32, #tpu.memory_space<vmem_shared>> -> memref<80x32xf32, #tpu.memory_space<vmem_shared>>
      tpu.enqueue_dma source(%arg10 : memref<80x32xf32, #tpu.memory_space<vmem>>) target(%dma_start3A_69 : memref<80x32xf32, #tpu.memory_space<vmem_shared>>) target_semaphore(%run_scoped3A : memref<!tpu.dma_semaphore, #tpu.memory_space<semaphore_mem>>)
      %dma_wait3A = arith.constant 0 : i32
      %dma_wait3A_70 = tpu.memref_slice %arg11[%add3A_18, %dma_wait3A] : memref<10240x32xf32, #tpu.memory_space<vmem_shared>> -> memref<80x32xf32, #tpu.memory_space<vmem_shared>>
      %dma_wait3A_71 = arith.constant 0 : i32
      %dma_wait3A_72 = tpu.memref_slice %arg11[%add3A_18, %dma_wait3A_71] : memref<10240x32xf32, #tpu.memory_space<vmem_shared>> -> memref<80x32xf32, #tpu.memory_space<vmem_shared>>
      tpu.wait_dma2 semaphore(%run_scoped3A : memref<!tpu.dma_semaphore, #tpu.memory_space<semaphore_mem>>) src(%arg10 : memref<80x32xf32, #tpu.memory_space<vmem>>) dst(%dma_wait3A_72 : memref<80x32xf32, #tpu.memory_space<vmem_shared>>)
      tpu.yield
    }) : () -> ()
    %add3A_19 = arith.constant 400 : i32
    %add3A_20 = arith.addi %mul3A_2, %add3A_19 : i32
    "tpu.region"() ({
      %run_scoped3A = tpu.sem_alloc : memref<!tpu.dma_semaphore, #tpu.memory_space<semaphore_mem>>
      %dma_start3A = arith.constant 0 : i32
      %dma_start3A_67 = tpu.memref_slice %arg11[%add3A_20, %dma_start3A] : memref<10240x32xf32, #tpu.memory_space<vmem_shared>> -> memref<80x32xf32, #tpu.memory_space<vmem_shared>>
      %dma_start3A_68 = arith.constant 0 : i32
      %dma_start3A_69 = tpu.memref_slice %arg11[%add3A_20, %dma_start3A_68] : memref<10240x32xf32, #tpu.memory_space<vmem_shared>> -> memref<80x32xf32, #tpu.memory_space<vmem_shared>>
      tpu.enqueue_dma source(%arg10 : memref<80x32xf32, #tpu.memory_space<vmem>>) target(%dma_start3A_69 : memref<80x32xf32, #tpu.memory_space<vmem_shared>>) target_semaphore(%run_scoped3A : memref<!tpu.dma_semaphore, #tpu.memory_space<semaphore_mem>>)
      %dma_wait3A = arith.constant 0 : i32
      %dma_wait3A_70 = tpu.memref_slice %arg11[%add3A_20, %dma_wait3A] : memref<10240x32xf32, #tpu.memory_space<vmem_shared>> -> memref<80x32xf32, #tpu.memory_space<vmem_shared>>
      %dma_wait3A_71 = arith.constant 0 : i32
      %dma_wait3A_72 = tpu.memref_slice %arg11[%add3A_20, %dma_wait3A_71] : memref<10240x32xf32, #tpu.memory_space<vmem_shared>> -> memref<80x32xf32, #tpu.memory_space<vmem_shared>>
      tpu.wait_dma2 semaphore(%run_scoped3A : memref<!tpu.dma_semaphore, #tpu.memory_space<semaphore_mem>>) src(%arg10 : memref<80x32xf32, #tpu.memory_space<vmem>>) dst(%dma_wait3A_72 : memref<80x32xf32, #tpu.memory_space<vmem_shared>>)
      tpu.yield
    }) : () -> ()
    %add3A_21 = arith.constant 480 : i32
    %add3A_22 = arith.addi %mul3A_2, %add3A_21 : i32
    "tpu.region"() ({
      %run_scoped3A = tpu.sem_alloc : memref<!tpu.dma_semaphore, #tpu.memory_space<semaphore_mem>>
      %dma_start3A = arith.constant 0 : i32
      %dma_start3A_67 = tpu.memref_slice %arg11[%add3A_22, %dma_start3A] : memref<10240x32xf32, #tpu.memory_space<vmem_shared>> -> memref<80x32xf32, #tpu.memory_space<vmem_shared>>
      %dma_start3A_68 = arith.constant 0 : i32
      %dma_start3A_69 = tpu.memref_slice %arg11[%add3A_22, %dma_start3A_68] : memref<10240x32xf32, #tpu.memory_space<vmem_shared>> -> memref<80x32xf32, #tpu.memory_space<vmem_shared>>
      tpu.enqueue_dma source(%arg10 : memref<80x32xf32, #tpu.memory_space<vmem>>) target(%dma_start3A_69 : memref<80x32xf32, #tpu.memory_space<vmem_shared>>) target_semaphore(%run_scoped3A : memref<!tpu.dma_semaphore, #tpu.memory_space<semaphore_mem>>)
      %dma_wait3A = arith.constant 0 : i32
      %dma_wait3A_70 = tpu.memref_slice %arg11[%add3A_22, %dma_wait3A] : memref<10240x32xf32, #tpu.memory_space<vmem_shared>> -> memref<80x32xf32, #tpu.memory_space<vmem_shared>>
      %dma_wait3A_71 = arith.constant 0 : i32
      %dma_wait3A_72 = tpu.memref_slice %arg11[%add3A_22, %dma_wait3A_71] : memref<10240x32xf32, #tpu.memory_space<vmem_shared>> -> memref<80x32xf32, #tpu.memory_space<vmem_shared>>
      tpu.wait_dma2 semaphore(%run_scoped3A : memref<!tpu.dma_semaphore, #tpu.memory_space<semaphore_mem>>) src(%arg10 : memref<80x32xf32, #tpu.memory_space<vmem>>) dst(%dma_wait3A_72 : memref<80x32xf32, #tpu.memory_space<vmem_shared>>)
      tpu.yield
    }) : () -> ()
    %add3A_23 = arith.constant 560 : i32
    %add3A_24 = arith.addi %mul3A_2, %add3A_23 : i32
    "tpu.region"() ({
      %run_scoped3A = tpu.sem_alloc : memref<!tpu.dma_semaphore, #tpu.memory_space<semaphore_mem>>
      %dma_start3A = arith.constant 0 : i32
      %dma_start3A_67 = tpu.memref_slice %arg11[%add3A_24, %dma_start3A] : memref<10240x32xf32, #tpu.memory_space<vmem_shared>> -> memref<80x32xf32, #tpu.memory_space<vmem_shared>>
      %dma_start3A_68 = arith.constant 0 : i32
      %dma_start3A_69 = tpu.memref_slice %arg11[%add3A_24, %dma_start3A_68] : memref<10240x32xf32, #tpu.memory_space<vmem_shared>> -> memref<80x32xf32, #tpu.memory_space<vmem_shared>>
      tpu.enqueue_dma source(%arg10 : memref<80x32xf32, #tpu.memory_space<vmem>>) target(%dma_start3A_69 : memref<80x32xf32, #tpu.memory_space<vmem_shared>>) target_semaphore(%run_scoped3A : memref<!tpu.dma_semaphore, #tpu.memory_space<semaphore_mem>>)
      %dma_wait3A = arith.constant 0 : i32
      %dma_wait3A_70 = tpu.memref_slice %arg11[%add3A_24, %dma_wait3A] : memref<10240x32xf32, #tpu.memory_space<vmem_shared>> -> memref<80x32xf32, #tpu.memory_space<vmem_shared>>
      %dma_wait3A_71 = arith.constant 0 : i32
      %dma_wait3A_72 = tpu.memref_slice %arg11[%add3A_24, %dma_wait3A_71] : memref<10240x32xf32, #tpu.memory_space<vmem_shared>> -> memref<80x32xf32, #tpu.memory_space<vmem_shared>>
      tpu.wait_dma2 semaphore(%run_scoped3A : memref<!tpu.dma_semaphore, #tpu.memory_space<semaphore_mem>>) src(%arg10 : memref<80x32xf32, #tpu.memory_space<vmem>>) dst(%dma_wait3A_72 : memref<80x32xf32, #tpu.memory_space<vmem_shared>>)
      tpu.yield
    }) : () -> ()
    %barrier3A = arith.constant 0 : index
    tpu.barrier barrier_id(%barrier3A)
    %mul3A_25 = arith.constant 10000 : i32
    %mul3A_26 = arith.muli %add3A, %mul3A_25 : i32
    %scan3A_27 = arith.constant 0 : i32
    %scan3A_28 = arith.constant 0 : i32
    %scan3A_29 = arith.constant 125 : i32
    %scan3A_30 = arith.addi %scan3A_28, %scan3A_29 : i32
    %scan3A_31 = arith.constant 1 : i32
    %scan3A_32 = scf.for %scan3A_67 = %scan3A_28 to %scan3A_30 step %scan3A_31 iter_args(%scan3A_68 = %scan3A_27) -> (i32)  : i32 {
      %mul3A_69 = arith.constant 80 : i32
      %mul3A_70 = arith.muli %scan3A_67, %mul3A_69 : i32
      %add3A_71 = arith.addi %mul3A_26, %mul3A_70 : i32
      "tpu.region"() ({
        %run_scoped3A = tpu.sem_alloc : memref<!tpu.dma_semaphore, #tpu.memory_space<semaphore_mem>>
        %dma_start3A_84 = tpu.memref_slice %arg3[%add3A_71] : memref<320000xi32, #tpu.memory_space<hbm>> -> memref<80xi32, #tpu.memory_space<hbm>>
        %dma_start3A_85 = tpu.memref_slice %arg3[%add3A_71] : memref<320000xi32, #tpu.memory_space<hbm>> -> memref<80xi32, #tpu.memory_space<hbm>>
        tpu.enqueue_dma source(%dma_start3A_85 : memref<80xi32, #tpu.memory_space<hbm>>) target(%arg7 : memref<80xi32, #tpu.memory_space<vmem>>) target_semaphore(%run_scoped3A : memref<!tpu.dma_semaphore, #tpu.memory_space<semaphore_mem>>)
        %dma_wait3A_86 = tpu.memref_slice %arg3[%add3A_71] : memref<320000xi32, #tpu.memory_space<hbm>> -> memref<80xi32, #tpu.memory_space<hbm>>
        %dma_wait3A_87 = tpu.memref_slice %arg3[%add3A_71] : memref<320000xi32, #tpu.memory_space<hbm>> -> memref<80xi32, #tpu.memory_space<hbm>>
        tpu.wait_dma2 semaphore(%run_scoped3A : memref<!tpu.dma_semaphore, #tpu.memory_space<semaphore_mem>>) src(%dma_wait3A_87 : memref<80xi32, #tpu.memory_space<hbm>>) dst(%arg7 : memref<80xi32, #tpu.memory_space<vmem>>)
        tpu.yield
      }) : () -> ()
      "tpu.region"() ({
        %run_scoped3A = tpu.sem_alloc : memref<!tpu.dma_semaphore, #tpu.memory_space<semaphore_mem>>
        %dma_start3A_84 = tpu.memref_slice %arg4[%add3A_71] : memref<320000xi32, #tpu.memory_space<hbm>> -> memref<80xi32, #tpu.memory_space<hbm>>
        %dma_start3A_85 = tpu.memref_slice %arg4[%add3A_71] : memref<320000xi32, #tpu.memory_space<hbm>> -> memref<80xi32, #tpu.memory_space<hbm>>
        tpu.enqueue_dma source(%dma_start3A_85 : memref<80xi32, #tpu.memory_space<hbm>>) target(%arg8 : memref<80xi32, #tpu.memory_space<vmem>>) target_semaphore(%run_scoped3A : memref<!tpu.dma_semaphore, #tpu.memory_space<semaphore_mem>>)
        %dma_wait3A_86 = tpu.memref_slice %arg4[%add3A_71] : memref<320000xi32, #tpu.memory_space<hbm>> -> memref<80xi32, #tpu.memory_space<hbm>>
        %dma_wait3A_87 = tpu.memref_slice %arg4[%add3A_71] : memref<320000xi32, #tpu.memory_space<hbm>> -> memref<80xi32, #tpu.memory_space<hbm>>
        tpu.wait_dma2 semaphore(%run_scoped3A : memref<!tpu.dma_semaphore, #tpu.memory_space<semaphore_mem>>) src(%dma_wait3A_87 : memref<80xi32, #tpu.memory_space<hbm>>) dst(%arg8 : memref<80xi32, #tpu.memory_space<vmem>>)
        tpu.yield
      }) : () -> ()
      "tpu.region"() ({
        %run_scoped3A = tpu.sem_alloc : memref<!tpu.dma_semaphore, #tpu.memory_space<semaphore_mem>>
        %dma_start3A_84 = arith.constant 0 : i32
        %dma_start3A_85 = tpu.memref_slice %arg9[%dma_start3A_84] : memref<96xf32, #tpu.memory_space<vmem>> -> memref<80xf32, #tpu.memory_space<vmem>>
        %dma_start3A_86 = tpu.memref_slice %arg5[%add3A_71] : memref<320000xf32, #tpu.memory_space<hbm>> -> memref<80xf32, #tpu.memory_space<hbm>>
        %dma_start3A_87 = arith.constant 0 : i32
        %dma_start3A_88 = tpu.memref_slice %arg9[%dma_start3A_87] : memref<96xf32, #tpu.memory_space<vmem>> -> memref<80xf32, #tpu.memory_space<vmem>>
        %dma_start3A_89 = tpu.memref_slice %arg5[%add3A_71] : memref<320000xf32, #tpu.memory_space<hbm>> -> memref<80xf32, #tpu.memory_space<hbm>>
        tpu.enqueue_dma source(%dma_start3A_89 : memref<80xf32, #tpu.memory_space<hbm>>) target(%dma_start3A_88 : memref<80xf32, #tpu.memory_space<vmem>>) target_semaphore(%run_scoped3A : memref<!tpu.dma_semaphore, #tpu.memory_space<semaphore_mem>>)
        %dma_wait3A_90 = arith.constant 0 : i32
        %dma_wait3A_91 = tpu.memref_slice %arg9[%dma_wait3A_90] : memref<96xf32, #tpu.memory_space<vmem>> -> memref<80xf32, #tpu.memory_space<vmem>>
        %dma_wait3A_92 = tpu.memref_slice %arg5[%add3A_71] : memref<320000xf32, #tpu.memory_space<hbm>> -> memref<80xf32, #tpu.memory_space<hbm>>
        %dma_wait3A_93 = arith.constant 0 : i32
        %dma_wait3A_94 = tpu.memref_slice %arg9[%dma_wait3A_93] : memref<96xf32, #tpu.memory_space<vmem>> -> memref<80xf32, #tpu.memory_space<vmem>>
        %dma_wait3A_95 = tpu.memref_slice %arg5[%add3A_71] : memref<320000xf32, #tpu.memory_space<hbm>> -> memref<80xf32, #tpu.memory_space<hbm>>
        tpu.wait_dma2 semaphore(%run_scoped3A : memref<!tpu.dma_semaphore, #tpu.memory_space<semaphore_mem>>) src(%dma_wait3A_95 : memref<80xf32, #tpu.memory_space<hbm>>) dst(%dma_wait3A_94 : memref<80xf32, #tpu.memory_space<vmem>>)
        tpu.yield
      }) : () -> ()
      %dma_start3A = arith.constant 0 : i32
      %dma_start3A_72 = arith.constant 0 : i32
      %dma_start3A_73 = tpu.memref_slice %arg2[%dma_start3A, %dma_start3A_72] : memref<10240x32xf32, #tpu.memory_space<hbm>> -> memref<10240x32xf32, #tpu.memory_space<hbm>>
      tpu.enqueue_indirect_dma source(%dma_start3A_73 : memref<10240x32xf32, #tpu.memory_space<hbm>>) target(%arg10 : memref<80x32xf32, #tpu.memory_space<vmem>>) offsets(%arg7 : memref<80xi32, #tpu.memory_space<vmem>>) semaphore(%arg12 : memref<!tpu.dma_semaphore, #tpu.memory_space<semaphore_mem>>)
      %dma_wait3A = arith.constant 0 : i32
      %dma_wait3A_74 = arith.constant 0 : i32
      %dma_wait3A_75 = tpu.memref_slice %arg2[%dma_wait3A, %dma_wait3A_74] : memref<10240x32xf32, #tpu.memory_space<hbm>> -> memref<10240x32xf32, #tpu.memory_space<hbm>>
      tpu.wait_indirect_dma semaphore(%arg12 : memref<!tpu.dma_semaphore, #tpu.memory_space<semaphore_mem>>) src(%dma_wait3A_75 : memref<10240x32xf32, #tpu.memory_space<hbm>>) dst(%arg10 : memref<80x32xf32, #tpu.memory_space<vmem>>)
      %scan3A_76 = arith.constant 0 : i32
      %scan3A_77 = arith.constant 0 : i32
      %scan3A_78 = arith.constant 80 : i32
      %scan3A_79 = arith.addi %scan3A_77, %scan3A_78 : i32
      %scan3A_80 = arith.constant 1 : i32
      %scan3A_81 = scf.for %scan3A_84 = %scan3A_77 to %scan3A_79 step %scan3A_80 iter_args(%scan3A_85 = %scan3A_76) -> (i32)  : i32 {
        %get3A = arith.index_cast %scan3A_84 : i32 to index
        %get3A_86 = tpu.vector_load %arg9[%get3A] {strides = array<i32>} : memref<96xf32, #tpu.memory_space<vmem>>, vector<16xf32>,
        %get3A_87 = vector.shape_cast %get3A_86 : vector<16xf32> to vector<16xf32>
        %slice3A = vector.extract_strided_slice %get3A_87 {offsets = [0], sizes = [1], strides = [1]} : vector<16xf32> to vector<1xf32>
        %squeeze3A = vector.extract %slice3A[0] : f32 from vector<1xf32>
        %broadcast_in_dim3A = vector.broadcast %squeeze3A : f32 to vector<16xf32>
        %get3A_88 = arith.index_cast %scan3A_84 : i32 to index
        %get3A_89 = arith.constant 0 : index
        %get3A_90 = tpu.vector_load %arg10[%get3A_88, %get3A_89] {strides = array<i32>} : memref<80x32xf32, #tpu.memory_space<vmem>>, vector<1x16xf32>,
        %get3A_91 = vector.shape_cast %get3A_90 : vector<1x16xf32> to vector<16xf32>
        %mul3A_92 = arith.mulf %get3A_91, %broadcast_in_dim3A : vector<16xf32>
        %swap3A = arith.index_cast %scan3A_84 : i32 to index
        %swap3A_93 = arith.constant 0 : index
        %swap3A_94 = tpu.vector_load %arg10[%swap3A, %swap3A_93] {strides = array<i32>} : memref<80x32xf32, #tpu.memory_space<vmem>>, vector<1x16xf32>,
        %swap3A_95 = vector.shape_cast %swap3A_94 : vector<1x16xf32> to vector<16xf32>
        %swap3A_96 = vector.shape_cast %mul3A_92 : vector<16xf32> to vector<1x16xf32>
        tpu.vector_store %arg10[%swap3A, %swap3A_93], %swap3A_96 {strides = array<i32>} : memref<80x32xf32, #tpu.memory_space<vmem>>, vector<1x16xf32>,
        %get3A_97 = arith.index_cast %scan3A_84 : i32 to index
        %get3A_98 = arith.constant 16 : index
        %get3A_99 = tpu.vector_load %arg10[%get3A_97, %get3A_98] {strides = array<i32>} : memref<80x32xf32, #tpu.memory_space<vmem>>, vector<1x16xf32>,
        %get3A_100 = vector.shape_cast %get3A_99 : vector<1x16xf32> to vector<16xf32>
        %mul3A_101 = arith.mulf %get3A_100, %broadcast_in_dim3A : vector<16xf32>
        %swap3A_102 = arith.index_cast %scan3A_84 : i32 to index
        %swap3A_103 = arith.constant 16 : index
        %swap3A_104 = tpu.vector_load %arg10[%swap3A_102, %swap3A_103] {strides = array<i32>} : memref<80x32xf32, #tpu.memory_space<vmem>>, vector<1x16xf32>,
        %swap3A_105 = vector.shape_cast %swap3A_104 : vector<1x16xf32> to vector<16xf32>
        %swap3A_106 = vector.shape_cast %mul3A_101 : vector<16xf32> to vector<1x16xf32>
        tpu.vector_store %arg10[%swap3A_102, %swap3A_103], %swap3A_106 {strides = array<i32>} : memref<80x32xf32, #tpu.memory_space<vmem>>, vector<1x16xf32>,
        %scan3A_107 = arith.constant 0 : i32
        scf.yield %scan3A_107 : i32
      }
      %scan3A_82 = arith.constant 80 : i32
      "tpu.region"() ({
        %run_scoped3A = tpu.sem_alloc : memref<!tpu.dma_semaphore, #tpu.memory_space<semaphore_mem>>
        %dma_start3A_84 = arith.constant 0 : i32
        %dma_start3A_85 = arith.constant 0 : i32
        %dma_start3A_86 = tpu.memref_slice %arg11[%dma_start3A_84, %dma_start3A_85] : memref<10240x32xf32, #tpu.memory_space<vmem_shared>> -> memref<10240x32xf32, #tpu.memory_space<vmem_shared>>
        tpu.enqueue_indirect_dma source(%arg10 : memref<80x32xf32, #tpu.memory_space<vmem>>) target(%dma_start3A_86 : memref<10240x32xf32, #tpu.memory_space<vmem_shared>>) offsets(%arg8 : memref<80xi32, #tpu.memory_space<vmem>>) semaphore(%run_scoped3A : memref<!tpu.dma_semaphore, #tpu.memory_space<semaphore_mem>>) {add = true}
        %dma_wait3A_87 = arith.constant 0 : i32
        %dma_wait3A_88 = arith.constant 0 : i32
        %dma_wait3A_89 = tpu.memref_slice %arg11[%dma_wait3A_87, %dma_wait3A_88] : memref<10240x32xf32, #tpu.memory_space<vmem_shared>> -> memref<10240x32xf32, #tpu.memory_space<vmem_shared>>
        tpu.wait_indirect_dma semaphore(%run_scoped3A : memref<!tpu.dma_semaphore, #tpu.memory_space<semaphore_mem>>) src(%arg10 : memref<80x32xf32, #tpu.memory_space<vmem>>) dst(%dma_wait3A_89 : memref<10240x32xf32, #tpu.memory_space<vmem_shared>>)
        tpu.yield
      }) : () -> ()
      %scan3A_83 = arith.constant 0 : i32
      scf.yield %scan3A_83 : i32
    }
    %scan3A_33 = arith.constant 125 : i32
    %barrier3A_34 = arith.constant 0 : index
    tpu.barrier barrier_id(%barrier3A_34)
    %add3A_35 = arith.constant 0 : i32
    %add3A_36 = arith.addi %mul3A_2, %add3A_35 : i32
    %add3A_37 = arith.constant 0 : i32
    %add3A_38 = arith.addi %mul3A_2, %add3A_37 : i32
    "tpu.region"() ({
      %run_scoped3A = tpu.sem_alloc : memref<!tpu.dma_semaphore, #tpu.memory_space<semaphore_mem>>
      %dma_start3A = arith.constant 0 : i32
      %dma_start3A_67 = tpu.memref_slice %arg6[%arg0, %add3A_38, %dma_start3A] : memref<2x10240x32xf32, #tpu.memory_space<hbm>> -> memref<1x80x32xf32, #tpu.memory_space<hbm>>
      %dma_start3A_68 = tpu.memref_squeeze %dma_start3A_67 : memref<1x80x32xf32, #tpu.memory_space<hbm>> -> memref<80x32xf32, #tpu.memory_space<hbm>>
      %dma_start3A_69 = arith.constant 0 : i32
      %dma_start3A_70 = tpu.memref_slice %arg11[%add3A_36, %dma_start3A_69] : memref<10240x32xf32, #tpu.memory_space<vmem_shared>> -> memref<80x32xf32, #tpu.memory_space<vmem_shared>>
      tpu.enqueue_dma source(%dma_start3A_70 : memref<80x32xf32, #tpu.memory_space<vmem_shared>>) target(%dma_start3A_68 : memref<80x32xf32, #tpu.memory_space<hbm>>) target_semaphore(%run_scoped3A : memref<!tpu.dma_semaphore, #tpu.memory_space<semaphore_mem>>)
      %dma_wait3A = arith.constant 0 : i32
      %dma_wait3A_71 = tpu.memref_slice %arg6[%arg0, %add3A_38, %dma_wait3A] : memref<2x10240x32xf32, #tpu.memory_space<hbm>> -> memref<1x80x32xf32, #tpu.memory_space<hbm>>
      %dma_wait3A_72 = tpu.memref_squeeze %dma_wait3A_71 : memref<1x80x32xf32, #tpu.memory_space<hbm>> -> memref<80x32xf32, #tpu.memory_space<hbm>>
      %dma_wait3A_73 = arith.constant 0 : i32
      %dma_wait3A_74 = tpu.memref_slice %arg11[%add3A_36, %dma_wait3A_73] : memref<10240x32xf32, #tpu.memory_space<vmem_shared>> -> memref<80x32xf32, #tpu.memory_space<vmem_shared>>
      tpu.wait_dma2 semaphore(%run_scoped3A : memref<!tpu.dma_semaphore, #tpu.memory_space<semaphore_mem>>) src(%dma_wait3A_74 : memref<80x32xf32, #tpu.memory_space<vmem_shared>>) dst(%dma_wait3A_72 : memref<80x32xf32, #tpu.memory_space<hbm>>)
      tpu.yield
    }) : () -> ()
    %add3A_39 = arith.constant 80 : i32
    %add3A_40 = arith.addi %mul3A_2, %add3A_39 : i32
    %add3A_41 = arith.constant 80 : i32
    %add3A_42 = arith.addi %mul3A_2, %add3A_41 : i32
    "tpu.region"() ({
      %run_scoped3A = tpu.sem_alloc : memref<!tpu.dma_semaphore, #tpu.memory_space<semaphore_mem>>
      %dma_start3A = arith.constant 0 : i32
      %dma_start3A_67 = tpu.memref_slice %arg6[%arg0, %add3A_42, %dma_start3A] : memref<2x10240x32xf32, #tpu.memory_space<hbm>> -> memref<1x80x32xf32, #tpu.memory_space<hbm>>
      %dma_start3A_68 = tpu.memref_squeeze %dma_start3A_67 : memref<1x80x32xf32, #tpu.memory_space<hbm>> -> memref<80x32xf32, #tpu.memory_space<hbm>>
      %dma_start3A_69 = arith.constant 0 : i32
      %dma_start3A_70 = tpu.memref_slice %arg11[%add3A_40, %dma_start3A_69] : memref<10240x32xf32, #tpu.memory_space<vmem_shared>> -> memref<80x32xf32, #tpu.memory_space<vmem_shared>>
      tpu.enqueue_dma source(%dma_start3A_70 : memref<80x32xf32, #tpu.memory_space<vmem_shared>>) target(%dma_start3A_68 : memref<80x32xf32, #tpu.memory_space<hbm>>) target_semaphore(%run_scoped3A : memref<!tpu.dma_semaphore, #tpu.memory_space<semaphore_mem>>)
      %dma_wait3A = arith.constant 0 : i32
      %dma_wait3A_71 = tpu.memref_slice %arg6[%arg0, %add3A_42, %dma_wait3A] : memref<2x10240x32xf32, #tpu.memory_space<hbm>> -> memref<1x80x32xf32, #tpu.memory_space<hbm>>
      %dma_wait3A_72 = tpu.memref_squeeze %dma_wait3A_71 : memref<1x80x32xf32, #tpu.memory_space<hbm>> -> memref<80x32xf32, #tpu.memory_space<hbm>>
      %dma_wait3A_73 = arith.constant 0 : i32
      %dma_wait3A_74 = tpu.memref_slice %arg11[%add3A_40, %dma_wait3A_73] : memref<10240x32xf32, #tpu.memory_space<vmem_shared>> -> memref<80x32xf32, #tpu.memory_space<vmem_shared>>
      tpu.wait_dma2 semaphore(%run_scoped3A : memref<!tpu.dma_semaphore, #tpu.memory_space<semaphore_mem>>) src(%dma_wait3A_74 : memref<80x32xf32, #tpu.memory_space<vmem_shared>>) dst(%dma_wait3A_72 : memref<80x32xf32, #tpu.memory_space<hbm>>)
      tpu.yield
    }) : () -> ()
    %add3A_43 = arith.constant 160 : i32
    %add3A_44 = arith.addi %mul3A_2, %add3A_43 : i32
    %add3A_45 = arith.constant 160 : i32
    %add3A_46 = arith.addi %mul3A_2, %add3A_45 : i32
    "tpu.region"() ({
      %run_scoped3A = tpu.sem_alloc : memref<!tpu.dma_semaphore, #tpu.memory_space<semaphore_mem>>
      %dma_start3A = arith.constant 0 : i32
      %dma_start3A_67 = tpu.memref_slice %arg6[%arg0, %add3A_46, %dma_start3A] : memref<2x10240x32xf32, #tpu.memory_space<hbm>> -> memref<1x80x32xf32, #tpu.memory_space<hbm>>
      %dma_start3A_68 = tpu.memref_squeeze %dma_start3A_67 : memref<1x80x32xf32, #tpu.memory_space<hbm>> -> memref<80x32xf32, #tpu.memory_space<hbm>>
      %dma_start3A_69 = arith.constant 0 : i32
      %dma_start3A_70 = tpu.memref_slice %arg11[%add3A_44, %dma_start3A_69] : memref<10240x32xf32, #tpu.memory_space<vmem_shared>> -> memref<80x32xf32, #tpu.memory_space<vmem_shared>>
      tpu.enqueue_dma source(%dma_start3A_70 : memref<80x32xf32, #tpu.memory_space<vmem_shared>>) target(%dma_start3A_68 : memref<80x32xf32, #tpu.memory_space<hbm>>) target_semaphore(%run_scoped3A : memref<!tpu.dma_semaphore, #tpu.memory_space<semaphore_mem>>)
      %dma_wait3A = arith.constant 0 : i32
      %dma_wait3A_71 = tpu.memref_slice %arg6[%arg0, %add3A_46, %dma_wait3A] : memref<2x10240x32xf32, #tpu.memory_space<hbm>> -> memref<1x80x32xf32, #tpu.memory_space<hbm>>
      %dma_wait3A_72 = tpu.memref_squeeze %dma_wait3A_71 : memref<1x80x32xf32, #tpu.memory_space<hbm>> -> memref<80x32xf32, #tpu.memory_space<hbm>>
      %dma_wait3A_73 = arith.constant 0 : i32
      %dma_wait3A_74 = tpu.memref_slice %arg11[%add3A_44, %dma_wait3A_73] : memref<10240x32xf32, #tpu.memory_space<vmem_shared>> -> memref<80x32xf32, #tpu.memory_space<vmem_shared>>
      tpu.wait_dma2 semaphore(%run_scoped3A : memref<!tpu.dma_semaphore, #tpu.memory_space<semaphore_mem>>) src(%dma_wait3A_74 : memref<80x32xf32, #tpu.memory_space<vmem_shared>>) dst(%dma_wait3A_72 : memref<80x32xf32, #tpu.memory_space<hbm>>)
      tpu.yield
    }) : () -> ()
    %add3A_47 = arith.constant 240 : i32
    %add3A_48 = arith.addi %mul3A_2, %add3A_47 : i32
    %add3A_49 = arith.constant 240 : i32
    %add3A_50 = arith.addi %mul3A_2, %add3A_49 : i32
    "tpu.region"() ({
      %run_scoped3A = tpu.sem_alloc : memref<!tpu.dma_semaphore, #tpu.memory_space<semaphore_mem>>
      %dma_start3A = arith.constant 0 : i32
      %dma_start3A_67 = tpu.memref_slice %arg6[%arg0, %add3A_50, %dma_start3A] : memref<2x10240x32xf32, #tpu.memory_space<hbm>> -> memref<1x80x32xf32, #tpu.memory_space<hbm>>
      %dma_start3A_68 = tpu.memref_squeeze %dma_start3A_67 : memref<1x80x32xf32, #tpu.memory_space<hbm>> -> memref<80x32xf32, #tpu.memory_space<hbm>>
      %dma_start3A_69 = arith.constant 0 : i32
      %dma_start3A_70 = tpu.memref_slice %arg11[%add3A_48, %dma_start3A_69] : memref<10240x32xf32, #tpu.memory_space<vmem_shared>> -> memref<80x32xf32, #tpu.memory_space<vmem_shared>>
      tpu.enqueue_dma source(%dma_start3A_70 : memref<80x32xf32, #tpu.memory_space<vmem_shared>>) target(%dma_start3A_68 : memref<80x32xf32, #tpu.memory_space<hbm>>) target_semaphore(%run_scoped3A : memref<!tpu.dma_semaphore, #tpu.memory_space<semaphore_mem>>)
      %dma_wait3A = arith.constant 0 : i32
      %dma_wait3A_71 = tpu.memref_slice %arg6[%arg0, %add3A_50, %dma_wait3A] : memref<2x10240x32xf32, #tpu.memory_space<hbm>> -> memref<1x80x32xf32, #tpu.memory_space<hbm>>
      %dma_wait3A_72 = tpu.memref_squeeze %dma_wait3A_71 : memref<1x80x32xf32, #tpu.memory_space<hbm>> -> memref<80x32xf32, #tpu.memory_space<hbm>>
      %dma_wait3A_73 = arith.constant 0 : i32
      %dma_wait3A_74 = tpu.memref_slice %arg11[%add3A_48, %dma_wait3A_73] : memref<10240x32xf32, #tpu.memory_space<vmem_shared>> -> memref<80x32xf32, #tpu.memory_space<vmem_shared>>
      tpu.wait_dma2 semaphore(%run_scoped3A : memref<!tpu.dma_semaphore, #tpu.memory_space<semaphore_mem>>) src(%dma_wait3A_74 : memref<80x32xf32, #tpu.memory_space<vmem_shared>>) dst(%dma_wait3A_72 : memref<80x32xf32, #tpu.memory_space<hbm>>)
      tpu.yield
    }) : () -> ()
    %add3A_51 = arith.constant 320 : i32
    %add3A_52 = arith.addi %mul3A_2, %add3A_51 : i32
    %add3A_53 = arith.constant 320 : i32
    %add3A_54 = arith.addi %mul3A_2, %add3A_53 : i32
    "tpu.region"() ({
      %run_scoped3A = tpu.sem_alloc : memref<!tpu.dma_semaphore, #tpu.memory_space<semaphore_mem>>
      %dma_start3A = arith.constant 0 : i32
      %dma_start3A_67 = tpu.memref_slice %arg6[%arg0, %add3A_54, %dma_start3A] : memref<2x10240x32xf32, #tpu.memory_space<hbm>> -> memref<1x80x32xf32, #tpu.memory_space<hbm>>
      %dma_start3A_68 = tpu.memref_squeeze %dma_start3A_67 : memref<1x80x32xf32, #tpu.memory_space<hbm>> -> memref<80x32xf32, #tpu.memory_space<hbm>>
      %dma_start3A_69 = arith.constant 0 : i32
      %dma_start3A_70 = tpu.memref_slice %arg11[%add3A_52, %dma_start3A_69] : memref<10240x32xf32, #tpu.memory_space<vmem_shared>> -> memref<80x32xf32, #tpu.memory_space<vmem_shared>>
      tpu.enqueue_dma source(%dma_start3A_70 : memref<80x32xf32, #tpu.memory_space<vmem_shared>>) target(%dma_start3A_68 : memref<80x32xf32, #tpu.memory_space<hbm>>) target_semaphore(%run_scoped3A : memref<!tpu.dma_semaphore, #tpu.memory_space<semaphore_mem>>)
      %dma_wait3A = arith.constant 0 : i32
      %dma_wait3A_71 = tpu.memref_slice %arg6[%arg0, %add3A_54, %dma_wait3A] : memref<2x10240x32xf32, #tpu.memory_space<hbm>> -> memref<1x80x32xf32, #tpu.memory_space<hbm>>
      %dma_wait3A_72 = tpu.memref_squeeze %dma_wait3A_71 : memref<1x80x32xf32, #tpu.memory_space<hbm>> -> memref<80x32xf32, #tpu.memory_space<hbm>>
      %dma_wait3A_73 = arith.constant 0 : i32
      %dma_wait3A_74 = tpu.memref_slice %arg11[%add3A_52, %dma_wait3A_73] : memref<10240x32xf32, #tpu.memory_space<vmem_shared>> -> memref<80x32xf32, #tpu.memory_space<vmem_shared>>
      tpu.wait_dma2 semaphore(%run_scoped3A : memref<!tpu.dma_semaphore, #tpu.memory_space<semaphore_mem>>) src(%dma_wait3A_74 : memref<80x32xf32, #tpu.memory_space<vmem_shared>>) dst(%dma_wait3A_72 : memref<80x32xf32, #tpu.memory_space<hbm>>)
      tpu.yield
    }) : () -> ()
    %add3A_55 = arith.constant 400 : i32
    %add3A_56 = arith.addi %mul3A_2, %add3A_55 : i32
    %add3A_57 = arith.constant 400 : i32
    %add3A_58 = arith.addi %mul3A_2, %add3A_57 : i32
    "tpu.region"() ({
      %run_scoped3A = tpu.sem_alloc : memref<!tpu.dma_semaphore, #tpu.memory_space<semaphore_mem>>
      %dma_start3A = arith.constant 0 : i32
      %dma_start3A_67 = tpu.memref_slice %arg6[%arg0, %add3A_58, %dma_start3A] : memref<2x10240x32xf32, #tpu.memory_space<hbm>> -> memref<1x80x32xf32, #tpu.memory_space<hbm>>
      %dma_start3A_68 = tpu.memref_squeeze %dma_start3A_67 : memref<1x80x32xf32, #tpu.memory_space<hbm>> -> memref<80x32xf32, #tpu.memory_space<hbm>>
      %dma_start3A_69 = arith.constant 0 : i32
      %dma_start3A_70 = tpu.memref_slice %arg11[%add3A_56, %dma_start3A_69] : memref<10240x32xf32, #tpu.memory_space<vmem_shared>> -> memref<80x32xf32, #tpu.memory_space<vmem_shared>>
      tpu.enqueue_dma source(%dma_start3A_70 : memref<80x32xf32, #tpu.memory_space<vmem_shared>>) target(%dma_start3A_68 : memref<80x32xf32, #tpu.memory_space<hbm>>) target_semaphore(%run_scoped3A : memref<!tpu.dma_semaphore, #tpu.memory_space<semaphore_mem>>)
      %dma_wait3A = arith.constant 0 : i32
      %dma_wait3A_71 = tpu.memref_slice %arg6[%arg0, %add3A_58, %dma_wait3A] : memref<2x10240x32xf32, #tpu.memory_space<hbm>> -> memref<1x80x32xf32, #tpu.memory_space<hbm>>
      %dma_wait3A_72 = tpu.memref_squeeze %dma_wait3A_71 : memref<1x80x32xf32, #tpu.memory_space<hbm>> -> memref<80x32xf32, #tpu.memory_space<hbm>>
      %dma_wait3A_73 = arith.constant 0 : i32
      %dma_wait3A_74 = tpu.memref_slice %arg11[%add3A_56, %dma_wait3A_73] : memref<10240x32xf32, #tpu.memory_space<vmem_shared>> -> memref<80x32xf32, #tpu.memory_space<vmem_shared>>
      tpu.wait_dma2 semaphore(%run_scoped3A : memref<!tpu.dma_semaphore, #tpu.memory_space<semaphore_mem>>) src(%dma_wait3A_74 : memref<80x32xf32, #tpu.memory_space<vmem_shared>>) dst(%dma_wait3A_72 : memref<80x32xf32, #tpu.memory_space<hbm>>)
      tpu.yield
    }) : () -> ()
    %add3A_59 = arith.constant 480 : i32
    %add3A_60 = arith.addi %mul3A_2, %add3A_59 : i32
    %add3A_61 = arith.constant 480 : i32
    %add3A_62 = arith.addi %mul3A_2, %add3A_61 : i32
    "tpu.region"() ({
      %run_scoped3A = tpu.sem_alloc : memref<!tpu.dma_semaphore, #tpu.memory_space<semaphore_mem>>
      %dma_start3A = arith.constant 0 : i32
      %dma_start3A_67 = tpu.memref_slice %arg6[%arg0, %add3A_62, %dma_start3A] : memref<2x10240x32xf32, #tpu.memory_space<hbm>> -> memref<1x80x32xf32, #tpu.memory_space<hbm>>
      %dma_start3A_68 = tpu.memref_squeeze %dma_start3A_67 : memref<1x80x32xf32, #tpu.memory_space<hbm>> -> memref<80x32xf32, #tpu.memory_space<hbm>>
      %dma_start3A_69 = arith.constant 0 : i32
      %dma_start3A_70 = tpu.memref_slice %arg11[%add3A_60, %dma_start3A_69] : memref<10240x32xf32, #tpu.memory_space<vmem_shared>> -> memref<80x32xf32, #tpu.memory_space<vmem_shared>>
      tpu.enqueue_dma source(%dma_start3A_70 : memref<80x32xf32, #tpu.memory_space<vmem_shared>>) target(%dma_start3A_68 : memref<80x32xf32, #tpu.memory_space<hbm>>) target_semaphore(%run_scoped3A : memref<!tpu.dma_semaphore, #tpu.memory_space<semaphore_mem>>)
      %dma_wait3A = arith.constant 0 : i32
      %dma_wait3A_71 = tpu.memref_slice %arg6[%arg0, %add3A_62, %dma_wait3A] : memref<2x10240x32xf32, #tpu.memory_space<hbm>> -> memref<1x80x32xf32, #tpu.memory_space<hbm>>
      %dma_wait3A_72 = tpu.memref_squeeze %dma_wait3A_71 : memref<1x80x32xf32, #tpu.memory_space<hbm>> -> memref<80x32xf32, #tpu.memory_space<hbm>>
      %dma_wait3A_73 = arith.constant 0 : i32
      %dma_wait3A_74 = tpu.memref_slice %arg11[%add3A_60, %dma_wait3A_73] : memref<10240x32xf32, #tpu.memory_space<vmem_shared>> -> memref<80x32xf32, #tpu.memory_space<vmem_shared>>
      tpu.wait_dma2 semaphore(%run_scoped3A : memref<!tpu.dma_semaphore, #tpu.memory_space<semaphore_mem>>) src(%dma_wait3A_74 : memref<80x32xf32, #tpu.memory_space<vmem_shared>>) dst(%dma_wait3A_72 : memref<80x32xf32, #tpu.memory_space<hbm>>)
      tpu.yield
    }) : () -> ()
    %add3A_63 = arith.constant 560 : i32
    %add3A_64 = arith.addi %mul3A_2, %add3A_63 : i32
    %add3A_65 = arith.constant 560 : i32
    %add3A_66 = arith.addi %mul3A_2, %add3A_65 : i32
    "tpu.region"() ({
      %run_scoped3A = tpu.sem_alloc : memref<!tpu.dma_semaphore, #tpu.memory_space<semaphore_mem>>
      %dma_start3A = arith.constant 0 : i32
      %dma_start3A_67 = tpu.memref_slice %arg6[%arg0, %add3A_66, %dma_start3A] : memref<2x10240x32xf32, #tpu.memory_space<hbm>> -> memref<1x80x32xf32, #tpu.memory_space<hbm>>
      %dma_start3A_68 = tpu.memref_squeeze %dma_start3A_67 : memref<1x80x32xf32, #tpu.memory_space<hbm>> -> memref<80x32xf32, #tpu.memory_space<hbm>>
      %dma_start3A_69 = arith.constant 0 : i32
      %dma_start3A_70 = tpu.memref_slice %arg11[%add3A_64, %dma_start3A_69] : memref<10240x32xf32, #tpu.memory_space<vmem_shared>> -> memref<80x32xf32, #tpu.memory_space<vmem_shared>>
      tpu.enqueue_dma source(%dma_start3A_70 : memref<80x32xf32, #tpu.memory_space<vmem_shared>>) target(%dma_start3A_68 : memref<80x32xf32, #tpu.memory_space<hbm>>) target_semaphore(%run_scoped3A : memref<!tpu.dma_semaphore, #tpu.memory_space<semaphore_mem>>)
      %dma_wait3A = arith.constant 0 : i32
      %dma_wait3A_71 = tpu.memref_slice %arg6[%arg0, %add3A_66, %dma_wait3A] : memref<2x10240x32xf32, #tpu.memory_space<hbm>> -> memref<1x80x32xf32, #tpu.memory_space<hbm>>
      %dma_wait3A_72 = tpu.memref_squeeze %dma_wait3A_71 : memref<1x80x32xf32, #tpu.memory_space<hbm>> -> memref<80x32xf32, #tpu.memory_space<hbm>>
      %dma_wait3A_73 = arith.constant 0 : i32
      %dma_wait3A_74 = tpu.memref_slice %arg11[%add3A_64, %dma_wait3A_73] : memref<10240x32xf32, #tpu.memory_space<vmem_shared>> -> memref<80x32xf32, #tpu.memory_space<vmem_shared>>
      tpu.wait_dma2 semaphore(%run_scoped3A : memref<!tpu.dma_semaphore, #tpu.memory_space<semaphore_mem>>) src(%dma_wait3A_74 : memref<80x32xf32, #tpu.memory_space<vmem_shared>>) dst(%dma_wait3A_72 : memref<80x32xf32, #tpu.memory_space<hbm>>)
      tpu.yield
    }) : () -> ()
    return
  }
}

#map = affine_map<(d0, d1) -> (0, 0)>
#map1 = affine_map<(d0, d1) -> (0)>
module attributes {stable_mosaic.version = 14 : i64} {
  func.func @k(%arg0: i32, %arg1: i32, %arg2: memref<10240x32xf32, #tpu.memory_space<hbm>>, %arg3: memref<320000xi32, #tpu.memory_space<hbm>>, %arg4: memref<320000xi32, #tpu.memory_space<hbm>>, %arg5: memref<320000x32xf32, #tpu.memory_space<hbm>>, %arg6: memref<320000x32xf32, #tpu.memory_space<hbm>>, %arg7: memref<80xi32, #tpu.memory_space<vmem>>, %arg8: memref<80x32xf32, #tpu.memory_space<vmem>>, %arg9: memref<!tpu.dma_semaphore, #tpu.memory_space<semaphore_mem>>) attributes {dimension_semantics = [#tpu.dimension_semantics<core_parallel>, #tpu.dimension_semantics<subcore_parallel>], iteration_bounds = array<i64: 2, 16>, scalar_prefetch = 0 : i64, scratch_operands = 3 : i64, tpu.core_type = #tpu.core_type<sc_vector_subcore>, window_params = [{transform_indices = #map}, {transform_indices = #map1}, {transform_indices = #map1}, {transform_indices = #map}, {transform_indices = #map}]} {
    %mul3A = arith.constant 2 : i32
    %mul3A_0 = arith.muli %arg1, %mul3A : i32
    %add3A = arith.addi %mul3A_0, %arg0 : i32
    %mul3A_1 = arith.constant 10000 : i32
    %mul3A_2 = arith.muli %add3A, %mul3A_1 : i32
    %scan3A = arith.constant 0 : i32
    %scan3A_3 = arith.constant 0 : i32
    %scan3A_4 = arith.constant 125 : i32
    %scan3A_5 = arith.addi %scan3A_3, %scan3A_4 : i32
    %scan3A_6 = arith.constant 1 : i32
    %scan3A_7 = scf.for %scan3A_9 = %scan3A_3 to %scan3A_5 step %scan3A_6 iter_args(%scan3A_10 = %scan3A) -> (i32)  : i32 {
      %mul3A_11 = arith.constant 80 : i32
      %mul3A_12 = arith.muli %scan3A_9, %mul3A_11 : i32
      %add3A_13 = arith.addi %mul3A_2, %mul3A_12 : i32
      "tpu.region"() ({
        %run_scoped3A = tpu.sem_alloc : memref<!tpu.dma_semaphore, #tpu.memory_space<semaphore_mem>>
        %dma_start3A_25 = tpu.memref_slice %arg3[%add3A_13] : memref<320000xi32, #tpu.memory_space<hbm>> -> memref<80xi32, #tpu.memory_space<hbm>>
        %dma_start3A_26 = tpu.memref_slice %arg3[%add3A_13] : memref<320000xi32, #tpu.memory_space<hbm>> -> memref<80xi32, #tpu.memory_space<hbm>>
        tpu.enqueue_dma source(%dma_start3A_26 : memref<80xi32, #tpu.memory_space<hbm>>) target(%arg7 : memref<80xi32, #tpu.memory_space<vmem>>) target_semaphore(%run_scoped3A : memref<!tpu.dma_semaphore, #tpu.memory_space<semaphore_mem>>)
        %dma_wait3A_27 = tpu.memref_slice %arg3[%add3A_13] : memref<320000xi32, #tpu.memory_space<hbm>> -> memref<80xi32, #tpu.memory_space<hbm>>
        %dma_wait3A_28 = tpu.memref_slice %arg3[%add3A_13] : memref<320000xi32, #tpu.memory_space<hbm>> -> memref<80xi32, #tpu.memory_space<hbm>>
        tpu.wait_dma2 semaphore(%run_scoped3A : memref<!tpu.dma_semaphore, #tpu.memory_space<semaphore_mem>>) src(%dma_wait3A_28 : memref<80xi32, #tpu.memory_space<hbm>>) dst(%arg7 : memref<80xi32, #tpu.memory_space<vmem>>)
        tpu.yield
      }) : () -> ()
      %dma_start3A = arith.constant 0 : i32
      %dma_start3A_14 = arith.constant 0 : i32
      %dma_start3A_15 = tpu.memref_slice %arg2[%dma_start3A, %dma_start3A_14] : memref<10240x32xf32, #tpu.memory_space<hbm>> -> memref<10240x32xf32, #tpu.memory_space<hbm>>
      tpu.enqueue_indirect_dma source(%dma_start3A_15 : memref<10240x32xf32, #tpu.memory_space<hbm>>) target(%arg8 : memref<80x32xf32, #tpu.memory_space<vmem>>) offsets(%arg7 : memref<80xi32, #tpu.memory_space<vmem>>) semaphore(%arg9 : memref<!tpu.dma_semaphore, #tpu.memory_space<semaphore_mem>>)
      %dma_wait3A = arith.constant 0 : i32
      %dma_wait3A_16 = arith.constant 0 : i32
      %dma_wait3A_17 = tpu.memref_slice %arg2[%dma_wait3A, %dma_wait3A_16] : memref<10240x32xf32, #tpu.memory_space<hbm>> -> memref<10240x32xf32, #tpu.memory_space<hbm>>
      tpu.wait_indirect_dma semaphore(%arg9 : memref<!tpu.dma_semaphore, #tpu.memory_space<semaphore_mem>>) src(%dma_wait3A_17 : memref<10240x32xf32, #tpu.memory_space<hbm>>) dst(%arg8 : memref<80x32xf32, #tpu.memory_space<vmem>>)
      "tpu.region"() ({
        %run_scoped3A = tpu.sem_alloc : memref<!tpu.dma_semaphore, #tpu.memory_space<semaphore_mem>>
        %dma_start3A_25 = arith.constant 0 : i32
        %dma_start3A_26 = tpu.memref_slice %arg5[%add3A_13, %dma_start3A_25] : memref<320000x32xf32, #tpu.memory_space<hbm>> -> memref<80x32xf32, #tpu.memory_space<hbm>>
        %dma_start3A_27 = arith.constant 0 : i32
        %dma_start3A_28 = tpu.memref_slice %arg5[%add3A_13, %dma_start3A_27] : memref<320000x32xf32, #tpu.memory_space<hbm>> -> memref<80x32xf32, #tpu.memory_space<hbm>>
        tpu.enqueue_dma source(%arg8 : memref<80x32xf32, #tpu.memory_space<vmem>>) target(%dma_start3A_28 : memref<80x32xf32, #tpu.memory_space<hbm>>) target_semaphore(%run_scoped3A : memref<!tpu.dma_semaphore, #tpu.memory_space<semaphore_mem>>)
        %dma_wait3A_29 = arith.constant 0 : i32
        %dma_wait3A_30 = tpu.memref_slice %arg5[%add3A_13, %dma_wait3A_29] : memref<320000x32xf32, #tpu.memory_space<hbm>> -> memref<80x32xf32, #tpu.memory_space<hbm>>
        %dma_wait3A_31 = arith.constant 0 : i32
        %dma_wait3A_32 = tpu.memref_slice %arg5[%add3A_13, %dma_wait3A_31] : memref<320000x32xf32, #tpu.memory_space<hbm>> -> memref<80x32xf32, #tpu.memory_space<hbm>>
        tpu.wait_dma2 semaphore(%run_scoped3A : memref<!tpu.dma_semaphore, #tpu.memory_space<semaphore_mem>>) src(%arg8 : memref<80x32xf32, #tpu.memory_space<vmem>>) dst(%dma_wait3A_32 : memref<80x32xf32, #tpu.memory_space<hbm>>)
        tpu.yield
      }) : () -> ()
      "tpu.region"() ({
        %run_scoped3A = tpu.sem_alloc : memref<!tpu.dma_semaphore, #tpu.memory_space<semaphore_mem>>
        %dma_start3A_25 = tpu.memref_slice %arg4[%add3A_13] : memref<320000xi32, #tpu.memory_space<hbm>> -> memref<80xi32, #tpu.memory_space<hbm>>
        %dma_start3A_26 = tpu.memref_slice %arg4[%add3A_13] : memref<320000xi32, #tpu.memory_space<hbm>> -> memref<80xi32, #tpu.memory_space<hbm>>
        tpu.enqueue_dma source(%dma_start3A_26 : memref<80xi32, #tpu.memory_space<hbm>>) target(%arg7 : memref<80xi32, #tpu.memory_space<vmem>>) target_semaphore(%run_scoped3A : memref<!tpu.dma_semaphore, #tpu.memory_space<semaphore_mem>>)
        %dma_wait3A_27 = tpu.memref_slice %arg4[%add3A_13] : memref<320000xi32, #tpu.memory_space<hbm>> -> memref<80xi32, #tpu.memory_space<hbm>>
        %dma_wait3A_28 = tpu.memref_slice %arg4[%add3A_13] : memref<320000xi32, #tpu.memory_space<hbm>> -> memref<80xi32, #tpu.memory_space<hbm>>
        tpu.wait_dma2 semaphore(%run_scoped3A : memref<!tpu.dma_semaphore, #tpu.memory_space<semaphore_mem>>) src(%dma_wait3A_28 : memref<80xi32, #tpu.memory_space<hbm>>) dst(%arg7 : memref<80xi32, #tpu.memory_space<vmem>>)
        tpu.yield
      }) : () -> ()
      %dma_start3A_18 = arith.constant 0 : i32
      %dma_start3A_19 = arith.constant 0 : i32
      %dma_start3A_20 = tpu.memref_slice %arg2[%dma_start3A_18, %dma_start3A_19] : memref<10240x32xf32, #tpu.memory_space<hbm>> -> memref<10240x32xf32, #tpu.memory_space<hbm>>
      tpu.enqueue_indirect_dma source(%dma_start3A_20 : memref<10240x32xf32, #tpu.memory_space<hbm>>) target(%arg8 : memref<80x32xf32, #tpu.memory_space<vmem>>) offsets(%arg7 : memref<80xi32, #tpu.memory_space<vmem>>) semaphore(%arg9 : memref<!tpu.dma_semaphore, #tpu.memory_space<semaphore_mem>>)
      %dma_wait3A_21 = arith.constant 0 : i32
      %dma_wait3A_22 = arith.constant 0 : i32
      %dma_wait3A_23 = tpu.memref_slice %arg2[%dma_wait3A_21, %dma_wait3A_22] : memref<10240x32xf32, #tpu.memory_space<hbm>> -> memref<10240x32xf32, #tpu.memory_space<hbm>>
      tpu.wait_indirect_dma semaphore(%arg9 : memref<!tpu.dma_semaphore, #tpu.memory_space<semaphore_mem>>) src(%dma_wait3A_23 : memref<10240x32xf32, #tpu.memory_space<hbm>>) dst(%arg8 : memref<80x32xf32, #tpu.memory_space<vmem>>)
      "tpu.region"() ({
        %run_scoped3A = tpu.sem_alloc : memref<!tpu.dma_semaphore, #tpu.memory_space<semaphore_mem>>
        %dma_start3A_25 = arith.constant 0 : i32
        %dma_start3A_26 = tpu.memref_slice %arg6[%add3A_13, %dma_start3A_25] : memref<320000x32xf32, #tpu.memory_space<hbm>> -> memref<80x32xf32, #tpu.memory_space<hbm>>
        %dma_start3A_27 = arith.constant 0 : i32
        %dma_start3A_28 = tpu.memref_slice %arg6[%add3A_13, %dma_start3A_27] : memref<320000x32xf32, #tpu.memory_space<hbm>> -> memref<80x32xf32, #tpu.memory_space<hbm>>
        tpu.enqueue_dma source(%arg8 : memref<80x32xf32, #tpu.memory_space<vmem>>) target(%dma_start3A_28 : memref<80x32xf32, #tpu.memory_space<hbm>>) target_semaphore(%run_scoped3A : memref<!tpu.dma_semaphore, #tpu.memory_space<semaphore_mem>>)
        %dma_wait3A_29 = arith.constant 0 : i32
        %dma_wait3A_30 = tpu.memref_slice %arg6[%add3A_13, %dma_wait3A_29] : memref<320000x32xf32, #tpu.memory_space<hbm>> -> memref<80x32xf32, #tpu.memory_space<hbm>>
        %dma_wait3A_31 = arith.constant 0 : i32
        %dma_wait3A_32 = tpu.memref_slice %arg6[%add3A_13, %dma_wait3A_31] : memref<320000x32xf32, #tpu.memory_space<hbm>> -> memref<80x32xf32, #tpu.memory_space<hbm>>
        tpu.wait_dma2 semaphore(%run_scoped3A : memref<!tpu.dma_semaphore, #tpu.memory_space<semaphore_mem>>) src(%arg8 : memref<80x32xf32, #tpu.memory_space<vmem>>) dst(%dma_wait3A_32 : memref<80x32xf32, #tpu.memory_space<hbm>>)
        tpu.yield
      }) : () -> ()
      %scan3A_24 = arith.constant 0 : i32
      scf.yield %scan3A_24 : i32
    }
    %scan3A_8 = arith.constant 125 : i32
    return
  }
}

module attributes {stable_mosaic.version = 14 : i64} {
  func.func @body(%arg0: memref<80x128xf32, #tpu.memory_space<vmem>>, %arg1: memref<80x128xf32, #tpu.memory_space<vmem>>, %arg2: memref<80x128xf32, #tpu.memory_space<vmem>>) attributes {dimension_semantics = [], scalar_prefetch = 0 : i64, scratch_operands = 0 : i64, tpu.core_type = #tpu.core_type<tc>} {
    %get3A = arith.constant 0 : index
    %get3A_0 = arith.constant 0 : index
    %get3A_1 = vector.load %arg0[%get3A, %get3A_0] : memref<80x128xf32, #tpu.memory_space<vmem>>, vector<80x128xf32>
    %get3A_2 = arith.constant 0 : index
    %get3A_3 = arith.constant 0 : index
    %get3A_4 = vector.load %arg1[%get3A_2, %get3A_3] : memref<80x128xf32, #tpu.memory_space<vmem>>, vector<80x128xf32>
    %add3A = arith.addf %get3A_1, %get3A_4 : vector<80x128xf32>
    %add3A_5 = arith.constant 1.000000e+00 : f32
    %add3A_6 = vector.broadcast %add3A_5 : f32 to vector<80x128xf32>
    %add3A_7 = arith.addf %add3A, %add3A_6 : vector<80x128xf32>
    %gt3A = arith.constant 0.000000e+00 : f32
    %gt3A_8 = vector.broadcast %gt3A : f32 to vector<80x128xf32>
    %gt3A_9 = arith.cmpf ogt, %add3A_7, %gt3A_8 : vector<80x128xf32>
    %rsqrt3A = math.rsqrt %add3A_7 : vector<80x128xf32>
    %jit3A = arith.constant 0.000000e+00 : f32
    %broadcast_in_dim3A = vector.broadcast %jit3A : f32 to vector<80x128xf32>
    %select_n3A = arith.select %gt3A_9, %rsqrt3A, %broadcast_in_dim3A : vector<80x128xi1>, vector<80x128xf32>
    %swap3A = arith.constant 0 : index
    %swap3A_10 = arith.constant 0 : index
    %swap3A_11 = vector.load %arg2[%swap3A, %swap3A_10] : memref<80x128xf32, #tpu.memory_space<vmem>>, vector<80x128xf32>
    tpu.vector_store %arg2[%swap3A, %swap3A_10], %select_n3A {strides = array<i32>} : memref<80x128xf32, #tpu.memory_space<vmem>>, vector<80x128xf32>,
    return
  }
}

module attributes {stable_mosaic.version = 14 : i64} {
  func.func @body(%arg0: i32, %arg1: memref<1024x128xf32, #tpu.memory_space<vmem>>, %arg2: memref<128x128xf32, #tpu.memory_space<vmem>>, %arg3: memref<1024x1xf32, #tpu.memory_space<vmem>>, %arg4: memref<1024x128xf32, #tpu.memory_space<vmem>>) attributes {dimension_semantics = [#tpu.dimension_semantics<arbitrary>], iteration_bounds = array<i64: 10>, scalar_prefetch = 0 : i64, scratch_operands = 0 : i64, tpu.core_type = #tpu.core_type<tc>, window_params = [{transform_indices = @transform_0, window_bounds = array<i64: 1024, 128>}, {pipeline_mode = #tpu.pipeline_mode<synchronous>, transform_indices = @transform_1, window_bounds = array<i64: 128, 128>}, {transform_indices = @transform_2, window_bounds = array<i64: 1024, 1>}, {transform_indices = @transform_3, window_bounds = array<i64: 1024, 128>}]} {
    %get3A = arith.constant 0 : index
    %get3A_0 = arith.constant 0 : index
    %get3A_1 = vector.load %arg1[%get3A, %get3A_0] : memref<1024x128xf32, #tpu.memory_space<vmem>>, vector<1024x128xf32>
    %get3A_2 = arith.constant 0 : index
    %get3A_3 = arith.constant 0 : index
    %get3A_4 = vector.load %arg2[%get3A_2, %get3A_3] : memref<128x128xf32, #tpu.memory_space<vmem>>, vector<128x128xf32>
    %dot_general3A = arith.constant dense<0.000000e+00> : vector<1024x128xf32>
    %dot_general3A_5 = tpu.matmul %get3A_1, %get3A_4, %dot_general3A {dimension_numbers = #tpu.dot_dimension_numbers<[1], [1], [0], [0], [0, 0, 1, 0], [], []>, transpose_lhs_hint = false} : vector<1024x128xf32>, vector<128x128xf32>, vector<1024x128xf32> -> vector<1024x128xf32>
    %get3A_6 = arith.constant 0 : index
    %get3A_7 = arith.constant 0 : index
    %get3A_8 = vector.load %arg3[%get3A_6, %get3A_7] : memref<1024x1xf32, #tpu.memory_space<vmem>>, vector<1024x1xf32>
    %mul3A = vector.broadcast %get3A_8 : vector<1024x1xf32> to vector<1024x128xf32>
    %mul3A_9 = arith.mulf %dot_general3A_5, %mul3A : vector<1024x128xf32>
    %swap3A = arith.constant 0 : index
    %swap3A_10 = arith.constant 0 : index
    %swap3A_11 = vector.load %arg4[%swap3A, %swap3A_10] : memref<1024x128xf32, #tpu.memory_space<vmem>>, vector<1024x128xf32>
    tpu.vector_store %arg4[%swap3A, %swap3A_10], %mul3A_9 {strides = array<i32>} : memref<1024x128xf32, #tpu.memory_space<vmem>>, vector<1024x128xf32>,
    return
  }
  func.func @transform_0(%arg0: i32) -> (i32, i32) {
    %c0_i32 = arith.constant 0 : i32
    %c0_i32_0 = arith.constant 0 : i32
    return %arg0, %c0_i32 : i32, i32
  }
  func.func @transform_1(%arg0: i32) -> (i32, i32) {
    %c0_i32 = arith.constant 0 : i32
    %c0_i32_0 = arith.constant 0 : i32
    %c0_i32_1 = arith.constant 0 : i32
    return %c0_i32, %c0_i32_0 : i32, i32
  }
  func.func @transform_2(%arg0: i32) -> (i32, i32) {
    %c0_i32 = arith.constant 0 : i32
    %c0_i32_0 = arith.constant 0 : i32
    return %arg0, %c0_i32 : i32, i32
  }
  func.func @transform_3(%arg0: i32) -> (i32, i32) {
    %c0_i32 = arith.constant 0 : i32
    %c0_i32_0 = arith.constant 0 : i32
    return %arg0, %c0_i32 : i32, i32
  }
}

module attributes {stable_mosaic.version = 14 : i64} {
  func.func @body(%arg0: i32, %arg1: memref<1024x128xf32, #tpu.memory_space<vmem>>, %arg2: memref<1024x128xf32, #tpu.memory_space<vmem>>, %arg3: memref<1024x128xf32, #tpu.memory_space<vmem>>, %arg4: memref<1024x1xf32, #tpu.memory_space<vmem>>, %arg5: memref<1x128xf32, #tpu.memory_space<vmem>>, %arg6: memref<64x128xf32, #tpu.memory_space<vmem>>, %arg7: memref<1024x64xf32, #tpu.memory_space<vmem>>) attributes {dimension_semantics = [#tpu.dimension_semantics<arbitrary>], iteration_bounds = array<i64: 10>, scalar_prefetch = 0 : i64, scratch_operands = 0 : i64, tpu.core_type = #tpu.core_type<tc>, window_params = [{transform_indices = @transform_0, window_bounds = array<i64: 1024, 128>}, {transform_indices = @transform_1, window_bounds = array<i64: 1024, 128>}, {transform_indices = @transform_2, window_bounds = array<i64: 1024, 128>}, {transform_indices = @transform_3, window_bounds = array<i64: 1024, 1>}, {pipeline_mode = #tpu.pipeline_mode<synchronous>, transform_indices = @transform_4, window_bounds = array<i64: 1, 128>}, {pipeline_mode = #tpu.pipeline_mode<synchronous>, transform_indices = @transform_5, window_bounds = array<i64: 64, 128>}, {transform_indices = @transform_6, window_bounds = array<i64: 1024, 64>}]} {
    %get3A = arith.constant 0 : index
    %get3A_0 = arith.constant 0 : index
    %get3A_1 = vector.load %arg1[%get3A, %get3A_0] : memref<1024x128xf32, #tpu.memory_space<vmem>>, vector<1024x128xf32>
    %get3A_2 = arith.constant 0 : index
    %get3A_3 = arith.constant 0 : index
    %get3A_4 = vector.load %arg2[%get3A_2, %get3A_3] : memref<1024x128xf32, #tpu.memory_space<vmem>>, vector<1024x128xf32>
    %add3A = arith.addf %get3A_1, %get3A_4 : vector<1024x128xf32>
    %get3A_5 = arith.constant 0 : index
    %get3A_6 = arith.constant 0 : index
    %get3A_7 = vector.load %arg3[%get3A_5, %get3A_6] : memref<1024x128xf32, #tpu.memory_space<vmem>>, vector<1024x128xf32>
    %add3A_8 = arith.addf %add3A, %get3A_7 : vector<1024x128xf32>
    %get3A_9 = arith.constant 0 : index
    %get3A_10 = arith.constant 0 : index
    %get3A_11 = vector.load %arg4[%get3A_9, %get3A_10] : memref<1024x1xf32, #tpu.memory_space<vmem>>, vector<1024x1xf32>
    %mul3A = vector.broadcast %get3A_11 : vector<1024x1xf32> to vector<1024x128xf32>
    %mul3A_12 = arith.mulf %add3A_8, %mul3A : vector<1024x128xf32>
    %get3A_13 = arith.constant 0 : index
    %get3A_14 = arith.constant 0 : index
    %get3A_15 = vector.load %arg5[%get3A_13, %get3A_14] : memref<1x128xf32, #tpu.memory_space<vmem>>, vector<1x128xf32>
    %add3A_16 = vector.broadcast %get3A_15 : vector<1x128xf32> to vector<1024x128xf32>
    %add3A_17 = arith.addf %mul3A_12, %add3A_16 : vector<1024x128xf32>
    %max3A = arith.constant 0.000000e+00 : f32
    %max3A_18 = vector.broadcast %max3A : f32 to vector<1024x128xf32>
    %max3A_19 = arith.maximumf %add3A_17, %max3A_18 : vector<1024x128xf32>
    %get3A_20 = arith.constant 0 : index
    %get3A_21 = arith.constant 0 : index
    %get3A_22 = vector.load %arg6[%get3A_20, %get3A_21] : memref<64x128xf32, #tpu.memory_space<vmem>>, vector<64x128xf32>
    %dot_general3A = arith.constant dense<0.000000e+00> : vector<1024x64xf32>
    %dot_general3A_23 = tpu.matmul %max3A_19, %get3A_22, %dot_general3A {dimension_numbers = #tpu.dot_dimension_numbers<[1], [1], [0], [0], [0, 0, 1, 0], [], []>, transpose_lhs_hint = false} : vector<1024x128xf32>, vector<64x128xf32>, vector<1024x64xf32> -> vector<1024x64xf32>
    %get3A_24 = arith.constant 0 : index
    %get3A_25 = arith.constant 0 : index
    %get3A_26 = vector.load %arg4[%get3A_24, %get3A_25] : memref<1024x1xf32, #tpu.memory_space<vmem>>, vector<1024x1xf32>
    %mul3A_27 = vector.broadcast %get3A_26 : vector<1024x1xf32> to vector<1024x64xf32>
    %mul3A_28 = arith.mulf %dot_general3A_23, %mul3A_27 : vector<1024x64xf32>
    %swap3A = arith.constant 0 : index
    %swap3A_29 = arith.constant 0 : index
    %swap3A_30 = vector.load %arg7[%swap3A, %swap3A_29] : memref<1024x64xf32, #tpu.memory_space<vmem>>, vector<1024x64xf32>
    tpu.vector_store %arg7[%swap3A, %swap3A_29], %mul3A_28 {strides = array<i32>} : memref<1024x64xf32, #tpu.memory_space<vmem>>, vector<1024x64xf32>,
    return
  }
  func.func @transform_0(%arg0: i32) -> (i32, i32) {
    %c0_i32 = arith.constant 0 : i32
    %c0_i32_0 = arith.constant 0 : i32
    return %arg0, %c0_i32 : i32, i32
  }
  func.func @transform_1(%arg0: i32) -> (i32, i32) {
    %c0_i32 = arith.constant 0 : i32
    %c0_i32_0 = arith.constant 0 : i32
    return %arg0, %c0_i32 : i32, i32
  }
  func.func @transform_2(%arg0: i32) -> (i32, i32) {
    %c0_i32 = arith.constant 0 : i32
    %c0_i32_0 = arith.constant 0 : i32
    return %arg0, %c0_i32 : i32, i32
  }
  func.func @transform_3(%arg0: i32) -> (i32, i32) {
    %c0_i32 = arith.constant 0 : i32
    %c0_i32_0 = arith.constant 0 : i32
    return %arg0, %c0_i32 : i32, i32
  }
  func.func @transform_4(%arg0: i32) -> (i32, i32) {
    %c0_i32 = arith.constant 0 : i32
    %c0_i32_0 = arith.constant 0 : i32
    %c0_i32_1 = arith.constant 0 : i32
    return %c0_i32, %c0_i32_0 : i32, i32
  }
  func.func @transform_5(%arg0: i32) -> (i32, i32) {
    %c0_i32 = arith.constant 0 : i32
    %c0_i32_0 = arith.constant 0 : i32
    %c0_i32_1 = arith.constant 0 : i32
    return %c0_i32, %c0_i32_0 : i32, i32
  }
  func.func @transform_6(%arg0: i32) -> (i32, i32) {
    %c0_i32 = arith.constant 0 : i32
    %c0_i32_0 = arith.constant 0 : i32
    return %arg0, %c0_i32 : i32, i32
  }
}

module attributes {stable_mosaic.version = 14 : i64} {
  func.func @body(%arg0: i32, %arg1: memref<1024x64xf32, #tpu.memory_space<vmem>>, %arg2: memref<1024x64xf32, #tpu.memory_space<vmem>>, %arg3: memref<1024x64xf32, #tpu.memory_space<vmem>>, %arg4: memref<1024x1xf32, #tpu.memory_space<vmem>>, %arg5: memref<1x64xf32, #tpu.memory_space<vmem>>, %arg6: memref<64x64xf32, #tpu.memory_space<vmem>>, %arg7: memref<1024x64xf32, #tpu.memory_space<vmem>>) attributes {dimension_semantics = [#tpu.dimension_semantics<arbitrary>], iteration_bounds = array<i64: 10>, scalar_prefetch = 0 : i64, scratch_operands = 0 : i64, tpu.core_type = #tpu.core_type<tc>, window_params = [{transform_indices = @transform_0, window_bounds = array<i64: 1024, 64>}, {transform_indices = @transform_1, window_bounds = array<i64: 1024, 64>}, {transform_indices = @transform_2, window_bounds = array<i64: 1024, 64>}, {transform_indices = @transform_3, window_bounds = array<i64: 1024, 1>}, {pipeline_mode = #tpu.pipeline_mode<synchronous>, transform_indices = @transform_4, window_bounds = array<i64: 1, 64>}, {pipeline_mode = #tpu.pipeline_mode<synchronous>, transform_indices = @transform_5, window_bounds = array<i64: 64, 64>}, {transform_indices = @transform_6, window_bounds = array<i64: 1024, 64>}]} {
    %get3A = arith.constant 0 : index
    %get3A_0 = arith.constant 0 : index
    %get3A_1 = vector.load %arg1[%get3A, %get3A_0] : memref<1024x64xf32, #tpu.memory_space<vmem>>, vector<1024x64xf32>
    %get3A_2 = arith.constant 0 : index
    %get3A_3 = arith.constant 0 : index
    %get3A_4 = vector.load %arg2[%get3A_2, %get3A_3] : memref<1024x64xf32, #tpu.memory_space<vmem>>, vector<1024x64xf32>
    %add3A = arith.addf %get3A_1, %get3A_4 : vector<1024x64xf32>
    %get3A_5 = arith.constant 0 : index
    %get3A_6 = arith.constant 0 : index
    %get3A_7 = vector.load %arg3[%get3A_5, %get3A_6] : memref<1024x64xf32, #tpu.memory_space<vmem>>, vector<1024x64xf32>
    %add3A_8 = arith.addf %add3A, %get3A_7 : vector<1024x64xf32>
    %get3A_9 = arith.constant 0 : index
    %get3A_10 = arith.constant 0 : index
    %get3A_11 = vector.load %arg4[%get3A_9, %get3A_10] : memref<1024x1xf32, #tpu.memory_space<vmem>>, vector<1024x1xf32>
    %mul3A = vector.broadcast %get3A_11 : vector<1024x1xf32> to vector<1024x64xf32>
    %mul3A_12 = arith.mulf %add3A_8, %mul3A : vector<1024x64xf32>
    %get3A_13 = arith.constant 0 : index
    %get3A_14 = arith.constant 0 : index
    %get3A_15 = vector.load %arg5[%get3A_13, %get3A_14] : memref<1x64xf32, #tpu.memory_space<vmem>>, vector<1x64xf32>
    %add3A_16 = vector.broadcast %get3A_15 : vector<1x64xf32> to vector<1024x64xf32>
    %add3A_17 = arith.addf %mul3A_12, %add3A_16 : vector<1024x64xf32>
    %max3A = arith.constant 0.000000e+00 : f32
    %max3A_18 = vector.broadcast %max3A : f32 to vector<1024x64xf32>
    %max3A_19 = arith.maximumf %add3A_17, %max3A_18 : vector<1024x64xf32>
    %get3A_20 = arith.constant 0 : index
    %get3A_21 = arith.constant 0 : index
    %get3A_22 = vector.load %arg6[%get3A_20, %get3A_21] : memref<64x64xf32, #tpu.memory_space<vmem>>, vector<64x64xf32>
    %dot_general3A = arith.constant dense<0.000000e+00> : vector<1024x64xf32>
    %dot_general3A_23 = tpu.matmul %max3A_19, %get3A_22, %dot_general3A {dimension_numbers = #tpu.dot_dimension_numbers<[1], [1], [0], [0], [0, 0, 1, 0], [], []>, transpose_lhs_hint = false} : vector<1024x64xf32>, vector<64x64xf32>, vector<1024x64xf32> -> vector<1024x64xf32>
    %get3A_24 = arith.constant 0 : index
    %get3A_25 = arith.constant 0 : index
    %get3A_26 = vector.load %arg4[%get3A_24, %get3A_25] : memref<1024x1xf32, #tpu.memory_space<vmem>>, vector<1024x1xf32>
    %mul3A_27 = vector.broadcast %get3A_26 : vector<1024x1xf32> to vector<1024x64xf32>
    %mul3A_28 = arith.mulf %dot_general3A_23, %mul3A_27 : vector<1024x64xf32>
    %swap3A = arith.constant 0 : index
    %swap3A_29 = arith.constant 0 : index
    %swap3A_30 = vector.load %arg7[%swap3A, %swap3A_29] : memref<1024x64xf32, #tpu.memory_space<vmem>>, vector<1024x64xf32>
    tpu.vector_store %arg7[%swap3A, %swap3A_29], %mul3A_28 {strides = array<i32>} : memref<1024x64xf32, #tpu.memory_space<vmem>>, vector<1024x64xf32>,
    return
  }
  func.func @transform_0(%arg0: i32) -> (i32, i32) {
    %c0_i32 = arith.constant 0 : i32
    %c0_i32_0 = arith.constant 0 : i32
    return %arg0, %c0_i32 : i32, i32
  }
  func.func @transform_1(%arg0: i32) -> (i32, i32) {
    %c0_i32 = arith.constant 0 : i32
    %c0_i32_0 = arith.constant 0 : i32
    return %arg0, %c0_i32 : i32, i32
  }
  func.func @transform_2(%arg0: i32) -> (i32, i32) {
    %c0_i32 = arith.constant 0 : i32
    %c0_i32_0 = arith.constant 0 : i32
    return %arg0, %c0_i32 : i32, i32
  }
  func.func @transform_3(%arg0: i32) -> (i32, i32) {
    %c0_i32 = arith.constant 0 : i32
    %c0_i32_0 = arith.constant 0 : i32
    return %arg0, %c0_i32 : i32, i32
  }
  func.func @transform_4(%arg0: i32) -> (i32, i32) {
    %c0_i32 = arith.constant 0 : i32
    %c0_i32_0 = arith.constant 0 : i32
    %c0_i32_1 = arith.constant 0 : i32
    return %c0_i32, %c0_i32_0 : i32, i32
  }
  func.func @transform_5(%arg0: i32) -> (i32, i32) {
    %c0_i32 = arith.constant 0 : i32
    %c0_i32_0 = arith.constant 0 : i32
    %c0_i32_1 = arith.constant 0 : i32
    return %c0_i32, %c0_i32_0 : i32, i32
  }
  func.func @transform_6(%arg0: i32) -> (i32, i32) {
    %c0_i32 = arith.constant 0 : i32
    %c0_i32_0 = arith.constant 0 : i32
    return %arg0, %c0_i32 : i32, i32
  }
}

module attributes {stable_mosaic.version = 14 : i64} {
  func.func @body(%arg0: i32, %arg1: memref<1024x64xf32, #tpu.memory_space<vmem>>, %arg2: memref<1024x64xf32, #tpu.memory_space<vmem>>, %arg3: memref<1024x64xf32, #tpu.memory_space<vmem>>, %arg4: memref<1024x1xf32, #tpu.memory_space<vmem>>, %arg5: memref<1x64xf32, #tpu.memory_space<vmem>>, %arg6: memref<32x64xf32, #tpu.memory_space<vmem>>, %arg7: memref<1024x32xf32, #tpu.memory_space<vmem>>) attributes {dimension_semantics = [#tpu.dimension_semantics<arbitrary>], iteration_bounds = array<i64: 10>, scalar_prefetch = 0 : i64, scratch_operands = 0 : i64, tpu.core_type = #tpu.core_type<tc>, window_params = [{transform_indices = @transform_0, window_bounds = array<i64: 1024, 64>}, {transform_indices = @transform_1, window_bounds = array<i64: 1024, 64>}, {transform_indices = @transform_2, window_bounds = array<i64: 1024, 64>}, {transform_indices = @transform_3, window_bounds = array<i64: 1024, 1>}, {pipeline_mode = #tpu.pipeline_mode<synchronous>, transform_indices = @transform_4, window_bounds = array<i64: 1, 64>}, {pipeline_mode = #tpu.pipeline_mode<synchronous>, transform_indices = @transform_5, window_bounds = array<i64: 32, 64>}, {transform_indices = @transform_6, window_bounds = array<i64: 1024, 32>}]} {
    %get3A = arith.constant 0 : index
    %get3A_0 = arith.constant 0 : index
    %get3A_1 = vector.load %arg1[%get3A, %get3A_0] : memref<1024x64xf32, #tpu.memory_space<vmem>>, vector<1024x64xf32>
    %get3A_2 = arith.constant 0 : index
    %get3A_3 = arith.constant 0 : index
    %get3A_4 = vector.load %arg2[%get3A_2, %get3A_3] : memref<1024x64xf32, #tpu.memory_space<vmem>>, vector<1024x64xf32>
    %add3A = arith.addf %get3A_1, %get3A_4 : vector<1024x64xf32>
    %get3A_5 = arith.constant 0 : index
    %get3A_6 = arith.constant 0 : index
    %get3A_7 = vector.load %arg3[%get3A_5, %get3A_6] : memref<1024x64xf32, #tpu.memory_space<vmem>>, vector<1024x64xf32>
    %add3A_8 = arith.addf %add3A, %get3A_7 : vector<1024x64xf32>
    %get3A_9 = arith.constant 0 : index
    %get3A_10 = arith.constant 0 : index
    %get3A_11 = vector.load %arg4[%get3A_9, %get3A_10] : memref<1024x1xf32, #tpu.memory_space<vmem>>, vector<1024x1xf32>
    %mul3A = vector.broadcast %get3A_11 : vector<1024x1xf32> to vector<1024x64xf32>
    %mul3A_12 = arith.mulf %add3A_8, %mul3A : vector<1024x64xf32>
    %get3A_13 = arith.constant 0 : index
    %get3A_14 = arith.constant 0 : index
    %get3A_15 = vector.load %arg5[%get3A_13, %get3A_14] : memref<1x64xf32, #tpu.memory_space<vmem>>, vector<1x64xf32>
    %add3A_16 = vector.broadcast %get3A_15 : vector<1x64xf32> to vector<1024x64xf32>
    %add3A_17 = arith.addf %mul3A_12, %add3A_16 : vector<1024x64xf32>
    %max3A = arith.constant 0.000000e+00 : f32
    %max3A_18 = vector.broadcast %max3A : f32 to vector<1024x64xf32>
    %max3A_19 = arith.maximumf %add3A_17, %max3A_18 : vector<1024x64xf32>
    %get3A_20 = arith.constant 0 : index
    %get3A_21 = arith.constant 0 : index
    %get3A_22 = vector.load %arg6[%get3A_20, %get3A_21] : memref<32x64xf32, #tpu.memory_space<vmem>>, vector<32x64xf32>
    %dot_general3A = arith.constant dense<0.000000e+00> : vector<1024x32xf32>
    %dot_general3A_23 = tpu.matmul %max3A_19, %get3A_22, %dot_general3A {dimension_numbers = #tpu.dot_dimension_numbers<[1], [1], [0], [0], [0, 0, 1, 0], [], []>, transpose_lhs_hint = false} : vector<1024x64xf32>, vector<32x64xf32>, vector<1024x32xf32> -> vector<1024x32xf32>
    %get3A_24 = arith.constant 0 : index
    %get3A_25 = arith.constant 0 : index
    %get3A_26 = vector.load %arg4[%get3A_24, %get3A_25] : memref<1024x1xf32, #tpu.memory_space<vmem>>, vector<1024x1xf32>
    %mul3A_27 = vector.broadcast %get3A_26 : vector<1024x1xf32> to vector<1024x32xf32>
    %mul3A_28 = arith.mulf %dot_general3A_23, %mul3A_27 : vector<1024x32xf32>
    %swap3A = arith.constant 0 : index
    %swap3A_29 = arith.constant 0 : index
    %swap3A_30 = vector.load %arg7[%swap3A, %swap3A_29] : memref<1024x32xf32, #tpu.memory_space<vmem>>, vector<1024x32xf32>
    tpu.vector_store %arg7[%swap3A, %swap3A_29], %mul3A_28 {strides = array<i32>} : memref<1024x32xf32, #tpu.memory_space<vmem>>, vector<1024x32xf32>,
    return
  }
  func.func @transform_0(%arg0: i32) -> (i32, i32) {
    %c0_i32 = arith.constant 0 : i32
    %c0_i32_0 = arith.constant 0 : i32
    return %arg0, %c0_i32 : i32, i32
  }
  func.func @transform_1(%arg0: i32) -> (i32, i32) {
    %c0_i32 = arith.constant 0 : i32
    %c0_i32_0 = arith.constant 0 : i32
    return %arg0, %c0_i32 : i32, i32
  }
  func.func @transform_2(%arg0: i32) -> (i32, i32) {
    %c0_i32 = arith.constant 0 : i32
    %c0_i32_0 = arith.constant 0 : i32
    return %arg0, %c0_i32 : i32, i32
  }
  func.func @transform_3(%arg0: i32) -> (i32, i32) {
    %c0_i32 = arith.constant 0 : i32
    %c0_i32_0 = arith.constant 0 : i32
    return %arg0, %c0_i32 : i32, i32
  }
  func.func @transform_4(%arg0: i32) -> (i32, i32) {
    %c0_i32 = arith.constant 0 : i32
    %c0_i32_0 = arith.constant 0 : i32
    %c0_i32_1 = arith.constant 0 : i32
    return %c0_i32, %c0_i32_0 : i32, i32
  }
  func.func @transform_5(%arg0: i32) -> (i32, i32) {
    %c0_i32 = arith.constant 0 : i32
    %c0_i32_0 = arith.constant 0 : i32
    %c0_i32_1 = arith.constant 0 : i32
    return %c0_i32, %c0_i32_0 : i32, i32
  }
  func.func @transform_6(%arg0: i32) -> (i32, i32) {
    %c0_i32 = arith.constant 0 : i32
    %c0_i32_0 = arith.constant 0 : i32
    return %arg0, %c0_i32 : i32, i32
  }
}

module attributes {stable_mosaic.version = 14 : i64} {
  func.func @body(%arg0: i32, %arg1: memref<1024x32xf32, #tpu.memory_space<vmem>>, %arg2: memref<1024x32xf32, #tpu.memory_space<vmem>>, %arg3: memref<1024x32xf32, #tpu.memory_space<vmem>>, %arg4: memref<1024x1xf32, #tpu.memory_space<vmem>>, %arg5: memref<1x32xf32, #tpu.memory_space<vmem>>, %arg6: memref<32x32xf32, #tpu.memory_space<vmem>>, %arg7: memref<1024x32xf32, #tpu.memory_space<vmem>>) attributes {dimension_semantics = [#tpu.dimension_semantics<arbitrary>], iteration_bounds = array<i64: 10>, scalar_prefetch = 0 : i64, scratch_operands = 0 : i64, tpu.core_type = #tpu.core_type<tc>, window_params = [{transform_indices = @transform_0, window_bounds = array<i64: 1024, 32>}, {transform_indices = @transform_1, window_bounds = array<i64: 1024, 32>}, {transform_indices = @transform_2, window_bounds = array<i64: 1024, 32>}, {transform_indices = @transform_3, window_bounds = array<i64: 1024, 1>}, {pipeline_mode = #tpu.pipeline_mode<synchronous>, transform_indices = @transform_4, window_bounds = array<i64: 1, 32>}, {pipeline_mode = #tpu.pipeline_mode<synchronous>, transform_indices = @transform_5, window_bounds = array<i64: 32, 32>}, {transform_indices = @transform_6, window_bounds = array<i64: 1024, 32>}]} {
    %get3A = arith.constant 0 : index
    %get3A_0 = arith.constant 0 : index
    %get3A_1 = vector.load %arg1[%get3A, %get3A_0] : memref<1024x32xf32, #tpu.memory_space<vmem>>, vector<1024x32xf32>
    %get3A_2 = arith.constant 0 : index
    %get3A_3 = arith.constant 0 : index
    %get3A_4 = vector.load %arg2[%get3A_2, %get3A_3] : memref<1024x32xf32, #tpu.memory_space<vmem>>, vector<1024x32xf32>
    %add3A = arith.addf %get3A_1, %get3A_4 : vector<1024x32xf32>
    %get3A_5 = arith.constant 0 : index
    %get3A_6 = arith.constant 0 : index
    %get3A_7 = vector.load %arg3[%get3A_5, %get3A_6] : memref<1024x32xf32, #tpu.memory_space<vmem>>, vector<1024x32xf32>
    %add3A_8 = arith.addf %add3A, %get3A_7 : vector<1024x32xf32>
    %get3A_9 = arith.constant 0 : index
    %get3A_10 = arith.constant 0 : index
    %get3A_11 = vector.load %arg4[%get3A_9, %get3A_10] : memref<1024x1xf32, #tpu.memory_space<vmem>>, vector<1024x1xf32>
    %mul3A = vector.broadcast %get3A_11 : vector<1024x1xf32> to vector<1024x32xf32>
    %mul3A_12 = arith.mulf %add3A_8, %mul3A : vector<1024x32xf32>
    %get3A_13 = arith.constant 0 : index
    %get3A_14 = arith.constant 0 : index
    %get3A_15 = vector.load %arg5[%get3A_13, %get3A_14] : memref<1x32xf32, #tpu.memory_space<vmem>>, vector<1x32xf32>
    %add3A_16 = vector.broadcast %get3A_15 : vector<1x32xf32> to vector<1024x32xf32>
    %add3A_17 = arith.addf %mul3A_12, %add3A_16 : vector<1024x32xf32>
    %max3A = arith.constant 0.000000e+00 : f32
    %max3A_18 = vector.broadcast %max3A : f32 to vector<1024x32xf32>
    %max3A_19 = arith.maximumf %add3A_17, %max3A_18 : vector<1024x32xf32>
    %get3A_20 = arith.constant 0 : index
    %get3A_21 = arith.constant 0 : index
    %get3A_22 = vector.load %arg6[%get3A_20, %get3A_21] : memref<32x32xf32, #tpu.memory_space<vmem>>, vector<32x32xf32>
    %dot_general3A = arith.constant dense<0.000000e+00> : vector<1024x32xf32>
    %dot_general3A_23 = tpu.matmul %max3A_19, %get3A_22, %dot_general3A {dimension_numbers = #tpu.dot_dimension_numbers<[1], [1], [0], [0], [0, 0, 1, 0], [], []>, transpose_lhs_hint = false} : vector<1024x32xf32>, vector<32x32xf32>, vector<1024x32xf32> -> vector<1024x32xf32>
    %get3A_24 = arith.constant 0 : index
    %get3A_25 = arith.constant 0 : index
    %get3A_26 = vector.load %arg4[%get3A_24, %get3A_25] : memref<1024x1xf32, #tpu.memory_space<vmem>>, vector<1024x1xf32>
    %mul3A_27 = vector.broadcast %get3A_26 : vector<1024x1xf32> to vector<1024x32xf32>
    %mul3A_28 = arith.mulf %dot_general3A_23, %mul3A_27 : vector<1024x32xf32>
    %swap3A = arith.constant 0 : index
    %swap3A_29 = arith.constant 0 : index
    %swap3A_30 = vector.load %arg7[%swap3A, %swap3A_29] : memref<1024x32xf32, #tpu.memory_space<vmem>>, vector<1024x32xf32>
    tpu.vector_store %arg7[%swap3A, %swap3A_29], %mul3A_28 {strides = array<i32>} : memref<1024x32xf32, #tpu.memory_space<vmem>>, vector<1024x32xf32>,
    return
  }
  func.func @transform_0(%arg0: i32) -> (i32, i32) {
    %c0_i32 = arith.constant 0 : i32
    %c0_i32_0 = arith.constant 0 : i32
    return %arg0, %c0_i32 : i32, i32
  }
  func.func @transform_1(%arg0: i32) -> (i32, i32) {
    %c0_i32 = arith.constant 0 : i32
    %c0_i32_0 = arith.constant 0 : i32
    return %arg0, %c0_i32 : i32, i32
  }
  func.func @transform_2(%arg0: i32) -> (i32, i32) {
    %c0_i32 = arith.constant 0 : i32
    %c0_i32_0 = arith.constant 0 : i32
    return %arg0, %c0_i32 : i32, i32
  }
  func.func @transform_3(%arg0: i32) -> (i32, i32) {
    %c0_i32 = arith.constant 0 : i32
    %c0_i32_0 = arith.constant 0 : i32
    return %arg0, %c0_i32 : i32, i32
  }
  func.func @transform_4(%arg0: i32) -> (i32, i32) {
    %c0_i32 = arith.constant 0 : i32
    %c0_i32_0 = arith.constant 0 : i32
    %c0_i32_1 = arith.constant 0 : i32
    return %c0_i32, %c0_i32_0 : i32, i32
  }
  func.func @transform_5(%arg0: i32) -> (i32, i32) {
    %c0_i32 = arith.constant 0 : i32
    %c0_i32_0 = arith.constant 0 : i32
    %c0_i32_1 = arith.constant 0 : i32
    return %c0_i32, %c0_i32_0 : i32, i32
  }
  func.func @transform_6(%arg0: i32) -> (i32, i32) {
    %c0_i32 = arith.constant 0 : i32
    %c0_i32_0 = arith.constant 0 : i32
    return %arg0, %c0_i32 : i32, i32
  }
}

module attributes {stable_mosaic.version = 14 : i64} {
  func.func @body(%arg0: i32, %arg1: memref<1024x32xf32, #tpu.memory_space<vmem>>, %arg2: memref<1024x32xf32, #tpu.memory_space<vmem>>, %arg3: memref<1024x32xf32, #tpu.memory_space<vmem>>, %arg4: memref<1024x1xf32, #tpu.memory_space<vmem>>, %arg5: memref<1x32xf32, #tpu.memory_space<vmem>>, %arg6: memref<32x32xf32, #tpu.memory_space<vmem>>, %arg7: memref<1x32xf32, #tpu.memory_space<vmem>>, %arg8: memref<8x32xf32, #tpu.memory_space<vmem>>, %arg9: memref<1xf32, #tpu.memory_space<smem>>, %arg10: memref<1024x32xf32, #tpu.memory_space<vmem>>, %arg11: memref<1024x8xf32, #tpu.memory_space<vmem>>) attributes {dimension_semantics = [#tpu.dimension_semantics<arbitrary>], iteration_bounds = array<i64: 10>, scalar_prefetch = 0 : i64, scratch_operands = 0 : i64, tpu.core_type = #tpu.core_type<tc>, window_params = [{transform_indices = @transform_0, window_bounds = array<i64: 1024, 32>}, {transform_indices = @transform_1, window_bounds = array<i64: 1024, 32>}, {transform_indices = @transform_2, window_bounds = array<i64: 1024, 32>}, {transform_indices = @transform_3, window_bounds = array<i64: 1024, 1>}, {pipeline_mode = #tpu.pipeline_mode<synchronous>, transform_indices = @transform_4, window_bounds = array<i64: 1, 32>}, {pipeline_mode = #tpu.pipeline_mode<synchronous>, transform_indices = @transform_5, window_bounds = array<i64: 32, 32>}, {pipeline_mode = #tpu.pipeline_mode<synchronous>, transform_indices = @transform_6, window_bounds = array<i64: 1, 32>}, {pipeline_mode = #tpu.pipeline_mode<synchronous>, transform_indices = @transform_7, window_bounds = array<i64: 8, 32>}, {transform_indices = @transform_8, window_bounds = array<i64: 1>}, {transform_indices = @transform_9, window_bounds = array<i64: 1024, 32>}, {transform_indices = @transform_10, window_bounds = array<i64: 1024, 8>}]} {
    %get3A = arith.constant 0 : index
    %get3A_0 = arith.constant 0 : index
    %get3A_1 = vector.load %arg1[%get3A, %get3A_0] : memref<1024x32xf32, #tpu.memory_space<vmem>>, vector<1024x32xf32>
    %get3A_2 = arith.constant 0 : index
    %get3A_3 = arith.constant 0 : index
    %get3A_4 = vector.load %arg2[%get3A_2, %get3A_3] : memref<1024x32xf32, #tpu.memory_space<vmem>>, vector<1024x32xf32>
    %add3A = arith.addf %get3A_1, %get3A_4 : vector<1024x32xf32>
    %get3A_5 = arith.constant 0 : index
    %get3A_6 = arith.constant 0 : index
    %get3A_7 = vector.load %arg3[%get3A_5, %get3A_6] : memref<1024x32xf32, #tpu.memory_space<vmem>>, vector<1024x32xf32>
    %add3A_8 = arith.addf %add3A, %get3A_7 : vector<1024x32xf32>
    %get3A_9 = arith.constant 0 : index
    %get3A_10 = arith.constant 0 : index
    %get3A_11 = vector.load %arg4[%get3A_9, %get3A_10] : memref<1024x1xf32, #tpu.memory_space<vmem>>, vector<1024x1xf32>
    %mul3A = vector.broadcast %get3A_11 : vector<1024x1xf32> to vector<1024x32xf32>
    %mul3A_12 = arith.mulf %add3A_8, %mul3A : vector<1024x32xf32>
    %get3A_13 = arith.constant 0 : index
    %get3A_14 = arith.constant 0 : index
    %get3A_15 = vector.load %arg5[%get3A_13, %get3A_14] : memref<1x32xf32, #tpu.memory_space<vmem>>, vector<1x32xf32>
    %add3A_16 = vector.broadcast %get3A_15 : vector<1x32xf32> to vector<1024x32xf32>
    %add3A_17 = arith.addf %mul3A_12, %add3A_16 : vector<1024x32xf32>
    %max3A = arith.constant 0.000000e+00 : f32
    %max3A_18 = vector.broadcast %max3A : f32 to vector<1024x32xf32>
    %max3A_19 = arith.maximumf %add3A_17, %max3A_18 : vector<1024x32xf32>
    %swap3A = arith.constant 0 : index
    %swap3A_20 = arith.constant 0 : index
    %swap3A_21 = vector.load %arg10[%swap3A, %swap3A_20] : memref<1024x32xf32, #tpu.memory_space<vmem>>, vector<1024x32xf32>
    tpu.vector_store %arg10[%swap3A, %swap3A_20], %max3A_19 {strides = array<i32>} : memref<1024x32xf32, #tpu.memory_space<vmem>>, vector<1024x32xf32>,
    %get3A_22 = arith.constant 0 : index
    %get3A_23 = arith.constant 0 : index
    %get3A_24 = vector.load %arg6[%get3A_22, %get3A_23] : memref<32x32xf32, #tpu.memory_space<vmem>>, vector<32x32xf32>
    %dot_general3A = arith.constant dense<0.000000e+00> : vector<1024x32xf32>
    %dot_general3A_25 = tpu.matmul %max3A_19, %get3A_24, %dot_general3A {dimension_numbers = #tpu.dot_dimension_numbers<[1], [1], [0], [0], [0, 0, 1, 0], [], []>, transpose_lhs_hint = false} : vector<1024x32xf32>, vector<32x32xf32>, vector<1024x32xf32> -> vector<1024x32xf32>
    %get3A_26 = arith.constant 0 : index
    %get3A_27 = arith.constant 0 : index
    %get3A_28 = vector.load %arg7[%get3A_26, %get3A_27] : memref<1x32xf32, #tpu.memory_space<vmem>>, vector<1x32xf32>
    %add3A_29 = vector.broadcast %get3A_28 : vector<1x32xf32> to vector<1024x32xf32>
    %add3A_30 = arith.addf %dot_general3A_25, %add3A_29 : vector<1024x32xf32>
    %max3A_31 = arith.constant 0.000000e+00 : f32
    %max3A_32 = vector.broadcast %max3A_31 : f32 to vector<1024x32xf32>
    %max3A_33 = arith.maximumf %add3A_30, %max3A_32 : vector<1024x32xf32>
    %get3A_34 = arith.constant 0 : index
    %get3A_35 = arith.constant 0 : index
    %get3A_36 = vector.load %arg8[%get3A_34, %get3A_35] : memref<8x32xf32, #tpu.memory_space<vmem>>, vector<8x32xf32>
    %dot_general3A_37 = arith.constant dense<0.000000e+00> : vector<1024x8xf32>
    %dot_general3A_38 = tpu.matmul %max3A_33, %get3A_36, %dot_general3A_37 {dimension_numbers = #tpu.dot_dimension_numbers<[1], [1], [0], [0], [0, 0, 1, 0], [], []>, transpose_lhs_hint = false} : vector<1024x32xf32>, vector<8x32xf32>, vector<1024x8xf32> -> vector<1024x8xf32>
    %get3A_39 = arith.constant 0 : index
    %get3A_40 = memref.load %arg9[%get3A_39] : memref<1xf32, #tpu.memory_space<smem>>
    %add3A_41 = vector.broadcast %get3A_40 : f32 to vector<1024x8xf32>
    %add3A_42 = arith.addf %dot_general3A_38, %add3A_41 : vector<1024x8xf32>
    %max3A_43 = arith.constant 0.000000e+00 : f32
    %max3A_44 = vector.broadcast %max3A_43 : f32 to vector<1024x8xf32>
    %max3A_45 = arith.maximumf %add3A_42, %max3A_44 : vector<1024x8xf32>
    %swap3A_46 = arith.constant 0 : index
    %swap3A_47 = arith.constant 0 : index
    %swap3A_48 = vector.load %arg11[%swap3A_46, %swap3A_47] : memref<1024x8xf32, #tpu.memory_space<vmem>>, vector<1024x8xf32>
    tpu.vector_store %arg11[%swap3A_46, %swap3A_47], %max3A_45 {strides = array<i32>} : memref<1024x8xf32, #tpu.memory_space<vmem>>, vector<1024x8xf32>,
    return
  }
  func.func @transform_0(%arg0: i32) -> (i32, i32) {
    %c0_i32 = arith.constant 0 : i32
    %c0_i32_0 = arith.constant 0 : i32
    return %arg0, %c0_i32 : i32, i32
  }
  func.func @transform_1(%arg0: i32) -> (i32, i32) {
    %c0_i32 = arith.constant 0 : i32
    %c0_i32_0 = arith.constant 0 : i32
    return %arg0, %c0_i32 : i32, i32
  }
  func.func @transform_2(%arg0: i32) -> (i32, i32) {
    %c0_i32 = arith.constant 0 : i32
    %c0_i32_0 = arith.constant 0 : i32
    return %arg0, %c0_i32 : i32, i32
  }
  func.func @transform_3(%arg0: i32) -> (i32, i32) {
    %c0_i32 = arith.constant 0 : i32
    %c0_i32_0 = arith.constant 0 : i32
    return %arg0, %c0_i32 : i32, i32
  }
  func.func @transform_4(%arg0: i32) -> (i32, i32) {
    %c0_i32 = arith.constant 0 : i32
    %c0_i32_0 = arith.constant 0 : i32
    %c0_i32_1 = arith.constant 0 : i32
    return %c0_i32, %c0_i32_0 : i32, i32
  }
  func.func @transform_5(%arg0: i32) -> (i32, i32) {
    %c0_i32 = arith.constant 0 : i32
    %c0_i32_0 = arith.constant 0 : i32
    %c0_i32_1 = arith.constant 0 : i32
    return %c0_i32, %c0_i32_0 : i32, i32
  }
  func.func @transform_6(%arg0: i32) -> (i32, i32) {
    %c0_i32 = arith.constant 0 : i32
    %c0_i32_0 = arith.constant 0 : i32
    %c0_i32_1 = arith.constant 0 : i32
    return %c0_i32, %c0_i32_0 : i32, i32
  }
  func.func @transform_7(%arg0: i32) -> (i32, i32) {
    %c0_i32 = arith.constant 0 : i32
    %c0_i32_0 = arith.constant 0 : i32
    %c0_i32_1 = arith.constant 0 : i32
    return %c0_i32, %c0_i32_0 : i32, i32
  }
  func.func @transform_8(%arg0: i32) -> i32 {
    %c0_i32 = arith.constant 0 : i32
    %c0_i32_0 = arith.constant 0 : i32
    return %c0_i32 : i32
  }
  func.func @transform_9(%arg0: i32) -> (i32, i32) {
    %c0_i32 = arith.constant 0 : i32
    %c0_i32_0 = arith.constant 0 : i32
    return %arg0, %c0_i32 : i32, i32
  }
  func.func @transform_10(%arg0: i32) -> (i32, i32) {
    %c0_i32 = arith.constant 0 : i32
    %c0_i32_0 = arith.constant 0 : i32
    return %arg0, %c0_i32 : i32, i32
  }
}

module attributes {stable_mosaic.version = 14 : i64} {
  func.func @body(%arg0: i32, %arg1: memref<2000x32xf32, #tpu.memory_space<vmem>>, %arg2: memref<2000x32xf32, #tpu.memory_space<vmem>>, %arg3: memref<64x32xf32, #tpu.memory_space<vmem>>, %arg4: memref<64x32xf32, #tpu.memory_space<vmem>>, %arg5: memref<1x64xf32, #tpu.memory_space<vmem>>, %arg6: memref<32x64xf32, #tpu.memory_space<vmem>>, %arg7: memref<1x32xf32, #tpu.memory_space<vmem>>, %arg8: memref<32x32xf32, #tpu.memory_space<vmem>>, %arg9: memref<1x32xf32, #tpu.memory_space<vmem>>, %arg10: memref<8x32xf32, #tpu.memory_space<vmem>>, %arg11: memref<1xf32, #tpu.memory_space<smem>>, %arg12: memref<2000x8xf32, #tpu.memory_space<vmem>>) attributes {dimension_semantics = [#tpu.dimension_semantics<arbitrary>], iteration_bounds = array<i64: 160>, scalar_prefetch = 0 : i64, scratch_operands = 0 : i64, tpu.core_type = #tpu.core_type<tc>, window_params = [{transform_indices = @transform_0, window_bounds = array<i64: 2000, 32>}, {transform_indices = @transform_1, window_bounds = array<i64: 2000, 32>}, {pipeline_mode = #tpu.pipeline_mode<synchronous>, transform_indices = @transform_2, window_bounds = array<i64: 64, 32>}, {pipeline_mode = #tpu.pipeline_mode<synchronous>, transform_indices = @transform_3, window_bounds = array<i64: 64, 32>}, {pipeline_mode = #tpu.pipeline_mode<synchronous>, transform_indices = @transform_4, window_bounds = array<i64: 1, 64>}, {pipeline_mode = #tpu.pipeline_mode<synchronous>, transform_indices = @transform_5, window_bounds = array<i64: 32, 64>}, {pipeline_mode = #tpu.pipeline_mode<synchronous>, transform_indices = @transform_6, window_bounds = array<i64: 1, 32>}, {pipeline_mode = #tpu.pipeline_mode<synchronous>, transform_indices = @transform_7, window_bounds = array<i64: 32, 32>}, {pipeline_mode = #tpu.pipeline_mode<synchronous>, transform_indices = @transform_8, window_bounds = array<i64: 1, 32>}, {pipeline_mode = #tpu.pipeline_mode<synchronous>, transform_indices = @transform_9, window_bounds = array<i64: 8, 32>}, {transform_indices = @transform_10, window_bounds = array<i64: 1>}, {transform_indices = @transform_11, window_bounds = array<i64: 2000, 8>}]} {
    %get3A = arith.constant 0 : index
    %get3A_0 = arith.constant 0 : index
    %get3A_1 = vector.load %arg1[%get3A, %get3A_0] : memref<2000x32xf32, #tpu.memory_space<vmem>>, vector<2000x32xf32>
    %get3A_2 = arith.constant 0 : index
    %get3A_3 = arith.constant 0 : index
    %get3A_4 = vector.load %arg3[%get3A_2, %get3A_3] : memref<64x32xf32, #tpu.memory_space<vmem>>, vector<64x32xf32>
    %dot_general3A = arith.constant dense<0.000000e+00> : vector<2000x64xf32>
    %dot_general3A_5 = tpu.matmul %get3A_1, %get3A_4, %dot_general3A {dimension_numbers = #tpu.dot_dimension_numbers<[1], [1], [0], [0], [0, 0, 1, 0], [], []>, transpose_lhs_hint = false} : vector<2000x32xf32>, vector<64x32xf32>, vector<2000x64xf32> -> vector<2000x64xf32>
    %get3A_6 = arith.constant 0 : index
    %get3A_7 = arith.constant 0 : index
    %get3A_8 = vector.load %arg2[%get3A_6, %get3A_7] : memref<2000x32xf32, #tpu.memory_space<vmem>>, vector<2000x32xf32>
    %get3A_9 = arith.constant 0 : index
    %get3A_10 = arith.constant 0 : index
    %get3A_11 = vector.load %arg4[%get3A_9, %get3A_10] : memref<64x32xf32, #tpu.memory_space<vmem>>, vector<64x32xf32>
    %dot_general3A_12 = arith.constant dense<0.000000e+00> : vector<2000x64xf32>
    %dot_general3A_13 = tpu.matmul %get3A_8, %get3A_11, %dot_general3A_12 {dimension_numbers = #tpu.dot_dimension_numbers<[1], [1], [0], [0], [0, 0, 1, 0], [], []>, transpose_lhs_hint = false} : vector<2000x32xf32>, vector<64x32xf32>, vector<2000x64xf32> -> vector<2000x64xf32>
    %add3A = arith.addf %dot_general3A_5, %dot_general3A_13 : vector<2000x64xf32>
    %get3A_14 = arith.constant 0 : index
    %get3A_15 = arith.constant 0 : index
    %get3A_16 = vector.load %arg5[%get3A_14, %get3A_15] : memref<1x64xf32, #tpu.memory_space<vmem>>, vector<1x64xf32>
    %add3A_17 = vector.broadcast %get3A_16 : vector<1x64xf32> to vector<2000x64xf32>
    %add3A_18 = arith.addf %add3A, %add3A_17 : vector<2000x64xf32>
    %max3A = arith.constant 0.000000e+00 : f32
    %max3A_19 = vector.broadcast %max3A : f32 to vector<2000x64xf32>
    %max3A_20 = arith.maximumf %add3A_18, %max3A_19 : vector<2000x64xf32>
    %get3A_21 = arith.constant 0 : index
    %get3A_22 = arith.constant 0 : index
    %get3A_23 = vector.load %arg6[%get3A_21, %get3A_22] : memref<32x64xf32, #tpu.memory_space<vmem>>, vector<32x64xf32>
    %dot_general3A_24 = arith.constant dense<0.000000e+00> : vector<2000x32xf32>
    %dot_general3A_25 = tpu.matmul %max3A_20, %get3A_23, %dot_general3A_24 {dimension_numbers = #tpu.dot_dimension_numbers<[1], [1], [0], [0], [0, 0, 1, 0], [], []>, transpose_lhs_hint = false} : vector<2000x64xf32>, vector<32x64xf32>, vector<2000x32xf32> -> vector<2000x32xf32>
    %get3A_26 = arith.constant 0 : index
    %get3A_27 = arith.constant 0 : index
    %get3A_28 = vector.load %arg7[%get3A_26, %get3A_27] : memref<1x32xf32, #tpu.memory_space<vmem>>, vector<1x32xf32>
    %add3A_29 = vector.broadcast %get3A_28 : vector<1x32xf32> to vector<2000x32xf32>
    %add3A_30 = arith.addf %dot_general3A_25, %add3A_29 : vector<2000x32xf32>
    %max3A_31 = arith.constant 0.000000e+00 : f32
    %max3A_32 = vector.broadcast %max3A_31 : f32 to vector<2000x32xf32>
    %max3A_33 = arith.maximumf %add3A_30, %max3A_32 : vector<2000x32xf32>
    %get3A_34 = arith.constant 0 : index
    %get3A_35 = arith.constant 0 : index
    %get3A_36 = vector.load %arg8[%get3A_34, %get3A_35] : memref<32x32xf32, #tpu.memory_space<vmem>>, vector<32x32xf32>
    %dot_general3A_37 = arith.constant dense<0.000000e+00> : vector<2000x32xf32>
    %dot_general3A_38 = tpu.matmul %max3A_33, %get3A_36, %dot_general3A_37 {dimension_numbers = #tpu.dot_dimension_numbers<[1], [1], [0], [0], [0, 0, 1, 0], [], []>, transpose_lhs_hint = false} : vector<2000x32xf32>, vector<32x32xf32>, vector<2000x32xf32> -> vector<2000x32xf32>
    %get3A_39 = arith.constant 0 : index
    %get3A_40 = arith.constant 0 : index
    %get3A_41 = vector.load %arg9[%get3A_39, %get3A_40] : memref<1x32xf32, #tpu.memory_space<vmem>>, vector<1x32xf32>
    %add3A_42 = vector.broadcast %get3A_41 : vector<1x32xf32> to vector<2000x32xf32>
    %add3A_43 = arith.addf %dot_general3A_38, %add3A_42 : vector<2000x32xf32>
    %max3A_44 = arith.constant 0.000000e+00 : f32
    %max3A_45 = vector.broadcast %max3A_44 : f32 to vector<2000x32xf32>
    %max3A_46 = arith.maximumf %add3A_43, %max3A_45 : vector<2000x32xf32>
    %get3A_47 = arith.constant 0 : index
    %get3A_48 = arith.constant 0 : index
    %get3A_49 = vector.load %arg10[%get3A_47, %get3A_48] : memref<8x32xf32, #tpu.memory_space<vmem>>, vector<8x32xf32>
    %dot_general3A_50 = arith.constant dense<0.000000e+00> : vector<2000x8xf32>
    %dot_general3A_51 = tpu.matmul %max3A_46, %get3A_49, %dot_general3A_50 {dimension_numbers = #tpu.dot_dimension_numbers<[1], [1], [0], [0], [0, 0, 1, 0], [], []>, transpose_lhs_hint = false} : vector<2000x32xf32>, vector<8x32xf32>, vector<2000x8xf32> -> vector<2000x8xf32>
    %get3A_52 = arith.constant 0 : index
    %get3A_53 = memref.load %arg11[%get3A_52] : memref<1xf32, #tpu.memory_space<smem>>
    %add3A_54 = vector.broadcast %get3A_53 : f32 to vector<2000x8xf32>
    %add3A_55 = arith.addf %dot_general3A_51, %add3A_54 : vector<2000x8xf32>
    %max3A_56 = arith.constant 0.000000e+00 : f32
    %max3A_57 = vector.broadcast %max3A_56 : f32 to vector<2000x8xf32>
    %max3A_58 = arith.maximumf %add3A_55, %max3A_57 : vector<2000x8xf32>
    %swap3A = arith.constant 0 : index
    %swap3A_59 = arith.constant 0 : index
    %swap3A_60 = vector.load %arg12[%swap3A, %swap3A_59] : memref<2000x8xf32, #tpu.memory_space<vmem>>, vector<2000x8xf32>
    tpu.vector_store %arg12[%swap3A, %swap3A_59], %max3A_58 {strides = array<i32>} : memref<2000x8xf32, #tpu.memory_space<vmem>>, vector<2000x8xf32>,
    return
  }
  func.func @transform_0(%arg0: i32) -> (i32, i32) {
    %c0_i32 = arith.constant 0 : i32
    %c0_i32_0 = arith.constant 0 : i32
    return %arg0, %c0_i32 : i32, i32
  }
  func.func @transform_1(%arg0: i32) -> (i32, i32) {
    %c0_i32 = arith.constant 0 : i32
    %c0_i32_0 = arith.constant 0 : i32
    return %arg0, %c0_i32 : i32, i32
  }
  func.func @transform_2(%arg0: i32) -> (i32, i32) {
    %c0_i32 = arith.constant 0 : i32
    %c0_i32_0 = arith.constant 0 : i32
    %c0_i32_1 = arith.constant 0 : i32
    return %c0_i32, %c0_i32_0 : i32, i32
  }
  func.func @transform_3(%arg0: i32) -> (i32, i32) {
    %c0_i32 = arith.constant 0 : i32
    %c0_i32_0 = arith.constant 0 : i32
    %c0_i32_1 = arith.constant 0 : i32
    return %c0_i32, %c0_i32_0 : i32, i32
  }
  func.func @transform_4(%arg0: i32) -> (i32, i32) {
    %c0_i32 = arith.constant 0 : i32
    %c0_i32_0 = arith.constant 0 : i32
    %c0_i32_1 = arith.constant 0 : i32
    return %c0_i32, %c0_i32_0 : i32, i32
  }
  func.func @transform_5(%arg0: i32) -> (i32, i32) {
    %c0_i32 = arith.constant 0 : i32
    %c0_i32_0 = arith.constant 0 : i32
    %c0_i32_1 = arith.constant 0 : i32
    return %c0_i32, %c0_i32_0 : i32, i32
  }
  func.func @transform_6(%arg0: i32) -> (i32, i32) {
    %c0_i32 = arith.constant 0 : i32
    %c0_i32_0 = arith.constant 0 : i32
    %c0_i32_1 = arith.constant 0 : i32
    return %c0_i32, %c0_i32_0 : i32, i32
  }
  func.func @transform_7(%arg0: i32) -> (i32, i32) {
    %c0_i32 = arith.constant 0 : i32
    %c0_i32_0 = arith.constant 0 : i32
    %c0_i32_1 = arith.constant 0 : i32
    return %c0_i32, %c0_i32_0 : i32, i32
  }
  func.func @transform_8(%arg0: i32) -> (i32, i32) {
    %c0_i32 = arith.constant 0 : i32
    %c0_i32_0 = arith.constant 0 : i32
    %c0_i32_1 = arith.constant 0 : i32
    return %c0_i32, %c0_i32_0 : i32, i32
  }
  func.func @transform_9(%arg0: i32) -> (i32, i32) {
    %c0_i32 = arith.constant 0 : i32
    %c0_i32_0 = arith.constant 0 : i32
    %c0_i32_1 = arith.constant 0 : i32
    return %c0_i32, %c0_i32_0 : i32, i32
  }
  func.func @transform_10(%arg0: i32) -> i32 {
    %c0_i32 = arith.constant 0 : i32
    %c0_i32_0 = arith.constant 0 : i32
    return %c0_i32 : i32
  }
  func.func @transform_11(%arg0: i32) -> (i32, i32) {
    %c0_i32 = arith.constant 0 : i32
    %c0_i32_0 = arith.constant 0 : i32
    return %arg0, %c0_i32 : i32, i32
  }
}

</mosaic_0001>

<sc_bundles>
// kernel: kernel.17.cloned.1.call-start
scs
__scs_entry_jumppad:
0x0: {  	(pc) =	sbr.rel $0x88, $3  }
0x1: {  	(tag) =	ssettag $0x0;
	lr =	simm.s32 $0x1  }
0x2: {  	[smem:$0x3F88] =	sst lr;
	_ =	strace $0xD0000000  }
0x3: {  	_ = 	snop  }
0x4: {  	_ = 	snop  }
0x5: {  	_ = 	snop  }
0x6: {  	_ = 	snop  }
0x7: {  	_ = 	snop  }
__scs_overlays_trampoline_lowered:
0x8: {  	[smem:$0x3F97] =	sst s0  }
0x9: {  	[smem:$0x3F98] =	sst s1  }
0xa: {  	[smem:$0x3F99] =	sst s2  }
0xb: {  	[smem:$0x3F9A] =	sst s3  }
0xc: {  	[smem:$0x3F9B] =	sst s4  }
0xd: {  	[smem:$0x3F9C] =	sst s5  }
0xe: {  	[smem:$0x3F9D] =	sst s6  }
0xf: {  	[smem:$0x3F9E] =	sst s7  }
0x10: {  	[smem:$0x3F9F] =	sst s8  }
0x11: {  	[smem:$0x3FA0] =	sst s9;
	s0 =	simm.s32 @!p0 $0x0  }
0x12: {  	s1 =	sld [smem:$0x3F86];
	s0 =	simm.s32 @p0 $0x1  }
0x13: {  	[smem:$0x3FA1] =	sst s0;
	s0 =	simm.s32 @!p1 $0x0  }
0x14: {  	s2 =	sld [smem:$0x3F85];
	s0 =	simm.s32 @p1 $0x1  }
0x15: {  	[smem:$0x3FA2] =	sst s0;
	s0 =	simm.s32 @!p2 $0x0  }
0x16: {  	s3 =	sld [smem:$0x3FDB];
	s0 =	simm.s32 @p2 $0x1  }
0x17: {  	s4 =	simm.s32 $0x1BF5;
	[smem:$0x3FA4] =	sst s0  }
0x18: {  	s0 =	sld [smem:$0x3F87];
	_ =	swait.ge [sflag:s4], $0x0  }
0x19: {  	s7 =	sld [smem:$0x3F88]  }
0x1a: {  	s8 =	sadd.s32 $0xFFFFE003, lr  }
0x1b: {  	s9 =	sadd.s32 $0xFFFFFEF7, lr;
	s5 =	simm.s32 $0xFFFFFFFF;
	p2 =	slt.u32 s8, $0xFFFFF086  }
0x1c: {  	p1 =	slt.u32 s9, $0xF7A;
	s5 =	simm.s32 @!p2 $0x0  }
0x1d: {  	s5 =	simm.s32 @p1 $0x1;
	p0 =	seq.s32 s7, s2  }
0x1e: {  	s7 =	smul.u32 @!p0 $0xF7A, s2;
	p2 =	seq.s32 @!p0 s5, $0x0  }
0x1f: {  	s9 =	smul.u32 $0xF7A, s1;
	s8 =	simm.s32 @!p0 $0x1BF5;
	p2 =	por !p2, p0  }
0x20: {  	[sflag:s8] =	ssyncset.s32 @!p0 $0xFFFFF086;
	s6 =	sadd.s32 @!p0 s3, s7;
	s7 =	simm.s32 @!p0 $0x108  }
0x21: {  	s3 =	sadd.s32 s3, s9;
	s6 =	sadd.s32 @!p0 $0x88, s6;
	s7 =	simm.s32 @p2 $0x1082  }
0x22: {  	[simem:s7], [sflag:s8] =	dma.local @!p0 [hbm:s6], $0xF7A  }
0x23: {  	s9 =	sor.u32 $0xD0000000, s2;
	s6 =	simm.s32 $0x108;
	_ =	swait.ge @!p0 [sflag:s8], $0x0  }
0x24: {  	s3 =	sadd.s32 $0x88, s3;
	s6 =	simm.s32 @!p1 $0x1082;
	[sflag:s4] =	ssyncset.s32 $0xFFFFF086  }
0x25: {  	[simem:s6], [sflag:s4] =	dma.local [hbm:s3], $0xF7A  }
0x26: {  	[smem:$0x3F88] =	sst s1;
	(tag) =	ssettag s2;
	_ =	strace s9  }
0x27: {  	s1 =	sld [smem:$0x3F98]  }
0x28: {  	s2 =	sld [smem:$0x3F99]  }
0x29: {  	s4 =	sld [smem:$0x3F9B]  }
0x2a: {  	p0 =	seq.s32 s5, $0x0;
	s5 =	sld [smem:$0x3F9C]  }
0x2b: {  	s6 =	sld [smem:$0x3F9D]  }
0x2c: {  	s7 =	sld [smem:$0x3F9E]  }
0x2d: {  	s3 =	simm.s32 $0x108;
	s8 =	sld [smem:$0x3F9F]  }
0x2e: {  	s3 =	simm.s32 @!p0 $0x1082;
	s9 =	sld [smem:$0x3FA0]  }
0x2f: {  	lr =	sadd.s32 s0, s3;
	s0 =	sld [smem:$0x3F97]  }
0x30: {  	s3 =	sld [smem:$0x3F9A]  }
0x31: {  	[smem:$0x3FA3] =	sst s10  }
0x32: {  	s10 =	sld [smem:$0x3FA1];
	_ =	sdelay $0x3  }
0x33: {  	p0 =	seq.s32 s10, $0x1;
	s10 =	sld [smem:$0x3FA3];
	_ =	sdelay $0x3  }
0x34: {  	[smem:$0x3FA3] =	sst s10  }
0x35: {  	s10 =	sld [smem:$0x3FA2];
	_ =	sdelay $0x3  }
0x36: {  	p1 =	seq.s32 s10, $0x1;
	s10 =	sld [smem:$0x3FA3];
	_ =	sdelay $0x3  }
0x37: {  	[smem:$0x3FA3] =	sst s10  }
0x38: {  	s10 =	sld [smem:$0x3FA4]  }
0x39: {  	_ = 	snop;
	(pc) =	sbr.ind lr, $3  }
0x3a: {  	_ = 	snop  }
0x3b: {  	_ = 	snop  }
0x3c: {  	p2 =	seq.s32 s10, $0x1;
	s10 =	sld [smem:$0x3FA3]  }
0x3d: {  	_ =	shalt  }
0x3e: {  	_ =	shalt  }
0x3f: {  	_ =	shalt  }
0x40: {  	_ =	shalt  }
0x41: {  	_ =	shalt  }
0x42: {  	_ =	shalt  }
0x43: {  	_ =	shalt  }
0x44: {  	_ =	shalt  }
0x45: {  	_ =	shalt  }
0x46: {  	_ =	shalt  }
0x47: {  	_ =	shalt  }
0x48: {  	_ =	shalt  }
0x49: {  	_ =	shalt  }
0x4a: {  	_ =	shalt  }
0x4b: {  	_ =	shalt  }
0x4c: {  	_ =	shalt  }
0x4d: {  	_ =	shalt  }
0x4e: {  	_ =	shalt  }
0x4f: {  	_ =	shalt  }
0x50: {  	_ =	shalt  }
0x51: {  	_ =	shalt  }
0x52: {  	_ =	shalt  }
0x53: {  	_ =	shalt  }
0x54: {  	_ =	shalt  }
0x55: {  	_ =	shalt  }
0x56: {  	_ =	shalt  }
0x57: {  	_ =	shalt  }
0x58: {  	_ =	shalt  }
0x59: {  	_ =	shalt  }
0x5a: {  	_ =	shalt  }
0x5b: {  	_ =	shalt  }
0x5c: {  	_ =	shalt  }
0x5d: {  	_ =	shalt  }
0x5e: {  	_ =	shalt  }
0x5f: {  	_ =	shalt  }
0x60: {  	_ =	shalt  }
0x61: {  	_ =	shalt  }
0x62: {  	_ =	shalt  }
0x63: {  	_ =	shalt  }
0x64: {  	_ =	shalt  }
0x65: {  	_ =	shalt  }
0x66: {  	_ =	shalt  }
0x67: {  	_ =	shalt  }
0x68: {  	_ =	shalt  }
0x69: {  	_ =	shalt  }
0x6a: {  	_ =	shalt  }
0x6b: {  	_ =	shalt  }
0x6c: {  	_ =	shalt  }
0x6d: {  	_ =	shalt  }
0x6e: {  	_ =	shalt  }
0x6f: {  	_ =	shalt  }
0x70: {  	_ =	shalt  }
0x71: {  	_ =	shalt  }
0x72: {  	_ =	shalt  }
0x73: {  	_ =	shalt  }
0x74: {  	_ =	shalt  }
0x75: {  	_ =	shalt  }
0x76: {  	_ =	shalt  }
0x77: {  	_ =	shalt  }
0x78: {  	_ =	shalt  }
0x79: {  	_ =	shalt  }
0x7a: {  	_ =	shalt  }
0x7b: {  	_ =	shalt  }
0x7c: {  	_ =	shalt  }
0x7d: {  	_ =	shalt  }
0x7e: {  	_ =	shalt  }
0x7f: {  	_ =	shalt  }
0x80: {  	_ =	shalt  }
0x81: {  	_ =	shalt  }
0x82: {  	_ =	shalt  }
0x83: {  	_ =	shalt  }
0x84: {  	_ =	shalt  }
0x85: {  	_ =	shalt  }
0x86: {  	_ =	shalt  }
0x87: {  	_ =	shalt  }
.Lfunc_end0:
.L_simem_size_0:
called_computation_lowered:
.L_overlay_start_0:
0x88: {  	s2 =	sld [smem:$0x3FD9]  }
0x89: {  	s3 =	sld [smem:$0x3FFE];
	_ =	sdelay $0x1  }
0x8a: {  	s1 =	srdreg.scid  }
0x8b: {  	s0 =	sand.u32 $0x1, s1  }
0x8c: {  	s14 =	sshll.u32 s0, $0xA;
	s2 =	sadd.s32 s3, s2  }
0x8d: {  	s2 =	sadd.s32 s2, s14  }
0x8e: {  	[smem:$0x3FAF] =	sst s2  }
0x8f: {  	_ = 	snop  }
0x90: {  	s2 =	sld [smem:$0x3FD0];
	_ =	sdelay $0x2  }
0x91: {  	s4 =	simm.s32 $0xA;
	s5 =	simm.s32 $0x10;
	s15 =	sld [smem:$0x3FC7]  }
0x92: {  	[smem:s5], [sflag:s4] =	dma.local [hbm:s2], $0x1  }
0x93: {  	_ =	swait.eq [sflag:s4], $0x1  }
0x94: {  	[sflag:s4] =	ssyncset.done $0x0  }
0x95: {  	[sflag:s4] =	ssyncadd.s32 $0xFFFFFFFF  }
0x96: {  	s16 =	sld [smem:$0x11];
	(tm) =	ssettm $0x1  }
0x97: {  	s17 =	sld [smem:$0x3FFB];
	_ =	sdelay $0x3  }
0x98: {  	_ =	strace s17  }
0x99: {  	s4 =	sld [smem:$0x3FFC];
	_ =	sdelay $0x3  }
0x9a: {  	_ =	strace s4  }
0x9b: {  	s4 =	sld [smem:$0x3FFD];
	_ =	sdelay $0x3  }
0x9c: {  	_ =	strace s4  }
0x9d: {  	_ =	strace $0x8FFFFFFF  }
0x9e: {  	s18 =	sld [smem:$0x3FDB];
	_ =	sdelay $0x1  }
0x9f: {  	s19 =	simm.s32 $_scs_section_size  }
0xa0: {  	s6 =	simm.s32 $_size__tile_overlayer_lowered;
	s7 =	simm.s32 $_tile_overlayer_lowered  }
0xa1: {  	s22 =	simm.s32 $0x1BFF;
	s21 =	sshll.u32 s7, $0x1;
	s4 =	sadd.s32 s19, s18  }
0xa2: {  	s8 =	simm.s32 $0x0;
	s20 =	sshll.u32 s6, $0x1;
	s6 =	sadd.s32 s21, s4  }
0xa3: {  	[timem:s8], [sflag:s22] =	dma.local [hbm:s6], s20  }
0xa4: {  	_ =	swait.ge [sflag:s22], s20  }
0xa5: {  	s5 =	ssub.s32 $0x0, s20;
	[sflag:s22] =	ssyncset.done $0x0  }
0xa6: {  	[sflag:s22] =	ssyncadd.s32 s5;
	_ =	sdelay $0x1  }
0xa7: {  	s23 =	simm.s32 $0x1B8B  }
0xa8: {  	_ =	swait.ge [sflag:s23], $0x1  }
0xa9: {  	[sflag:s23] =	ssyncset.done $0x0  }
0xaa: {  	s25 =	simm.s32 $0x1B8E;
	s24 =	sld [smem:$0x3FFE];
	[sflag:s23] =	ssyncadd.s32 $0xFFFFFFFF  }
0xab: {  	s26 =	simm.s32 $execute0_lowered;
	[smem:$0x3FD2] =	sst s25  }
0xac: {  	s6 =	sshll.u32 s26, $0x1;
	_ =	strace $0x80000046;
	[dreg:$0x1] =	wrdreg $0xFFFFFFFF  }
0xad: {  	s28 =	simm.s32 $_size_execute0_lowered;
	s4 =	sadd.s32 s4, s6;
	[dreg:$0x0] =	wrdreg $0x0  }
0xae: {  	s6 =	sshll.u32 s28, $0x1;
	[dreg:$0x2] =	wrdreg s4  }
0xaf: {  	[dreg:$0x3] =	wrdreg s6  }
0xb0: {  	[dreg:$0x4] =	wrdreg $0xC0  }
0xb1: {  	_ =	task [dreg:s8], $0x5FFFF  }
0xb2: {  	[dreg:$0x1] =	wrdreg $0xFFFFFFFF  }
0xb3: {  	[dreg:$0x0] =	wrdreg $0x60  }
0xb4: {  	[dreg:$0x2] =	wrdreg s24  }
0xb5: {  	[dreg:$0x3] =	wrdreg s15  }
0xb6: {  	[dreg:$0x4] =	wrdreg s16  }
0xb7: {  	[dreg:$0x5] =	wrdreg $0x3800  }
0xb8: {  	[dreg:$0x6] =	wrdreg $0x9  }
0xb9: {  	_ =	task.clear_ibuf [dreg:s8], $0x7FFFF;
	_ =	strace $0x90000046  }
0xba: {  	s29 =	simm.s32 $0x9;
	_ =	strace $0x80000048  }
0xbb: {  	_ =	swait.ge [sflag:s29], $0x1  }
0xbc: {  	[sflag:s29] =	ssyncadd.s32 $0xFFFFFFFF  }
0xbd: {  	_ =	strace $0x90000048  }
0xbe: {  	_ =	sfence  }
0xbf: {  	s30 =	sld [smem:$0x0];
	_ =	sdelay $0x2  }
0xc0: {  	s31 =	sshll.u32 s1, $0xD;
	s1 =	sshrl.u32 s1, $0x2  }
0xc1: {  	s3 =	sand.u32 $0x4000, s31;
	s1 =	sadd.s32 s1, s30  }
0xc2: {  	s0 =	sor.u32 s3, s0;
	s1 =	sshll.u32 s1, $0x11  }
0xc3: {  	s0 =	sor.u32 s1, s0  }
0xc4: {  	s0 =	sadd.s32 $0x8F2B, s0  }
0xc5: {  	[sflag:s0] =	ssyncadd.remote.s32 $0x1  }
0xc6: {  	_ =	sfence.sel $0xFFFF  }
0xc7: {  	[dreg:$0x0] =	wrdreg $0xFFFFFFFF;
	(pc) =	sbr.abs _section_cstart, $3  }
0xc8: {  	[dreg:$0x1] =	wrdreg $0xFFFFFFFF  }
0xc9: {  	_ =	task.clear_ibuf [dreg:s8], $0x2FFFF;
	_ =	strace $0x9FFFFFFF  }
0xca: {  	(tm) =	ssettm $0x7FFFFFFF  }
0xcb: {  	_ =	shalt  }
tec
execute0_lowered:
.L_overlay_start_1:
0x0: {  	(tag) =	ssettag $0x1  }
0x1: {  	s4 =	rddreg [dreg:$0x0]  }
0x2: {  	s7 =	rddreg [dreg:$0x1]  }
0x3: {  	s1 =	srdreg.scid;
	s5 =	rddreg [dreg:$0x2]  }
0x4: {  	s0 =	stileid.u32;
	s2 =	rddreg [dreg:$0x3];
	s3 =	simm.s32 $0x0  }
0x5: {  	s15 =	simm.s32 $0x20;
	s16 =	simm.s32 $0x10;
	s8 =	smul.u32 $0x4E20, s0  }
0x6: {  	s6 =	sand.u32 $0x1, s1;
	s1 =	rddreg [dreg:$0x4];
	s28 =	smul.u32 $0x500, s0  }
0x7: {  	s17 =	simm.s32 $0x0;
	[smem:$0x7FF] =	sst s3;
	s11 =	smul.u32 $0xA00, s0  }
0x8: {  	s13 =	sshll.u32 s0, $0x6;
	s9 =	smul.u32 $0x2710, s6;
	_ =	strace $0x80000047  }
0x9: {  	s10 =	ssub.s32 $0x2, s6;
	s6 =	sshll.u32 s6, $0x7;
	s13 =	sor.u32 $0x1C01, s13  }
0xa: {  	s29 =	sshrl.u32 s10, $0x1;
	s6 =	sor.u32 s6, s28;
	s31 =	sshrl.u32 s11, $0x2  }
0xb: {  	s11 =	simm.s32 $0x80;
	s8 =	sadd.s32 s9, s8;
	s30 =	ssub.s32 s10, s29  }
0xc: {  	s6 =	sshrl.u32 s6, $0x3;
	s9 =	simm.s32 $0x100;
	s10 =	simm.s32 $0x1  }
0xd: {  	s8 =	sshrl.u32 s8, $0x3;
	s5 =	sadd.s32 s5, s6;
	s6 =	smax.u32 s30, $0x1  }
0xe: {  	s12 =	sadd.s32 s8, s4;
	s4 =	sadd.s32 s31, s2;
	s7 =	sadd.s32 s8, s7  }
0xf: {  	v0 =	vimm.f32 $0.0e+00;
	s8 =	sadd.s32 $0xFE00, s12;
	s12 =	simm.s32 $0x50;
	s14 =	sshrl.u32 s4, $0x3  }
.LBB2_1:
0x10: {  	[tilespmem:$0x100] =	vst v0  }
0x11: {  	[tilespmem:$0x110] =	vst v0  }
0x12: {  	[tilespmem:$0x120] =	vst v0  }
0x13: {  	[tilespmem:$0x130] =	vst v0  }
0x14: {  	[tilespmem:$0x140] =	vst v0  }
0x15: {  	[tilespmem:$0x150] =	vst v0  }
0x16: {  	[tilespmem:$0x160] =	vst v0  }
0x17: {  	[tilespmem:$0x170] =	vst v0  }
0x18: {  	[tilespmem:$0x180] =	vst v0  }
0x19: {  	[tilespmem:$0x190] =	vst v0  }
0x1a: {  	[tilespmem:$0x1A0] =	vst v0  }
0x1b: {  	[tilespmem:$0x1B0] =	vst v0  }
0x1c: {  	[tilespmem:$0x1C0] =	vst v0  }
0x1d: {  	[tilespmem:$0x1D0] =	vst v0  }
0x1e: {  	[tilespmem:$0x1E0] =	vst v0  }
0x1f: {  	[tilespmem:$0x1F0] =	vst v0  }
0x20: {  	[tilespmem:$0x200] =	vst v0  }
0x21: {  	[tilespmem:$0x210] =	vst v0  }
0x22: {  	[tilespmem:$0x220] =	vst v0  }
0x23: {  	[tilespmem:$0x230] =	vst v0  }
0x24: {  	[tilespmem:$0x240] =	vst v0  }
0x25: {  	[tilespmem:$0x250] =	vst v0  }
0x26: {  	[tilespmem:$0x260] =	vst v0  }
0x27: {  	[tilespmem:$0x270] =	vst v0  }
0x28: {  	[tilespmem:$0x280] =	vst v0  }
0x29: {  	[tilespmem:$0x290] =	vst v0  }
0x2a: {  	[tilespmem:$0x2A0] =	vst v0  }
0x2b: {  	[tilespmem:$0x2B0] =	vst v0  }
0x2c: {  	[tilespmem:$0x2C0] =	vst v0  }
0x2d: {  	[tilespmem:$0x2D0] =	vst v0  }
0x2e: {  	[tilespmem:$0x2E0] =	vst v0  }
0x2f: {  	[tilespmem:$0x2F0] =	vst v0  }
0x30: {  	[tilespmem:$0x300] =	vst v0  }
0x31: {  	[tilespmem:$0x310] =	vst v0  }
0x32: {  	[tilespmem:$0x320] =	vst v0  }
0x33: {  	[tilespmem:$0x330] =	vst v0  }
0x34: {  	[tilespmem:$0x340] =	vst v0  }
0x35: {  	[tilespmem:$0x350] =	vst v0  }
0x36: {  	[tilespmem:$0x360] =	vst v0  }
0x37: {  	[tilespmem:$0x370] =	vst v0  }
0x38: {  	[spmem:s4] =	stream.linear.scatter [tilespmem:s9], [sflag:$0x1], $0x280, $0x38;
	[tilespmem:$0x600] =	vst v63  }
0x39: {  	_ =	swait.ge [sflag:s10], $0x280  }
0x3a: {  	[sflag:s10] =	ssyncset.done $0x0  }
0x3b: {  	[sflag:s10] =	ssyncadd.s32 $0xFFFFFD80  }
0x3c: {  	s18 =	sadd.s32 $0x0, s8;
	[bflag:$0x0] =	sbarrier.arrive $0xFFFF  }
0x3d: {  	[tilespmem:s3], [sflag:$0x1] =	stream.linear.gather [hbm4b:s18+s3], $0x50, $0x38;
	[tilespmem:$0x600] =	vst v63  }
0x3e: {  	_ =	swait.ge [sflag:s10], $0x50  }
0x3f: {  	[sflag:s10] =	ssyncset.done $0x0  }
0x40: {  	s31 =	sadd.s32 $0x0, s7;
	[sflag:s10] =	ssyncadd.s32 $0xFFFFFFB0  }
0x41: {  	[tilespmem:s11], [sflag:$0x1] =	stream.linear.gather [hbm4b:s31+s3], $0x50, $0x38;
	[tilespmem:$0x600] =	vst v63  }
0x42: {  	_ =	swait.ge [sflag:s10], $0x50  }
0x43: {  	[sflag:s10] =	ssyncset.done $0x0  }
0x44: {  	[sflag:s10] =	ssyncadd.s32 $0xFFFFFFB0  }
0x45: {  	[spmem:s2] =	stream.indirect.scatter.add.f32 [tilespmem:s11], [sflag:$0x1], $0x1, s3, s12, $0xb8;
	[tilespmem:$0x600] =	vst v63  }
0x46: {  	_ =	swait.ge [sflag:s10], $0x50  }
0x47: {  	s19 =	simm.s32 $0x14;
	s18 =	simm.s32 $0xA;
	[sflag:s10] =	ssyncset.done $0x0  }
.LBB2_2:
0x48: {  	s20 =	sadd.s32 s18, s8  }
0x49: {  	[sflag:s10] =	ssyncadd.s32 $0xFFFFFFB0;
	s21 =	smov.u32 s19;
	s22 =	sadd.s32 $0xA, s19  }
0x4a: {  	[tilespmem:s3], [sflag:$0x1] =	stream.linear.gather [hbm4b:s20+s3], $0x50, $0x38;
	[tilespmem:$0x600] =	vst v63  }
0x4b: {  	p0 =	sne.s32 s19, $0x4D8;
	_ =	swait.ge [sflag:s10], $0x50  }
0x4c: {  	[sflag:s10] =	ssyncset.done $0x0  }
0x4d: {  	s19 =	sadd.s32 s18, s7;
	s18 =	smov.u32 s21;
	[sflag:s10] =	ssyncadd.s32 $0xFFFFFFB0  }
0x4e: {  	[tilespmem:s11], [sflag:$0x1] =	stream.linear.gather [hbm4b:s19+s3], $0x50, $0x38;
	[tilespmem:$0x600] =	vst v63  }
0x4f: {  	_ =	swait.ge [sflag:s10], $0x50  }
.Ltmp0:
0x50: {  	[sflag:s10] =	ssyncset.done $0x0;
	(pc) =	sbr.rel @p0 .LBB2_2-.Ltmp0, $4  }
0x51: {  	[sflag:s10] =	ssyncadd.s32 $0xFFFFFFB0  }
0x52: {  	[spmem:s2] =	stream.indirect.scatter.add.f32 [tilespmem:s11], [sflag:$0x1], $0x1, s3, s12, $0xb8;
	[tilespmem:$0x600] =	vst v63  }
0x53: {  	_ =	swait.ge [sflag:s10], $0x50  }
0x54: {  	s19 =	smov.u32 s22;
	[sflag:s10] =	ssyncset.done $0x0  }
0x55: {  	s19 =	sadd.s32 s18, s8;
	[sflag:s10] =	ssyncadd.s32 $0xFFFFFFB0  }
0x56: {  	[tilespmem:s3], [sflag:$0x1] =	stream.linear.gather [hbm4b:s19+s3], $0x50, $0x38;
	[tilespmem:$0x600] =	vst v63  }
0x57: {  	_ =	swait.ge [sflag:s10], $0x50  }
0x58: {  	[sflag:s10] =	ssyncset.done $0x0  }
0x59: {  	s31 =	sadd.s32 s18, s7;
	[sflag:s10] =	ssyncadd.s32 $0xFFFFFFB0  }
0x5a: {  	[tilespmem:s11], [sflag:$0x1] =	stream.linear.gather [hbm4b:s31+s3], $0x50, $0x38;
	[tilespmem:$0x600] =	vst v63  }
0x5b: {  	_ =	swait.ge [sflag:s10], $0x50  }
0x5c: {  	[sflag:s10] =	ssyncset.done $0x0  }
0x5d: {  	[sflag:s10] =	ssyncadd.s32 $0xFFFFFFB0  }
0x5e: {  	[spmem:s2] =	stream.indirect.scatter.add.f32 [tilespmem:s11], [sflag:$0x1], $0x1, s3, s12, $0xb8;
	[tilespmem:$0x600] =	vst v63  }
0x5f: {  	_ =	swait.ge [sflag:s10], $0x50  }
0x60: {  	s17 =	sadd.s32 $0x1, s17;
	[sflag:s10] =	ssyncset.done $0x0  }
0x61: {  	p0 =	sne.s32 s17, s6;
	[sflag:s10] =	ssyncadd.s32 $0xFFFFFFB0  }
.Ltmp1:
0x62: {  	[bflag:$0x0] =	sbarrier.arrive $0xFFFF;
	(pc) =	sbr.rel @p0 .LBB2_1-.Ltmp1, $4  }
0x63: {  	[hbm:s5@s15], [sflag:s13] =	dma.strided [spmem:s14@s16], $0x50, s10, $0x10   }
0x64: {  	_ =	swait.ge [sflag:s10], $0x50  }
0x65: {  	[sflag:s10] =	ssyncset.done $0x0  }
0x66: {  	[sflag:s10] =	ssyncadd.s32 $0xFFFFFFB0  }
0x67: {  	_ =	sfence.sel $0x180000  }
0x68: {  	[bflag:$0x0] =	sbarrier.arrive $0xFFFF  }
0x69: {  	p0 =	sne.s32 s0, $0x0;
	_ =	strace $0x90000047  }
0x6a: {  	s0 =	sadd.s32 @!p0 $0x100000, s1;
	[bflag:$0x2] =	sbarrier.arrive $0xFFFF  }
0x6b: {  	[sflag:s0] =	ssyncadd.tile.s32 @!p0 $0x1;
	_ =	shalt  }
.Lfunc_end2:
_tile_overlayer_lowered:
.L_overlay_start_2:
0x6c: {  	(tag) =	ssettag $0x2  }
0x6d: {  	s0 =	rddreg [dreg:$0x0];
	s2 =	stileid.u32  }
0x6e: {  	s1 =	rddreg [dreg:$0x1];
	p0 =	sne.s32 s2, $0x0  }
0x6f: {  	s3 =	rddreg [dreg:$0x2];
	[bflag:$0x3] =	sbarrier.arrive $0xFFFF;
	s2 =	simm.s32 @!p0 $0x1C01  }
0x70: {  	[timem:s3], [sflag:s2] =	dma.local @!p0 [hbm:s0], s1  }
0x71: {  	s0 =	simm.s32 @!p0 $0x1  }
0x72: {  	_ =	swait.ge @!p0 [sflag:s0], s1  }
0x73: {  	s1 =	ssub.s32 @!p0 $0x0, s1;
	[sflag:s0] =	ssyncset.done @!p0 $0x0  }
0x74: {  	[sflag:s0] =	ssyncadd.s32 @!p0 s1  }
0x75: {  	[bflag:$0x3] =	sbarrier.arrive $0xFFFF  }
0x76: {  	_ =	shalt  }

// kernel: kernel.20.cloned.1.call-start
scs
__scs_entry_jumppad:
0x0: {  	(pc) =	sbr.rel $0x88, $3  }
0x1: {  	(tag) =	ssettag $0x0;
	lr =	simm.s32 $0x1  }
0x2: {  	[smem:$0x3F88] =	sst lr;
	_ =	strace $0xD0000000  }
0x3: {  	_ = 	snop  }
0x4: {  	_ = 	snop  }
0x5: {  	_ = 	snop  }
0x6: {  	_ = 	snop  }
0x7: {  	_ = 	snop  }
__scs_overlays_trampoline_lowered:
0x8: {  	[smem:$0x3F97] =	sst s0  }
0x9: {  	[smem:$0x3F98] =	sst s1  }
0xa: {  	[smem:$0x3F99] =	sst s2  }
0xb: {  	[smem:$0x3F9A] =	sst s3  }
0xc: {  	[smem:$0x3F9B] =	sst s4  }
0xd: {  	[smem:$0x3F9C] =	sst s5  }
0xe: {  	[smem:$0x3F9D] =	sst s6  }
0xf: {  	[smem:$0x3F9E] =	sst s7  }
0x10: {  	[smem:$0x3F9F] =	sst s8  }
0x11: {  	[smem:$0x3FA0] =	sst s9;
	s0 =	simm.s32 @!p0 $0x0  }
0x12: {  	s1 =	sld [smem:$0x3F86];
	s0 =	simm.s32 @p0 $0x1  }
0x13: {  	[smem:$0x3FA1] =	sst s0;
	s0 =	simm.s32 @!p1 $0x0  }
0x14: {  	s2 =	sld [smem:$0x3F85];
	s0 =	simm.s32 @p1 $0x1  }
0x15: {  	[smem:$0x3FA2] =	sst s0;
	s0 =	simm.s32 @!p2 $0x0  }
0x16: {  	s3 =	sld [smem:$0x3FDB];
	s0 =	simm.s32 @p2 $0x1  }
0x17: {  	s4 =	simm.s32 $0x1BF5;
	[smem:$0x3FA4] =	sst s0  }
0x18: {  	s0 =	sld [smem:$0x3F87];
	_ =	swait.ge [sflag:s4], $0x0  }
0x19: {  	s7 =	sld [smem:$0x3F88]  }
0x1a: {  	s8 =	sadd.s32 $0xFFFFE003, lr  }
0x1b: {  	s9 =	sadd.s32 $0xFFFFFEF7, lr;
	s5 =	simm.s32 $0xFFFFFFFF;
	p2 =	slt.u32 s8, $0xFFFFF086  }
0x1c: {  	p1 =	slt.u32 s9, $0xF7A;
	s5 =	simm.s32 @!p2 $0x0  }
0x1d: {  	s5 =	simm.s32 @p1 $0x1;
	p0 =	seq.s32 s7, s2  }
0x1e: {  	s7 =	smul.u32 @!p0 $0xF7A, s2;
	p2 =	seq.s32 @!p0 s5, $0x0  }
0x1f: {  	s9 =	smul.u32 $0xF7A, s1;
	s8 =	simm.s32 @!p0 $0x1BF5;
	p2 =	por !p2, p0  }
0x20: {  	[sflag:s8] =	ssyncset.s32 @!p0 $0xFFFFF086;
	s6 =	sadd.s32 @!p0 s3, s7;
	s7 =	simm.s32 @!p0 $0x108  }
0x21: {  	s3 =	sadd.s32 s3, s9;
	s6 =	sadd.s32 @!p0 $0x88, s6;
	s7 =	simm.s32 @p2 $0x1082  }
0x22: {  	[simem:s7], [sflag:s8] =	dma.local @!p0 [hbm:s6], $0xF7A  }
0x23: {  	s9 =	sor.u32 $0xD0000000, s2;
	s6 =	simm.s32 $0x108;
	_ =	swait.ge @!p0 [sflag:s8], $0x0  }
0x24: {  	s3 =	sadd.s32 $0x88, s3;
	s6 =	simm.s32 @!p1 $0x1082;
	[sflag:s4] =	ssyncset.s32 $0xFFFFF086  }
0x25: {  	[simem:s6], [sflag:s4] =	dma.local [hbm:s3], $0xF7A  }
0x26: {  	[smem:$0x3F88] =	sst s1;
	(tag) =	ssettag s2;
	_ =	strace s9  }
0x27: {  	s1 =	sld [smem:$0x3F98]  }
0x28: {  	s2 =	sld [smem:$0x3F99]  }
0x29: {  	s4 =	sld [smem:$0x3F9B]  }
0x2a: {  	p0 =	seq.s32 s5, $0x0;
	s5 =	sld [smem:$0x3F9C]  }
0x2b: {  	s6 =	sld [smem:$0x3F9D]  }
0x2c: {  	s7 =	sld [smem:$0x3F9E]  }
0x2d: {  	s3 =	simm.s32 $0x108;
	s8 =	sld [smem:$0x3F9F]  }
0x2e: {  	s3 =	simm.s32 @!p0 $0x1082;
	s9 =	sld [smem:$0x3FA0]  }
0x2f: {  	lr =	sadd.s32 s0, s3;
	s0 =	sld [smem:$0x3F97]  }
0x30: {  	s3 =	sld [smem:$0x3F9A]  }
0x31: {  	[smem:$0x3FA3] =	sst s10  }
0x32: {  	s10 =	sld [smem:$0x3FA1];
	_ =	sdelay $0x3  }
0x33: {  	p0 =	seq.s32 s10, $0x1;
	s10 =	sld [smem:$0x3FA3];
	_ =	sdelay $0x3  }
0x34: {  	[smem:$0x3FA3] =	sst s10  }
0x35: {  	s10 =	sld [smem:$0x3FA2];
	_ =	sdelay $0x3  }
0x36: {  	p1 =	seq.s32 s10, $0x1;
	s10 =	sld [smem:$0x3FA3];
	_ =	sdelay $0x3  }
0x37: {  	[smem:$0x3FA3] =	sst s10  }
0x38: {  	s10 =	sld [smem:$0x3FA4]  }
0x39: {  	_ = 	snop;
	(pc) =	sbr.ind lr, $3  }
0x3a: {  	_ = 	snop  }
0x3b: {  	_ = 	snop  }
0x3c: {  	p2 =	seq.s32 s10, $0x1;
	s10 =	sld [smem:$0x3FA3]  }
0x3d: {  	_ =	shalt  }
0x3e: {  	_ =	shalt  }
0x3f: {  	_ =	shalt  }
0x40: {  	_ =	shalt  }
0x41: {  	_ =	shalt  }
0x42: {  	_ =	shalt  }
0x43: {  	_ =	shalt  }
0x44: {  	_ =	shalt  }
0x45: {  	_ =	shalt  }
0x46: {  	_ =	shalt  }
0x47: {  	_ =	shalt  }
0x48: {  	_ =	shalt  }
0x49: {  	_ =	shalt  }
0x4a: {  	_ =	shalt  }
0x4b: {  	_ =	shalt  }
0x4c: {  	_ =	shalt  }
0x4d: {  	_ =	shalt  }
0x4e: {  	_ =	shalt  }
0x4f: {  	_ =	shalt  }
0x50: {  	_ =	shalt  }
0x51: {  	_ =	shalt  }
0x52: {  	_ =	shalt  }
0x53: {  	_ =	shalt  }
0x54: {  	_ =	shalt  }
0x55: {  	_ =	shalt  }
0x56: {  	_ =	shalt  }
0x57: {  	_ =	shalt  }
0x58: {  	_ =	shalt  }
0x59: {  	_ =	shalt  }
0x5a: {  	_ =	shalt  }
0x5b: {  	_ =	shalt  }
0x5c: {  	_ =	shalt  }
0x5d: {  	_ =	shalt  }
0x5e: {  	_ =	shalt  }
0x5f: {  	_ =	shalt  }
0x60: {  	_ =	shalt  }
0x61: {  	_ =	shalt  }
0x62: {  	_ =	shalt  }
0x63: {  	_ =	shalt  }
0x64: {  	_ =	shalt  }
0x65: {  	_ =	shalt  }
0x66: {  	_ =	shalt  }
0x67: {  	_ =	shalt  }
0x68: {  	_ =	shalt  }
0x69: {  	_ =	shalt  }
0x6a: {  	_ =	shalt  }
0x6b: {  	_ =	shalt  }
0x6c: {  	_ =	shalt  }
0x6d: {  	_ =	shalt  }
0x6e: {  	_ =	shalt  }
0x6f: {  	_ =	shalt  }
0x70: {  	_ =	shalt  }
0x71: {  	_ =	shalt  }
0x72: {  	_ =	shalt  }
0x73: {  	_ =	shalt  }
0x74: {  	_ =	shalt  }
0x75: {  	_ =	shalt  }
0x76: {  	_ =	shalt  }
0x77: {  	_ =	shalt  }
0x78: {  	_ =	shalt  }
0x79: {  	_ =	shalt  }
0x7a: {  	_ =	shalt  }
0x7b: {  	_ =	shalt  }
0x7c: {  	_ =	shalt  }
0x7d: {  	_ =	shalt  }
0x7e: {  	_ =	shalt  }
0x7f: {  	_ =	shalt  }
0x80: {  	_ =	shalt  }
0x81: {  	_ =	shalt  }
0x82: {  	_ =	shalt  }
0x83: {  	_ =	shalt  }
0x84: {  	_ =	shalt  }
0x85: {  	_ =	shalt  }
0x86: {  	_ =	shalt  }
0x87: {  	_ =	shalt  }
.Lfunc_end0:
.L_simem_size_0:
called_computation.1_lowered:
.L_overlay_start_0:
0x88: {  	s2 =	sld [smem:$0x3FD9]  }
0x89: {  	s3 =	sld [smem:$0x3FFE];
	_ =	sdelay $0x1  }
0x8a: {  	s1 =	srdreg.scid  }
0x8b: {  	s0 =	sand.u32 $0x1, s1  }
0x8c: {  	s17 =	sshll.u32 s0, $0xA;
	s2 =	sadd.s32 s3, s2  }
0x8d: {  	s2 =	sadd.s32 s2, s17  }
0x8e: {  	[smem:$0x3FAF] =	sst s2  }
0x8f: {  	_ = 	snop  }
0x90: {  	s2 =	sld [smem:$0x3FC7];
	(tm) =	ssettm $0x1  }
0x91: {  	s18 =	sld [smem:$0x3FFB];
	_ =	sdelay $0x3  }
0x92: {  	_ =	strace s18  }
0x93: {  	s3 =	sld [smem:$0x3FFC];
	_ =	sdelay $0x3  }
0x94: {  	_ =	strace s3  }
0x95: {  	s3 =	sld [smem:$0x3FFD];
	_ =	sdelay $0x3  }
0x96: {  	_ =	strace s3  }
0x97: {  	_ =	strace $0x8FFFFFFF  }
0x98: {  	s19 =	sld [smem:$0x3FDB];
	_ =	sdelay $0x1  }
0x99: {  	s4 =	simm.s32 $_scs_section_size  }
0x9a: {  	s5 =	simm.s32 $_size__tile_overlayer_lowered;
	s6 =	simm.s32 $_tile_overlayer_lowered  }
0x9b: {  	s22 =	simm.s32 $0x1BFF;
	s21 =	sshll.u32 s6, $0x1;
	s3 =	sadd.s32 s4, s19  }
0x9c: {  	s7 =	simm.s32 $0x0;
	s20 =	sshll.u32 s5, $0x1;
	s5 =	sadd.s32 s21, s3  }
0x9d: {  	[timem:s7], [sflag:s22] =	dma.local [hbm:s5], s20  }
0x9e: {  	_ =	swait.ge [sflag:s22], s20  }
0x9f: {  	s4 =	ssub.s32 $0x0, s20;
	[sflag:s22] =	ssyncset.done $0x0  }
0xa0: {  	[sflag:s22] =	ssyncadd.s32 s4;
	_ =	sdelay $0x1  }
0xa1: {  	s23 =	simm.s32 $0x1B8B  }
0xa2: {  	_ =	swait.ge [sflag:s23], $0x1  }
0xa3: {  	[sflag:s23] =	ssyncset.done $0x0  }
0xa4: {  	s25 =	simm.s32 $0x1B8E;
	s24 =	sld [smem:$0x3FFE];
	[sflag:s23] =	ssyncadd.s32 $0xFFFFFFFF  }
0xa5: {  	s26 =	simm.s32 $execute0_lowered;
	[smem:$0x3FD2] =	sst s25  }
0xa6: {  	s5 =	sshll.u32 s26, $0x1;
	_ =	strace $0x80000049;
	[dreg:$0x1] =	wrdreg $0xFFFFFFFF  }
0xa7: {  	s28 =	simm.s32 $_size_execute0_lowered;
	s3 =	sadd.s32 s3, s5;
	[dreg:$0x0] =	wrdreg $0x0  }
0xa8: {  	s5 =	sshll.u32 s28, $0x1;
	[dreg:$0x2] =	wrdreg s3  }
0xa9: {  	[dreg:$0x3] =	wrdreg s5  }
0xaa: {  	[dreg:$0x4] =	wrdreg $0xC0  }
0xab: {  	_ =	task [dreg:s7], $0x5FFFF  }
0xac: {  	[dreg:$0x1] =	wrdreg $0xFFFFFFFF  }
0xad: {  	[dreg:$0x0] =	wrdreg $0x60  }
0xae: {  	[dreg:$0x2] =	wrdreg s24  }
0xaf: {  	[dreg:$0x3] =	wrdreg s2  }
0xb0: {  	[dreg:$0x4] =	wrdreg $0x29000  }
0xb1: {  	[dreg:$0x5] =	wrdreg $0x9  }
0xb2: {  	_ =	task.clear_ibuf [dreg:s7], $0x6FFFF;
	_ =	strace $0x90000049  }
0xb3: {  	s29 =	simm.s32 $0x9;
	_ =	strace $0x8000004B  }
0xb4: {  	_ =	swait.ge [sflag:s29], $0x1  }
0xb5: {  	[sflag:s29] =	ssyncadd.s32 $0xFFFFFFFF  }
0xb6: {  	_ =	strace $0x9000004B  }
0xb7: {  	_ =	sfence  }
0xb8: {  	s30 =	sld [smem:$0x0];
	_ =	sdelay $0x2  }
0xb9: {  	s31 =	sshll.u32 s1, $0xD;
	s1 =	sshrl.u32 s1, $0x2  }
0xba: {  	s3 =	sand.u32 $0x4000, s31;
	s1 =	sadd.s32 s1, s30  }
0xbb: {  	s0 =	sor.u32 s3, s0;
	s1 =	sshll.u32 s1, $0x11  }
0xbc: {  	s0 =	sor.u32 s1, s0  }
0xbd: {  	s0 =	sadd.s32 $0x8F2B, s0  }
0xbe: {  	[sflag:s0] =	ssyncadd.remote.s32 $0x1  }
0xbf: {  	_ =	sfence.sel $0xFFFF  }
0xc0: {  	[dreg:$0x0] =	wrdreg $0xFFFFFFFF;
	(pc) =	sbr.abs _section_cstart, $3  }
0xc1: {  	[dreg:$0x1] =	wrdreg $0xFFFFFFFF  }
0xc2: {  	_ =	task.clear_ibuf [dreg:s7], $0x2FFFF;
	_ =	strace $0x9FFFFFFF  }
0xc3: {  	(tm) =	ssettm $0x7FFFFFFF  }
tec
execute0_lowered:
.L_overlay_start_1:
0x0: {  	(tag) =	ssettag $0x1  }
0x1: {  	s0 =	rddreg [dreg:$0x0]  }
0x2: {  	s1 =	rddreg [dreg:$0x1]  }
0x3: {  	s2 =	rddreg [dreg:$0x2];
	s3 =	simm.s32 $0x0  }
0x4: {  	s4 =	srdreg.scid;
	s10 =	stileid.u32;
	s28 =	simm.s32 $0x2  }
0x5: {  	s29 =	simm.s32 $0x50;
	s30 =	simm.s32 $0xA0;
	s31 =	simm.s32 $0x1  }
0x6: {  	[smem:$0x7FF] =	sst s3;
	s5 =	sadd.s32 $0x41C00, s0;
	s4 =	sand.u32 $0x1, s4  }
0x7: {  	s6 =	sadd.s32 $0x69C00, s0;
	s16 =	smul.u32 $0x14000, s10;
	s7 =	ssub.s32 $0x2, s4  }
0x8: {  	s9 =	sshll.u32 s10, $0x1;
	_ =	strace $0x8000004A;
	s8 =	sshrl.u32 s7, $0x1  }
0x9: {  	s17 =	sor.u32 $0x2800, s16;
	s18 =	sadd.s32 $0x5000, s16;
	s19 =	sadd.s32 $0x7800, s16  }
0xa: {  	s7 =	ssub.s32 s7, s8;
	s8 =	sor.u32 s4, s9;
	s4 =	smul.u32 $0x140000, s4  }
0xb: {  	s20 =	sadd.s32 $0xA000, s16;
	s21 =	sadd.s32 $0xC800, s16;
	s22 =	sadd.s32 $0xF000, s16  }
0xc: {  	s23 =	sadd.s32 $0x11800, s16;
	s11 =	sadd.s32 s16, s4;
	s12 =	sadd.s32 s4, s17  }
0xd: {  	s14 =	sadd.s32 s4, s18;
	s15 =	sadd.s32 s4, s19;
	s26 =	sadd.s32 s4, s21  }
0xe: {  	s16 =	sadd.s32 s16, s2;
	s17 =	sadd.s32 s17, s2;
	s18 =	sadd.s32 s18, s2  }
0xf: {  	s19 =	sadd.s32 s19, s2;
	s21 =	sadd.s32 s21, s2;
	s9 =	sshrl.u32 s11, $0x3  }
0x10: {  	s13 =	sshrl.u32 s12, $0x3;
	s10 =	sshrl.u32 s15, $0x3;
	s11 =	sadd.s32 s4, s20  }
0x11: {  	s12 =	sadd.s32 s4, s22;
	s4 =	sadd.s32 s4, s23;
	s15 =	sadd.s32 $0xFE00, s0  }
0x12: {  	s20 =	sadd.s32 s20, s2;
	s22 =	sadd.s32 s22, s2;
	s23 =	sadd.s32 s23, s2  }
0x13: {  	s9 =	sadd.s32 s6, s9;
	s24 =	sadd.s32 s6, s10;
	s25 =	sshrl.u32 s11, $0x3  }
0x14: {  	s11 =	sshrl.u32 s26, $0x3;
	s12 =	sshrl.u32 s12, $0x3;
	s4 =	sshrl.u32 s4, $0x3  }
0x15: {  	s26 =	simm.s32 $0x100;
	[dreg:$0x4] =	wrdreg s9;
	s9 =	sadd.s32 s6, s13  }
0x16: {  	[dreg:$0x7] =	wrdreg s24;
	s10 =	sadd.s32 s6, s25;
	s11 =	sadd.s32 s6, s11  }
0x17: {  	s12 =	sadd.s32 s6, s12;
	[dreg:$0x5] =	wrdreg s9;
	s9 =	sshrl.u32 s14, $0x3  }
0x18: {  	s13 =	sadd.s32 s6, s4;
	s24 =	smul.u32 $0x2710, s8;
	s9 =	sadd.s32 s6, s9  }
0x19: {  	v0 =	vimm.f32 $0.0e+00;
	s25 =	smax.u32 s7, $0x1;
	s14 =	sadd.s32 $0x6000, s0;
	[dreg:$0x6] =	wrdreg s9  }
.LBB2_1:
0x1a: {  	s0 =	simm.s32 $0x70;
	s4 =	simm.s32 $0x3C0  }
.LBB2_2:
0x1b: {  	p0 =	sne.s32 s4, $0x9FC0;
	[tilespmem:s0+$0x100] =	vst v0  }
0x1c: {  	[tilespmem:s0+$0x90] =	vst v0  }
0x1d: {  	[tilespmem:s0+$0xA0] =	vst v0  }
.Ltmp0:
0x1e: {  	[tilespmem:s0+$0xB0] =	vst v0;
	(pc) =	sbr.rel @p0 .LBB2_2-.Ltmp0, $4  }
0x1f: {  	[tilespmem:s0+$0xC0] =	vst v0  }
0x20: {  	[tilespmem:s0+$0xD0] =	vst v0  }
0x21: {  	[tilespmem:s0+$0xE0] =	vst v0  }
0x22: {  	[tilespmem:s0+$0xF0] =	vst v0;
	s0 =	sshra.s32 s4, $0x2;
	s4 =	sadd.s32 $0x200, s4  }
0x23: {  	[tilespmem:s0+$0x100] =	vst v0  }
0x24: {  	[tilespmem:s0+$0x90] =	vst v0  }
0x25: {  	[tilespmem:s0+$0xA0] =	vst v0  }
0x26: {  	[tilespmem:s0+$0xB0] =	vst v0  }
0x27: {  	[tilespmem:s0+$0xC0] =	vst v0  }
0x28: {  	[tilespmem:s0+$0xD0] =	vst v0  }
0x29: {  	[tilespmem:s0+$0xE0] =	vst v0  }
0x2a: {  	[tilespmem:s0+$0xF0] =	vst v0  }
0x2b: {  	[spmem:s16] =	stream.linear.scatter [tilespmem:s26], [sflag:$0x2], $0x2800, $0x38;
	[tilespmem:$0x16900] =	vst v63  }
0x2c: {  	_ =	swait.ge [sflag:s28], $0x2800  }
0x2d: {  	[sflag:s28] =	ssyncset.done $0x0  }
0x2e: {  	[sflag:s28] =	ssyncadd.s32 $0xFFFFD800  }
0x2f: {  	[spmem:s17] =	stream.linear.scatter [tilespmem:s26], [sflag:$0x2], $0x2800, $0x38;
	[tilespmem:$0x16900] =	vst v63  }
0x30: {  	_ =	swait.ge [sflag:s28], $0x2800  }
0x31: {  	[sflag:s28] =	ssyncset.done $0x0  }
0x32: {  	[sflag:s28] =	ssyncadd.s32 $0xFFFFD800  }
0x33: {  	[spmem:s18] =	stream.linear.scatter [tilespmem:s26], [sflag:$0x2], $0x2800, $0x38;
	[tilespmem:$0x16900] =	vst v63  }
0x34: {  	_ =	swait.ge [sflag:s28], $0x2800  }
0x35: {  	[sflag:s28] =	ssyncset.done $0x0  }
0x36: {  	[sflag:s28] =	ssyncadd.s32 $0xFFFFD800  }
0x37: {  	[spmem:s19] =	stream.linear.scatter [tilespmem:s26], [sflag:$0x2], $0x2800, $0x38;
	[tilespmem:$0x16900] =	vst v63  }
0x38: {  	_ =	swait.ge [sflag:s28], $0x2800  }
0x39: {  	[sflag:s28] =	ssyncset.done $0x0  }
0x3a: {  	[sflag:s28] =	ssyncadd.s32 $0xFFFFD800  }
0x3b: {  	[spmem:s20] =	stream.linear.scatter [tilespmem:s26], [sflag:$0x2], $0x2800, $0x38;
	[tilespmem:$0x16900] =	vst v63  }
0x3c: {  	_ =	swait.ge [sflag:s28], $0x2800  }
0x3d: {  	[sflag:s28] =	ssyncset.done $0x0  }
0x3e: {  	[sflag:s28] =	ssyncadd.s32 $0xFFFFD800  }
0x3f: {  	[spmem:s21] =	stream.linear.scatter [tilespmem:s26], [sflag:$0x2], $0x2800, $0x38;
	[tilespmem:$0x16900] =	vst v63  }
0x40: {  	_ =	swait.ge [sflag:s28], $0x2800  }
0x41: {  	[sflag:s28] =	ssyncset.done $0x0  }
0x42: {  	[sflag:s28] =	ssyncadd.s32 $0xFFFFD800  }
0x43: {  	[spmem:s22] =	stream.linear.scatter [tilespmem:s26], [sflag:$0x2], $0x2800, $0x38;
	[tilespmem:$0x16900] =	vst v63  }
0x44: {  	_ =	swait.ge [sflag:s28], $0x2800  }
0x45: {  	[sflag:s28] =	ssyncset.done $0x0  }
0x46: {  	[sflag:s28] =	ssyncadd.s32 $0xFFFFD800  }
0x47: {  	[spmem:s23] =	stream.linear.scatter [tilespmem:s26], [sflag:$0x2], $0x2800, $0x38;
	[tilespmem:$0x16900] =	vst v63  }
0x48: {  	_ =	swait.ge [sflag:s28], $0x2800  }
0x49: {  	[sflag:s28] =	ssyncset.done $0x0  }
0x4a: {  	[sflag:s28] =	ssyncadd.s32 $0xFFFFD800  }
0x4b: {  	s0 =	simm.s32 $0x0;
	s4 =	simm.s32 $0x0;
	[bflag:$0x0] =	sbarrier.arrive $0xFFFF  }
.LBB2_4:
0x4c: {  	s6 =	smul.u32 $0x50, s4;
	_ =	sdelay $0x1  }
0x4d: {  	s6 =	sadd.s32 s24, s6  }
0x4e: {  	s6 =	sshrl.u32 s6, $0x3  }
0x4f: {  	s7 =	sadd.s32 s14, s6  }
0x50: {  	[tilespmem:s0], [sflag:$0x2] =	stream.linear.gather [hbm4b:s7+s0], $0x50, $0x38;
	[tilespmem:$0x16900] =	vst v63  }
0x51: {  	_ =	swait.ge [sflag:s28], $0x50  }
0x52: {  	[sflag:s28] =	ssyncset.done $0x0  }
0x53: {  	s8 =	sadd.s32 s15, s6;
	[sflag:s28] =	ssyncadd.s32 $0xFFFFFFB0  }
0x54: {  	[tilespmem:s29], [sflag:$0x2] =	stream.linear.gather [hbm4b:s8+s0], $0x50, $0x38;
	[tilespmem:$0x16900] =	vst v63  }
0x55: {  	_ =	swait.ge [sflag:s28], $0x50  }
0x56: {  	[sflag:s28] =	ssyncset.done $0x0  }
0x57: {  	s6 =	sadd.s32 s1, s6;
	[sflag:s28] =	ssyncadd.s32 $0xFFFFFFB0  }
0x58: {  	[tilespmem:s30], [sflag:$0x2] =	stream.linear.gather [hbm4b:s6+s0], $0x50, $0x38;
	[tilespmem:$0x16900] =	vst v63  }
0x59: {  	_ =	swait.ge [sflag:s28], $0x50  }
0x5a: {  	[sflag:s28] =	ssyncset.done $0x0  }
0x5b: {  	[sflag:s28] =	ssyncadd.s32 $0xFFFFFFB0  }
0x5c: {  	[tilespmem:s26], [sflag:$0x1] =	stream.indirect.gather [hbm4b:s5+s29], $0x80, s0, s29, $0xb8;
	[tilespmem:$0x16900] =	vst v63  }
0x5d: {  	_ =	swait.ge [sflag:s31], $0x2800  }
0x5e: {  	[sflag:s31] =	ssyncset.done $0x0  }
0x5f: {  	s6 =	simm.s32 $0x140;
	[sflag:s31] =	ssyncadd.s32 $0xFFFFD800  }
0x60: {  	v5 =	vld [tilespmem:s6+$0x30]  }
0x61: {  	v8 =	vld [tilespmem:s6+$0x10]  }
0x62: {  	s9 =	simm.s32 $0x0;
	v6 =	vld [tilespmem:s6+$0xFFFFFFC0]  }
0x63: {  	v2 =	vld.msk [tilespmem:s9+$0xA0 ss:$0x0], $0xffff  }
0x64: {  	v10 =	vld [tilespmem:s6+$0xFFFFFFE0]  }
0x65: {  	v1 =	vld [tilespmem:s6+$0xFFFFFFF0]  }
0x66: {  	v3 =	vld [tilespmem:s6+$0x20]  }
0x67: {  	v4 =	vld [tilespmem:s6+$0xFFFFFFD0]  }
0x68: {  	v9 =	vmul.f32 v5, v2;
	v5 =	vld [tilespmem:s6+$0x0]  }
0x69: {  	v7 =	vmul.f32 v2, v6  }
0x6a: {  	s7 =	simm.s32 $0x4;
	s8 =	simm.s32 $0x140;
	v6 =	vmul.f32 v10, v2;
	v8 =	vmul.f32 v8, v2  }
.LBB2_5:
0x6b: {  	p0 =	sne.s32 s7, $0x13C  }
0x6c: {  	v4 =	vmul.f32 v4, v2;
	v3 =	vmul.f32 v3, v2;
	[tilespmem:s6+$0x30] =	vst v9;
	s8 =	sadd.s32 $0x80, s8;
	s9 =	smov.u32 s7;
	s7 =	sadd.s32 $0x4, s7  }
0x6d: {  	[tilespmem:s6+$0xFFFFFFC0] =	vst v7;
	v7 =	vmul.f32 v1, v2;
	v2 =	vmul.f32 v5, v2  }
0x6e: {  	[tilespmem:s6+$0x10] =	vst v8  }
0x6f: {  	[tilespmem:s6+$0xFFFFFFE0] =	vst v6  }
0x70: {  	v1 =	vld [tilespmem:s8+$0xFFFFFFF0];
	[tilespmem:s6+$0xFFFFFFF0] =	vst v7  }
0x71: {  	v6 =	vld [tilespmem:s8+$0x30];
	[tilespmem:s6+$0x0] =	vst v2  }
0x72: {  	v8 =	vld [tilespmem:s8+$0x10];
	[tilespmem:s6+$0x20] =	vst v3  }
0x73: {  	s9 =	sshra.s32 s9, $0x2;
	v7 =	vld [tilespmem:s8+$0xFFFFFFC0];
	[tilespmem:s6+$0xFFFFFFD0] =	vst v4;
	s6 =	smov.u32 s8  }
0x74: {  	v2 =	vld.msk [tilespmem:s9+$0xA0 ss:$0x0], $0xffff  }
0x75: {  	v10 =	vld [tilespmem:s8+$0xFFFFFFE0]  }
0x76: {  	v3 =	vld [tilespmem:s8+$0x20]  }
.Ltmp1:
0x77: {  	v4 =	vld [tilespmem:s8+$0xFFFFFFD0];
	(pc) =	sbr.rel @p0 .LBB2_5-.Ltmp1, $3  }
0x78: {  	v5 =	vld [tilespmem:s8+$0x0];
	_ =	sdelay $0x1  }
0x79: {  	v7 =	vmul.f32 v2, v7;
	v9 =	vmul.f32 v6, v2  }
0x7a: {  	v8 =	vmul.f32 v8, v2;
	v6 =	vmul.f32 v10, v2  }
0x7b: {  	[tilespmem:s6+$0x30] =	vst v9  }
0x7c: {  	[tilespmem:s6+$0xFFFFFFC0] =	vst v7  }
0x7d: {  	v1 =	vmul.f32 v1, v2;
	[tilespmem:s6+$0x10] =	vst v8  }
0x7e: {  	v3 =	vmul.f32 v3, v2;
	[tilespmem:s6+$0xFFFFFFE0] =	vst v6  }
0x7f: {  	v5 =	vmul.f32 v5, v2;
	[tilespmem:s6+$0xFFFFFFF0] =	vst v1  }
0x80: {  	s4 =	sadd.s32 $0x1, s4;
	v1 =	vmul.f32 v4, v2;
	[tilespmem:s6+$0x20] =	vst v3  }
0x81: {  	p0 =	sne.s32 s4, $0x7D;
	[tilespmem:s6+$0x0] =	vst v5  }
.Ltmp2:
0x82: {  	[tilespmem:s6+$0xFFFFFFD0] =	vst v1;
	(pc) =	sbr.rel @p0 .LBB2_4-.Ltmp2, $4  }
0x83: {  	[spmem:s2] =	stream.indirect.scatter.add.f32 [tilespmem:s26], [sflag:$0x2], $0x80, s29, s29, $0xb8;
	[tilespmem:$0x16900] =	vst v63  }
0x84: {  	_ =	swait.ge [sflag:s28], $0x2800  }
0x85: {  	[sflag:s28] =	ssyncset.done $0x0  }
0x86: {  	[sflag:s28] =	ssyncadd.s32 $0xFFFFD800  }
0x87: {  	s0 =	stileid.u32  }
0x88: {  	[bflag:$0x0] =	sbarrier.arrive $0xFFFF;
	s0 =	sshll.u32 s0, $0x6  }
0x89: {  	s4 =	sshrl.u32 s16, $0x3;
	s6 =	rddreg [dreg:$0x4];
	s0 =	sor.u32 $0x1C02, s0  }
0x8a: {  	[hbm:s6], [sflag:s0] =	dma.local [spmem:s4], $0x500  }
0x8b: {  	_ =	swait.ge [sflag:s28], $0x500  }
0x8c: {  	[sflag:s28] =	ssyncset.done $0x0  }
0x8d: {  	s8 =	sshrl.u32 s17, $0x3;
	s9 =	rddreg [dreg:$0x5];
	[sflag:s28] =	ssyncadd.s32 $0xFFFFFB00  }
0x8e: {  	[hbm:s9], [sflag:s0] =	dma.local [spmem:s8], $0x500  }
0x8f: {  	_ =	swait.ge [sflag:s28], $0x500  }
0x90: {  	[sflag:s28] =	ssyncset.done $0x0  }
0x91: {  	s6 =	sshrl.u32 s18, $0x3;
	s7 =	rddreg [dreg:$0x6];
	[sflag:s28] =	ssyncadd.s32 $0xFFFFFB00  }
0x92: {  	[hbm:s7], [sflag:s0] =	dma.local [spmem:s6], $0x500  }
0x93: {  	_ =	swait.ge [sflag:s28], $0x500  }
0x94: {  	[sflag:s28] =	ssyncset.done $0x0  }
0x95: {  	s8 =	sshrl.u32 s19, $0x3;
	s9 =	rddreg [dreg:$0x7];
	[sflag:s28] =	ssyncadd.s32 $0xFFFFFB00  }
0x96: {  	[hbm:s9], [sflag:s0] =	dma.local [spmem:s8], $0x500  }
0x97: {  	_ =	swait.ge [sflag:s28], $0x500  }
0x98: {  	[sflag:s28] =	ssyncset.done $0x0  }
0x99: {  	s6 =	sshrl.u32 s20, $0x3;
	[sflag:s28] =	ssyncadd.s32 $0xFFFFFB00  }
0x9a: {  	[hbm:s10], [sflag:s0] =	dma.local [spmem:s6], $0x500  }
0x9b: {  	_ =	swait.ge [sflag:s28], $0x500  }
0x9c: {  	[sflag:s28] =	ssyncset.done $0x0  }
0x9d: {  	s7 =	sshrl.u32 s21, $0x3;
	[sflag:s28] =	ssyncadd.s32 $0xFFFFFB00  }
0x9e: {  	[hbm:s11], [sflag:s0] =	dma.local [spmem:s7], $0x500  }
0x9f: {  	_ =	swait.ge [sflag:s28], $0x500  }
0xa0: {  	[sflag:s28] =	ssyncset.done $0x0  }
0xa1: {  	s8 =	sshrl.u32 s22, $0x3;
	[sflag:s28] =	ssyncadd.s32 $0xFFFFFB00  }
0xa2: {  	[hbm:s12], [sflag:s0] =	dma.local [spmem:s8], $0x500  }
0xa3: {  	s3 =	sadd.s32 $0x1, s3;
	_ =	swait.ge [sflag:s28], $0x500  }
0xa4: {  	p0 =	sne.s32 s3, s25;
	[sflag:s28] =	ssyncset.done $0x0  }
.Ltmp3:
0xa5: {  	s9 =	sshrl.u32 s23, $0x3;
	[sflag:s28] =	ssyncadd.s32 $0xFFFFFB00;
	(pc) =	sbr.rel @p0 .LBB2_1-.Ltmp3, $4  }
0xa6: {  	[hbm:s13], [sflag:s0] =	dma.local [spmem:s9], $0x500  }
0xa7: {  	_ =	swait.ge [sflag:s28], $0x500  }
0xa8: {  	[sflag:s28] =	ssyncset.done $0x0  }
0xa9: {  	[sflag:s28] =	ssyncadd.s32 $0xFFFFFB00  }
0xaa: {  	_ =	sfence.sel $0x180000  }
0xab: {  	[bflag:$0x0] =	sbarrier.arrive $0xFFFF  }
0xac: {  	_ =	strace $0x9000004A  }
0xad: {  	s0 =	stileid.u32;
	[bflag:$0x2] =	sbarrier.arrive $0xFFFF  }
0xae: {  	p0 =	sne.s32 s0, $0x0;
	s0 =	rddreg [dreg:$0x3]  }
0xaf: {  	s0 =	sadd.s32 @!p0 $0x100000, s0  }
0xb0: {  	[sflag:s0] =	ssyncadd.tile.s32 @!p0 $0x1;
	_ =	shalt  }
.Lfunc_end2:
_tile_overlayer_lowered:
.L_overlay_start_2:
0xb1: {  	(tag) =	ssettag $0x2  }
0xb2: {  	s0 =	rddreg [dreg:$0x0];
	s2 =	stileid.u32  }
0xb3: {  	s1 =	rddreg [dreg:$0x1];
	p0 =	sne.s32 s2, $0x0  }
0xb4: {  	s3 =	rddreg [dreg:$0x2];
	[bflag:$0x3] =	sbarrier.arrive $0xFFFF;
	s2 =	simm.s32 @!p0 $0x1C02  }
0xb5: {  	[timem:s3], [sflag:s2] =	dma.local @!p0 [hbm:s0], s1  }
0xb6: {  	s0 =	simm.s32 @!p0 $0x2  }
0xb7: {  	_ =	swait.ge @!p0 [sflag:s0], s1  }
0xb8: {  	s1 =	ssub.s32 @!p0 $0x0, s1;
	[sflag:s0] =	ssyncset.done @!p0 $0x0  }
0xb9: {  	[sflag:s0] =	ssyncadd.s32 @!p0 s1  }
0xba: {  	[bflag:$0x3] =	sbarrier.arrive $0xFFFF  }
0xbb: {  	_ =	shalt  }

// kernel: kernel.23.cloned.1.call-start
scs
__scs_entry_jumppad:
0x0: {  	(pc) =	sbr.rel $0x88, $3  }
0x1: {  	(tag) =	ssettag $0x0;
	lr =	simm.s32 $0x1  }
0x2: {  	[smem:$0x3F88] =	sst lr;
	_ =	strace $0xD0000000  }
0x3: {  	_ = 	snop  }
0x4: {  	_ = 	snop  }
0x5: {  	_ = 	snop  }
0x6: {  	_ = 	snop  }
0x7: {  	_ = 	snop  }
__scs_overlays_trampoline_lowered:
0x8: {  	[smem:$0x3F97] =	sst s0  }
0x9: {  	[smem:$0x3F98] =	sst s1  }
0xa: {  	[smem:$0x3F99] =	sst s2  }
0xb: {  	[smem:$0x3F9A] =	sst s3  }
0xc: {  	[smem:$0x3F9B] =	sst s4  }
0xd: {  	[smem:$0x3F9C] =	sst s5  }
0xe: {  	[smem:$0x3F9D] =	sst s6  }
0xf: {  	[smem:$0x3F9E] =	sst s7  }
0x10: {  	[smem:$0x3F9F] =	sst s8  }
0x11: {  	[smem:$0x3FA0] =	sst s9;
	s0 =	simm.s32 @!p0 $0x0  }
0x12: {  	s1 =	sld [smem:$0x3F86];
	s0 =	simm.s32 @p0 $0x1  }
0x13: {  	[smem:$0x3FA1] =	sst s0;
	s0 =	simm.s32 @!p1 $0x0  }
0x14: {  	s2 =	sld [smem:$0x3F85];
	s0 =	simm.s32 @p1 $0x1  }
0x15: {  	[smem:$0x3FA2] =	sst s0;
	s0 =	simm.s32 @!p2 $0x0  }
0x16: {  	s3 =	sld [smem:$0x3FDB];
	s0 =	simm.s32 @p2 $0x1  }
0x17: {  	s4 =	simm.s32 $0x1BF5;
	[smem:$0x3FA4] =	sst s0  }
0x18: {  	s0 =	sld [smem:$0x3F87];
	_ =	swait.ge [sflag:s4], $0x0  }
0x19: {  	s7 =	sld [smem:$0x3F88]  }
0x1a: {  	s8 =	sadd.s32 $0xFFFFE003, lr  }
0x1b: {  	s9 =	sadd.s32 $0xFFFFFEF7, lr;
	s5 =	simm.s32 $0xFFFFFFFF;
	p2 =	slt.u32 s8, $0xFFFFF086  }
0x1c: {  	p1 =	slt.u32 s9, $0xF7A;
	s5 =	simm.s32 @!p2 $0x0  }
0x1d: {  	s5 =	simm.s32 @p1 $0x1;
	p0 =	seq.s32 s7, s2  }
0x1e: {  	s7 =	smul.u32 @!p0 $0xF7A, s2;
	p2 =	seq.s32 @!p0 s5, $0x0  }
0x1f: {  	s9 =	smul.u32 $0xF7A, s1;
	s8 =	simm.s32 @!p0 $0x1BF5;
	p2 =	por !p2, p0  }
0x20: {  	[sflag:s8] =	ssyncset.s32 @!p0 $0xFFFFF086;
	s6 =	sadd.s32 @!p0 s3, s7;
	s7 =	simm.s32 @!p0 $0x108  }
0x21: {  	s3 =	sadd.s32 s3, s9;
	s6 =	sadd.s32 @!p0 $0x88, s6;
	s7 =	simm.s32 @p2 $0x1082  }
0x22: {  	[simem:s7], [sflag:s8] =	dma.local @!p0 [hbm:s6], $0xF7A  }
0x23: {  	s9 =	sor.u32 $0xD0000000, s2;
	s6 =	simm.s32 $0x108;
	_ =	swait.ge @!p0 [sflag:s8], $0x0  }
0x24: {  	s3 =	sadd.s32 $0x88, s3;
	s6 =	simm.s32 @!p1 $0x1082;
	[sflag:s4] =	ssyncset.s32 $0xFFFFF086  }
0x25: {  	[simem:s6], [sflag:s4] =	dma.local [hbm:s3], $0xF7A  }
0x26: {  	[smem:$0x3F88] =	sst s1;
	(tag) =	ssettag s2;
	_ =	strace s9  }
0x27: {  	s1 =	sld [smem:$0x3F98]  }
0x28: {  	s2 =	sld [smem:$0x3F99]  }
0x29: {  	s4 =	sld [smem:$0x3F9B]  }
0x2a: {  	p0 =	seq.s32 s5, $0x0;
	s5 =	sld [smem:$0x3F9C]  }
0x2b: {  	s6 =	sld [smem:$0x3F9D]  }
0x2c: {  	s7 =	sld [smem:$0x3F9E]  }
0x2d: {  	s3 =	simm.s32 $0x108;
	s8 =	sld [smem:$0x3F9F]  }
0x2e: {  	s3 =	simm.s32 @!p0 $0x1082;
	s9 =	sld [smem:$0x3FA0]  }
0x2f: {  	lr =	sadd.s32 s0, s3;
	s0 =	sld [smem:$0x3F97]  }
0x30: {  	s3 =	sld [smem:$0x3F9A]  }
0x31: {  	[smem:$0x3FA3] =	sst s10  }
0x32: {  	s10 =	sld [smem:$0x3FA1];
	_ =	sdelay $0x3  }
0x33: {  	p0 =	seq.s32 s10, $0x1;
	s10 =	sld [smem:$0x3FA3];
	_ =	sdelay $0x3  }
0x34: {  	[smem:$0x3FA3] =	sst s10  }
0x35: {  	s10 =	sld [smem:$0x3FA2];
	_ =	sdelay $0x3  }
0x36: {  	p1 =	seq.s32 s10, $0x1;
	s10 =	sld [smem:$0x3FA3];
	_ =	sdelay $0x3  }
0x37: {  	[smem:$0x3FA3] =	sst s10  }
0x38: {  	s10 =	sld [smem:$0x3FA4]  }
0x39: {  	_ = 	snop;
	(pc) =	sbr.ind lr, $3  }
0x3a: {  	_ = 	snop  }
0x3b: {  	_ = 	snop  }
0x3c: {  	p2 =	seq.s32 s10, $0x1;
	s10 =	sld [smem:$0x3FA3]  }
0x3d: {  	_ =	shalt  }
0x3e: {  	_ =	shalt  }
0x3f: {  	_ =	shalt  }
0x40: {  	_ =	shalt  }
0x41: {  	_ =	shalt  }
0x42: {  	_ =	shalt  }
0x43: {  	_ =	shalt  }
0x44: {  	_ =	shalt  }
0x45: {  	_ =	shalt  }
0x46: {  	_ =	shalt  }
0x47: {  	_ =	shalt  }
0x48: {  	_ =	shalt  }
0x49: {  	_ =	shalt  }
0x4a: {  	_ =	shalt  }
0x4b: {  	_ =	shalt  }
0x4c: {  	_ =	shalt  }
0x4d: {  	_ =	shalt  }
0x4e: {  	_ =	shalt  }
0x4f: {  	_ =	shalt  }
0x50: {  	_ =	shalt  }
0x51: {  	_ =	shalt  }
0x52: {  	_ =	shalt  }
0x53: {  	_ =	shalt  }
0x54: {  	_ =	shalt  }
0x55: {  	_ =	shalt  }
0x56: {  	_ =	shalt  }
0x57: {  	_ =	shalt  }
0x58: {  	_ =	shalt  }
0x59: {  	_ =	shalt  }
0x5a: {  	_ =	shalt  }
0x5b: {  	_ =	shalt  }
0x5c: {  	_ =	shalt  }
0x5d: {  	_ =	shalt  }
0x5e: {  	_ =	shalt  }
0x5f: {  	_ =	shalt  }
0x60: {  	_ =	shalt  }
0x61: {  	_ =	shalt  }
0x62: {  	_ =	shalt  }
0x63: {  	_ =	shalt  }
0x64: {  	_ =	shalt  }
0x65: {  	_ =	shalt  }
0x66: {  	_ =	shalt  }
0x67: {  	_ =	shalt  }
0x68: {  	_ =	shalt  }
0x69: {  	_ =	shalt  }
0x6a: {  	_ =	shalt  }
0x6b: {  	_ =	shalt  }
0x6c: {  	_ =	shalt  }
0x6d: {  	_ =	shalt  }
0x6e: {  	_ =	shalt  }
0x6f: {  	_ =	shalt  }
0x70: {  	_ =	shalt  }
0x71: {  	_ =	shalt  }
0x72: {  	_ =	shalt  }
0x73: {  	_ =	shalt  }
0x74: {  	_ =	shalt  }
0x75: {  	_ =	shalt  }
0x76: {  	_ =	shalt  }
0x77: {  	_ =	shalt  }
0x78: {  	_ =	shalt  }
0x79: {  	_ =	shalt  }
0x7a: {  	_ =	shalt  }
0x7b: {  	_ =	shalt  }
0x7c: {  	_ =	shalt  }
0x7d: {  	_ =	shalt  }
0x7e: {  	_ =	shalt  }
0x7f: {  	_ =	shalt  }
0x80: {  	_ =	shalt  }
0x81: {  	_ =	shalt  }
0x82: {  	_ =	shalt  }
0x83: {  	_ =	shalt  }
0x84: {  	_ =	shalt  }
0x85: {  	_ =	shalt  }
0x86: {  	_ =	shalt  }
0x87: {  	_ =	shalt  }
.Lfunc_end0:
.L_simem_size_0:
called_computation.2_lowered:
.L_overlay_start_0:
0x88: {  	s2 =	sld [smem:$0x3FD9]  }
0x89: {  	s3 =	sld [smem:$0x3FFE];
	_ =	sdelay $0x1  }
0x8a: {  	s1 =	srdreg.scid  }
0x8b: {  	s0 =	sand.u32 $0x1, s1  }
0x8c: {  	s17 =	sshll.u32 s0, $0xA;
	s2 =	sadd.s32 s3, s2  }
0x8d: {  	s2 =	sadd.s32 s2, s17  }
0x8e: {  	[smem:$0x3FAF] =	sst s2  }
0x8f: {  	_ = 	snop  }
0x90: {  	s2 =	sld [smem:$0x3FC7];
	(tm) =	ssettm $0x1  }
0x91: {  	s18 =	sld [smem:$0x3FFB];
	_ =	sdelay $0x3  }
0x92: {  	_ =	strace s18  }
0x93: {  	s3 =	sld [smem:$0x3FFC];
	_ =	sdelay $0x3  }
0x94: {  	_ =	strace s3  }
0x95: {  	s3 =	sld [smem:$0x3FFD];
	_ =	sdelay $0x3  }
0x96: {  	_ =	strace s3  }
0x97: {  	_ =	strace $0x8FFFFFFF  }
0x98: {  	s19 =	sld [smem:$0x3FDB];
	_ =	sdelay $0x1  }
0x99: {  	s4 =	simm.s32 $_scs_section_size  }
0x9a: {  	s5 =	simm.s32 $_size__tile_overlayer_lowered;
	s6 =	simm.s32 $_tile_overlayer_lowered  }
0x9b: {  	s22 =	simm.s32 $0x1BFF;
	s21 =	sshll.u32 s6, $0x1;
	s3 =	sadd.s32 s4, s19  }
0x9c: {  	s7 =	simm.s32 $0x0;
	s20 =	sshll.u32 s5, $0x1;
	s5 =	sadd.s32 s21, s3  }
0x9d: {  	[timem:s7], [sflag:s22] =	dma.local [hbm:s5], s20  }
0x9e: {  	_ =	swait.ge [sflag:s22], s20  }
0x9f: {  	s4 =	ssub.s32 $0x0, s20;
	[sflag:s22] =	ssyncset.done $0x0  }
0xa0: {  	[sflag:s22] =	ssyncadd.s32 s4;
	_ =	sdelay $0x1  }
0xa1: {  	s23 =	simm.s32 $0x1B8B  }
0xa2: {  	_ =	swait.ge [sflag:s23], $0x1  }
0xa3: {  	[sflag:s23] =	ssyncset.done $0x0  }
0xa4: {  	s25 =	simm.s32 $0x1B8E;
	s24 =	sld [smem:$0x3FFE];
	[sflag:s23] =	ssyncadd.s32 $0xFFFFFFFF  }
0xa5: {  	s26 =	simm.s32 $execute0_lowered;
	[smem:$0x3FD2] =	sst s25  }
0xa6: {  	s5 =	sshll.u32 s26, $0x1;
	_ =	strace $0x8000004C;
	[dreg:$0x1] =	wrdreg $0xFFFFFFFF  }
0xa7: {  	s28 =	simm.s32 $_size_execute0_lowered;
	s3 =	sadd.s32 s3, s5;
	[dreg:$0x0] =	wrdreg $0x0  }
0xa8: {  	s5 =	sshll.u32 s28, $0x1;
	[dreg:$0x2] =	wrdreg s3  }
0xa9: {  	[dreg:$0x3] =	wrdreg s5  }
0xaa: {  	[dreg:$0x4] =	wrdreg $0xC0  }
0xab: {  	_ =	task [dreg:s7], $0x5FFFF  }
0xac: {  	[dreg:$0x1] =	wrdreg $0xFFFFFFFF  }
0xad: {  	[dreg:$0x0] =	wrdreg $0x60  }
0xae: {  	[dreg:$0x2] =	wrdreg s24  }
0xaf: {  	[dreg:$0x3] =	wrdreg s2  }
0xb0: {  	[dreg:$0x4] =	wrdreg $0x15000  }
0xb1: {  	[dreg:$0x5] =	wrdreg $0x9  }
0xb2: {  	_ =	task.clear_ibuf [dreg:s7], $0x6FFFF;
	_ =	strace $0x9000004C  }
0xb3: {  	s29 =	simm.s32 $0x9;
	_ =	strace $0x8000004E  }
0xb4: {  	_ =	swait.ge [sflag:s29], $0x1  }
0xb5: {  	[sflag:s29] =	ssyncadd.s32 $0xFFFFFFFF  }
0xb6: {  	_ =	strace $0x9000004E  }
0xb7: {  	_ =	sfence  }
0xb8: {  	s30 =	sld [smem:$0x0];
	_ =	sdelay $0x2  }
0xb9: {  	s31 =	sshll.u32 s1, $0xD;
	s1 =	sshrl.u32 s1, $0x2  }
0xba: {  	s3 =	sand.u32 $0x4000, s31;
	s1 =	sadd.s32 s1, s30  }
0xbb: {  	s0 =	sor.u32 s3, s0;
	s1 =	sshll.u32 s1, $0x11  }
0xbc: {  	s0 =	sor.u32 s1, s0  }
0xbd: {  	s0 =	sadd.s32 $0x8F2B, s0  }
0xbe: {  	[sflag:s0] =	ssyncadd.remote.s32 $0x1  }
0xbf: {  	_ =	sfence.sel $0xFFFF  }
0xc0: {  	[dreg:$0x0] =	wrdreg $0xFFFFFFFF;
	(pc) =	sbr.abs _section_cstart, $3  }
0xc1: {  	[dreg:$0x1] =	wrdreg $0xFFFFFFFF  }
0xc2: {  	_ =	task.clear_ibuf [dreg:s7], $0x2FFFF;
	_ =	strace $0x9FFFFFFF  }
0xc3: {  	(tm) =	ssettm $0x7FFFFFFF  }
tec
execute0_lowered:
.L_overlay_start_1:
0x0: {  	(tag) =	ssettag $0x1  }
0x1: {  	s0 =	rddreg [dreg:$0x0]  }
0x2: {  	s1 =	rddreg [dreg:$0x1]  }
0x3: {  	s2 =	rddreg [dreg:$0x2];
	s3 =	simm.s32 $0x0  }
0x4: {  	s4 =	srdreg.scid;
	s10 =	stileid.u32;
	s28 =	simm.s32 $0x2  }
0x5: {  	s29 =	simm.s32 $0x50;
	s30 =	simm.s32 $0xA0;
	s31 =	simm.s32 $0x1  }
0x6: {  	[smem:$0x7FF] =	sst s3;
	s5 =	sadd.s32 $0x41C00, s0;
	s4 =	sand.u32 $0x1, s4  }
0x7: {  	s6 =	sadd.s32 $0x55C00, s0;
	s16 =	smul.u32 $0xA000, s10;
	s7 =	ssub.s32 $0x2, s4  }
0x8: {  	s9 =	sshll.u32 s10, $0x1;
	_ =	strace $0x8000004D;
	s8 =	sshrl.u32 s7, $0x1  }
0x9: {  	s17 =	sor.u32 $0x1400, s16;
	s18 =	sadd.s32 $0x2800, s16;
	s19 =	sadd.s32 $0x3C00, s16  }
0xa: {  	s7 =	ssub.s32 s7, s8;
	s8 =	sor.u32 s4, s9;
	s4 =	smul.u32 $0xA0000, s4  }
0xb: {  	s20 =	sadd.s32 $0x5000, s16;
	s21 =	sadd.s32 $0x6400, s16;
	s22 =	sadd.s32 $0x7800, s16  }
0xc: {  	s23 =	sadd.s32 $0x8C00, s16;
	s11 =	sadd.s32 s16, s4;
	s12 =	sadd.s32 s4, s17  }
0xd: {  	s14 =	sadd.s32 s4, s18;
	s15 =	sadd.s32 s4, s19;
	s26 =	sadd.s32 s4, s21  }
0xe: {  	s16 =	sadd.s32 s16, s2;
	s17 =	sadd.s32 s17, s2;
	s18 =	sadd.s32 s18, s2  }
0xf: {  	s19 =	sadd.s32 s19, s2;
	s21 =	sadd.s32 s21, s2;
	s9 =	sshrl.u32 s11, $0x3  }
0x10: {  	s13 =	sshrl.u32 s12, $0x3;
	s10 =	sshrl.u32 s15, $0x3;
	s11 =	sadd.s32 s4, s20  }
0x11: {  	s12 =	sadd.s32 s4, s22;
	s4 =	sadd.s32 s4, s23;
	s15 =	sadd.s32 $0xFE00, s0  }
0x12: {  	s20 =	sadd.s32 s20, s2;
	s22 =	sadd.s32 s22, s2;
	s23 =	sadd.s32 s23, s2  }
0x13: {  	s9 =	sadd.s32 s6, s9;
	s24 =	sadd.s32 s6, s10;
	s25 =	sshrl.u32 s11, $0x3  }
0x14: {  	s11 =	sshrl.u32 s26, $0x3;
	s12 =	sshrl.u32 s12, $0x3;
	s4 =	sshrl.u32 s4, $0x3  }
0x15: {  	s26 =	simm.s32 $0x100;
	[dreg:$0x4] =	wrdreg s9;
	s9 =	sadd.s32 s6, s13  }
0x16: {  	[dreg:$0x7] =	wrdreg s24;
	s10 =	sadd.s32 s6, s25;
	s11 =	sadd.s32 s6, s11  }
0x17: {  	s12 =	sadd.s32 s6, s12;
	[dreg:$0x5] =	wrdreg s9;
	s9 =	sshrl.u32 s14, $0x3  }
0x18: {  	s13 =	sadd.s32 s6, s4;
	s24 =	smul.u32 $0x2710, s8;
	s9 =	sadd.s32 s6, s9  }
0x19: {  	v0 =	vimm.f32 $0.0e+00;
	s25 =	smax.u32 s7, $0x1;
	s14 =	sadd.s32 $0x6000, s0;
	[dreg:$0x6] =	wrdreg s9  }
.LBB2_1:
0x1a: {  	s4 =	simm.s32 $0x100;
	s0 =	simm.s32 $0x0  }
.LBB2_2:
0x1b: {  	p0 =	sne.s32 s4, $0x4F00;
	[tilespmem:s0+$0x130] =	vst v0;
	s6 =	smov.u32 s4;
	s4 =	sadd.s32 $0x100, s4  }
.Ltmp0:
0x1c: {  	[tilespmem:s0+$0x120] =	vst v0;
	(pc) =	sbr.rel @p0 .LBB2_2-.Ltmp0, $3  }
0x1d: {  	[tilespmem:s0+$0x100] =	vst v0  }
0x1e: {  	[tilespmem:s0+$0x110] =	vst v0;
	_ =	sdelay $0x1  }
0x1f: {  	s0 =	sshra.s32 s6, $0x2  }
0x20: {  	[tilespmem:s0+$0x130] =	vst v0  }
0x21: {  	[tilespmem:s0+$0x120] =	vst v0  }
0x22: {  	[tilespmem:s0+$0x100] =	vst v0  }
0x23: {  	[tilespmem:s0+$0x110] =	vst v0  }
0x24: {  	[spmem:s16] =	stream.linear.scatter [tilespmem:s26], [sflag:$0x2], $0x1400, $0x38;
	[tilespmem:$0xB500] =	vst v63  }
0x25: {  	_ =	swait.ge [sflag:s28], $0x1400  }
0x26: {  	[sflag:s28] =	ssyncset.done $0x0  }
0x27: {  	[sflag:s28] =	ssyncadd.s32 $0xFFFFEC00  }
0x28: {  	[spmem:s17] =	stream.linear.scatter [tilespmem:s26], [sflag:$0x2], $0x1400, $0x38;
	[tilespmem:$0xB500] =	vst v63  }
0x29: {  	_ =	swait.ge [sflag:s28], $0x1400  }
0x2a: {  	[sflag:s28] =	ssyncset.done $0x0  }
0x2b: {  	[sflag:s28] =	ssyncadd.s32 $0xFFFFEC00  }
0x2c: {  	[spmem:s18] =	stream.linear.scatter [tilespmem:s26], [sflag:$0x2], $0x1400, $0x38;
	[tilespmem:$0xB500] =	vst v63  }
0x2d: {  	_ =	swait.ge [sflag:s28], $0x1400  }
0x2e: {  	[sflag:s28] =	ssyncset.done $0x0  }
0x2f: {  	[sflag:s28] =	ssyncadd.s32 $0xFFFFEC00  }
0x30: {  	[spmem:s19] =	stream.linear.scatter [tilespmem:s26], [sflag:$0x2], $0x1400, $0x38;
	[tilespmem:$0xB500] =	vst v63  }
0x31: {  	_ =	swait.ge [sflag:s28], $0x1400  }
0x32: {  	[sflag:s28] =	ssyncset.done $0x0  }
0x33: {  	[sflag:s28] =	ssyncadd.s32 $0xFFFFEC00  }
0x34: {  	[spmem:s20] =	stream.linear.scatter [tilespmem:s26], [sflag:$0x2], $0x1400, $0x38;
	[tilespmem:$0xB500] =	vst v63  }
0x35: {  	_ =	swait.ge [sflag:s28], $0x1400  }
0x36: {  	[sflag:s28] =	ssyncset.done $0x0  }
0x37: {  	[sflag:s28] =	ssyncadd.s32 $0xFFFFEC00  }
0x38: {  	[spmem:s21] =	stream.linear.scatter [tilespmem:s26], [sflag:$0x2], $0x1400, $0x38;
	[tilespmem:$0xB500] =	vst v63  }
0x39: {  	_ =	swait.ge [sflag:s28], $0x1400  }
0x3a: {  	[sflag:s28] =	ssyncset.done $0x0  }
0x3b: {  	[sflag:s28] =	ssyncadd.s32 $0xFFFFEC00  }
0x3c: {  	[spmem:s22] =	stream.linear.scatter [tilespmem:s26], [sflag:$0x2], $0x1400, $0x38;
	[tilespmem:$0xB500] =	vst v63  }
0x3d: {  	_ =	swait.ge [sflag:s28], $0x1400  }
0x3e: {  	[sflag:s28] =	ssyncset.done $0x0  }
0x3f: {  	[sflag:s28] =	ssyncadd.s32 $0xFFFFEC00  }
0x40: {  	[spmem:s23] =	stream.linear.scatter [tilespmem:s26], [sflag:$0x2], $0x1400, $0x38;
	[tilespmem:$0xB500] =	vst v63  }
0x41: {  	_ =	swait.ge [sflag:s28], $0x1400  }
0x42: {  	[sflag:s28] =	ssyncset.done $0x0  }
0x43: {  	[sflag:s28] =	ssyncadd.s32 $0xFFFFEC00  }
0x44: {  	s0 =	simm.s32 $0x0;
	s4 =	simm.s32 $0x0;
	[bflag:$0x0] =	sbarrier.arrive $0xFFFF  }
.LBB2_4:
0x45: {  	s6 =	smul.u32 $0x50, s4;
	_ =	sdelay $0x1  }
0x46: {  	s6 =	sadd.s32 s24, s6  }
0x47: {  	s6 =	sshrl.u32 s6, $0x3  }
0x48: {  	s7 =	sadd.s32 s14, s6  }
0x49: {  	[tilespmem:s0], [sflag:$0x2] =	stream.linear.gather [hbm4b:s7+s0], $0x50, $0x38;
	[tilespmem:$0xB500] =	vst v63  }
0x4a: {  	_ =	swait.ge [sflag:s28], $0x50  }
0x4b: {  	[sflag:s28] =	ssyncset.done $0x0  }
0x4c: {  	s8 =	sadd.s32 s15, s6;
	[sflag:s28] =	ssyncadd.s32 $0xFFFFFFB0  }
0x4d: {  	[tilespmem:s29], [sflag:$0x2] =	stream.linear.gather [hbm4b:s8+s0], $0x50, $0x38;
	[tilespmem:$0xB500] =	vst v63  }
0x4e: {  	_ =	swait.ge [sflag:s28], $0x50  }
0x4f: {  	[sflag:s28] =	ssyncset.done $0x0  }
0x50: {  	s6 =	sadd.s32 s1, s6;
	[sflag:s28] =	ssyncadd.s32 $0xFFFFFFB0  }
0x51: {  	[tilespmem:s30], [sflag:$0x2] =	stream.linear.gather [hbm4b:s6+s0], $0x50, $0x38;
	[tilespmem:$0xB500] =	vst v63  }
0x52: {  	_ =	swait.ge [sflag:s28], $0x50  }
0x53: {  	[sflag:s28] =	ssyncset.done $0x0  }
0x54: {  	[sflag:s28] =	ssyncadd.s32 $0xFFFFFFB0  }
0x55: {  	[tilespmem:s26], [sflag:$0x1] =	stream.indirect.gather [hbm4b:s5+s29], $0x40, s0, s29, $0xb8;
	[tilespmem:$0xB500] =	vst v63  }
0x56: {  	_ =	swait.ge [sflag:s31], $0x1400  }
0x57: {  	[sflag:s31] =	ssyncset.done $0x0  }
0x58: {  	s6 =	simm.s32 $0x120;
	[sflag:s31] =	ssyncadd.s32 $0xFFFFEC00  }
0x59: {  	v1 =	vld [tilespmem:s6+$0xFFFFFFF0]  }
0x5a: {  	s9 =	simm.s32 $0x0;
	v3 =	vld [tilespmem:s6+$0x10]  }
0x5b: {  	v5 =	vld.msk [tilespmem:s9+$0xA0 ss:$0x0], $0xffff  }
0x5c: {  	v2 =	vld [tilespmem:s6+$0xFFFFFFE0]  }
0x5d: {  	v6 =	vld [tilespmem:s6+$0x0];
	_ =	sdelay $0x3  }
0x5e: {  	v2 =	vmul.f32 v5, v2;
	v4 =	vmul.f32 v3, v5  }
0x5f: {  	s7 =	simm.s32 $0x4;
	s8 =	simm.s32 $0x120;
	v3 =	vmul.f32 v1, v5;
	v1 =	vmul.f32 v6, v5  }
.LBB2_5:
0x60: {  	p0 =	sne.s32 s7, $0x13C  }
0x61: {  	[tilespmem:s6+$0x10] =	vst v4;
	s8 =	sadd.s32 $0x40, s8;
	s9 =	smov.u32 s7;
	s7 =	sadd.s32 $0x4, s7  }
0x62: {  	[tilespmem:s6+$0xFFFFFFE0] =	vst v2  }
0x63: {  	v5 =	vld [tilespmem:s8+$0xFFFFFFF0];
	[tilespmem:s6+$0xFFFFFFF0] =	vst v3  }
0x64: {  	s9 =	sshra.s32 s9, $0x2;
	v3 =	vld [tilespmem:s8+$0x10];
	[tilespmem:s6+$0x0] =	vst v1;
	s6 =	smov.u32 s8  }
0x65: {  	v1 =	vld.msk [tilespmem:s9+$0xA0 ss:$0x0], $0xffff  }
0x66: {  	v2 =	vld [tilespmem:s8+$0xFFFFFFE0]  }
0x67: {  	v6 =	vld [tilespmem:s8+$0x0]  }
.Ltmp1:
0x68: {  	(pc) =	sbr.rel @p0 .LBB2_5-.Ltmp1, $3  }
0x69: {  	_ =	sdelay $0x1  }
0x6a: {  	v4 =	vmul.f32 v3, v1;
	v2 =	vmul.f32 v1, v2  }
0x6b: {  	v3 =	vmul.f32 v5, v1;
	v1 =	vmul.f32 v6, v1  }
0x6c: {  	[tilespmem:s6+$0x10] =	vst v4  }
0x6d: {  	[tilespmem:s6+$0xFFFFFFE0] =	vst v2;
	s4 =	sadd.s32 $0x1, s4  }
0x6e: {  	[tilespmem:s6+$0xFFFFFFF0] =	vst v3;
	p0 =	sne.s32 s4, $0x7D  }
.Ltmp2:
0x6f: {  	[tilespmem:s6+$0x0] =	vst v1;
	(pc) =	sbr.rel @p0 .LBB2_4-.Ltmp2, $4  }
0x70: {  	[spmem:s2] =	stream.indirect.scatter.add.f32 [tilespmem:s26], [sflag:$0x2], $0x40, s29, s29, $0xb8;
	[tilespmem:$0xB500] =	vst v63  }
0x71: {  	_ =	swait.ge [sflag:s28], $0x1400  }
0x72: {  	[sflag:s28] =	ssyncset.done $0x0  }
0x73: {  	[sflag:s28] =	ssyncadd.s32 $0xFFFFEC00  }
0x74: {  	s0 =	stileid.u32  }
0x75: {  	[bflag:$0x0] =	sbarrier.arrive $0xFFFF;
	s0 =	sshll.u32 s0, $0x6  }
0x76: {  	s4 =	sshrl.u32 s16, $0x3;
	s6 =	rddreg [dreg:$0x4];
	s0 =	sor.u32 $0x1C02, s0  }
0x77: {  	[hbm:s6], [sflag:s0] =	dma.local [spmem:s4], $0x280  }
0x78: {  	_ =	swait.ge [sflag:s28], $0x280  }
0x79: {  	[sflag:s28] =	ssyncset.done $0x0  }
0x7a: {  	s8 =	sshrl.u32 s17, $0x3;
	s9 =	rddreg [dreg:$0x5];
	[sflag:s28] =	ssyncadd.s32 $0xFFFFFD80  }
0x7b: {  	[hbm:s9], [sflag:s0] =	dma.local [spmem:s8], $0x280  }
0x7c: {  	_ =	swait.ge [sflag:s28], $0x280  }
0x7d: {  	[sflag:s28] =	ssyncset.done $0x0  }
0x7e: {  	s6 =	sshrl.u32 s18, $0x3;
	s7 =	rddreg [dreg:$0x6];
	[sflag:s28] =	ssyncadd.s32 $0xFFFFFD80  }
0x7f: {  	[hbm:s7], [sflag:s0] =	dma.local [spmem:s6], $0x280  }
0x80: {  	_ =	swait.ge [sflag:s28], $0x280  }
0x81: {  	[sflag:s28] =	ssyncset.done $0x0  }
0x82: {  	s8 =	sshrl.u32 s19, $0x3;
	s9 =	rddreg [dreg:$0x7];
	[sflag:s28] =	ssyncadd.s32 $0xFFFFFD80  }
0x83: {  	[hbm:s9], [sflag:s0] =	dma.local [spmem:s8], $0x280  }
0x84: {  	_ =	swait.ge [sflag:s28], $0x280  }
0x85: {  	[sflag:s28] =	ssyncset.done $0x0  }
0x86: {  	s6 =	sshrl.u32 s20, $0x3;
	[sflag:s28] =	ssyncadd.s32 $0xFFFFFD80  }
0x87: {  	[hbm:s10], [sflag:s0] =	dma.local [spmem:s6], $0x280  }
0x88: {  	_ =	swait.ge [sflag:s28], $0x280  }
0x89: {  	[sflag:s28] =	ssyncset.done $0x0  }
0x8a: {  	s7 =	sshrl.u32 s21, $0x3;
	[sflag:s28] =	ssyncadd.s32 $0xFFFFFD80  }
0x8b: {  	[hbm:s11], [sflag:s0] =	dma.local [spmem:s7], $0x280  }
0x8c: {  	_ =	swait.ge [sflag:s28], $0x280  }
0x8d: {  	[sflag:s28] =	ssyncset.done $0x0  }
0x8e: {  	s8 =	sshrl.u32 s22, $0x3;
	[sflag:s28] =	ssyncadd.s32 $0xFFFFFD80  }
0x8f: {  	[hbm:s12], [sflag:s0] =	dma.local [spmem:s8], $0x280  }
0x90: {  	s3 =	sadd.s32 $0x1, s3;
	_ =	swait.ge [sflag:s28], $0x280  }
0x91: {  	p0 =	sne.s32 s3, s25;
	[sflag:s28] =	ssyncset.done $0x0  }
.Ltmp3:
0x92: {  	s9 =	sshrl.u32 s23, $0x3;
	[sflag:s28] =	ssyncadd.s32 $0xFFFFFD80;
	(pc) =	sbr.rel @p0 .LBB2_1-.Ltmp3, $4  }
0x93: {  	[hbm:s13], [sflag:s0] =	dma.local [spmem:s9], $0x280  }
0x94: {  	_ =	swait.ge [sflag:s28], $0x280  }
0x95: {  	[sflag:s28] =	ssyncset.done $0x0  }
0x96: {  	[sflag:s28] =	ssyncadd.s32 $0xFFFFFD80  }
0x97: {  	_ =	sfence.sel $0x180000  }
0x98: {  	[bflag:$0x0] =	sbarrier.arrive $0xFFFF  }
0x99: {  	_ =	strace $0x9000004D  }
0x9a: {  	s0 =	stileid.u32;
	[bflag:$0x2] =	sbarrier.arrive $0xFFFF  }
0x9b: {  	p0 =	sne.s32 s0, $0x0;
	s0 =	rddreg [dreg:$0x3]  }
0x9c: {  	s0 =	sadd.s32 @!p0 $0x100000, s0  }
0x9d: {  	[sflag:s0] =	ssyncadd.tile.s32 @!p0 $0x1;
	_ =	shalt  }
.Lfunc_end2:
_tile_overlayer_lowered:
.L_overlay_start_2:
0x9e: {  	(tag) =	ssettag $0x2  }
0x9f: {  	s0 =	rddreg [dreg:$0x0];
	s2 =	stileid.u32  }
0xa0: {  	s1 =	rddreg [dreg:$0x1];
	p0 =	sne.s32 s2, $0x0  }
0xa1: {  	s3 =	rddreg [dreg:$0x2];
	[bflag:$0x3] =	sbarrier.arrive $0xFFFF;
	s2 =	simm.s32 @!p0 $0x1C02  }
0xa2: {  	[timem:s3], [sflag:s2] =	dma.local @!p0 [hbm:s0], s1  }
0xa3: {  	s0 =	simm.s32 @!p0 $0x2  }
0xa4: {  	_ =	swait.ge @!p0 [sflag:s0], s1  }
0xa5: {  	s1 =	ssub.s32 @!p0 $0x0, s1;
	[sflag:s0] =	ssyncset.done @!p0 $0x0  }
0xa6: {  	[sflag:s0] =	ssyncadd.s32 @!p0 s1  }
0xa7: {  	[bflag:$0x3] =	sbarrier.arrive $0xFFFF  }
0xa8: {  	_ =	shalt  }

// kernel: kernel.26.cloned.1.call-start
scs
__scs_entry_jumppad:
0x0: {  	(pc) =	sbr.rel $0x88, $3  }
0x1: {  	(tag) =	ssettag $0x0;
	lr =	simm.s32 $0x1  }
0x2: {  	[smem:$0x3F88] =	sst lr;
	_ =	strace $0xD0000000  }
0x3: {  	_ = 	snop  }
0x4: {  	_ = 	snop  }
0x5: {  	_ = 	snop  }
0x6: {  	_ = 	snop  }
0x7: {  	_ = 	snop  }
__scs_overlays_trampoline_lowered:
0x8: {  	[smem:$0x3F97] =	sst s0  }
0x9: {  	[smem:$0x3F98] =	sst s1  }
0xa: {  	[smem:$0x3F99] =	sst s2  }
0xb: {  	[smem:$0x3F9A] =	sst s3  }
0xc: {  	[smem:$0x3F9B] =	sst s4  }
0xd: {  	[smem:$0x3F9C] =	sst s5  }
0xe: {  	[smem:$0x3F9D] =	sst s6  }
0xf: {  	[smem:$0x3F9E] =	sst s7  }
0x10: {  	[smem:$0x3F9F] =	sst s8  }
0x11: {  	[smem:$0x3FA0] =	sst s9;
	s0 =	simm.s32 @!p0 $0x0  }
0x12: {  	s1 =	sld [smem:$0x3F86];
	s0 =	simm.s32 @p0 $0x1  }
0x13: {  	[smem:$0x3FA1] =	sst s0;
	s0 =	simm.s32 @!p1 $0x0  }
0x14: {  	s2 =	sld [smem:$0x3F85];
	s0 =	simm.s32 @p1 $0x1  }
0x15: {  	[smem:$0x3FA2] =	sst s0;
	s0 =	simm.s32 @!p2 $0x0  }
0x16: {  	s3 =	sld [smem:$0x3FDB];
	s0 =	simm.s32 @p2 $0x1  }
0x17: {  	s4 =	simm.s32 $0x1BF5;
	[smem:$0x3FA4] =	sst s0  }
0x18: {  	s0 =	sld [smem:$0x3F87];
	_ =	swait.ge [sflag:s4], $0x0  }
0x19: {  	s7 =	sld [smem:$0x3F88]  }
0x1a: {  	s8 =	sadd.s32 $0xFFFFE003, lr  }
0x1b: {  	s9 =	sadd.s32 $0xFFFFFEF7, lr;
	s5 =	simm.s32 $0xFFFFFFFF;
	p2 =	slt.u32 s8, $0xFFFFF086  }
0x1c: {  	p1 =	slt.u32 s9, $0xF7A;
	s5 =	simm.s32 @!p2 $0x0  }
0x1d: {  	s5 =	simm.s32 @p1 $0x1;
	p0 =	seq.s32 s7, s2  }
0x1e: {  	s7 =	smul.u32 @!p0 $0xF7A, s2;
	p2 =	seq.s32 @!p0 s5, $0x0  }
0x1f: {  	s9 =	smul.u32 $0xF7A, s1;
	s8 =	simm.s32 @!p0 $0x1BF5;
	p2 =	por !p2, p0  }
0x20: {  	[sflag:s8] =	ssyncset.s32 @!p0 $0xFFFFF086;
	s6 =	sadd.s32 @!p0 s3, s7;
	s7 =	simm.s32 @!p0 $0x108  }
0x21: {  	s3 =	sadd.s32 s3, s9;
	s6 =	sadd.s32 @!p0 $0x88, s6;
	s7 =	simm.s32 @p2 $0x1082  }
0x22: {  	[simem:s7], [sflag:s8] =	dma.local @!p0 [hbm:s6], $0xF7A  }
0x23: {  	s9 =	sor.u32 $0xD0000000, s2;
	s6 =	simm.s32 $0x108;
	_ =	swait.ge @!p0 [sflag:s8], $0x0  }
0x24: {  	s3 =	sadd.s32 $0x88, s3;
	s6 =	simm.s32 @!p1 $0x1082;
	[sflag:s4] =	ssyncset.s32 $0xFFFFF086  }
0x25: {  	[simem:s6], [sflag:s4] =	dma.local [hbm:s3], $0xF7A  }
0x26: {  	[smem:$0x3F88] =	sst s1;
	(tag) =	ssettag s2;
	_ =	strace s9  }
0x27: {  	s1 =	sld [smem:$0x3F98]  }
0x28: {  	s2 =	sld [smem:$0x3F99]  }
0x29: {  	s4 =	sld [smem:$0x3F9B]  }
0x2a: {  	p0 =	seq.s32 s5, $0x0;
	s5 =	sld [smem:$0x3F9C]  }
0x2b: {  	s6 =	sld [smem:$0x3F9D]  }
0x2c: {  	s7 =	sld [smem:$0x3F9E]  }
0x2d: {  	s3 =	simm.s32 $0x108;
	s8 =	sld [smem:$0x3F9F]  }
0x2e: {  	s3 =	simm.s32 @!p0 $0x1082;
	s9 =	sld [smem:$0x3FA0]  }
0x2f: {  	lr =	sadd.s32 s0, s3;
	s0 =	sld [smem:$0x3F97]  }
0x30: {  	s3 =	sld [smem:$0x3F9A]  }
0x31: {  	[smem:$0x3FA3] =	sst s10  }
0x32: {  	s10 =	sld [smem:$0x3FA1];
	_ =	sdelay $0x3  }
0x33: {  	p0 =	seq.s32 s10, $0x1;
	s10 =	sld [smem:$0x3FA3];
	_ =	sdelay $0x3  }
0x34: {  	[smem:$0x3FA3] =	sst s10  }
0x35: {  	s10 =	sld [smem:$0x3FA2];
	_ =	sdelay $0x3  }
0x36: {  	p1 =	seq.s32 s10, $0x1;
	s10 =	sld [smem:$0x3FA3];
	_ =	sdelay $0x3  }
0x37: {  	[smem:$0x3FA3] =	sst s10  }
0x38: {  	s10 =	sld [smem:$0x3FA4]  }
0x39: {  	_ = 	snop;
	(pc) =	sbr.ind lr, $3  }
0x3a: {  	_ = 	snop  }
0x3b: {  	_ = 	snop  }
0x3c: {  	p2 =	seq.s32 s10, $0x1;
	s10 =	sld [smem:$0x3FA3]  }
0x3d: {  	_ =	shalt  }
0x3e: {  	_ =	shalt  }
0x3f: {  	_ =	shalt  }
0x40: {  	_ =	shalt  }
0x41: {  	_ =	shalt  }
0x42: {  	_ =	shalt  }
0x43: {  	_ =	shalt  }
0x44: {  	_ =	shalt  }
0x45: {  	_ =	shalt  }
0x46: {  	_ =	shalt  }
0x47: {  	_ =	shalt  }
0x48: {  	_ =	shalt  }
0x49: {  	_ =	shalt  }
0x4a: {  	_ =	shalt  }
0x4b: {  	_ =	shalt  }
0x4c: {  	_ =	shalt  }
0x4d: {  	_ =	shalt  }
0x4e: {  	_ =	shalt  }
0x4f: {  	_ =	shalt  }
0x50: {  	_ =	shalt  }
0x51: {  	_ =	shalt  }
0x52: {  	_ =	shalt  }
0x53: {  	_ =	shalt  }
0x54: {  	_ =	shalt  }
0x55: {  	_ =	shalt  }
0x56: {  	_ =	shalt  }
0x57: {  	_ =	shalt  }
0x58: {  	_ =	shalt  }
0x59: {  	_ =	shalt  }
0x5a: {  	_ =	shalt  }
0x5b: {  	_ =	shalt  }
0x5c: {  	_ =	shalt  }
0x5d: {  	_ =	shalt  }
0x5e: {  	_ =	shalt  }
0x5f: {  	_ =	shalt  }
0x60: {  	_ =	shalt  }
0x61: {  	_ =	shalt  }
0x62: {  	_ =	shalt  }
0x63: {  	_ =	shalt  }
0x64: {  	_ =	shalt  }
0x65: {  	_ =	shalt  }
0x66: {  	_ =	shalt  }
0x67: {  	_ =	shalt  }
0x68: {  	_ =	shalt  }
0x69: {  	_ =	shalt  }
0x6a: {  	_ =	shalt  }
0x6b: {  	_ =	shalt  }
0x6c: {  	_ =	shalt  }
0x6d: {  	_ =	shalt  }
0x6e: {  	_ =	shalt  }
0x6f: {  	_ =	shalt  }
0x70: {  	_ =	shalt  }
0x71: {  	_ =	shalt  }
0x72: {  	_ =	shalt  }
0x73: {  	_ =	shalt  }
0x74: {  	_ =	shalt  }
0x75: {  	_ =	shalt  }
0x76: {  	_ =	shalt  }
0x77: {  	_ =	shalt  }
0x78: {  	_ =	shalt  }
0x79: {  	_ =	shalt  }
0x7a: {  	_ =	shalt  }
0x7b: {  	_ =	shalt  }
0x7c: {  	_ =	shalt  }
0x7d: {  	_ =	shalt  }
0x7e: {  	_ =	shalt  }
0x7f: {  	_ =	shalt  }
0x80: {  	_ =	shalt  }
0x81: {  	_ =	shalt  }
0x82: {  	_ =	shalt  }
0x83: {  	_ =	shalt  }
0x84: {  	_ =	shalt  }
0x85: {  	_ =	shalt  }
0x86: {  	_ =	shalt  }
0x87: {  	_ =	shalt  }
.Lfunc_end0:
.L_simem_size_0:
called_computation.3_lowered:
.L_overlay_start_0:
0x88: {  	s2 =	sld [smem:$0x3FD9]  }
0x89: {  	s3 =	sld [smem:$0x3FFE];
	_ =	sdelay $0x1  }
0x8a: {  	s1 =	srdreg.scid  }
0x8b: {  	s0 =	sand.u32 $0x1, s1  }
0x8c: {  	s17 =	sshll.u32 s0, $0xA;
	s2 =	sadd.s32 s3, s2  }
0x8d: {  	s2 =	sadd.s32 s2, s17  }
0x8e: {  	[smem:$0x3FAF] =	sst s2  }
0x8f: {  	_ = 	snop  }
0x90: {  	s2 =	sld [smem:$0x3FC7];
	(tm) =	ssettm $0x1  }
0x91: {  	s18 =	sld [smem:$0x3FFB];
	_ =	sdelay $0x3  }
0x92: {  	_ =	strace s18  }
0x93: {  	s3 =	sld [smem:$0x3FFC];
	_ =	sdelay $0x3  }
0x94: {  	_ =	strace s3  }
0x95: {  	s3 =	sld [smem:$0x3FFD];
	_ =	sdelay $0x3  }
0x96: {  	_ =	strace s3  }
0x97: {  	_ =	strace $0x8FFFFFFF  }
0x98: {  	s19 =	sld [smem:$0x3FDB];
	_ =	sdelay $0x1  }
0x99: {  	s4 =	simm.s32 $_scs_section_size  }
0x9a: {  	s5 =	simm.s32 $_size__tile_overlayer_lowered;
	s6 =	simm.s32 $_tile_overlayer_lowered  }
0x9b: {  	s22 =	simm.s32 $0x1BFF;
	s21 =	sshll.u32 s6, $0x1;
	s3 =	sadd.s32 s4, s19  }
0x9c: {  	s7 =	simm.s32 $0x0;
	s20 =	sshll.u32 s5, $0x1;
	s5 =	sadd.s32 s21, s3  }
0x9d: {  	[timem:s7], [sflag:s22] =	dma.local [hbm:s5], s20  }
0x9e: {  	_ =	swait.ge [sflag:s22], s20  }
0x9f: {  	s4 =	ssub.s32 $0x0, s20;
	[sflag:s22] =	ssyncset.done $0x0  }
0xa0: {  	[sflag:s22] =	ssyncadd.s32 s4;
	_ =	sdelay $0x1  }
0xa1: {  	s23 =	simm.s32 $0x1B8B  }
0xa2: {  	_ =	swait.ge [sflag:s23], $0x1  }
0xa3: {  	[sflag:s23] =	ssyncset.done $0x0  }
0xa4: {  	s25 =	simm.s32 $0x1B8E;
	s24 =	sld [smem:$0x3FFE];
	[sflag:s23] =	ssyncadd.s32 $0xFFFFFFFF  }
0xa5: {  	s26 =	simm.s32 $execute0_lowered;
	[smem:$0x3FD2] =	sst s25  }
0xa6: {  	s5 =	sshll.u32 s26, $0x1;
	_ =	strace $0x8000004F;
	[dreg:$0x1] =	wrdreg $0xFFFFFFFF  }
0xa7: {  	s28 =	simm.s32 $_size_execute0_lowered;
	s3 =	sadd.s32 s3, s5;
	[dreg:$0x0] =	wrdreg $0x0  }
0xa8: {  	s5 =	sshll.u32 s28, $0x1;
	[dreg:$0x2] =	wrdreg s3  }
0xa9: {  	[dreg:$0x3] =	wrdreg s5  }
0xaa: {  	[dreg:$0x4] =	wrdreg $0xC0  }
0xab: {  	_ =	task [dreg:s7], $0x5FFFF  }
0xac: {  	[dreg:$0x1] =	wrdreg $0xFFFFFFFF  }
0xad: {  	[dreg:$0x0] =	wrdreg $0x60  }
0xae: {  	[dreg:$0x2] =	wrdreg s24  }
0xaf: {  	[dreg:$0x3] =	wrdreg s2  }
0xb0: {  	[dreg:$0x4] =	wrdreg $0x15000  }
0xb1: {  	[dreg:$0x5] =	wrdreg $0x9  }
0xb2: {  	_ =	task.clear_ibuf [dreg:s7], $0x6FFFF;
	_ =	strace $0x9000004F  }
0xb3: {  	s29 =	simm.s32 $0x9;
	_ =	strace $0x80000051  }
0xb4: {  	_ =	swait.ge [sflag:s29], $0x1  }
0xb5: {  	[sflag:s29] =	ssyncadd.s32 $0xFFFFFFFF  }
0xb6: {  	_ =	strace $0x90000051  }
0xb7: {  	_ =	sfence  }
0xb8: {  	s30 =	sld [smem:$0x0];
	_ =	sdelay $0x2  }
0xb9: {  	s31 =	sshll.u32 s1, $0xD;
	s1 =	sshrl.u32 s1, $0x2  }
0xba: {  	s3 =	sand.u32 $0x4000, s31;
	s1 =	sadd.s32 s1, s30  }
0xbb: {  	s0 =	sor.u32 s3, s0;
	s1 =	sshll.u32 s1, $0x11  }
0xbc: {  	s0 =	sor.u32 s1, s0  }
0xbd: {  	s0 =	sadd.s32 $0x8F2B, s0  }
0xbe: {  	[sflag:s0] =	ssyncadd.remote.s32 $0x1  }
0xbf: {  	_ =	sfence.sel $0xFFFF  }
0xc0: {  	[dreg:$0x0] =	wrdreg $0xFFFFFFFF;
	(pc) =	sbr.abs _section_cstart, $3  }
0xc1: {  	[dreg:$0x1] =	wrdreg $0xFFFFFFFF  }
0xc2: {  	_ =	task.clear_ibuf [dreg:s7], $0x2FFFF;
	_ =	strace $0x9FFFFFFF  }
0xc3: {  	(tm) =	ssettm $0x7FFFFFFF  }
tec
execute0_lowered:
.L_overlay_start_1:
0x0: {  	(tag) =	ssettag $0x1  }
0x1: {  	s0 =	rddreg [dreg:$0x0]  }
0x2: {  	s1 =	rddreg [dreg:$0x1]  }
0x3: {  	s2 =	rddreg [dreg:$0x2];
	s3 =	simm.s32 $0x0  }
0x4: {  	s4 =	srdreg.scid;
	s10 =	stileid.u32;
	s28 =	simm.s32 $0x2  }
0x5: {  	s29 =	simm.s32 $0x50;
	s30 =	simm.s32 $0xA0;
	s31 =	simm.s32 $0x1  }
0x6: {  	[smem:$0x7FF] =	sst s3;
	s5 =	sadd.s32 $0x41C00, s0;
	s4 =	sand.u32 $0x1, s4  }
0x7: {  	s6 =	sadd.s32 $0x55C00, s0;
	s16 =	smul.u32 $0xA000, s10;
	s7 =	ssub.s32 $0x2, s4  }
0x8: {  	s9 =	sshll.u32 s10, $0x1;
	_ =	strace $0x80000050;
	s8 =	sshrl.u32 s7, $0x1  }
0x9: {  	s17 =	sor.u32 $0x1400, s16;
	s18 =	sadd.s32 $0x2800, s16;
	s19 =	sadd.s32 $0x3C00, s16  }
0xa: {  	s7 =	ssub.s32 s7, s8;
	s8 =	sor.u32 s4, s9;
	s4 =	smul.u32 $0xA0000, s4  }
0xb: {  	s20 =	sadd.s32 $0x5000, s16;
	s21 =	sadd.s32 $0x6400, s16;
	s22 =	sadd.s32 $0x7800, s16  }
0xc: {  	s23 =	sadd.s32 $0x8C00, s16;
	s11 =	sadd.s32 s16, s4;
	s12 =	sadd.s32 s4, s17  }
0xd: {  	s14 =	sadd.s32 s4, s18;
	s15 =	sadd.s32 s4, s19;
	s26 =	sadd.s32 s4, s21  }
0xe: {  	s16 =	sadd.s32 s16, s2;
	s17 =	sadd.s32 s17, s2;
	s18 =	sadd.s32 s18, s2  }
0xf: {  	s19 =	sadd.s32 s19, s2;
	s21 =	sadd.s32 s21, s2;
	s9 =	sshrl.u32 s11, $0x3  }
0x10: {  	s13 =	sshrl.u32 s12, $0x3;
	s10 =	sshrl.u32 s15, $0x3;
	s11 =	sadd.s32 s4, s20  }
0x11: {  	s12 =	sadd.s32 s4, s22;
	s4 =	sadd.s32 s4, s23;
	s15 =	sadd.s32 $0xFE00, s0  }
0x12: {  	s20 =	sadd.s32 s20, s2;
	s22 =	sadd.s32 s22, s2;
	s23 =	sadd.s32 s23, s2  }
0x13: {  	s9 =	sadd.s32 s6, s9;
	s24 =	sadd.s32 s6, s10;
	s25 =	sshrl.u32 s11, $0x3  }
0x14: {  	s11 =	sshrl.u32 s26, $0x3;
	s12 =	sshrl.u32 s12, $0x3;
	s4 =	sshrl.u32 s4, $0x3  }
0x15: {  	s26 =	simm.s32 $0x100;
	[dreg:$0x4] =	wrdreg s9;
	s9 =	sadd.s32 s6, s13  }
0x16: {  	[dreg:$0x7] =	wrdreg s24;
	s10 =	sadd.s32 s6, s25;
	s11 =	sadd.s32 s6, s11  }
0x17: {  	s12 =	sadd.s32 s6, s12;
	[dreg:$0x5] =	wrdreg s9;
	s9 =	sshrl.u32 s14, $0x3  }
0x18: {  	s13 =	sadd.s32 s6, s4;
	s24 =	smul.u32 $0x2710, s8;
	s9 =	sadd.s32 s6, s9  }
0x19: {  	v0 =	vimm.f32 $0.0e+00;
	s25 =	smax.u32 s7, $0x1;
	s14 =	sadd.s32 $0x6000, s0;
	[dreg:$0x6] =	wrdreg s9  }
.LBB2_1:
0x1a: {  	s4 =	simm.s32 $0x100;
	s0 =	simm.s32 $0x0  }
.LBB2_2:
0x1b: {  	p0 =	sne.s32 s4, $0x4F00;
	[tilespmem:s0+$0x130] =	vst v0;
	s6 =	smov.u32 s4;
	s4 =	sadd.s32 $0x100, s4  }
.Ltmp0:
0x1c: {  	[tilespmem:s0+$0x120] =	vst v0;
	(pc) =	sbr.rel @p0 .LBB2_2-.Ltmp0, $3  }
0x1d: {  	[tilespmem:s0+$0x100] =	vst v0  }
0x1e: {  	[tilespmem:s0+$0x110] =	vst v0;
	_ =	sdelay $0x1  }
0x1f: {  	s0 =	sshra.s32 s6, $0x2  }
0x20: {  	[tilespmem:s0+$0x130] =	vst v0  }
0x21: {  	[tilespmem:s0+$0x120] =	vst v0  }
0x22: {  	[tilespmem:s0+$0x100] =	vst v0  }
0x23: {  	[tilespmem:s0+$0x110] =	vst v0  }
0x24: {  	[spmem:s16] =	stream.linear.scatter [tilespmem:s26], [sflag:$0x2], $0x1400, $0x38;
	[tilespmem:$0xB500] =	vst v63  }
0x25: {  	_ =	swait.ge [sflag:s28], $0x1400  }
0x26: {  	[sflag:s28] =	ssyncset.done $0x0  }
0x27: {  	[sflag:s28] =	ssyncadd.s32 $0xFFFFEC00  }
0x28: {  	[spmem:s17] =	stream.linear.scatter [tilespmem:s26], [sflag:$0x2], $0x1400, $0x38;
	[tilespmem:$0xB500] =	vst v63  }
0x29: {  	_ =	swait.ge [sflag:s28], $0x1400  }
0x2a: {  	[sflag:s28] =	ssyncset.done $0x0  }
0x2b: {  	[sflag:s28] =	ssyncadd.s32 $0xFFFFEC00  }
0x2c: {  	[spmem:s18] =	stream.linear.scatter [tilespmem:s26], [sflag:$0x2], $0x1400, $0x38;
	[tilespmem:$0xB500] =	vst v63  }
0x2d: {  	_ =	swait.ge [sflag:s28], $0x1400  }
0x2e: {  	[sflag:s28] =	ssyncset.done $0x0  }
0x2f: {  	[sflag:s28] =	ssyncadd.s32 $0xFFFFEC00  }
0x30: {  	[spmem:s19] =	stream.linear.scatter [tilespmem:s26], [sflag:$0x2], $0x1400, $0x38;
	[tilespmem:$0xB500] =	vst v63  }
0x31: {  	_ =	swait.ge [sflag:s28], $0x1400  }
0x32: {  	[sflag:s28] =	ssyncset.done $0x0  }
0x33: {  	[sflag:s28] =	ssyncadd.s32 $0xFFFFEC00  }
0x34: {  	[spmem:s20] =	stream.linear.scatter [tilespmem:s26], [sflag:$0x2], $0x1400, $0x38;
	[tilespmem:$0xB500] =	vst v63  }
0x35: {  	_ =	swait.ge [sflag:s28], $0x1400  }
0x36: {  	[sflag:s28] =	ssyncset.done $0x0  }
0x37: {  	[sflag:s28] =	ssyncadd.s32 $0xFFFFEC00  }
0x38: {  	[spmem:s21] =	stream.linear.scatter [tilespmem:s26], [sflag:$0x2], $0x1400, $0x38;
	[tilespmem:$0xB500] =	vst v63  }
0x39: {  	_ =	swait.ge [sflag:s28], $0x1400  }
0x3a: {  	[sflag:s28] =	ssyncset.done $0x0  }
0x3b: {  	[sflag:s28] =	ssyncadd.s32 $0xFFFFEC00  }
0x3c: {  	[spmem:s22] =	stream.linear.scatter [tilespmem:s26], [sflag:$0x2], $0x1400, $0x38;
	[tilespmem:$0xB500] =	vst v63  }
0x3d: {  	_ =	swait.ge [sflag:s28], $0x1400  }
0x3e: {  	[sflag:s28] =	ssyncset.done $0x0  }
0x3f: {  	[sflag:s28] =	ssyncadd.s32 $0xFFFFEC00  }
0x40: {  	[spmem:s23] =	stream.linear.scatter [tilespmem:s26], [sflag:$0x2], $0x1400, $0x38;
	[tilespmem:$0xB500] =	vst v63  }
0x41: {  	_ =	swait.ge [sflag:s28], $0x1400  }
0x42: {  	[sflag:s28] =	ssyncset.done $0x0  }
0x43: {  	[sflag:s28] =	ssyncadd.s32 $0xFFFFEC00  }
0x44: {  	s0 =	simm.s32 $0x0;
	s4 =	simm.s32 $0x0;
	[bflag:$0x0] =	sbarrier.arrive $0xFFFF  }
.LBB2_4:
0x45: {  	s6 =	smul.u32 $0x50, s4;
	_ =	sdelay $0x1  }
0x46: {  	s6 =	sadd.s32 s24, s6  }
0x47: {  	s6 =	sshrl.u32 s6, $0x3  }
0x48: {  	s7 =	sadd.s32 s14, s6  }
0x49: {  	[tilespmem:s0], [sflag:$0x2] =	stream.linear.gather [hbm4b:s7+s0], $0x50, $0x38;
	[tilespmem:$0xB500] =	vst v63  }
0x4a: {  	_ =	swait.ge [sflag:s28], $0x50  }
0x4b: {  	[sflag:s28] =	ssyncset.done $0x0  }
0x4c: {  	s8 =	sadd.s32 s15, s6;
	[sflag:s28] =	ssyncadd.s32 $0xFFFFFFB0  }
0x4d: {  	[tilespmem:s29], [sflag:$0x2] =	stream.linear.gather [hbm4b:s8+s0], $0x50, $0x38;
	[tilespmem:$0xB500] =	vst v63  }
0x4e: {  	_ =	swait.ge [sflag:s28], $0x50  }
0x4f: {  	[sflag:s28] =	ssyncset.done $0x0  }
0x50: {  	s6 =	sadd.s32 s1, s6;
	[sflag:s28] =	ssyncadd.s32 $0xFFFFFFB0  }
0x51: {  	[tilespmem:s30], [sflag:$0x2] =	stream.linear.gather [hbm4b:s6+s0], $0x50, $0x38;
	[tilespmem:$0xB500] =	vst v63  }
0x52: {  	_ =	swait.ge [sflag:s28], $0x50  }
0x53: {  	[sflag:s28] =	ssyncset.done $0x0  }
0x54: {  	[sflag:s28] =	ssyncadd.s32 $0xFFFFFFB0  }
0x55: {  	[tilespmem:s26], [sflag:$0x1] =	stream.indirect.gather [hbm4b:s5+s29], $0x40, s0, s29, $0xb8;
	[tilespmem:$0xB500] =	vst v63  }
0x56: {  	_ =	swait.ge [sflag:s31], $0x1400  }
0x57: {  	[sflag:s31] =	ssyncset.done $0x0  }
0x58: {  	s6 =	simm.s32 $0x120;
	[sflag:s31] =	ssyncadd.s32 $0xFFFFEC00  }
0x59: {  	v1 =	vld [tilespmem:s6+$0xFFFFFFF0]  }
0x5a: {  	s9 =	simm.s32 $0x0;
	v3 =	vld [tilespmem:s6+$0x10]  }
0x5b: {  	v5 =	vld.msk [tilespmem:s9+$0xA0 ss:$0x0], $0xffff  }
0x5c: {  	v2 =	vld [tilespmem:s6+$0xFFFFFFE0]  }
0x5d: {  	v6 =	vld [tilespmem:s6+$0x0];
	_ =	sdelay $0x3  }
0x5e: {  	v2 =	vmul.f32 v5, v2;
	v4 =	vmul.f32 v3, v5  }
0x5f: {  	s7 =	simm.s32 $0x4;
	s8 =	simm.s32 $0x120;
	v3 =	vmul.f32 v1, v5;
	v1 =	vmul.f32 v6, v5  }
.LBB2_5:
0x60: {  	p0 =	sne.s32 s7, $0x13C  }
0x61: {  	[tilespmem:s6+$0x10] =	vst v4;
	s8 =	sadd.s32 $0x40, s8;
	s9 =	smov.u32 s7;
	s7 =	sadd.s32 $0x4, s7  }
0x62: {  	[tilespmem:s6+$0xFFFFFFE0] =	vst v2  }
0x63: {  	v5 =	vld [tilespmem:s8+$0xFFFFFFF0];
	[tilespmem:s6+$0xFFFFFFF0] =	vst v3  }
0x64: {  	s9 =	sshra.s32 s9, $0x2;
	v3 =	vld [tilespmem:s8+$0x10];
	[tilespmem:s6+$0x0] =	vst v1;
	s6 =	smov.u32 s8  }
0x65: {  	v1 =	vld.msk [tilespmem:s9+$0xA0 ss:$0x0], $0xffff  }
0x66: {  	v2 =	vld [tilespmem:s8+$0xFFFFFFE0]  }
0x67: {  	v6 =	vld [tilespmem:s8+$0x0]  }
.Ltmp1:
0x68: {  	(pc) =	sbr.rel @p0 .LBB2_5-.Ltmp1, $3  }
0x69: {  	_ =	sdelay $0x1  }
0x6a: {  	v4 =	vmul.f32 v3, v1;
	v2 =	vmul.f32 v1, v2  }
0x6b: {  	v3 =	vmul.f32 v5, v1;
	v1 =	vmul.f32 v6, v1  }
0x6c: {  	[tilespmem:s6+$0x10] =	vst v4  }
0x6d: {  	[tilespmem:s6+$0xFFFFFFE0] =	vst v2;
	s4 =	sadd.s32 $0x1, s4  }
0x6e: {  	[tilespmem:s6+$0xFFFFFFF0] =	vst v3;
	p0 =	sne.s32 s4, $0x7D  }
.Ltmp2:
0x6f: {  	[tilespmem:s6+$0x0] =	vst v1;
	(pc) =	sbr.rel @p0 .LBB2_4-.Ltmp2, $4  }
0x70: {  	[spmem:s2] =	stream.indirect.scatter.add.f32 [tilespmem:s26], [sflag:$0x2], $0x40, s29, s29, $0xb8;
	[tilespmem:$0xB500] =	vst v63  }
0x71: {  	_ =	swait.ge [sflag:s28], $0x1400  }
0x72: {  	[sflag:s28] =	ssyncset.done $0x0  }
0x73: {  	[sflag:s28] =	ssyncadd.s32 $0xFFFFEC00  }
0x74: {  	s0 =	stileid.u32  }
0x75: {  	[bflag:$0x0] =	sbarrier.arrive $0xFFFF;
	s0 =	sshll.u32 s0, $0x6  }
0x76: {  	s4 =	sshrl.u32 s16, $0x3;
	s6 =	rddreg [dreg:$0x4];
	s0 =	sor.u32 $0x1C02, s0  }
0x77: {  	[hbm:s6], [sflag:s0] =	dma.local [spmem:s4], $0x280  }
0x78: {  	_ =	swait.ge [sflag:s28], $0x280  }
0x79: {  	[sflag:s28] =	ssyncset.done $0x0  }
0x7a: {  	s8 =	sshrl.u32 s17, $0x3;
	s9 =	rddreg [dreg:$0x5];
	[sflag:s28] =	ssyncadd.s32 $0xFFFFFD80  }
0x7b: {  	[hbm:s9], [sflag:s0] =	dma.local [spmem:s8], $0x280  }
0x7c: {  	_ =	swait.ge [sflag:s28], $0x280  }
0x7d: {  	[sflag:s28] =	ssyncset.done $0x0  }
0x7e: {  	s6 =	sshrl.u32 s18, $0x3;
	s7 =	rddreg [dreg:$0x6];
	[sflag:s28] =	ssyncadd.s32 $0xFFFFFD80  }
0x7f: {  	[hbm:s7], [sflag:s0] =	dma.local [spmem:s6], $0x280  }
0x80: {  	_ =	swait.ge [sflag:s28], $0x280  }
0x81: {  	[sflag:s28] =	ssyncset.done $0x0  }
0x82: {  	s8 =	sshrl.u32 s19, $0x3;
	s9 =	rddreg [dreg:$0x7];
	[sflag:s28] =	ssyncadd.s32 $0xFFFFFD80  }
0x83: {  	[hbm:s9], [sflag:s0] =	dma.local [spmem:s8], $0x280  }
0x84: {  	_ =	swait.ge [sflag:s28], $0x280  }
0x85: {  	[sflag:s28] =	ssyncset.done $0x0  }
0x86: {  	s6 =	sshrl.u32 s20, $0x3;
	[sflag:s28] =	ssyncadd.s32 $0xFFFFFD80  }
0x87: {  	[hbm:s10], [sflag:s0] =	dma.local [spmem:s6], $0x280  }
0x88: {  	_ =	swait.ge [sflag:s28], $0x280  }
0x89: {  	[sflag:s28] =	ssyncset.done $0x0  }
0x8a: {  	s7 =	sshrl.u32 s21, $0x3;
	[sflag:s28] =	ssyncadd.s32 $0xFFFFFD80  }
0x8b: {  	[hbm:s11], [sflag:s0] =	dma.local [spmem:s7], $0x280  }
0x8c: {  	_ =	swait.ge [sflag:s28], $0x280  }
0x8d: {  	[sflag:s28] =	ssyncset.done $0x0  }
0x8e: {  	s8 =	sshrl.u32 s22, $0x3;
	[sflag:s28] =	ssyncadd.s32 $0xFFFFFD80  }
0x8f: {  	[hbm:s12], [sflag:s0] =	dma.local [spmem:s8], $0x280  }
0x90: {  	s3 =	sadd.s32 $0x1, s3;
	_ =	swait.ge [sflag:s28], $0x280  }
0x91: {  	p0 =	sne.s32 s3, s25;
	[sflag:s28] =	ssyncset.done $0x0  }
.Ltmp3:
0x92: {  	s9 =	sshrl.u32 s23, $0x3;
	[sflag:s28] =	ssyncadd.s32 $0xFFFFFD80;
	(pc) =	sbr.rel @p0 .LBB2_1-.Ltmp3, $4  }
0x93: {  	[hbm:s13], [sflag:s0] =	dma.local [spmem:s9], $0x280  }
0x94: {  	_ =	swait.ge [sflag:s28], $0x280  }
0x95: {  	[sflag:s28] =	ssyncset.done $0x0  }
0x96: {  	[sflag:s28] =	ssyncadd.s32 $0xFFFFFD80  }
0x97: {  	_ =	sfence.sel $0x180000  }
0x98: {  	[bflag:$0x0] =	sbarrier.arrive $0xFFFF  }
0x99: {  	_ =	strace $0x90000050  }
0x9a: {  	s0 =	stileid.u32;
	[bflag:$0x2] =	sbarrier.arrive $0xFFFF  }
0x9b: {  	p0 =	sne.s32 s0, $0x0;
	s0 =	rddreg [dreg:$0x3]  }
0x9c: {  	s0 =	sadd.s32 @!p0 $0x100000, s0  }
0x9d: {  	[sflag:s0] =	ssyncadd.tile.s32 @!p0 $0x1;
	_ =	shalt  }
.Lfunc_end2:
_tile_overlayer_lowered:
.L_overlay_start_2:
0x9e: {  	(tag) =	ssettag $0x2  }
0x9f: {  	s0 =	rddreg [dreg:$0x0];
	s2 =	stileid.u32  }
0xa0: {  	s1 =	rddreg [dreg:$0x1];
	p0 =	sne.s32 s2, $0x0  }
0xa1: {  	s3 =	rddreg [dreg:$0x2];
	[bflag:$0x3] =	sbarrier.arrive $0xFFFF;
	s2 =	simm.s32 @!p0 $0x1C02  }
0xa2: {  	[timem:s3], [sflag:s2] =	dma.local @!p0 [hbm:s0], s1  }
0xa3: {  	s0 =	simm.s32 @!p0 $0x2  }
0xa4: {  	_ =	swait.ge @!p0 [sflag:s0], s1  }
0xa5: {  	s1 =	ssub.s32 @!p0 $0x0, s1;
	[sflag:s0] =	ssyncset.done @!p0 $0x0  }
0xa6: {  	[sflag:s0] =	ssyncadd.s32 @!p0 s1  }
0xa7: {  	[bflag:$0x3] =	sbarrier.arrive $0xFFFF  }
0xa8: {  	_ =	shalt  }

// kernel: kernel.29.cloned.1.call-start
scs
__scs_entry_jumppad:
0x0: {  	(pc) =	sbr.rel $0x88, $3  }
0x1: {  	(tag) =	ssettag $0x0;
	lr =	simm.s32 $0x1  }
0x2: {  	[smem:$0x3F88] =	sst lr;
	_ =	strace $0xD0000000  }
0x3: {  	_ = 	snop  }
0x4: {  	_ = 	snop  }
0x5: {  	_ = 	snop  }
0x6: {  	_ = 	snop  }
0x7: {  	_ = 	snop  }
__scs_overlays_trampoline_lowered:
0x8: {  	[smem:$0x3F97] =	sst s0  }
0x9: {  	[smem:$0x3F98] =	sst s1  }
0xa: {  	[smem:$0x3F99] =	sst s2  }
0xb: {  	[smem:$0x3F9A] =	sst s3  }
0xc: {  	[smem:$0x3F9B] =	sst s4  }
0xd: {  	[smem:$0x3F9C] =	sst s5  }
0xe: {  	[smem:$0x3F9D] =	sst s6  }
0xf: {  	[smem:$0x3F9E] =	sst s7  }
0x10: {  	[smem:$0x3F9F] =	sst s8  }
0x11: {  	[smem:$0x3FA0] =	sst s9;
	s0 =	simm.s32 @!p0 $0x0  }
0x12: {  	s1 =	sld [smem:$0x3F86];
	s0 =	simm.s32 @p0 $0x1  }
0x13: {  	[smem:$0x3FA1] =	sst s0;
	s0 =	simm.s32 @!p1 $0x0  }
0x14: {  	s2 =	sld [smem:$0x3F85];
	s0 =	simm.s32 @p1 $0x1  }
0x15: {  	[smem:$0x3FA2] =	sst s0;
	s0 =	simm.s32 @!p2 $0x0  }
0x16: {  	s3 =	sld [smem:$0x3FDB];
	s0 =	simm.s32 @p2 $0x1  }
0x17: {  	s4 =	simm.s32 $0x1BF5;
	[smem:$0x3FA4] =	sst s0  }
0x18: {  	s0 =	sld [smem:$0x3F87];
	_ =	swait.ge [sflag:s4], $0x0  }
0x19: {  	s7 =	sld [smem:$0x3F88]  }
0x1a: {  	s8 =	sadd.s32 $0xFFFFE003, lr  }
0x1b: {  	s9 =	sadd.s32 $0xFFFFFEF7, lr;
	s5 =	simm.s32 $0xFFFFFFFF;
	p2 =	slt.u32 s8, $0xFFFFF086  }
0x1c: {  	p1 =	slt.u32 s9, $0xF7A;
	s5 =	simm.s32 @!p2 $0x0  }
0x1d: {  	s5 =	simm.s32 @p1 $0x1;
	p0 =	seq.s32 s7, s2  }
0x1e: {  	s7 =	smul.u32 @!p0 $0xF7A, s2;
	p2 =	seq.s32 @!p0 s5, $0x0  }
0x1f: {  	s9 =	smul.u32 $0xF7A, s1;
	s8 =	simm.s32 @!p0 $0x1BF5;
	p2 =	por !p2, p0  }
0x20: {  	[sflag:s8] =	ssyncset.s32 @!p0 $0xFFFFF086;
	s6 =	sadd.s32 @!p0 s3, s7;
	s7 =	simm.s32 @!p0 $0x108  }
0x21: {  	s3 =	sadd.s32 s3, s9;
	s6 =	sadd.s32 @!p0 $0x88, s6;
	s7 =	simm.s32 @p2 $0x1082  }
0x22: {  	[simem:s7], [sflag:s8] =	dma.local @!p0 [hbm:s6], $0xF7A  }
0x23: {  	s9 =	sor.u32 $0xD0000000, s2;
	s6 =	simm.s32 $0x108;
	_ =	swait.ge @!p0 [sflag:s8], $0x0  }
0x24: {  	s3 =	sadd.s32 $0x88, s3;
	s6 =	simm.s32 @!p1 $0x1082;
	[sflag:s4] =	ssyncset.s32 $0xFFFFF086  }
0x25: {  	[simem:s6], [sflag:s4] =	dma.local [hbm:s3], $0xF7A  }
0x26: {  	[smem:$0x3F88] =	sst s1;
	(tag) =	ssettag s2;
	_ =	strace s9  }
0x27: {  	s1 =	sld [smem:$0x3F98]  }
0x28: {  	s2 =	sld [smem:$0x3F99]  }
0x29: {  	s4 =	sld [smem:$0x3F9B]  }
0x2a: {  	p0 =	seq.s32 s5, $0x0;
	s5 =	sld [smem:$0x3F9C]  }
0x2b: {  	s6 =	sld [smem:$0x3F9D]  }
0x2c: {  	s7 =	sld [smem:$0x3F9E]  }
0x2d: {  	s3 =	simm.s32 $0x108;
	s8 =	sld [smem:$0x3F9F]  }
0x2e: {  	s3 =	simm.s32 @!p0 $0x1082;
	s9 =	sld [smem:$0x3FA0]  }
0x2f: {  	lr =	sadd.s32 s0, s3;
	s0 =	sld [smem:$0x3F97]  }
0x30: {  	s3 =	sld [smem:$0x3F9A]  }
0x31: {  	[smem:$0x3FA3] =	sst s10  }
0x32: {  	s10 =	sld [smem:$0x3FA1];
	_ =	sdelay $0x3  }
0x33: {  	p0 =	seq.s32 s10, $0x1;
	s10 =	sld [smem:$0x3FA3];
	_ =	sdelay $0x3  }
0x34: {  	[smem:$0x3FA3] =	sst s10  }
0x35: {  	s10 =	sld [smem:$0x3FA2];
	_ =	sdelay $0x3  }
0x36: {  	p1 =	seq.s32 s10, $0x1;
	s10 =	sld [smem:$0x3FA3];
	_ =	sdelay $0x3  }
0x37: {  	[smem:$0x3FA3] =	sst s10  }
0x38: {  	s10 =	sld [smem:$0x3FA4]  }
0x39: {  	_ = 	snop;
	(pc) =	sbr.ind lr, $3  }
0x3a: {  	_ = 	snop  }
0x3b: {  	_ = 	snop  }
0x3c: {  	p2 =	seq.s32 s10, $0x1;
	s10 =	sld [smem:$0x3FA3]  }
0x3d: {  	_ =	shalt  }
0x3e: {  	_ =	shalt  }
0x3f: {  	_ =	shalt  }
0x40: {  	_ =	shalt  }
0x41: {  	_ =	shalt  }
0x42: {  	_ =	shalt  }
0x43: {  	_ =	shalt  }
0x44: {  	_ =	shalt  }
0x45: {  	_ =	shalt  }
0x46: {  	_ =	shalt  }
0x47: {  	_ =	shalt  }
0x48: {  	_ =	shalt  }
0x49: {  	_ =	shalt  }
0x4a: {  	_ =	shalt  }
0x4b: {  	_ =	shalt  }
0x4c: {  	_ =	shalt  }
0x4d: {  	_ =	shalt  }
0x4e: {  	_ =	shalt  }
0x4f: {  	_ =	shalt  }
0x50: {  	_ =	shalt  }
0x51: {  	_ =	shalt  }
0x52: {  	_ =	shalt  }
0x53: {  	_ =	shalt  }
0x54: {  	_ =	shalt  }
0x55: {  	_ =	shalt  }
0x56: {  	_ =	shalt  }
0x57: {  	_ =	shalt  }
0x58: {  	_ =	shalt  }
0x59: {  	_ =	shalt  }
0x5a: {  	_ =	shalt  }
0x5b: {  	_ =	shalt  }
0x5c: {  	_ =	shalt  }
0x5d: {  	_ =	shalt  }
0x5e: {  	_ =	shalt  }
0x5f: {  	_ =	shalt  }
0x60: {  	_ =	shalt  }
0x61: {  	_ =	shalt  }
0x62: {  	_ =	shalt  }
0x63: {  	_ =	shalt  }
0x64: {  	_ =	shalt  }
0x65: {  	_ =	shalt  }
0x66: {  	_ =	shalt  }
0x67: {  	_ =	shalt  }
0x68: {  	_ =	shalt  }
0x69: {  	_ =	shalt  }
0x6a: {  	_ =	shalt  }
0x6b: {  	_ =	shalt  }
0x6c: {  	_ =	shalt  }
0x6d: {  	_ =	shalt  }
0x6e: {  	_ =	shalt  }
0x6f: {  	_ =	shalt  }
0x70: {  	_ =	shalt  }
0x71: {  	_ =	shalt  }
0x72: {  	_ =	shalt  }
0x73: {  	_ =	shalt  }
0x74: {  	_ =	shalt  }
0x75: {  	_ =	shalt  }
0x76: {  	_ =	shalt  }
0x77: {  	_ =	shalt  }
0x78: {  	_ =	shalt  }
0x79: {  	_ =	shalt  }
0x7a: {  	_ =	shalt  }
0x7b: {  	_ =	shalt  }
0x7c: {  	_ =	shalt  }
0x7d: {  	_ =	shalt  }
0x7e: {  	_ =	shalt  }
0x7f: {  	_ =	shalt  }
0x80: {  	_ =	shalt  }
0x81: {  	_ =	shalt  }
0x82: {  	_ =	shalt  }
0x83: {  	_ =	shalt  }
0x84: {  	_ =	shalt  }
0x85: {  	_ =	shalt  }
0x86: {  	_ =	shalt  }
0x87: {  	_ =	shalt  }
.Lfunc_end0:
.L_simem_size_0:
called_computation.4_lowered:
.L_overlay_start_0:
0x88: {  	s2 =	sld [smem:$0x3FD9]  }
0x89: {  	s3 =	sld [smem:$0x3FFE];
	_ =	sdelay $0x1  }
0x8a: {  	s1 =	srdreg.scid  }
0x8b: {  	s0 =	sand.u32 $0x1, s1  }
0x8c: {  	s17 =	sshll.u32 s0, $0xA;
	s2 =	sadd.s32 s3, s2  }
0x8d: {  	s2 =	sadd.s32 s2, s17  }
0x8e: {  	[smem:$0x3FAF] =	sst s2  }
0x8f: {  	_ = 	snop  }
0x90: {  	s2 =	sld [smem:$0x3FC7];
	(tm) =	ssettm $0x1  }
0x91: {  	s18 =	sld [smem:$0x3FFB];
	_ =	sdelay $0x3  }
0x92: {  	_ =	strace s18  }
0x93: {  	s3 =	sld [smem:$0x3FFC];
	_ =	sdelay $0x3  }
0x94: {  	_ =	strace s3  }
0x95: {  	s3 =	sld [smem:$0x3FFD];
	_ =	sdelay $0x3  }
0x96: {  	_ =	strace s3  }
0x97: {  	_ =	strace $0x8FFFFFFF  }
0x98: {  	s19 =	sld [smem:$0x3FDB];
	_ =	sdelay $0x1  }
0x99: {  	s4 =	simm.s32 $_scs_section_size  }
0x9a: {  	s5 =	simm.s32 $_size__tile_overlayer_lowered;
	s6 =	simm.s32 $_tile_overlayer_lowered  }
0x9b: {  	s22 =	simm.s32 $0x1BFF;
	s21 =	sshll.u32 s6, $0x1;
	s3 =	sadd.s32 s4, s19  }
0x9c: {  	s7 =	simm.s32 $0x0;
	s20 =	sshll.u32 s5, $0x1;
	s5 =	sadd.s32 s21, s3  }
0x9d: {  	[timem:s7], [sflag:s22] =	dma.local [hbm:s5], s20  }
0x9e: {  	_ =	swait.ge [sflag:s22], s20  }
0x9f: {  	s4 =	ssub.s32 $0x0, s20;
	[sflag:s22] =	ssyncset.done $0x0  }
0xa0: {  	[sflag:s22] =	ssyncadd.s32 s4;
	_ =	sdelay $0x1  }
0xa1: {  	s23 =	simm.s32 $0x1B8B  }
0xa2: {  	_ =	swait.ge [sflag:s23], $0x1  }
0xa3: {  	[sflag:s23] =	ssyncset.done $0x0  }
0xa4: {  	s25 =	simm.s32 $0x1B8E;
	s24 =	sld [smem:$0x3FFE];
	[sflag:s23] =	ssyncadd.s32 $0xFFFFFFFF  }
0xa5: {  	s26 =	simm.s32 $execute0_lowered;
	[smem:$0x3FD2] =	sst s25  }
0xa6: {  	s5 =	sshll.u32 s26, $0x1;
	_ =	strace $0x80000052;
	[dreg:$0x1] =	wrdreg $0xFFFFFFFF  }
0xa7: {  	s28 =	simm.s32 $_size_execute0_lowered;
	s3 =	sadd.s32 s3, s5;
	[dreg:$0x0] =	wrdreg $0x0  }
0xa8: {  	s5 =	sshll.u32 s28, $0x1;
	[dreg:$0x2] =	wrdreg s3  }
0xa9: {  	[dreg:$0x3] =	wrdreg s5  }
0xaa: {  	[dreg:$0x4] =	wrdreg $0xC0  }
0xab: {  	_ =	task [dreg:s7], $0x5FFFF  }
0xac: {  	[dreg:$0x1] =	wrdreg $0xFFFFFFFF  }
0xad: {  	[dreg:$0x0] =	wrdreg $0x60  }
0xae: {  	[dreg:$0x2] =	wrdreg s24  }
0xaf: {  	[dreg:$0x3] =	wrdreg s2  }
0xb0: {  	[dreg:$0x4] =	wrdreg $0xB000  }
0xb1: {  	[dreg:$0x5] =	wrdreg $0x9  }
0xb2: {  	_ =	task.clear_ibuf [dreg:s7], $0x6FFFF;
	_ =	strace $0x90000052  }
0xb3: {  	s29 =	simm.s32 $0x9;
	_ =	strace $0x80000054  }
0xb4: {  	_ =	swait.ge [sflag:s29], $0x1  }
0xb5: {  	[sflag:s29] =	ssyncadd.s32 $0xFFFFFFFF  }
0xb6: {  	_ =	strace $0x90000054  }
0xb7: {  	_ =	sfence  }
0xb8: {  	s30 =	sld [smem:$0x0];
	_ =	sdelay $0x2  }
0xb9: {  	s31 =	sshll.u32 s1, $0xD;
	s1 =	sshrl.u32 s1, $0x2  }
0xba: {  	s3 =	sand.u32 $0x4000, s31;
	s1 =	sadd.s32 s1, s30  }
0xbb: {  	s0 =	sor.u32 s3, s0;
	s1 =	sshll.u32 s1, $0x11  }
0xbc: {  	s0 =	sor.u32 s1, s0  }
0xbd: {  	s0 =	sadd.s32 $0x8F2B, s0  }
0xbe: {  	[sflag:s0] =	ssyncadd.remote.s32 $0x1  }
0xbf: {  	_ =	sfence.sel $0xFFFF  }
0xc0: {  	[dreg:$0x0] =	wrdreg $0xFFFFFFFF;
	(pc) =	sbr.abs _section_cstart, $3  }
0xc1: {  	[dreg:$0x1] =	wrdreg $0xFFFFFFFF  }
0xc2: {  	_ =	task.clear_ibuf [dreg:s7], $0x2FFFF;
	_ =	strace $0x9FFFFFFF  }
0xc3: {  	(tm) =	ssettm $0x7FFFFFFF  }
tec
execute0_lowered:
.L_overlay_start_1:
0x0: {  	(tag) =	ssettag $0x1  }
0x1: {  	s0 =	rddreg [dreg:$0x0]  }
0x2: {  	s1 =	rddreg [dreg:$0x1]  }
0x3: {  	s2 =	rddreg [dreg:$0x2];
	s3 =	simm.s32 $0x0  }
0x4: {  	s4 =	srdreg.scid;
	s10 =	stileid.u32;
	s28 =	simm.s32 $0x2  }
0x5: {  	s29 =	simm.s32 $0x50;
	s30 =	simm.s32 $0xA0;
	s31 =	simm.s32 $0x1  }
0x6: {  	[smem:$0x7FF] =	sst s3;
	s5 =	sadd.s32 $0x41C00, s0;
	s4 =	sand.u32 $0x1, s4  }
0x7: {  	s6 =	sadd.s32 $0x4BC00, s0;
	s16 =	smul.u32 $0x5000, s10;
	s7 =	ssub.s32 $0x2, s4  }
0x8: {  	s9 =	sshll.u32 s10, $0x1;
	_ =	strace $0x80000053;
	s8 =	sshrl.u32 s7, $0x1  }
0x9: {  	s18 =	sadd.s32 $0x1400, s16;
	s19 =	sadd.s32 $0x1E00, s16;
	s20 =	sadd.s32 $0x2800, s16  }
0xa: {  	s7 =	ssub.s32 s7, s8;
	s8 =	sor.u32 s4, s9;
	s4 =	smul.u32 $0x50000, s4  }
0xb: {  	s21 =	sadd.s32 $0x3200, s16;
	s22 =	sadd.s32 $0x3C00, s16;
	s9 =	sor.u32 $0xA00, s16  }
0xc: {  	s23 =	sadd.s32 $0x4600, s16;
	s10 =	sadd.s32 s16, s4;
	s11 =	sadd.s32 s4, s9  }
0xd: {  	s14 =	sadd.s32 s4, s18;
	s15 =	sadd.s32 s4, s19;
	s12 =	sadd.s32 s4, s20  }
0xe: {  	s25 =	sadd.s32 s4, s21;
	s26 =	sadd.s32 s4, s22;
	s4 =	sadd.s32 s4, s23  }
0xf: {  	s16 =	sadd.s32 s16, s2;
	s18 =	sadd.s32 s18, s2;
	s19 =	sadd.s32 s19, s2  }
0x10: {  	s20 =	sadd.s32 s20, s2;
	s21 =	sadd.s32 s21, s2;
	s22 =	sadd.s32 s22, s2  }
0x11: {  	s23 =	sadd.s32 s23, s2;
	s10 =	sshrl.u32 s10, $0x3;
	s13 =	sshrl.u32 s11, $0x3  }
0x12: {  	s11 =	sshrl.u32 s15, $0x3;
	s24 =	sshrl.u32 s12, $0x3;
	s12 =	sshrl.u32 s26, $0x3  }
0x13: {  	s4 =	sshrl.u32 s4, $0x3;
	s15 =	sadd.s32 $0xFE00, s0;
	s26 =	simm.s32 $0x100  }
0x14: {  	s10 =	sadd.s32 s6, s10;
	s17 =	sadd.s32 s6, s11;
	s11 =	sshrl.u32 s25, $0x3  }
0x15: {  	s12 =	sadd.s32 s6, s12;
	s25 =	smax.u32 s7, $0x1;
	[dreg:$0x4] =	wrdreg s10  }
0x16: {  	s10 =	sadd.s32 s6, s13;
	[dreg:$0x7] =	wrdreg s17;
	s11 =	sadd.s32 s6, s11  }
0x17: {  	s13 =	sadd.s32 s6, s4;
	[dreg:$0x5] =	wrdreg s10;
	s10 =	sshrl.u32 s14, $0x3  }
0x18: {  	s17 =	sadd.s32 s9, s2;
	s14 =	sadd.s32 $0x6000, s0;
	s10 =	sadd.s32 s6, s10  }
0x19: {  	v0 =	vimm.f32 $0.0e+00;
	[dreg:$0x6] =	wrdreg s10;
	s10 =	sadd.s32 s6, s24;
	s24 =	smul.u32 $0x2710, s8  }
.LBB2_1:
0x1a: {  	s0 =	simm.s32 $0x80;
	s4 =	simm.s32 $0x0  }
.LBB2_2:
0x1b: {  	p0 =	sne.s32 s0, $0x2780;
	[tilespmem:s4+$0x100] =	vst v0;
	s6 =	smov.u32 s0;
	s0 =	sadd.s32 $0x80, s0  }
.Ltmp0:
0x1c: {  	[tilespmem:s4+$0x110] =	vst v0;
	(pc) =	sbr.rel @p0 .LBB2_2-.Ltmp0, $2  }
0x1d: {  	_ =	sdelay $0x2  }
0x1e: {  	s4 =	sshra.s32 s6, $0x2  }
0x1f: {  	[tilespmem:s4+$0x100] =	vst v0  }
0x20: {  	[tilespmem:s4+$0x110] =	vst v0  }
0x21: {  	[spmem:s16] =	stream.linear.scatter [tilespmem:s26], [sflag:$0x2], $0xA00, $0x38;
	[tilespmem:$0x5B00] =	vst v63  }
0x22: {  	_ =	swait.ge [sflag:s28], $0xA00  }
0x23: {  	[sflag:s28] =	ssyncset.done $0x0  }
0x24: {  	[sflag:s28] =	ssyncadd.s32 $0xFFFFF600  }
0x25: {  	[spmem:s17] =	stream.linear.scatter [tilespmem:s26], [sflag:$0x2], $0xA00, $0x38;
	[tilespmem:$0x5B00] =	vst v63  }
0x26: {  	_ =	swait.ge [sflag:s28], $0xA00  }
0x27: {  	[sflag:s28] =	ssyncset.done $0x0  }
0x28: {  	[sflag:s28] =	ssyncadd.s32 $0xFFFFF600  }
0x29: {  	[spmem:s18] =	stream.linear.scatter [tilespmem:s26], [sflag:$0x2], $0xA00, $0x38;
	[tilespmem:$0x5B00] =	vst v63  }
0x2a: {  	_ =	swait.ge [sflag:s28], $0xA00  }
0x2b: {  	[sflag:s28] =	ssyncset.done $0x0  }
0x2c: {  	[sflag:s28] =	ssyncadd.s32 $0xFFFFF600  }
0x2d: {  	[spmem:s19] =	stream.linear.scatter [tilespmem:s26], [sflag:$0x2], $0xA00, $0x38;
	[tilespmem:$0x5B00] =	vst v63  }
0x2e: {  	_ =	swait.ge [sflag:s28], $0xA00  }
0x2f: {  	[sflag:s28] =	ssyncset.done $0x0  }
0x30: {  	[sflag:s28] =	ssyncadd.s32 $0xFFFFF600  }
0x31: {  	[spmem:s20] =	stream.linear.scatter [tilespmem:s26], [sflag:$0x2], $0xA00, $0x38;
	[tilespmem:$0x5B00] =	vst v63  }
0x32: {  	_ =	swait.ge [sflag:s28], $0xA00  }
0x33: {  	[sflag:s28] =	ssyncset.done $0x0  }
0x34: {  	[sflag:s28] =	ssyncadd.s32 $0xFFFFF600  }
0x35: {  	[spmem:s21] =	stream.linear.scatter [tilespmem:s26], [sflag:$0x2], $0xA00, $0x38;
	[tilespmem:$0x5B00] =	vst v63  }
0x36: {  	_ =	swait.ge [sflag:s28], $0xA00  }
0x37: {  	[sflag:s28] =	ssyncset.done $0x0  }
0x38: {  	[sflag:s28] =	ssyncadd.s32 $0xFFFFF600  }
0x39: {  	[spmem:s22] =	stream.linear.scatter [tilespmem:s26], [sflag:$0x2], $0xA00, $0x38;
	[tilespmem:$0x5B00] =	vst v63  }
0x3a: {  	_ =	swait.ge [sflag:s28], $0xA00  }
0x3b: {  	[sflag:s28] =	ssyncset.done $0x0  }
0x3c: {  	[sflag:s28] =	ssyncadd.s32 $0xFFFFF600  }
0x3d: {  	[spmem:s23] =	stream.linear.scatter [tilespmem:s26], [sflag:$0x2], $0xA00, $0x38;
	[tilespmem:$0x5B00] =	vst v63  }
0x3e: {  	_ =	swait.ge [sflag:s28], $0xA00  }
0x3f: {  	[sflag:s28] =	ssyncset.done $0x0  }
0x40: {  	[sflag:s28] =	ssyncadd.s32 $0xFFFFF600  }
0x41: {  	s0 =	simm.s32 $0x0;
	s4 =	simm.s32 $0x0;
	[bflag:$0x0] =	sbarrier.arrive $0xFFFF  }
.LBB2_4:
0x42: {  	s6 =	smul.u32 $0x50, s4;
	_ =	sdelay $0x1  }
0x43: {  	s6 =	sadd.s32 s24, s6  }
0x44: {  	s6 =	sshrl.u32 s6, $0x3  }
0x45: {  	s7 =	sadd.s32 s14, s6  }
0x46: {  	[tilespmem:s0], [sflag:$0x2] =	stream.linear.gather [hbm4b:s7+s0], $0x50, $0x38;
	[tilespmem:$0x5B00] =	vst v63  }
0x47: {  	_ =	swait.ge [sflag:s28], $0x50  }
0x48: {  	[sflag:s28] =	ssyncset.done $0x0  }
0x49: {  	s9 =	sadd.s32 s15, s6;
	[sflag:s28] =	ssyncadd.s32 $0xFFFFFFB0  }
0x4a: {  	[tilespmem:s29], [sflag:$0x2] =	stream.linear.gather [hbm4b:s9+s0], $0x50, $0x38;
	[tilespmem:$0x5B00] =	vst v63  }
0x4b: {  	_ =	swait.ge [sflag:s28], $0x50  }
0x4c: {  	[sflag:s28] =	ssyncset.done $0x0  }
0x4d: {  	s6 =	sadd.s32 s1, s6;
	[sflag:s28] =	ssyncadd.s32 $0xFFFFFFB0  }
0x4e: {  	[tilespmem:s30], [sflag:$0x2] =	stream.linear.gather [hbm4b:s6+s0], $0x50, $0x38;
	[tilespmem:$0x5B00] =	vst v63  }
0x4f: {  	_ =	swait.ge [sflag:s28], $0x50  }
0x50: {  	[sflag:s28] =	ssyncset.done $0x0  }
0x51: {  	[sflag:s28] =	ssyncadd.s32 $0xFFFFFFB0  }
0x52: {  	[tilespmem:s26], [sflag:$0x1] =	stream.indirect.gather [hbm4b:s5+s29], $0x20, s0, s29, $0xb8;
	[tilespmem:$0x5B00] =	vst v63  }
0x53: {  	_ =	swait.ge [sflag:s31], $0xA00  }
0x54: {  	[sflag:s31] =	ssyncset.done $0x0  }
0x55: {  	s6 =	simm.s32 $0x110;
	[sflag:s31] =	ssyncadd.s32 $0xFFFFF600  }
0x56: {  	s8 =	simm.s32 $0x4;
	s7 =	simm.s32 $0x110;
	s9 =	simm.s32 $0x0;
	v1 =	vld [tilespmem:s6+$0xFFFFFFF0]  }
.LBB2_5:
0x57: {  	p0 =	sne.s32 s8, $0x13C;
	v2 =	vld.msk [tilespmem:s9+$0xA0 ss:$0x0], $0xffff  }
0x58: {  	v3 =	vld [tilespmem:s6+$0x0];
	_ =	sdelay $0x3  }
.Ltmp1:
0x59: {  	(pc) =	sbr.rel @p0 .LBB2_5-.Ltmp1, $3  }
0x5a: {  	v1 =	vmul.f32 v2, v1;
	v2 =	vmul.f32 v3, v2;
	_ =	sdelay $0x1  }
0x5b: {  	s6 =	sadd.s32 $0x20, s6;
	[tilespmem:s7+$0xFFFFFFF0] =	vst v1  }
0x5c: {  	s9 =	sshra.s32 s8, $0x2;
	s8 =	sadd.s32 $0x4, s8;
	v1 =	vld [tilespmem:s6+$0xFFFFFFF0];
	[tilespmem:s7+$0x0] =	vst v2;
	s7 =	smov.u32 s6  }
0x5d: {  	v2 =	vld.msk [tilespmem:s9+$0xA0 ss:$0x0], $0xffff  }
0x5e: {  	v3 =	vld [tilespmem:s6+$0x0];
	_ =	sdelay $0x3  }
0x5f: {  	v1 =	vmul.f32 v2, v1  }
0x60: {  	s4 =	sadd.s32 $0x1, s4;
	v2 =	vmul.f32 v3, v2  }
0x61: {  	p0 =	sne.s32 s4, $0x7D;
	[tilespmem:s7+$0xFFFFFFF0] =	vst v1  }
.Ltmp2:
0x62: {  	[tilespmem:s7+$0x0] =	vst v2;
	(pc) =	sbr.rel @p0 .LBB2_4-.Ltmp2, $4  }
0x63: {  	[spmem:s2] =	stream.indirect.scatter.add.f32 [tilespmem:s26], [sflag:$0x2], $0x20, s29, s29, $0xb8;
	[tilespmem:$0x5B00] =	vst v63  }
0x64: {  	_ =	swait.ge [sflag:s28], $0xA00  }
0x65: {  	[sflag:s28] =	ssyncset.done $0x0  }
0x66: {  	[sflag:s28] =	ssyncadd.s32 $0xFFFFF600  }
0x67: {  	s0 =	stileid.u32  }
0x68: {  	[bflag:$0x0] =	sbarrier.arrive $0xFFFF;
	s0 =	sshll.u32 s0, $0x6  }
0x69: {  	s4 =	sshrl.u32 s16, $0x3;
	s6 =	rddreg [dreg:$0x4];
	s0 =	sor.u32 $0x1C02, s0  }
0x6a: {  	[hbm:s6], [sflag:s0] =	dma.local [spmem:s4], $0x140  }
0x6b: {  	_ =	swait.ge [sflag:s28], $0x140  }
0x6c: {  	[sflag:s28] =	ssyncset.done $0x0  }
0x6d: {  	s8 =	sshrl.u32 s17, $0x3;
	s9 =	rddreg [dreg:$0x5];
	[sflag:s28] =	ssyncadd.s32 $0xFFFFFEC0  }
0x6e: {  	[hbm:s9], [sflag:s0] =	dma.local [spmem:s8], $0x140  }
0x6f: {  	_ =	swait.ge [sflag:s28], $0x140  }
0x70: {  	[sflag:s28] =	ssyncset.done $0x0  }
0x71: {  	s6 =	sshrl.u32 s18, $0x3;
	s7 =	rddreg [dreg:$0x6];
	[sflag:s28] =	ssyncadd.s32 $0xFFFFFEC0  }
0x72: {  	[hbm:s7], [sflag:s0] =	dma.local [spmem:s6], $0x140  }
0x73: {  	_ =	swait.ge [sflag:s28], $0x140  }
0x74: {  	[sflag:s28] =	ssyncset.done $0x0  }
0x75: {  	s8 =	sshrl.u32 s19, $0x3;
	s9 =	rddreg [dreg:$0x7];
	[sflag:s28] =	ssyncadd.s32 $0xFFFFFEC0  }
0x76: {  	[hbm:s9], [sflag:s0] =	dma.local [spmem:s8], $0x140  }
0x77: {  	_ =	swait.ge [sflag:s28], $0x140  }
0x78: {  	[sflag:s28] =	ssyncset.done $0x0  }
0x79: {  	s6 =	sshrl.u32 s20, $0x3;
	[sflag:s28] =	ssyncadd.s32 $0xFFFFFEC0  }
0x7a: {  	[hbm:s10], [sflag:s0] =	dma.local [spmem:s6], $0x140  }
0x7b: {  	_ =	swait.ge [sflag:s28], $0x140  }
0x7c: {  	[sflag:s28] =	ssyncset.done $0x0  }
0x7d: {  	s7 =	sshrl.u32 s21, $0x3;
	[sflag:s28] =	ssyncadd.s32 $0xFFFFFEC0  }
0x7e: {  	[hbm:s11], [sflag:s0] =	dma.local [spmem:s7], $0x140  }
0x7f: {  	_ =	swait.ge [sflag:s28], $0x140  }
0x80: {  	[sflag:s28] =	ssyncset.done $0x0  }
0x81: {  	s8 =	sshrl.u32 s22, $0x3;
	[sflag:s28] =	ssyncadd.s32 $0xFFFFFEC0  }
0x82: {  	[hbm:s12], [sflag:s0] =	dma.local [spmem:s8], $0x140  }
0x83: {  	s3 =	sadd.s32 $0x1, s3;
	_ =	swait.ge [sflag:s28], $0x140  }
0x84: {  	p0 =	sne.s32 s3, s25;
	[sflag:s28] =	ssyncset.done $0x0  }
.Ltmp3:
0x85: {  	s9 =	sshrl.u32 s23, $0x3;
	[sflag:s28] =	ssyncadd.s32 $0xFFFFFEC0;
	(pc) =	sbr.rel @p0 .LBB2_1-.Ltmp3, $4  }
0x86: {  	[hbm:s13], [sflag:s0] =	dma.local [spmem:s9], $0x140  }
0x87: {  	_ =	swait.ge [sflag:s28], $0x140  }
0x88: {  	[sflag:s28] =	ssyncset.done $0x0  }
0x89: {  	[sflag:s28] =	ssyncadd.s32 $0xFFFFFEC0  }
0x8a: {  	_ =	sfence.sel $0x180000  }
0x8b: {  	[bflag:$0x0] =	sbarrier.arrive $0xFFFF  }
0x8c: {  	_ =	strace $0x90000053  }
0x8d: {  	s0 =	stileid.u32;
	[bflag:$0x2] =	sbarrier.arrive $0xFFFF  }
0x8e: {  	p0 =	sne.s32 s0, $0x0;
	s0 =	rddreg [dreg:$0x3]  }
0x8f: {  	s0 =	sadd.s32 @!p0 $0x100000, s0  }
0x90: {  	[sflag:s0] =	ssyncadd.tile.s32 @!p0 $0x1;
	_ =	shalt  }
.Lfunc_end2:
_tile_overlayer_lowered:
.L_overlay_start_2:
0x91: {  	(tag) =	ssettag $0x2  }
0x92: {  	s0 =	rddreg [dreg:$0x0];
	s2 =	stileid.u32  }
0x93: {  	s1 =	rddreg [dreg:$0x1];
	p0 =	sne.s32 s2, $0x0  }
0x94: {  	s3 =	rddreg [dreg:$0x2];
	[bflag:$0x3] =	sbarrier.arrive $0xFFFF;
	s2 =	simm.s32 @!p0 $0x1C02  }
0x95: {  	[timem:s3], [sflag:s2] =	dma.local @!p0 [hbm:s0], s1  }
0x96: {  	s0 =	simm.s32 @!p0 $0x2  }
0x97: {  	_ =	swait.ge @!p0 [sflag:s0], s1  }
0x98: {  	s1 =	ssub.s32 @!p0 $0x0, s1;
	[sflag:s0] =	ssyncset.done @!p0 $0x0  }
0x99: {  	[sflag:s0] =	ssyncadd.s32 @!p0 s1  }
0x9a: {  	[bflag:$0x3] =	sbarrier.arrive $0xFFFF  }
0x9b: {  	_ =	shalt  }

// kernel: kernel.32.cloned.1.call-start
scs
__scs_entry_jumppad:
0x0: {  	(pc) =	sbr.rel $0x88, $3  }
0x1: {  	(tag) =	ssettag $0x0;
	lr =	simm.s32 $0x1  }
0x2: {  	[smem:$0x3F88] =	sst lr;
	_ =	strace $0xD0000000  }
0x3: {  	_ = 	snop  }
0x4: {  	_ = 	snop  }
0x5: {  	_ = 	snop  }
0x6: {  	_ = 	snop  }
0x7: {  	_ = 	snop  }
__scs_overlays_trampoline_lowered:
0x8: {  	[smem:$0x3F97] =	sst s0  }
0x9: {  	[smem:$0x3F98] =	sst s1  }
0xa: {  	[smem:$0x3F99] =	sst s2  }
0xb: {  	[smem:$0x3F9A] =	sst s3  }
0xc: {  	[smem:$0x3F9B] =	sst s4  }
0xd: {  	[smem:$0x3F9C] =	sst s5  }
0xe: {  	[smem:$0x3F9D] =	sst s6  }
0xf: {  	[smem:$0x3F9E] =	sst s7  }
0x10: {  	[smem:$0x3F9F] =	sst s8  }
0x11: {  	[smem:$0x3FA0] =	sst s9;
	s0 =	simm.s32 @!p0 $0x0  }
0x12: {  	s1 =	sld [smem:$0x3F86];
	s0 =	simm.s32 @p0 $0x1  }
0x13: {  	[smem:$0x3FA1] =	sst s0;
	s0 =	simm.s32 @!p1 $0x0  }
0x14: {  	s2 =	sld [smem:$0x3F85];
	s0 =	simm.s32 @p1 $0x1  }
0x15: {  	[smem:$0x3FA2] =	sst s0;
	s0 =	simm.s32 @!p2 $0x0  }
0x16: {  	s3 =	sld [smem:$0x3FDB];
	s0 =	simm.s32 @p2 $0x1  }
0x17: {  	s4 =	simm.s32 $0x1BF5;
	[smem:$0x3FA4] =	sst s0  }
0x18: {  	s0 =	sld [smem:$0x3F87];
	_ =	swait.ge [sflag:s4], $0x0  }
0x19: {  	s7 =	sld [smem:$0x3F88]  }
0x1a: {  	s8 =	sadd.s32 $0xFFFFE003, lr  }
0x1b: {  	s9 =	sadd.s32 $0xFFFFFEF7, lr;
	s5 =	simm.s32 $0xFFFFFFFF;
	p2 =	slt.u32 s8, $0xFFFFF086  }
0x1c: {  	p1 =	slt.u32 s9, $0xF7A;
	s5 =	simm.s32 @!p2 $0x0  }
0x1d: {  	s5 =	simm.s32 @p1 $0x1;
	p0 =	seq.s32 s7, s2  }
0x1e: {  	s7 =	smul.u32 @!p0 $0xF7A, s2;
	p2 =	seq.s32 @!p0 s5, $0x0  }
0x1f: {  	s9 =	smul.u32 $0xF7A, s1;
	s8 =	simm.s32 @!p0 $0x1BF5;
	p2 =	por !p2, p0  }
0x20: {  	[sflag:s8] =	ssyncset.s32 @!p0 $0xFFFFF086;
	s6 =	sadd.s32 @!p0 s3, s7;
	s7 =	simm.s32 @!p0 $0x108  }
0x21: {  	s3 =	sadd.s32 s3, s9;
	s6 =	sadd.s32 @!p0 $0x88, s6;
	s7 =	simm.s32 @p2 $0x1082  }
0x22: {  	[simem:s7], [sflag:s8] =	dma.local @!p0 [hbm:s6], $0xF7A  }
0x23: {  	s9 =	sor.u32 $0xD0000000, s2;
	s6 =	simm.s32 $0x108;
	_ =	swait.ge @!p0 [sflag:s8], $0x0  }
0x24: {  	s3 =	sadd.s32 $0x88, s3;
	s6 =	simm.s32 @!p1 $0x1082;
	[sflag:s4] =	ssyncset.s32 $0xFFFFF086  }
0x25: {  	[simem:s6], [sflag:s4] =	dma.local [hbm:s3], $0xF7A  }
0x26: {  	[smem:$0x3F88] =	sst s1;
	(tag) =	ssettag s2;
	_ =	strace s9  }
0x27: {  	s1 =	sld [smem:$0x3F98]  }
0x28: {  	s2 =	sld [smem:$0x3F99]  }
0x29: {  	s4 =	sld [smem:$0x3F9B]  }
0x2a: {  	p0 =	seq.s32 s5, $0x0;
	s5 =	sld [smem:$0x3F9C]  }
0x2b: {  	s6 =	sld [smem:$0x3F9D]  }
0x2c: {  	s7 =	sld [smem:$0x3F9E]  }
0x2d: {  	s3 =	simm.s32 $0x108;
	s8 =	sld [smem:$0x3F9F]  }
0x2e: {  	s3 =	simm.s32 @!p0 $0x1082;
	s9 =	sld [smem:$0x3FA0]  }
0x2f: {  	lr =	sadd.s32 s0, s3;
	s0 =	sld [smem:$0x3F97]  }
0x30: {  	s3 =	sld [smem:$0x3F9A]  }
0x31: {  	[smem:$0x3FA3] =	sst s10  }
0x32: {  	s10 =	sld [smem:$0x3FA1];
	_ =	sdelay $0x3  }
0x33: {  	p0 =	seq.s32 s10, $0x1;
	s10 =	sld [smem:$0x3FA3];
	_ =	sdelay $0x3  }
0x34: {  	[smem:$0x3FA3] =	sst s10  }
0x35: {  	s10 =	sld [smem:$0x3FA2];
	_ =	sdelay $0x3  }
0x36: {  	p1 =	seq.s32 s10, $0x1;
	s10 =	sld [smem:$0x3FA3];
	_ =	sdelay $0x3  }
0x37: {  	[smem:$0x3FA3] =	sst s10  }
0x38: {  	s10 =	sld [smem:$0x3FA4]  }
0x39: {  	_ = 	snop;
	(pc) =	sbr.ind lr, $3  }
0x3a: {  	_ = 	snop  }
0x3b: {  	_ = 	snop  }
0x3c: {  	p2 =	seq.s32 s10, $0x1;
	s10 =	sld [smem:$0x3FA3]  }
0x3d: {  	_ =	shalt  }
0x3e: {  	_ =	shalt  }
0x3f: {  	_ =	shalt  }
0x40: {  	_ =	shalt  }
0x41: {  	_ =	shalt  }
0x42: {  	_ =	shalt  }
0x43: {  	_ =	shalt  }
0x44: {  	_ =	shalt  }
0x45: {  	_ =	shalt  }
0x46: {  	_ =	shalt  }
0x47: {  	_ =	shalt  }
0x48: {  	_ =	shalt  }
0x49: {  	_ =	shalt  }
0x4a: {  	_ =	shalt  }
0x4b: {  	_ =	shalt  }
0x4c: {  	_ =	shalt  }
0x4d: {  	_ =	shalt  }
0x4e: {  	_ =	shalt  }
0x4f: {  	_ =	shalt  }
0x50: {  	_ =	shalt  }
0x51: {  	_ =	shalt  }
0x52: {  	_ =	shalt  }
0x53: {  	_ =	shalt  }
0x54: {  	_ =	shalt  }
0x55: {  	_ =	shalt  }
0x56: {  	_ =	shalt  }
0x57: {  	_ =	shalt  }
0x58: {  	_ =	shalt  }
0x59: {  	_ =	shalt  }
0x5a: {  	_ =	shalt  }
0x5b: {  	_ =	shalt  }
0x5c: {  	_ =	shalt  }
0x5d: {  	_ =	shalt  }
0x5e: {  	_ =	shalt  }
0x5f: {  	_ =	shalt  }
0x60: {  	_ =	shalt  }
0x61: {  	_ =	shalt  }
0x62: {  	_ =	shalt  }
0x63: {  	_ =	shalt  }
0x64: {  	_ =	shalt  }
0x65: {  	_ =	shalt  }
0x66: {  	_ =	shalt  }
0x67: {  	_ =	shalt  }
0x68: {  	_ =	shalt  }
0x69: {  	_ =	shalt  }
0x6a: {  	_ =	shalt  }
0x6b: {  	_ =	shalt  }
0x6c: {  	_ =	shalt  }
0x6d: {  	_ =	shalt  }
0x6e: {  	_ =	shalt  }
0x6f: {  	_ =	shalt  }
0x70: {  	_ =	shalt  }
0x71: {  	_ =	shalt  }
0x72: {  	_ =	shalt  }
0x73: {  	_ =	shalt  }
0x74: {  	_ =	shalt  }
0x75: {  	_ =	shalt  }
0x76: {  	_ =	shalt  }
0x77: {  	_ =	shalt  }
0x78: {  	_ =	shalt  }
0x79: {  	_ =	shalt  }
0x7a: {  	_ =	shalt  }
0x7b: {  	_ =	shalt  }
0x7c: {  	_ =	shalt  }
0x7d: {  	_ =	shalt  }
0x7e: {  	_ =	shalt  }
0x7f: {  	_ =	shalt  }
0x80: {  	_ =	shalt  }
0x81: {  	_ =	shalt  }
0x82: {  	_ =	shalt  }
0x83: {  	_ =	shalt  }
0x84: {  	_ =	shalt  }
0x85: {  	_ =	shalt  }
0x86: {  	_ =	shalt  }
0x87: {  	_ =	shalt  }
.Lfunc_end0:
.L_simem_size_0:
called_computation.5_lowered:
.L_overlay_start_0:
0x88: {  	s2 =	sld [smem:$0x3FD9]  }
0x89: {  	s3 =	sld [smem:$0x3FFE];
	_ =	sdelay $0x1  }
0x8a: {  	s1 =	srdreg.scid  }
0x8b: {  	s0 =	sand.u32 $0x1, s1  }
0x8c: {  	s17 =	sshll.u32 s0, $0xA;
	s2 =	sadd.s32 s3, s2  }
0x8d: {  	s2 =	sadd.s32 s2, s17  }
0x8e: {  	[smem:$0x3FAF] =	sst s2  }
0x8f: {  	_ = 	snop  }
0x90: {  	s2 =	sld [smem:$0x3FC7];
	(tm) =	ssettm $0x1  }
0x91: {  	s18 =	sld [smem:$0x3FFB];
	_ =	sdelay $0x3  }
0x92: {  	_ =	strace s18  }
0x93: {  	s3 =	sld [smem:$0x3FFC];
	_ =	sdelay $0x3  }
0x94: {  	_ =	strace s3  }
0x95: {  	s3 =	sld [smem:$0x3FFD];
	_ =	sdelay $0x3  }
0x96: {  	_ =	strace s3  }
0x97: {  	_ =	strace $0x8FFFFFFF  }
0x98: {  	s19 =	sld [smem:$0x3FDB];
	_ =	sdelay $0x1  }
0x99: {  	s4 =	simm.s32 $_scs_section_size  }
0x9a: {  	s5 =	simm.s32 $_size__tile_overlayer_lowered;
	s6 =	simm.s32 $_tile_overlayer_lowered  }
0x9b: {  	s22 =	simm.s32 $0x1BFF;
	s21 =	sshll.u32 s6, $0x1;
	s3 =	sadd.s32 s4, s19  }
0x9c: {  	s7 =	simm.s32 $0x0;
	s20 =	sshll.u32 s5, $0x1;
	s5 =	sadd.s32 s21, s3  }
0x9d: {  	[timem:s7], [sflag:s22] =	dma.local [hbm:s5], s20  }
0x9e: {  	_ =	swait.ge [sflag:s22], s20  }
0x9f: {  	s4 =	ssub.s32 $0x0, s20;
	[sflag:s22] =	ssyncset.done $0x0  }
0xa0: {  	[sflag:s22] =	ssyncadd.s32 s4;
	_ =	sdelay $0x1  }
0xa1: {  	s23 =	simm.s32 $0x1B8B  }
0xa2: {  	_ =	swait.ge [sflag:s23], $0x1  }
0xa3: {  	[sflag:s23] =	ssyncset.done $0x0  }
0xa4: {  	s25 =	simm.s32 $0x1B8E;
	s24 =	sld [smem:$0x3FFE];
	[sflag:s23] =	ssyncadd.s32 $0xFFFFFFFF  }
0xa5: {  	s26 =	simm.s32 $execute0_lowered;
	[smem:$0x3FD2] =	sst s25  }
0xa6: {  	s5 =	sshll.u32 s26, $0x1;
	_ =	strace $0x80000055;
	[dreg:$0x1] =	wrdreg $0xFFFFFFFF  }
0xa7: {  	s28 =	simm.s32 $_size_execute0_lowered;
	s3 =	sadd.s32 s3, s5;
	[dreg:$0x0] =	wrdreg $0x0  }
0xa8: {  	s5 =	sshll.u32 s28, $0x1;
	[dreg:$0x2] =	wrdreg s3  }
0xa9: {  	[dreg:$0x3] =	wrdreg s5  }
0xaa: {  	[dreg:$0x4] =	wrdreg $0xC0  }
0xab: {  	_ =	task [dreg:s7], $0x5FFFF  }
0xac: {  	[dreg:$0x1] =	wrdreg $0xFFFFFFFF  }
0xad: {  	[dreg:$0x0] =	wrdreg $0x60  }
0xae: {  	[dreg:$0x2] =	wrdreg s24  }
0xaf: {  	[dreg:$0x3] =	wrdreg s2  }
0xb0: {  	[dreg:$0x4] =	wrdreg $0xB000  }
0xb1: {  	[dreg:$0x5] =	wrdreg $0x9  }
0xb2: {  	_ =	task.clear_ibuf [dreg:s7], $0x6FFFF;
	_ =	strace $0x90000055  }
0xb3: {  	s29 =	simm.s32 $0x9;
	_ =	strace $0x80000057  }
0xb4: {  	_ =	swait.ge [sflag:s29], $0x1  }
0xb5: {  	[sflag:s29] =	ssyncadd.s32 $0xFFFFFFFF  }
0xb6: {  	_ =	strace $0x90000057  }
0xb7: {  	_ =	sfence  }
0xb8: {  	s30 =	sld [smem:$0x0];
	_ =	sdelay $0x2  }
0xb9: {  	s31 =	sshll.u32 s1, $0xD;
	s1 =	sshrl.u32 s1, $0x2  }
0xba: {  	s3 =	sand.u32 $0x4000, s31;
	s1 =	sadd.s32 s1, s30  }
0xbb: {  	s0 =	sor.u32 s3, s0;
	s1 =	sshll.u32 s1, $0x11  }
0xbc: {  	s0 =	sor.u32 s1, s0  }
0xbd: {  	s0 =	sadd.s32 $0x8F2B, s0  }
0xbe: {  	[sflag:s0] =	ssyncadd.remote.s32 $0x1  }
0xbf: {  	_ =	sfence.sel $0xFFFF  }
0xc0: {  	[dreg:$0x0] =	wrdreg $0xFFFFFFFF;
	(pc) =	sbr.abs _section_cstart, $3  }
0xc1: {  	[dreg:$0x1] =	wrdreg $0xFFFFFFFF  }
0xc2: {  	_ =	task.clear_ibuf [dreg:s7], $0x2FFFF;
	_ =	strace $0x9FFFFFFF  }
0xc3: {  	(tm) =	ssettm $0x7FFFFFFF  }
tec
execute0_lowered:
.L_overlay_start_1:
0x0: {  	(tag) =	ssettag $0x1  }
0x1: {  	s0 =	rddreg [dreg:$0x0]  }
0x2: {  	s1 =	rddreg [dreg:$0x1]  }
0x3: {  	s2 =	rddreg [dreg:$0x2];
	s3 =	simm.s32 $0x0  }
0x4: {  	s4 =	srdreg.scid;
	s10 =	stileid.u32;
	s28 =	simm.s32 $0x2  }
0x5: {  	s29 =	simm.s32 $0x50;
	s30 =	simm.s32 $0xA0;
	s31 =	simm.s32 $0x1  }
0x6: {  	[smem:$0x7FF] =	sst s3;
	s5 =	sadd.s32 $0x69C00, s0;
	s4 =	sand.u32 $0x1, s4  }
0x7: {  	s6 =	sadd.s32 $0x73C00, s0;
	s16 =	smul.u32 $0x5000, s10;
	s7 =	ssub.s32 $0x2, s4  }
0x8: {  	s9 =	sshll.u32 s10, $0x1;
	_ =	strace $0x80000056;
	s8 =	sshrl.u32 s7, $0x1  }
0x9: {  	s18 =	sadd.s32 $0x1400, s16;
	s19 =	sadd.s32 $0x1E00, s16;
	s20 =	sadd.s32 $0x2800, s16  }
0xa: {  	s7 =	ssub.s32 s7, s8;
	s8 =	sor.u32 s4, s9;
	s4 =	smul.u32 $0x50000, s4  }
0xb: {  	s21 =	sadd.s32 $0x3200, s16;
	s22 =	sadd.s32 $0x3C00, s16;
	s9 =	sor.u32 $0xA00, s16  }
0xc: {  	s23 =	sadd.s32 $0x4600, s16;
	s10 =	sadd.s32 s16, s4;
	s11 =	sadd.s32 s4, s9  }
0xd: {  	s14 =	sadd.s32 s4, s18;
	s15 =	sadd.s32 s4, s19;
	s12 =	sadd.s32 s4, s20  }
0xe: {  	s25 =	sadd.s32 s4, s21;
	s26 =	sadd.s32 s4, s22;
	s4 =	sadd.s32 s4, s23  }
0xf: {  	s16 =	sadd.s32 s16, s2;
	s18 =	sadd.s32 s18, s2;
	s19 =	sadd.s32 s19, s2  }
0x10: {  	s20 =	sadd.s32 s20, s2;
	s21 =	sadd.s32 s21, s2;
	s22 =	sadd.s32 s22, s2  }
0x11: {  	s23 =	sadd.s32 s23, s2;
	s10 =	sshrl.u32 s10, $0x3;
	s13 =	sshrl.u32 s11, $0x3  }
0x12: {  	s11 =	sshrl.u32 s15, $0x3;
	s24 =	sshrl.u32 s12, $0x3;
	s12 =	sshrl.u32 s26, $0x3  }
0x13: {  	s4 =	sshrl.u32 s4, $0x3;
	s15 =	sadd.s32 $0xFE00, s0;
	s26 =	simm.s32 $0x100  }
0x14: {  	s10 =	sadd.s32 s6, s10;
	s17 =	sadd.s32 s6, s11;
	s11 =	sshrl.u32 s25, $0x3  }
0x15: {  	s12 =	sadd.s32 s6, s12;
	s25 =	smax.u32 s7, $0x1;
	[dreg:$0x4] =	wrdreg s10  }
0x16: {  	s10 =	sadd.s32 s6, s13;
	[dreg:$0x7] =	wrdreg s17;
	s11 =	sadd.s32 s6, s11  }
0x17: {  	s13 =	sadd.s32 s6, s4;
	[dreg:$0x5] =	wrdreg s10;
	s10 =	sshrl.u32 s14, $0x3  }
0x18: {  	s17 =	sadd.s32 s9, s2;
	s14 =	sadd.s32 $0x6000, s0;
	s10 =	sadd.s32 s6, s10  }
0x19: {  	v0 =	vimm.f32 $0.0e+00;
	[dreg:$0x6] =	wrdreg s10;
	s10 =	sadd.s32 s6, s24;
	s24 =	smul.u32 $0x2710, s8  }
.LBB2_1:
0x1a: {  	s0 =	simm.s32 $0x80;
	s4 =	simm.s32 $0x0  }
.LBB2_2:
0x1b: {  	p0 =	sne.s32 s0, $0x2780;
	[tilespmem:s4+$0x100] =	vst v0;
	s6 =	smov.u32 s0;
	s0 =	sadd.s32 $0x80, s0  }
.Ltmp0:
0x1c: {  	[tilespmem:s4+$0x110] =	vst v0;
	(pc) =	sbr.rel @p0 .LBB2_2-.Ltmp0, $2  }
0x1d: {  	_ =	sdelay $0x2  }
0x1e: {  	s4 =	sshra.s32 s6, $0x2  }
0x1f: {  	[tilespmem:s4+$0x100] =	vst v0  }
0x20: {  	[tilespmem:s4+$0x110] =	vst v0  }
0x21: {  	[spmem:s16] =	stream.linear.scatter [tilespmem:s26], [sflag:$0x2], $0xA00, $0x38;
	[tilespmem:$0x5B00] =	vst v63  }
0x22: {  	_ =	swait.ge [sflag:s28], $0xA00  }
0x23: {  	[sflag:s28] =	ssyncset.done $0x0  }
0x24: {  	[sflag:s28] =	ssyncadd.s32 $0xFFFFF600  }
0x25: {  	[spmem:s17] =	stream.linear.scatter [tilespmem:s26], [sflag:$0x2], $0xA00, $0x38;
	[tilespmem:$0x5B00] =	vst v63  }
0x26: {  	_ =	swait.ge [sflag:s28], $0xA00  }
0x27: {  	[sflag:s28] =	ssyncset.done $0x0  }
0x28: {  	[sflag:s28] =	ssyncadd.s32 $0xFFFFF600  }
0x29: {  	[spmem:s18] =	stream.linear.scatter [tilespmem:s26], [sflag:$0x2], $0xA00, $0x38;
	[tilespmem:$0x5B00] =	vst v63  }
0x2a: {  	_ =	swait.ge [sflag:s28], $0xA00  }
0x2b: {  	[sflag:s28] =	ssyncset.done $0x0  }
0x2c: {  	[sflag:s28] =	ssyncadd.s32 $0xFFFFF600  }
0x2d: {  	[spmem:s19] =	stream.linear.scatter [tilespmem:s26], [sflag:$0x2], $0xA00, $0x38;
	[tilespmem:$0x5B00] =	vst v63  }
0x2e: {  	_ =	swait.ge [sflag:s28], $0xA00  }
0x2f: {  	[sflag:s28] =	ssyncset.done $0x0  }
0x30: {  	[sflag:s28] =	ssyncadd.s32 $0xFFFFF600  }
0x31: {  	[spmem:s20] =	stream.linear.scatter [tilespmem:s26], [sflag:$0x2], $0xA00, $0x38;
	[tilespmem:$0x5B00] =	vst v63  }
0x32: {  	_ =	swait.ge [sflag:s28], $0xA00  }
0x33: {  	[sflag:s28] =	ssyncset.done $0x0  }
0x34: {  	[sflag:s28] =	ssyncadd.s32 $0xFFFFF600  }
0x35: {  	[spmem:s21] =	stream.linear.scatter [tilespmem:s26], [sflag:$0x2], $0xA00, $0x38;
	[tilespmem:$0x5B00] =	vst v63  }
0x36: {  	_ =	swait.ge [sflag:s28], $0xA00  }
0x37: {  	[sflag:s28] =	ssyncset.done $0x0  }
0x38: {  	[sflag:s28] =	ssyncadd.s32 $0xFFFFF600  }
0x39: {  	[spmem:s22] =	stream.linear.scatter [tilespmem:s26], [sflag:$0x2], $0xA00, $0x38;
	[tilespmem:$0x5B00] =	vst v63  }
0x3a: {  	_ =	swait.ge [sflag:s28], $0xA00  }
0x3b: {  	[sflag:s28] =	ssyncset.done $0x0  }
0x3c: {  	[sflag:s28] =	ssyncadd.s32 $0xFFFFF600  }
0x3d: {  	[spmem:s23] =	stream.linear.scatter [tilespmem:s26], [sflag:$0x2], $0xA00, $0x38;
	[tilespmem:$0x5B00] =	vst v63  }
0x3e: {  	_ =	swait.ge [sflag:s28], $0xA00  }
0x3f: {  	[sflag:s28] =	ssyncset.done $0x0  }
0x40: {  	[sflag:s28] =	ssyncadd.s32 $0xFFFFF600  }
0x41: {  	s0 =	simm.s32 $0x0;
	s4 =	simm.s32 $0x0;
	[bflag:$0x0] =	sbarrier.arrive $0xFFFF  }
.LBB2_4:
0x42: {  	s6 =	smul.u32 $0x50, s4;
	_ =	sdelay $0x1  }
0x43: {  	s6 =	sadd.s32 s24, s6  }
0x44: {  	s6 =	sshrl.u32 s6, $0x3  }
0x45: {  	s7 =	sadd.s32 s14, s6  }
0x46: {  	[tilespmem:s0], [sflag:$0x2] =	stream.linear.gather [hbm4b:s7+s0], $0x50, $0x38;
	[tilespmem:$0x5B00] =	vst v63  }
0x47: {  	_ =	swait.ge [sflag:s28], $0x50  }
0x48: {  	[sflag:s28] =	ssyncset.done $0x0  }
0x49: {  	s9 =	sadd.s32 s15, s6;
	[sflag:s28] =	ssyncadd.s32 $0xFFFFFFB0  }
0x4a: {  	[tilespmem:s29], [sflag:$0x2] =	stream.linear.gather [hbm4b:s9+s0], $0x50, $0x38;
	[tilespmem:$0x5B00] =	vst v63  }
0x4b: {  	_ =	swait.ge [sflag:s28], $0x50  }
0x4c: {  	[sflag:s28] =	ssyncset.done $0x0  }
0x4d: {  	s6 =	sadd.s32 s1, s6;
	[sflag:s28] =	ssyncadd.s32 $0xFFFFFFB0  }
0x4e: {  	[tilespmem:s30], [sflag:$0x2] =	stream.linear.gather [hbm4b:s6+s0], $0x50, $0x38;
	[tilespmem:$0x5B00] =	vst v63  }
0x4f: {  	_ =	swait.ge [sflag:s28], $0x50  }
0x50: {  	[sflag:s28] =	ssyncset.done $0x0  }
0x51: {  	[sflag:s28] =	ssyncadd.s32 $0xFFFFFFB0  }
0x52: {  	[tilespmem:s26], [sflag:$0x1] =	stream.indirect.gather [hbm4b:s5+s29], $0x20, s0, s29, $0xb8;
	[tilespmem:$0x5B00] =	vst v63  }
0x53: {  	_ =	swait.ge [sflag:s31], $0xA00  }
0x54: {  	[sflag:s31] =	ssyncset.done $0x0  }
0x55: {  	s6 =	simm.s32 $0x110;
	[sflag:s31] =	ssyncadd.s32 $0xFFFFF600  }
0x56: {  	s8 =	simm.s32 $0x4;
	s7 =	simm.s32 $0x110;
	s9 =	simm.s32 $0x0;
	v1 =	vld [tilespmem:s6+$0xFFFFFFF0]  }
.LBB2_5:
0x57: {  	p0 =	sne.s32 s8, $0x13C;
	v2 =	vld.msk [tilespmem:s9+$0xA0 ss:$0x0], $0xffff  }
0x58: {  	v3 =	vld [tilespmem:s6+$0x0];
	_ =	sdelay $0x3  }
.Ltmp1:
0x59: {  	(pc) =	sbr.rel @p0 .LBB2_5-.Ltmp1, $3  }
0x5a: {  	v1 =	vmul.f32 v2, v1;
	v2 =	vmul.f32 v3, v2;
	_ =	sdelay $0x1  }
0x5b: {  	s6 =	sadd.s32 $0x20, s6;
	[tilespmem:s7+$0xFFFFFFF0] =	vst v1  }
0x5c: {  	s9 =	sshra.s32 s8, $0x2;
	s8 =	sadd.s32 $0x4, s8;
	v1 =	vld [tilespmem:s6+$0xFFFFFFF0];
	[tilespmem:s7+$0x0] =	vst v2;
	s7 =	smov.u32 s6  }
0x5d: {  	v2 =	vld.msk [tilespmem:s9+$0xA0 ss:$0x0], $0xffff  }
0x5e: {  	v3 =	vld [tilespmem:s6+$0x0];
	_ =	sdelay $0x3  }
0x5f: {  	v1 =	vmul.f32 v2, v1  }
0x60: {  	s4 =	sadd.s32 $0x1, s4;
	v2 =	vmul.f32 v3, v2  }
0x61: {  	p0 =	sne.s32 s4, $0x7D;
	[tilespmem:s7+$0xFFFFFFF0] =	vst v1  }
.Ltmp2:
0x62: {  	[tilespmem:s7+$0x0] =	vst v2;
	(pc) =	sbr.rel @p0 .LBB2_4-.Ltmp2, $4  }
0x63: {  	[spmem:s2] =	stream.indirect.scatter.add.f32 [tilespmem:s26], [sflag:$0x2], $0x20, s29, s29, $0xb8;
	[tilespmem:$0x5B00] =	vst v63  }
0x64: {  	_ =	swait.ge [sflag:s28], $0xA00  }
0x65: {  	[sflag:s28] =	ssyncset.done $0x0  }
0x66: {  	[sflag:s28] =	ssyncadd.s32 $0xFFFFF600  }
0x67: {  	s0 =	stileid.u32  }
0x68: {  	[bflag:$0x0] =	sbarrier.arrive $0xFFFF;
	s0 =	sshll.u32 s0, $0x6  }
0x69: {  	s4 =	sshrl.u32 s16, $0x3;
	s6 =	rddreg [dreg:$0x4];
	s0 =	sor.u32 $0x1C02, s0  }
0x6a: {  	[hbm:s6], [sflag:s0] =	dma.local [spmem:s4], $0x140  }
0x6b: {  	_ =	swait.ge [sflag:s28], $0x140  }
0x6c: {  	[sflag:s28] =	ssyncset.done $0x0  }
0x6d: {  	s8 =	sshrl.u32 s17, $0x3;
	s9 =	rddreg [dreg:$0x5];
	[sflag:s28] =	ssyncadd.s32 $0xFFFFFEC0  }
0x6e: {  	[hbm:s9], [sflag:s0] =	dma.local [spmem:s8], $0x140  }
0x6f: {  	_ =	swait.ge [sflag:s28], $0x140  }
0x70: {  	[sflag:s28] =	ssyncset.done $0x0  }
0x71: {  	s6 =	sshrl.u32 s18, $0x3;
	s7 =	rddreg [dreg:$0x6];
	[sflag:s28] =	ssyncadd.s32 $0xFFFFFEC0  }
0x72: {  	[hbm:s7], [sflag:s0] =	dma.local [spmem:s6], $0x140  }
0x73: {  	_ =	swait.ge [sflag:s28], $0x140  }
0x74: {  	[sflag:s28] =	ssyncset.done $0x0  }
0x75: {  	s8 =	sshrl.u32 s19, $0x3;
	s9 =	rddreg [dreg:$0x7];
	[sflag:s28] =	ssyncadd.s32 $0xFFFFFEC0  }
0x76: {  	[hbm:s9], [sflag:s0] =	dma.local [spmem:s8], $0x140  }
0x77: {  	_ =	swait.ge [sflag:s28], $0x140  }
0x78: {  	[sflag:s28] =	ssyncset.done $0x0  }
0x79: {  	s6 =	sshrl.u32 s20, $0x3;
	[sflag:s28] =	ssyncadd.s32 $0xFFFFFEC0  }
0x7a: {  	[hbm:s10], [sflag:s0] =	dma.local [spmem:s6], $0x140  }
0x7b: {  	_ =	swait.ge [sflag:s28], $0x140  }
0x7c: {  	[sflag:s28] =	ssyncset.done $0x0  }
0x7d: {  	s7 =	sshrl.u32 s21, $0x3;
	[sflag:s28] =	ssyncadd.s32 $0xFFFFFEC0  }
0x7e: {  	[hbm:s11], [sflag:s0] =	dma.local [spmem:s7], $0x140  }
0x7f: {  	_ =	swait.ge [sflag:s28], $0x140  }
0x80: {  	[sflag:s28] =	ssyncset.done $0x0  }
0x81: {  	s8 =	sshrl.u32 s22, $0x3;
	[sflag:s28] =	ssyncadd.s32 $0xFFFFFEC0  }
0x82: {  	[hbm:s12], [sflag:s0] =	dma.local [spmem:s8], $0x140  }
0x83: {  	s3 =	sadd.s32 $0x1, s3;
	_ =	swait.ge [sflag:s28], $0x140  }
0x84: {  	p0 =	sne.s32 s3, s25;
	[sflag:s28] =	ssyncset.done $0x0  }
.Ltmp3:
0x85: {  	s9 =	sshrl.u32 s23, $0x3;
	[sflag:s28] =	ssyncadd.s32 $0xFFFFFEC0;
	(pc) =	sbr.rel @p0 .LBB2_1-.Ltmp3, $4  }
0x86: {  	[hbm:s13], [sflag:s0] =	dma.local [spmem:s9], $0x140  }
0x87: {  	_ =	swait.ge [sflag:s28], $0x140  }
0x88: {  	[sflag:s28] =	ssyncset.done $0x0  }
0x89: {  	[sflag:s28] =	ssyncadd.s32 $0xFFFFFEC0  }
0x8a: {  	_ =	sfence.sel $0x180000  }
0x8b: {  	[bflag:$0x0] =	sbarrier.arrive $0xFFFF  }
0x8c: {  	_ =	strace $0x90000056  }
0x8d: {  	s0 =	stileid.u32;
	[bflag:$0x2] =	sbarrier.arrive $0xFFFF  }
0x8e: {  	p0 =	sne.s32 s0, $0x0;
	s0 =	rddreg [dreg:$0x3]  }
0x8f: {  	s0 =	sadd.s32 @!p0 $0x100000, s0  }
0x90: {  	[sflag:s0] =	ssyncadd.tile.s32 @!p0 $0x1;
	_ =	shalt  }
.Lfunc_end2:
_tile_overlayer_lowered:
.L_overlay_start_2:
0x91: {  	(tag) =	ssettag $0x2  }
0x92: {  	s0 =	rddreg [dreg:$0x0];
	s2 =	stileid.u32  }
0x93: {  	s1 =	rddreg [dreg:$0x1];
	p0 =	sne.s32 s2, $0x0  }
0x94: {  	s3 =	rddreg [dreg:$0x2];
	[bflag:$0x3] =	sbarrier.arrive $0xFFFF;
	s2 =	simm.s32 @!p0 $0x1C02  }
0x95: {  	[timem:s3], [sflag:s2] =	dma.local @!p0 [hbm:s0], s1  }
0x96: {  	s0 =	simm.s32 @!p0 $0x2  }
0x97: {  	_ =	swait.ge @!p0 [sflag:s0], s1  }
0x98: {  	s1 =	ssub.s32 @!p0 $0x0, s1;
	[sflag:s0] =	ssyncset.done @!p0 $0x0  }
0x99: {  	[sflag:s0] =	ssyncadd.s32 @!p0 s1  }
0x9a: {  	[bflag:$0x3] =	sbarrier.arrive $0xFFFF  }
0x9b: {  	_ =	shalt  }

// kernel: kernel.35.cloned.1.call-start
scs
__scs_entry_jumppad:
0x0: {  	(pc) =	sbr.rel $0x88, $3  }
0x1: {  	(tag) =	ssettag $0x0;
	lr =	simm.s32 $0x1  }
0x2: {  	[smem:$0x3F88] =	sst lr;
	_ =	strace $0xD0000000  }
0x3: {  	_ = 	snop  }
0x4: {  	_ = 	snop  }
0x5: {  	_ = 	snop  }
0x6: {  	_ = 	snop  }
0x7: {  	_ = 	snop  }
__scs_overlays_trampoline_lowered:
0x8: {  	[smem:$0x3F97] =	sst s0  }
0x9: {  	[smem:$0x3F98] =	sst s1  }
0xa: {  	[smem:$0x3F99] =	sst s2  }
0xb: {  	[smem:$0x3F9A] =	sst s3  }
0xc: {  	[smem:$0x3F9B] =	sst s4  }
0xd: {  	[smem:$0x3F9C] =	sst s5  }
0xe: {  	[smem:$0x3F9D] =	sst s6  }
0xf: {  	[smem:$0x3F9E] =	sst s7  }
0x10: {  	[smem:$0x3F9F] =	sst s8  }
0x11: {  	[smem:$0x3FA0] =	sst s9;
	s0 =	simm.s32 @!p0 $0x0  }
0x12: {  	s1 =	sld [smem:$0x3F86];
	s0 =	simm.s32 @p0 $0x1  }
0x13: {  	[smem:$0x3FA1] =	sst s0;
	s0 =	simm.s32 @!p1 $0x0  }
0x14: {  	s2 =	sld [smem:$0x3F85];
	s0 =	simm.s32 @p1 $0x1  }
0x15: {  	[smem:$0x3FA2] =	sst s0;
	s0 =	simm.s32 @!p2 $0x0  }
0x16: {  	s3 =	sld [smem:$0x3FDB];
	s0 =	simm.s32 @p2 $0x1  }
0x17: {  	s4 =	simm.s32 $0x1BF5;
	[smem:$0x3FA4] =	sst s0  }
0x18: {  	s0 =	sld [smem:$0x3F87];
	_ =	swait.ge [sflag:s4], $0x0  }
0x19: {  	s7 =	sld [smem:$0x3F88]  }
0x1a: {  	s8 =	sadd.s32 $0xFFFFE003, lr  }
0x1b: {  	s9 =	sadd.s32 $0xFFFFFEF7, lr;
	s5 =	simm.s32 $0xFFFFFFFF;
	p2 =	slt.u32 s8, $0xFFFFF086  }
0x1c: {  	p1 =	slt.u32 s9, $0xF7A;
	s5 =	simm.s32 @!p2 $0x0  }
0x1d: {  	s5 =	simm.s32 @p1 $0x1;
	p0 =	seq.s32 s7, s2  }
0x1e: {  	s7 =	smul.u32 @!p0 $0xF7A, s2;
	p2 =	seq.s32 @!p0 s5, $0x0  }
0x1f: {  	s9 =	smul.u32 $0xF7A, s1;
	s8 =	simm.s32 @!p0 $0x1BF5;
	p2 =	por !p2, p0  }
0x20: {  	[sflag:s8] =	ssyncset.s32 @!p0 $0xFFFFF086;
	s6 =	sadd.s32 @!p0 s3, s7;
	s7 =	simm.s32 @!p0 $0x108  }
0x21: {  	s3 =	sadd.s32 s3, s9;
	s6 =	sadd.s32 @!p0 $0x88, s6;
	s7 =	simm.s32 @p2 $0x1082  }
0x22: {  	[simem:s7], [sflag:s8] =	dma.local @!p0 [hbm:s6], $0xF7A  }
0x23: {  	s9 =	sor.u32 $0xD0000000, s2;
	s6 =	simm.s32 $0x108;
	_ =	swait.ge @!p0 [sflag:s8], $0x0  }
0x24: {  	s3 =	sadd.s32 $0x88, s3;
	s6 =	simm.s32 @!p1 $0x1082;
	[sflag:s4] =	ssyncset.s32 $0xFFFFF086  }
0x25: {  	[simem:s6], [sflag:s4] =	dma.local [hbm:s3], $0xF7A  }
0x26: {  	[smem:$0x3F88] =	sst s1;
	(tag) =	ssettag s2;
	_ =	strace s9  }
0x27: {  	s1 =	sld [smem:$0x3F98]  }
0x28: {  	s2 =	sld [smem:$0x3F99]  }
0x29: {  	s4 =	sld [smem:$0x3F9B]  }
0x2a: {  	p0 =	seq.s32 s5, $0x0;
	s5 =	sld [smem:$0x3F9C]  }
0x2b: {  	s6 =	sld [smem:$0x3F9D]  }
0x2c: {  	s7 =	sld [smem:$0x3F9E]  }
0x2d: {  	s3 =	simm.s32 $0x108;
	s8 =	sld [smem:$0x3F9F]  }
0x2e: {  	s3 =	simm.s32 @!p0 $0x1082;
	s9 =	sld [smem:$0x3FA0]  }
0x2f: {  	lr =	sadd.s32 s0, s3;
	s0 =	sld [smem:$0x3F97]  }
0x30: {  	s3 =	sld [smem:$0x3F9A]  }
0x31: {  	[smem:$0x3FA3] =	sst s10  }
0x32: {  	s10 =	sld [smem:$0x3FA1];
	_ =	sdelay $0x3  }
0x33: {  	p0 =	seq.s32 s10, $0x1;
	s10 =	sld [smem:$0x3FA3];
	_ =	sdelay $0x3  }
0x34: {  	[smem:$0x3FA3] =	sst s10  }
0x35: {  	s10 =	sld [smem:$0x3FA2];
	_ =	sdelay $0x3  }
0x36: {  	p1 =	seq.s32 s10, $0x1;
	s10 =	sld [smem:$0x3FA3];
	_ =	sdelay $0x3  }
0x37: {  	[smem:$0x3FA3] =	sst s10  }
0x38: {  	s10 =	sld [smem:$0x3FA4]  }
0x39: {  	_ = 	snop;
	(pc) =	sbr.ind lr, $3  }
0x3a: {  	_ = 	snop  }
0x3b: {  	_ = 	snop  }
0x3c: {  	p2 =	seq.s32 s10, $0x1;
	s10 =	sld [smem:$0x3FA3]  }
0x3d: {  	_ =	shalt  }
0x3e: {  	_ =	shalt  }
0x3f: {  	_ =	shalt  }
0x40: {  	_ =	shalt  }
0x41: {  	_ =	shalt  }
0x42: {  	_ =	shalt  }
0x43: {  	_ =	shalt  }
0x44: {  	_ =	shalt  }
0x45: {  	_ =	shalt  }
0x46: {  	_ =	shalt  }
0x47: {  	_ =	shalt  }
0x48: {  	_ =	shalt  }
0x49: {  	_ =	shalt  }
0x4a: {  	_ =	shalt  }
0x4b: {  	_ =	shalt  }
0x4c: {  	_ =	shalt  }
0x4d: {  	_ =	shalt  }
0x4e: {  	_ =	shalt  }
0x4f: {  	_ =	shalt  }
0x50: {  	_ =	shalt  }
0x51: {  	_ =	shalt  }
0x52: {  	_ =	shalt  }
0x53: {  	_ =	shalt  }
0x54: {  	_ =	shalt  }
0x55: {  	_ =	shalt  }
0x56: {  	_ =	shalt  }
0x57: {  	_ =	shalt  }
0x58: {  	_ =	shalt  }
0x59: {  	_ =	shalt  }
0x5a: {  	_ =	shalt  }
0x5b: {  	_ =	shalt  }
0x5c: {  	_ =	shalt  }
0x5d: {  	_ =	shalt  }
0x5e: {  	_ =	shalt  }
0x5f: {  	_ =	shalt  }
0x60: {  	_ =	shalt  }
0x61: {  	_ =	shalt  }
0x62: {  	_ =	shalt  }
0x63: {  	_ =	shalt  }
0x64: {  	_ =	shalt  }
0x65: {  	_ =	shalt  }
0x66: {  	_ =	shalt  }
0x67: {  	_ =	shalt  }
0x68: {  	_ =	shalt  }
0x69: {  	_ =	shalt  }
0x6a: {  	_ =	shalt  }
0x6b: {  	_ =	shalt  }
0x6c: {  	_ =	shalt  }
0x6d: {  	_ =	shalt  }
0x6e: {  	_ =	shalt  }
0x6f: {  	_ =	shalt  }
0x70: {  	_ =	shalt  }
0x71: {  	_ =	shalt  }
0x72: {  	_ =	shalt  }
0x73: {  	_ =	shalt  }
0x74: {  	_ =	shalt  }
0x75: {  	_ =	shalt  }
0x76: {  	_ =	shalt  }
0x77: {  	_ =	shalt  }
0x78: {  	_ =	shalt  }
0x79: {  	_ =	shalt  }
0x7a: {  	_ =	shalt  }
0x7b: {  	_ =	shalt  }
0x7c: {  	_ =	shalt  }
0x7d: {  	_ =	shalt  }
0x7e: {  	_ =	shalt  }
0x7f: {  	_ =	shalt  }
0x80: {  	_ =	shalt  }
0x81: {  	_ =	shalt  }
0x82: {  	_ =	shalt  }
0x83: {  	_ =	shalt  }
0x84: {  	_ =	shalt  }
0x85: {  	_ =	shalt  }
0x86: {  	_ =	shalt  }
0x87: {  	_ =	shalt  }
.Lfunc_end0:
.L_simem_size_0:
called_computation.6_lowered:
.L_overlay_start_0:
0x88: {  	s2 =	sld [smem:$0x3FD9]  }
0x89: {  	s3 =	sld [smem:$0x3FFE];
	_ =	sdelay $0x1  }
0x8a: {  	s1 =	srdreg.scid  }
0x8b: {  	s0 =	sand.u32 $0x1, s1  }
0x8c: {  	s16 =	sshll.u32 s0, $0xA;
	s2 =	sadd.s32 s3, s2  }
0x8d: {  	s2 =	sadd.s32 s2, s16  }
0x8e: {  	[smem:$0x3FAF] =	sst s2  }
0x8f: {  	_ = 	snop  }
0x90: {  	(tm) =	ssettm $0x1  }
0x91: {  	s17 =	sld [smem:$0x3FFB];
	_ =	sdelay $0x3  }
0x92: {  	_ =	strace s17  }
0x93: {  	s2 =	sld [smem:$0x3FFC];
	_ =	sdelay $0x3  }
0x94: {  	_ =	strace s2  }
0x95: {  	s2 =	sld [smem:$0x3FFD];
	_ =	sdelay $0x3  }
0x96: {  	_ =	strace s2  }
0x97: {  	_ =	strace $0x8FFFFFFF  }
0x98: {  	s18 =	sld [smem:$0x3FDB];
	_ =	sdelay $0x1  }
0x99: {  	s19 =	simm.s32 $_scs_section_size  }
0x9a: {  	s4 =	simm.s32 $_size__tile_overlayer_lowered;
	s5 =	simm.s32 $_tile_overlayer_lowered  }
0x9b: {  	s22 =	simm.s32 $0x1BFF;
	s21 =	sshll.u32 s5, $0x1;
	s2 =	sadd.s32 s19, s18  }
0x9c: {  	s6 =	simm.s32 $0x0;
	s20 =	sshll.u32 s4, $0x1;
	s4 =	sadd.s32 s21, s2  }
0x9d: {  	[timem:s6], [sflag:s22] =	dma.local [hbm:s4], s20  }
0x9e: {  	_ =	swait.ge [sflag:s22], s20  }
0x9f: {  	s3 =	ssub.s32 $0x0, s20;
	[sflag:s22] =	ssyncset.done $0x0  }
0xa0: {  	[sflag:s22] =	ssyncadd.s32 s3;
	_ =	sdelay $0x1  }
0xa1: {  	s23 =	simm.s32 $0x1B8B  }
0xa2: {  	_ =	swait.ge [sflag:s23], $0x1  }
0xa3: {  	[sflag:s23] =	ssyncset.done $0x0  }
0xa4: {  	s25 =	simm.s32 $0x1B8E;
	s24 =	sld [smem:$0x3FFE];
	[sflag:s23] =	ssyncadd.s32 $0xFFFFFFFF  }
0xa5: {  	s26 =	simm.s32 $execute0_lowered;
	[smem:$0x3FD2] =	sst s25  }
0xa6: {  	s4 =	sshll.u32 s26, $0x1;
	_ =	strace $0x80000058;
	[dreg:$0x1] =	wrdreg $0xFFFFFFFF  }
0xa7: {  	s28 =	simm.s32 $_size_execute0_lowered;
	s2 =	sadd.s32 s2, s4;
	[dreg:$0x0] =	wrdreg $0x0  }
0xa8: {  	s4 =	sshll.u32 s28, $0x1;
	[dreg:$0x2] =	wrdreg s2  }
0xa9: {  	[dreg:$0x3] =	wrdreg s4  }
0xaa: {  	[dreg:$0x4] =	wrdreg $0xC0  }
0xab: {  	_ =	task [dreg:s6], $0x5FFFF  }
0xac: {  	[dreg:$0x1] =	wrdreg $0xFFFFFFFF  }
0xad: {  	[dreg:$0x0] =	wrdreg $0x60  }
0xae: {  	[dreg:$0x2] =	wrdreg s24  }
0xaf: {  	[dreg:$0x3] =	wrdreg $0x9  }
0xb0: {  	_ =	task.clear_ibuf [dreg:s6], $0x4FFFF;
	_ =	strace $0x90000058  }
0xb1: {  	s29 =	simm.s32 $0x9;
	_ =	strace $0x8000005A  }
0xb2: {  	_ =	swait.ge [sflag:s29], $0x1  }
0xb3: {  	[sflag:s29] =	ssyncadd.s32 $0xFFFFFFFF  }
0xb4: {  	_ =	strace $0x9000005A  }
0xb5: {  	_ =	sfence  }
0xb6: {  	s30 =	sld [smem:$0x0];
	_ =	sdelay $0x2  }
0xb7: {  	s31 =	sshll.u32 s1, $0xD;
	s1 =	sshrl.u32 s1, $0x2  }
0xb8: {  	s3 =	sand.u32 $0x4000, s31;
	s1 =	sadd.s32 s1, s30  }
0xb9: {  	s0 =	sor.u32 s3, s0;
	s1 =	sshll.u32 s1, $0x11  }
0xba: {  	s0 =	sor.u32 s1, s0  }
0xbb: {  	s0 =	sadd.s32 $0x8F2B, s0  }
0xbc: {  	[sflag:s0] =	ssyncadd.remote.s32 $0x1  }
0xbd: {  	_ =	sfence.sel $0xFFFF  }
0xbe: {  	[dreg:$0x0] =	wrdreg $0xFFFFFFFF;
	(pc) =	sbr.abs _section_cstart, $3  }
0xbf: {  	[dreg:$0x1] =	wrdreg $0xFFFFFFFF  }
0xc0: {  	_ =	task.clear_ibuf [dreg:s6], $0x2FFFF;
	_ =	strace $0x9FFFFFFF  }
0xc1: {  	(tm) =	ssettm $0x7FFFFFFF  }
tec
execute0_lowered:
.L_overlay_start_1:
0x0: {  	(tag) =	ssettag $0x1  }
0x1: {  	s4 =	rddreg [dreg:$0x0]  }
0x2: {  	s0 =	rddreg [dreg:$0x1];
	s1 =	stileid.u32  }
0x3: {  	s3 =	srdreg.scid;
	s2 =	simm.s32 $0x0;
	s6 =	smul.u32 $0x4E20, s1  }
0x4: {  	s11 =	simm.s32 $0x1;
	s5 =	sand.u32 $0x1, s3;
	s8 =	smul.u32 $0x13880, s1  }
0x5: {  	s12 =	simm.s32 $0x0;
	[smem:$0x7FF] =	sst s2;
	s7 =	smul.u32 $0x2710, s5  }
0x6: {  	s3 =	sadd.s32 $0x19C00, s4;
	s29 =	ssub.s32 $0x2, s5;
	s5 =	smul.u32 $0x9C40, s5  }
0x7: {  	_ =	strace $0x80000059;
	s8 =	sadd.s32 s8, s4;
	s9 =	sshrl.u32 s29, $0x1  }
0x8: {  	s6 =	sadd.s32 s7, s6;
	s30 =	ssub.s32 s29, s9;
	s31 =	sadd.s32 s5, s8  }
0x9: {  	s9 =	simm.s32 $0x2;
	s6 =	sshrl.u32 s6, $0x3;
	s5 =	sadd.s32 $0x23C00, s31  }
0xa: {  	s10 =	sadd.s32 s6, s4;
	s4 =	smax.u32 s30, $0x1;
	s6 =	sadd.s32 $0x15C400, s31  }
0xb: {  	s7 =	sadd.s32 $0xFE00, s10;
	s8 =	sadd.s32 $0x6000, s10;
	s10 =	simm.s32 $0x50  }
.LBB2_1:
0xc: {  	s13 =	sadd.s32 $0x0, s8  }
0xd: {  	[tilespmem:s2], [sflag:$0x2] =	stream.linear.gather [hbm4b:s13+s2], $0x50, $0x38;
	[tilespmem:$0xA50] =	vst v63  }
0xe: {  	_ =	swait.ge [sflag:s9], $0x50  }
0xf: {  	[sflag:s9] =	ssyncset.done $0x0  }
0x10: {  	[sflag:s9] =	ssyncadd.s32 $0xFFFFFFB0  }
0x11: {  	[tilespmem:s10], [sflag:$0x1] =	stream.indirect.gather [hbm4b:s3+s10], $0x20, s2, s10, $0xb8;
	[tilespmem:$0xA50] =	vst v63  }
0x12: {  	_ =	swait.ge [sflag:s11], $0xA00  }
0x13: {  	[sflag:s11] =	ssyncset.done $0x0  }
0x14: {  	[sflag:s11] =	ssyncadd.s32 $0xFFFFF600  }
0x15: {  	[hbm4b:s6+s2] =	stream.linear.scatter [tilespmem:s10], [sflag:$0x2], $0xA00, $0x38;
	[tilespmem:$0xA50] =	vst v63  }
0x16: {  	_ =	swait.ge [sflag:s9], $0xA00  }
0x17: {  	[sflag:s9] =	ssyncset.done $0x0  }
0x18: {  	s31 =	sadd.s32 $0x0, s7;
	[sflag:s9] =	ssyncadd.s32 $0xFFFFF600  }
0x19: {  	[tilespmem:s2], [sflag:$0x2] =	stream.linear.gather [hbm4b:s31+s2], $0x50, $0x38;
	[tilespmem:$0xA50] =	vst v63  }
0x1a: {  	_ =	swait.ge [sflag:s9], $0x50  }
0x1b: {  	[sflag:s9] =	ssyncset.done $0x0  }
0x1c: {  	[sflag:s9] =	ssyncadd.s32 $0xFFFFFFB0  }
0x1d: {  	[tilespmem:s10], [sflag:$0x1] =	stream.indirect.gather [hbm4b:s3+s10], $0x20, s2, s10, $0xb8;
	[tilespmem:$0xA50] =	vst v63  }
0x1e: {  	_ =	swait.ge [sflag:s11], $0xA00  }
0x1f: {  	[sflag:s11] =	ssyncset.done $0x0  }
0x20: {  	[sflag:s11] =	ssyncadd.s32 $0xFFFFF600  }
0x21: {  	[hbm4b:s5+s2] =	stream.linear.scatter [tilespmem:s10], [sflag:$0x2], $0xA00, $0x38;
	[tilespmem:$0xA50] =	vst v63  }
0x22: {  	s14 =	simm.s32 $0xA;
	s16 =	simm.s32 $0x14;
	_ =	swait.ge [sflag:s9], $0xA00  }
0x23: {  	s15 =	sadd.s32 $0x140, s6;
	s13 =	sadd.s32 $0x140, s5;
	[sflag:s9] =	ssyncset.done $0x0  }
.LBB2_2:
0x24: {  	s17 =	sadd.s32 s14, s8  }
0x25: {  	[sflag:s9] =	ssyncadd.s32 $0xFFFFF600;
	s18 =	smov.u32 s16;
	s19 =	sadd.s32 $0xA, s16  }
0x26: {  	[tilespmem:s2], [sflag:$0x2] =	stream.linear.gather [hbm4b:s17+s2], $0x50, $0x38;
	[tilespmem:$0xA50] =	vst v63  }
0x27: {  	p0 =	sne.s32 s16, $0x4D8;
	_ =	swait.ge [sflag:s9], $0x50  }
0x28: {  	[sflag:s9] =	ssyncset.done $0x0  }
0x29: {  	[sflag:s9] =	ssyncadd.s32 $0xFFFFFFB0  }
0x2a: {  	[tilespmem:s10], [sflag:$0x1] =	stream.indirect.gather [hbm4b:s3+s10], $0x20, s2, s10, $0xb8;
	[tilespmem:$0xA50] =	vst v63  }
0x2b: {  	_ =	swait.ge [sflag:s11], $0xA00  }
0x2c: {  	[sflag:s11] =	ssyncset.done $0x0  }
0x2d: {  	[sflag:s11] =	ssyncadd.s32 $0xFFFFF600  }
0x2e: {  	[hbm4b:s15+s2] =	stream.linear.scatter [tilespmem:s10], [sflag:$0x2], $0xA00, $0x38;
	[tilespmem:$0xA50] =	vst v63  }
0x2f: {  	_ =	swait.ge [sflag:s9], $0xA00  }
0x30: {  	[sflag:s9] =	ssyncset.done $0x0  }
0x31: {  	s16 =	sadd.s32 s14, s7;
	s14 =	smov.u32 s18;
	[sflag:s9] =	ssyncadd.s32 $0xFFFFF600  }
0x32: {  	[tilespmem:s2], [sflag:$0x2] =	stream.linear.gather [hbm4b:s16+s2], $0x50, $0x38;
	[tilespmem:$0xA50] =	vst v63  }
0x33: {  	_ =	swait.ge [sflag:s9], $0x50  }
0x34: {  	[sflag:s9] =	ssyncset.done $0x0  }
0x35: {  	[sflag:s9] =	ssyncadd.s32 $0xFFFFFFB0  }
0x36: {  	[tilespmem:s10], [sflag:$0x1] =	stream.indirect.gather [hbm4b:s3+s10], $0x20, s2, s10, $0xb8;
	[tilespmem:$0xA50] =	vst v63  }
0x37: {  	_ =	swait.ge [sflag:s11], $0xA00  }
.Ltmp0:
0x38: {  	[sflag:s11] =	ssyncset.done $0x0;
	(pc) =	sbr.rel @p0 .LBB2_2-.Ltmp0, $4  }
0x39: {  	[sflag:s11] =	ssyncadd.s32 $0xFFFFF600  }
0x3a: {  	[hbm4b:s13+s2] =	stream.linear.scatter [tilespmem:s10], [sflag:$0x2], $0xA00, $0x38;
	[tilespmem:$0xA50] =	vst v63  }
0x3b: {  	s15 =	sadd.s32 $0x140, s15;
	_ =	swait.ge [sflag:s9], $0xA00  }
0x3c: {  	s16 =	smov.u32 s19;
	s13 =	sadd.s32 $0x140, s13;
	[sflag:s9] =	ssyncset.done $0x0  }
0x3d: {  	s16 =	sadd.s32 s14, s8;
	[sflag:s9] =	ssyncadd.s32 $0xFFFFF600  }
0x3e: {  	[tilespmem:s2], [sflag:$0x2] =	stream.linear.gather [hbm4b:s16+s2], $0x50, $0x38;
	[tilespmem:$0xA50] =	vst v63  }
0x3f: {  	_ =	swait.ge [sflag:s9], $0x50  }
0x40: {  	[sflag:s9] =	ssyncset.done $0x0  }
0x41: {  	[sflag:s9] =	ssyncadd.s32 $0xFFFFFFB0  }
0x42: {  	[tilespmem:s10], [sflag:$0x1] =	stream.indirect.gather [hbm4b:s3+s10], $0x20, s2, s10, $0xb8;
	[tilespmem:$0xA50] =	vst v63  }
0x43: {  	_ =	swait.ge [sflag:s11], $0xA00  }
0x44: {  	[sflag:s11] =	ssyncset.done $0x0  }
0x45: {  	[sflag:s11] =	ssyncadd.s32 $0xFFFFF600  }
0x46: {  	[hbm4b:s15+s2] =	stream.linear.scatter [tilespmem:s10], [sflag:$0x2], $0xA00, $0x38;
	[tilespmem:$0xA50] =	vst v63  }
0x47: {  	_ =	swait.ge [sflag:s9], $0xA00  }
0x48: {  	[sflag:s9] =	ssyncset.done $0x0  }
0x49: {  	s31 =	sadd.s32 s14, s7;
	[sflag:s9] =	ssyncadd.s32 $0xFFFFF600  }
0x4a: {  	[tilespmem:s2], [sflag:$0x2] =	stream.linear.gather [hbm4b:s31+s2], $0x50, $0x38;
	[tilespmem:$0xA50] =	vst v63  }
0x4b: {  	_ =	swait.ge [sflag:s9], $0x50  }
0x4c: {  	[sflag:s9] =	ssyncset.done $0x0  }
0x4d: {  	[sflag:s9] =	ssyncadd.s32 $0xFFFFFFB0  }
0x4e: {  	[tilespmem:s10], [sflag:$0x1] =	stream.indirect.gather [hbm4b:s3+s10], $0x20, s2, s10, $0xb8;
	[tilespmem:$0xA50] =	vst v63  }
0x4f: {  	s12 =	sadd.s32 $0x1, s12;
	_ =	swait.ge [sflag:s11], $0xA00  }
0x50: {  	p0 =	sne.s32 s12, s4;
	[sflag:s11] =	ssyncset.done $0x0  }
.Ltmp1:
0x51: {  	[sflag:s11] =	ssyncadd.s32 $0xFFFFF600;
	(pc) =	sbr.rel @p0 .LBB2_1-.Ltmp1, $4  }
0x52: {  	[hbm4b:s13+s2] =	stream.linear.scatter [tilespmem:s10], [sflag:$0x2], $0xA00, $0x38;
	[tilespmem:$0xA50] =	vst v63  }
0x53: {  	_ =	swait.ge [sflag:s9], $0xA00  }
0x54: {  	[sflag:s9] =	ssyncset.done $0x0  }
0x55: {  	[sflag:s9] =	ssyncadd.s32 $0xFFFFF600  }
0x56: {  	_ =	sfence.sel $0x180000  }
0x57: {  	[bflag:$0x0] =	sbarrier.arrive $0xFFFF  }
0x58: {  	p0 =	sne.s32 s1, $0x0;
	_ =	strace $0x90000059  }
0x59: {  	s0 =	sadd.s32 @!p0 $0x100000, s0;
	[bflag:$0x2] =	sbarrier.arrive $0xFFFF  }
0x5a: {  	[sflag:s0] =	ssyncadd.tile.s32 @!p0 $0x1;
	_ =	shalt  }
.Lfunc_end2:
_tile_overlayer_lowered:
.L_overlay_start_2:
0x5b: {  	(tag) =	ssettag $0x2  }
0x5c: {  	s0 =	rddreg [dreg:$0x0];
	s2 =	stileid.u32  }
0x5d: {  	s1 =	rddreg [dreg:$0x1];
	p0 =	sne.s32 s2, $0x0  }
0x5e: {  	s3 =	rddreg [dreg:$0x2];
	[bflag:$0x3] =	sbarrier.arrive $0xFFFF;
	s2 =	simm.s32 @!p0 $0x1C02  }
0x5f: {  	[timem:s3], [sflag:s2] =	dma.local @!p0 [hbm:s0], s1  }
0x60: {  	s0 =	simm.s32 @!p0 $0x2  }
0x61: {  	_ =	swait.ge @!p0 [sflag:s0], s1  }
0x62: {  	s1 =	ssub.s32 @!p0 $0x0, s1;
	[sflag:s0] =	ssyncset.done @!p0 $0x0  }
0x63: {  	[sflag:s0] =	ssyncadd.s32 @!p0 s1  }
0x64: {  	[bflag:$0x3] =	sbarrier.arrive $0xFFFF  }
0x65: {  	_ =	shalt  }

</sc_bundles>
